<compile_context>
chip_gen: v7x
topology: tpu7x:2x2x1
jax: 0.10.2.dev20260603
libtpu: 0.0.44.dev20260713+nightly
codegen_flags: <defaults>
</compile_context>

<pallas_src>
import functools

import jax
import jax.numpy as jnp
from jax import lax
from jax.experimental import pallas as pl
from jax.experimental.pallas import tpu as pltpu
from jax.experimental.pallas import tpu_sc as plsc

NC = 2
NS = 16
LN = 16

CHS = 64
CHG = 40
OCH = 200
BLKR = 8000
BT = 2000


def _pick_block(total, target, mult):
    d = min(target - target % mult, total)
    while d > mult:
        if total % d == 0 and d % mult == 0:
            return d
        d -= mult
    return mult


def _vtab_body(x1_ref, mlpw_ref, edgew_ref, mlpb_ref, edgeb_ref, out_ref):
    w2 = lax.dot_general(edgew_ref[...], mlpw_ref[...], (((1,), (0,)), ((), ())),
                         preferred_element_type=jnp.float32)
    cvec = lax.dot_general(mlpb_ref[...], edgew_ref[...], (((1,), (1,)), ((), ())),
                           preferred_element_type=jnp.float32) + edgeb_ref[...]
    y = lax.dot_general(x1_ref[...], w2, (((1,), (1,)), ((), ())),
                        preferred_element_type=jnp.float32)
    out_ref[...] = y + 0.5 * cvec


def _mm_body(x2_ref, edgew_ref, out_ref):
    out_ref[...] = lax.dot_general(x2_ref[...], edgew_ref[...], (((1,), (1,)), ((), ())),
                                   preferred_element_type=jnp.float32)


def _xout_body(x1_ref, scat_ref, nodew_ref, nodeb_ref, out_ref):
    x1 = x1_ref[...]
    nodew = nodew_ref[...]
    nodeb = nodeb_ref[...]
    m0 = x1[:, 0, :] + 0.5 * scat_ref[0]
    m1 = x1[:, 1, :] + 0.5 * scat_ref[1]
    y0 = lax.dot_general(m0, nodew, (((1,), (1,)), ((), ())),
                         preferred_element_type=jnp.float32) + nodeb
    y1 = lax.dot_general(m1, nodew, (((1,), (1,)), ((), ())),
                         preferred_element_type=jnp.float32) + nodeb
    out_ref[:, 0, :] = y0
    out_ref[:, 1, :] = y1


def _make_scatter(M, T, D):
    n_chunks = M // CHS

    n_zero = T // CHS
    zero_tail = T - n_zero * CHS

    def body(x2_hbm, e0_hbm, e1_hbm, scat_hbm,
             xraw0, xraw1, xb0, xb1, i00, i01, i10, i11, acc, sem0, sem1):
        c = lax.axis_index("c")
        s = lax.axis_index("s")
        zero16 = jnp.zeros((LN,), jnp.float32)
        xraws, xbs = (xraw0, xraw1), (xb0, xb1)
        idx0s, idx1s, sems = (i00, i01), (i10, i11), (sem0, sem1)

        @pl.loop(0, CHS)
        def _zero_buf(r):
            for l in range(D // LN):
                xb0[r, pl.ds(l * LN, LN)] = zero16

        @pl.loop(s, n_zero, step=NS)
        def _zero_acc(j):
            pltpu.sync_copy(xb0, acc.at[pl.ds(j * CHS, CHS), :])

        if zero_tail:
            @pl.when(s == 0)
            def _zero_tail():
                pltpu.sync_copy(xb0.at[pl.ds(0, zero_tail), :],
                                acc.at[pl.ds(n_zero * CHS, zero_tail), :])

        plsc.subcore_barrier()

        @pl.loop(s, n_chunks, step=2 * NS)
        def _scatter(j):
            cps = []
            for b in range(2):
                chunk = j + NS * b
                base = chunk * CHS
                cp = (pltpu.make_async_copy(e0_hbm.at[pl.ds(base, CHS)],
                                            idx0s[b], sems[b]),
                      pltpu.make_async_copy(e1_hbm.at[pl.ds(base, CHS)],
                                            idx1s[b], sems[b]),
                      pltpu.make_async_copy(
                          x2_hbm.at[pl.ds(base, CHS), pl.ds(2 * c, 2), :],
                          xraws[b], sems[b]))
                cps.append(cp)
                if b == 0:
                    for x in cp:
                        x.start()
                else:
                    @pl.when(chunk < n_chunks)
                    def _start():
                        for x in cp:
                            x.start()

            drains = []
            for b in range(2):
                chunk = j + NS * b

                def _process(b=b):
                    for x in cps[b]:
                        x.wait()
                    xraw, xb = xraws[b], xbs[b]

                    @pl.loop(0, CHS)
                    def _agg(r):
                        for l in range(D // LN):
                            sl = pl.ds(l * LN, LN)
                            xb[r, sl] = xraw[r, 0, sl] + xraw[r, 1, sl]

                    d0 = pltpu.async_copy(xb, acc.at[idx0s[b]], sems[b], add=True)
                    d1 = pltpu.async_copy(xb, acc.at[idx1s[b]], sems[b], add=True)
                    drains.append((d0, d1))

                if b == 0:
                    _process()
                else:
                    pl.when(chunk < n_chunks)(_process)

            for x in drains[0]:
                x.wait()

            @pl.when(j + NS < n_chunks)
            def _drain1():
                for x in drains[1]:
                    x.wait()

        plsc.subcore_barrier()

        @pl.loop(s, T // OCH, step=NS)
        def _out(j):
            sl = pl.ds(j * OCH, OCH)
            pltpu.sync_copy(acc.at[sl, :], scat_hbm.at[c, sl, :])

    mesh = plsc.VectorSubcoreMesh(core_axis_name="c", subcore_axis_name="s",
                                  num_cores=NC, num_subcores=NS)
    return pl.kernel(
        body,
        out_type=jax.ShapeDtypeStruct((2, T, D), jnp.float32),
        mesh=mesh,
        scratch_types=[
            pltpu.VMEM((CHS, 2, D), jnp.float32),
            pltpu.VMEM((CHS, 2, D), jnp.float32),
            pltpu.VMEM((CHS, D), jnp.float32),
            pltpu.VMEM((CHS, D), jnp.float32),
            pltpu.VMEM((CHS,), jnp.int32),
            pltpu.VMEM((CHS,), jnp.int32),
            pltpu.VMEM((CHS,), jnp.int32),
            pltpu.VMEM((CHS,), jnp.int32),
            pltpu.VMEM_SHARED((T, D), jnp.float32),
            pltpu.SemaphoreType.DMA,
            pltpu.SemaphoreType.DMA,
        ],
    )


def _make_gather(M, T, D):
    n_chunks = M // CHG

    def body(vtab_hbm, mm_hbm, e0_hbm, e1_hbm, e_hbm,
             i00, i01, i10, i11, w00, w01, w10, w11, mmb0, mmb1, sem0, sem1):
        c = lax.axis_index("c")
        s = lax.axis_index("s")
        wid = s * NC + c
        NW = NC * NS
        idx0s, idx1s = (i00, i01), (i10, i11)
        w0s, w1s, mmbs, sems = (w00, w01), (w10, w11), (mmb0, mmb1), (sem0, sem1)

        @pl.loop(wid, n_chunks, step=2 * NW)
        def _chunk(j):
            cps = []
            for b in range(2):
                chunk = j + NW * b
                base = chunk * CHG

                def _idx_start(b=b, base=base):
                    ci0 = pltpu.async_copy(e0_hbm.at[pl.ds(base, CHG)],
                                           idx0s[b], sems[b])
                    ci1 = pltpu.async_copy(e1_hbm.at[pl.ds(base, CHG)],
                                           idx1s[b], sems[b])
                    ci0.wait()
                    ci1.wait()

                cp = (pltpu.make_async_copy(vtab_hbm.at[idx0s[b]], w0s[b], sems[b]),
                      pltpu.make_async_copy(vtab_hbm.at[idx1s[b]], w1s[b], sems[b]),
                      pltpu.make_async_copy(mm_hbm.at[pl.ds(base * 4, CHG * 4)],
                                            mmbs[b], sems[b]))
                cps.append(cp)

                def _start(cp=cp):
                    for x in cp:
                        x.start()

                if b == 0:
                    _idx_start()
                    _start()
                else:
                    pl.when(chunk < n_chunks)(_idx_start)
                    pl.when(chunk < n_chunks)(_start)

            drains = []
            for b in range(2):
                chunk = j + NW * b
                base = chunk * CHG

                def _process(b=b, base=base):
                    for x in cps[b]:
                        x.wait()
                    w0, w1, mmb = w0s[b], w1s[b], mmbs[b]

                    @pl.loop(0, CHG)
                    def _combine(r):
                        for l in range(D // LN):
                            sl = pl.ds(l * LN, LN)
                            sh = pl.ds(D + l * LN, LN)
                            a0 = w0[r, sl]
                            b0 = w0[r, sh]
                            a1 = w1[r, sl]
                            b1 = w1[r, sh]
                            mmb[4 * r, sl] = mmb[4 * r, sl] + (a0 + a1)
                            mmb[4 * r + 1, sl] = mmb[4 * r + 1, sl] + (a0 + b1)
                            mmb[4 * r + 2, sl] = mmb[4 * r + 2, sl] + (b0 + a1)
                            mmb[4 * r + 3, sl] = mmb[4 * r + 3, sl] + (b0 + b1)

                    wb = pltpu.async_copy(
                        mmb, e_hbm.at[pl.ds(base * 4, CHG * 4)], sems[b])
                    if b == 0:
                        drains.append(wb)
                    else:
                        wb.wait()

                if b == 0:
                    _process()
                else:
                    pl.when(chunk < n_chunks)(_process)

            drains[0].wait()

    mesh = plsc.VectorSubcoreMesh(core_axis_name="c", subcore_axis_name="s",
                                  num_cores=NC, num_subcores=NS)
    return pl.kernel(
        body,
        out_type=jax.ShapeDtypeStruct((M * 4, D), jnp.float32),
        mesh=mesh,
        scratch_types=[
            pltpu.VMEM((CHG,), jnp.int32),
            pltpu.VMEM((CHG,), jnp.int32),
            pltpu.VMEM((CHG,), jnp.int32),
            pltpu.VMEM((CHG,), jnp.int32),
            pltpu.VMEM((CHG, 2 * D), jnp.float32),
            pltpu.VMEM((CHG, 2 * D), jnp.float32),
            pltpu.VMEM((CHG, 2 * D), jnp.float32),
            pltpu.VMEM((CHG, 2 * D), jnp.float32),
            pltpu.VMEM((CHG * 4, D), jnp.float32),
            pltpu.VMEM((CHG * 4, D), jnp.float32),
            pltpu.SemaphoreType.DMA,
            pltpu.SemaphoreType.DMA,
        ],
    )


@jax.jit
def _run(x_1st, x_2nd, edge, node_W, node_b, edge_W, edge_b, mlp_W, mlp_b):
    B, T, _, D = x_1st.shape
    M = x_2nd.shape[1]
    f32 = jnp.float32

    x1_2d = x_1st.reshape(B * T * 2, D)
    x1_3d = x_1st.reshape(B * T, 2, D)
    x2_3d = x_2nd.reshape(M, 4, D)
    x2_2d = x_2nd.reshape(M * 4, D)
    e0 = edge[0]
    e1 = edge[1]
    mlp_b2 = mlp_b.reshape(1, D)
    edge_b2 = edge_b.reshape(1, D)
    node_b2 = node_b.reshape(1, D)

    vtab2 = pl.pallas_call(
        _vtab_body,
        out_shape=jax.ShapeDtypeStruct((B * T * 2, D), f32),
    )(x1_2d, mlp_W, edge_W, mlp_b2, edge_b2)
    vtab = vtab2.reshape(B * T, 2 * D)

    blkr = _pick_block(M * 4, BLKR, 8)
    mm = pl.pallas_call(
        _mm_body,
        grid=(M * 4 // blkr,),
        in_specs=[
            pl.BlockSpec((blkr, D), lambda i: (i, 0)),
            pl.BlockSpec((D, D), lambda i: (0, 0)),
        ],
        out_specs=pl.BlockSpec((blkr, D), lambda i: (i, 0)),
        out_shape=jax.ShapeDtypeStruct((M * 4, D), f32),
    )(x2_2d, edge_W)

    scat = _make_scatter(M, T, D)(x2_3d, e0, e1)
    e_out = _make_gather(M, T, D)(vtab, mm, e0, e1)

    bt = _pick_block(T, BT, 8)
    x_out = pl.pallas_call(
        _xout_body,
        grid=(T // bt,),
        in_specs=[
            pl.BlockSpec((bt, 2, D), lambda i: (i, 0, 0)),
            pl.BlockSpec((2, bt, D), lambda i: (0, i, 0)),
            pl.BlockSpec((D, D), lambda i: (0, 0)),
            pl.BlockSpec((1, D), lambda i: (0, 0)),
        ],
        out_specs=pl.BlockSpec((bt, 2, D), lambda i: (i, 0, 0)),
        out_shape=jax.ShapeDtypeStruct((B * T, 2, D), f32),
    )(x1_3d, scat, node_W, node_b2)

    return x_out.reshape(B, T, 2, D), e_out.reshape(B, M, 4, D)


def kernel(x_1st, x_2nd, edge, node_W, node_b, edge_W, edge_b, mlp_W, mlp_b):
    return _run(x_1st, x_2nd, edge, node_W, node_b, edge_W, edge_b, mlp_W, mlp_b)

# --- scband reference (transcript-rebuilt; emitter-appended) ---
"""Pipeline reference for scband-gnn-ebm-layer-01-71347996721296 (READ-ONLY COPY).

The authoritative reference and input builder live on the scoring server;
editing this copy changes nothing except your own understanding.
"""

import jax, jax.numpy as jnp
import numpy as np

B, T, M, D = 1, 10000, 160000, 128


def setup_inputs(seed: int = 0) -> dict:
    key = jax.random.key(seed)
    ks = jax.random.split(key, 10)
    x_1st = jax.random.normal(ks[0], (B, T, 2, D), dtype=jnp.float32)
    x_2nd = jax.random.normal(ks[1], (B, M, 4, D), dtype=jnp.float32)
    edge = jax.random.randint(ks[2], (2, M), 0, T, dtype=jnp.int32)
    s = 0.05
    node_W = jax.random.normal(ks[3], (D, D), dtype=jnp.float32) * s
    node_b = jax.random.normal(ks[4], (D,), dtype=jnp.float32) * s
    edge_W = jax.random.normal(ks[5], (D, D), dtype=jnp.float32) * s
    edge_b = jax.random.normal(ks[6], (D,), dtype=jnp.float32) * s
    mlp_W = jax.random.normal(ks[7], (D, D), dtype=jnp.float32) * s
    mlp_b = jax.random.normal(ks[8], (D,), dtype=jnp.float32) * s
    return {"x_1st": x_1st, "x_2nd": x_2nd, "edge": edge,
            "node_W": node_W, "node_b": node_b,
            "edge_W": edge_W, "edge_b": edge_b,
            "mlp_W": mlp_W, "mlp_b": mlp_b}


def _linear(x, W, b):
    # torch nn.Linear: y = x @ W.T + b, W shape (out, in)
    return jnp.matmul(x, W.T) + b


def _node_message_passing(x, x_2nd_agg, edge):
    # x: (B, T, d); x_2nd_agg: (B, M, d); edge: (2, M)
    Tn = x.shape[1]
    node_in, node_out = edge[0], edge[1]
    d = x.shape[-1]
    Bv = x.shape[0]
    z = jnp.zeros((Bv, Tn, d), dtype=x.dtype)
    upd = (z.at[:, node_out, :].add(x_2nd_agg) + z.at[:, node_in, :].add(x_2nd_agg)) / 2
    return x + upd


def reference(x_1st, x_2nd, edge, node_W, node_b, edge_W, edge_b, mlp_W, mlp_b):
    Bv, Tn, _, d = x_1st.shape
    Mv = x_2nd.shape[1]
    aggregate_indice = jnp.array([0, 0, 1, 1], dtype=jnp.int32)
    node_i_indice = jnp.array([0, 0, 1, 1], dtype=jnp.int32)
    node_j_indice = jnp.array([0, 1, 0, 1], dtype=jnp.int32)

    x_1st_neg = x_1st[:, :, 0, :]
    x_1st_pos = x_1st[:, :, 1, :]

    # scatter_add along dim=2 with index [0,0,1,1] -> (B, M, 2, d)
    x_2nd_agg = jnp.zeros((Bv, Mv, 2, d), dtype=x_2nd.dtype).at[:, :, aggregate_indice, :].add(x_2nd)
    x_2nd_neg = x_2nd_agg[:, :, 0, :]
    x_2nd_pos = x_2nd_agg[:, :, 1, :]

    x_neg = _node_message_passing(x_1st_neg, x_2nd_neg, edge)
    x_pos = _node_message_passing(x_1st_pos, x_2nd_pos, edge)
    x = jnp.stack([x_neg, x_pos], axis=2)
    x = _linear(x, node_W, node_b)

    edge_i = jnp.take(x_1st, edge[0], axis=1)
    edge_i = jnp.take(edge_i, node_i_indice, axis=2)
    edge_j = jnp.take(x_1st, edge[1], axis=1)
    edge_j = jnp.take(edge_j, node_j_indice, axis=2)
    e = x_2nd + _linear(edge_i + edge_j, mlp_W, mlp_b)
    e = _linear(e, edge_W, edge_b)
    return (x, e)

if __name__ == "__main__":
    import jax
    _d = setup_inputs()
    print(jax.jit(kernel)(*tuple(_d.values())))

</pallas_src>

<mosaic_0001>
#map = affine_map<(d0, d1) -> (0, 0, 0)>
#map1 = affine_map<(d0, d1) -> (0)>
module attributes {stable_mosaic.version = 14 : i64} {
  func.func @body(%arg0: i32, %arg1: i32, %arg2: memref<160000x4x128xf32, #tpu.memory_space<hbm>>, %arg3: memref<160000xi32, #tpu.memory_space<hbm>>, %arg4: memref<160000xi32, #tpu.memory_space<hbm>>, %arg5: memref<2x10000x128xf32, #tpu.memory_space<hbm>>, %arg6: memref<64x2x128xf32, #tpu.memory_space<vmem>>, %arg7: memref<64x2x128xf32, #tpu.memory_space<vmem>>, %arg8: memref<64x128xf32, #tpu.memory_space<vmem>>, %arg9: memref<64x128xf32, #tpu.memory_space<vmem>>, %arg10: memref<64xi32, #tpu.memory_space<vmem>>, %arg11: memref<64xi32, #tpu.memory_space<vmem>>, %arg12: memref<64xi32, #tpu.memory_space<vmem>>, %arg13: memref<64xi32, #tpu.memory_space<vmem>>, %arg14: memref<10000x128xf32, #tpu.memory_space<vmem_shared>>, %arg15: memref<!tpu.dma_semaphore, #tpu.memory_space<semaphore_mem>>, %arg16: memref<!tpu.dma_semaphore, #tpu.memory_space<semaphore_mem>>) attributes {dimension_semantics = [#tpu.dimension_semantics<core_parallel>, #tpu.dimension_semantics<subcore_parallel>], iteration_bounds = array<i64: 2, 16>, scalar_prefetch = 0 : i64, scratch_operands = 11 : i64, tpu.core_type = #tpu.core_type<sc_vector_subcore>, window_params = [{transform_indices = #map}, {transform_indices = #map1}, {transform_indices = #map1}, {transform_indices = #map}]} {
    %broadcast_in_dim3A = arith.constant 0.000000e+00 : f32
    %broadcast_in_dim3A_0 = vector.broadcast %broadcast_in_dim3A : f32 to vector<16xf32>
    %scan3A = arith.constant 0 : i32
    %scan3A_1 = arith.constant 64 : i32
    %scan3A_2 = arith.addi %scan3A, %scan3A_1 : i32
    %scan3A_3 = arith.constant 1 : i32
    scf.for %scan3A_58 = %scan3A to %scan3A_2 step %scan3A_3  : i32 {
      %mul3A = arith.constant 1 : i32
      %mul3A_59 = arith.muli %scan3A_58, %mul3A : i32
      %add3A_60 = arith.constant 0 : i32
      %add3A_61 = arith.addi %add3A_60, %mul3A_59 : i32
      %swap3A = arith.index_cast %add3A_61 : i32 to index
      %swap3A_62 = arith.constant 0 : index
      %swap3A_63 = tpu.vector_load %arg8[%swap3A, %swap3A_62] {strides = array<i32>} : memref<64x128xf32, #tpu.memory_space<vmem>>, vector<1x16xf32>,
      %swap3A_64 = vector.shape_cast %swap3A_63 : vector<1x16xf32> to vector<16xf32>
      %swap3A_65 = vector.shape_cast %broadcast_in_dim3A_0 : vector<16xf32> to vector<1x16xf32>
      tpu.vector_store %arg8[%swap3A, %swap3A_62], %swap3A_65 {strides = array<i32>} : memref<64x128xf32, #tpu.memory_space<vmem>>, vector<1x16xf32>,
      %swap3A_66 = arith.index_cast %add3A_61 : i32 to index
      %swap3A_67 = arith.constant 16 : index
      %swap3A_68 = tpu.vector_load %arg8[%swap3A_66, %swap3A_67] {strides = array<i32>} : memref<64x128xf32, #tpu.memory_space<vmem>>, vector<1x16xf32>,
      %swap3A_69 = vector.shape_cast %swap3A_68 : vector<1x16xf32> to vector<16xf32>
      %swap3A_70 = vector.shape_cast %broadcast_in_dim3A_0 : vector<16xf32> to vector<1x16xf32>
      tpu.vector_store %arg8[%swap3A_66, %swap3A_67], %swap3A_70 {strides = array<i32>} : memref<64x128xf32, #tpu.memory_space<vmem>>, vector<1x16xf32>,
      %swap3A_71 = arith.index_cast %add3A_61 : i32 to index
      %swap3A_72 = arith.constant 32 : index
      %swap3A_73 = tpu.vector_load %arg8[%swap3A_71, %swap3A_72] {strides = array<i32>} : memref<64x128xf32, #tpu.memory_space<vmem>>, vector<1x16xf32>,
      %swap3A_74 = vector.shape_cast %swap3A_73 : vector<1x16xf32> to vector<16xf32>
      %swap3A_75 = vector.shape_cast %broadcast_in_dim3A_0 : vector<16xf32> to vector<1x16xf32>
      tpu.vector_store %arg8[%swap3A_71, %swap3A_72], %swap3A_75 {strides = array<i32>} : memref<64x128xf32, #tpu.memory_space<vmem>>, vector<1x16xf32>,
      %swap3A_76 = arith.index_cast %add3A_61 : i32 to index
      %swap3A_77 = arith.constant 48 : index
      %swap3A_78 = tpu.vector_load %arg8[%swap3A_76, %swap3A_77] {strides = array<i32>} : memref<64x128xf32, #tpu.memory_space<vmem>>, vector<1x16xf32>,
      %swap3A_79 = vector.shape_cast %swap3A_78 : vector<1x16xf32> to vector<16xf32>
      %swap3A_80 = vector.shape_cast %broadcast_in_dim3A_0 : vector<16xf32> to vector<1x16xf32>
      tpu.vector_store %arg8[%swap3A_76, %swap3A_77], %swap3A_80 {strides = array<i32>} : memref<64x128xf32, #tpu.memory_space<vmem>>, vector<1x16xf32>,
      %swap3A_81 = arith.index_cast %add3A_61 : i32 to index
      %swap3A_82 = arith.constant 64 : index
      %swap3A_83 = tpu.vector_load %arg8[%swap3A_81, %swap3A_82] {strides = array<i32>} : memref<64x128xf32, #tpu.memory_space<vmem>>, vector<1x16xf32>,
      %swap3A_84 = vector.shape_cast %swap3A_83 : vector<1x16xf32> to vector<16xf32>
      %swap3A_85 = vector.shape_cast %broadcast_in_dim3A_0 : vector<16xf32> to vector<1x16xf32>
      tpu.vector_store %arg8[%swap3A_81, %swap3A_82], %swap3A_85 {strides = array<i32>} : memref<64x128xf32, #tpu.memory_space<vmem>>, vector<1x16xf32>,
      %swap3A_86 = arith.index_cast %add3A_61 : i32 to index
      %swap3A_87 = arith.constant 80 : index
      %swap3A_88 = tpu.vector_load %arg8[%swap3A_86, %swap3A_87] {strides = array<i32>} : memref<64x128xf32, #tpu.memory_space<vmem>>, vector<1x16xf32>,
      %swap3A_89 = vector.shape_cast %swap3A_88 : vector<1x16xf32> to vector<16xf32>
      %swap3A_90 = vector.shape_cast %broadcast_in_dim3A_0 : vector<16xf32> to vector<1x16xf32>
      tpu.vector_store %arg8[%swap3A_86, %swap3A_87], %swap3A_90 {strides = array<i32>} : memref<64x128xf32, #tpu.memory_space<vmem>>, vector<1x16xf32>,
      %swap3A_91 = arith.index_cast %add3A_61 : i32 to index
      %swap3A_92 = arith.constant 96 : index
      %swap3A_93 = tpu.vector_load %arg8[%swap3A_91, %swap3A_92] {strides = array<i32>} : memref<64x128xf32, #tpu.memory_space<vmem>>, vector<1x16xf32>,
      %swap3A_94 = vector.shape_cast %swap3A_93 : vector<1x16xf32> to vector<16xf32>
      %swap3A_95 = vector.shape_cast %broadcast_in_dim3A_0 : vector<16xf32> to vector<1x16xf32>
      tpu.vector_store %arg8[%swap3A_91, %swap3A_92], %swap3A_95 {strides = array<i32>} : memref<64x128xf32, #tpu.memory_space<vmem>>, vector<1x16xf32>,
      %swap3A_96 = arith.index_cast %add3A_61 : i32 to index
      %swap3A_97 = arith.constant 112 : index
      %swap3A_98 = tpu.vector_load %arg8[%swap3A_96, %swap3A_97] {strides = array<i32>} : memref<64x128xf32, #tpu.memory_space<vmem>>, vector<1x16xf32>,
      %swap3A_99 = vector.shape_cast %swap3A_98 : vector<1x16xf32> to vector<16xf32>
      %swap3A_100 = vector.shape_cast %broadcast_in_dim3A_0 : vector<16xf32> to vector<1x16xf32>
      tpu.vector_store %arg8[%swap3A_96, %swap3A_97], %swap3A_100 {strides = array<i32>} : memref<64x128xf32, #tpu.memory_space<vmem>>, vector<1x16xf32>,
    }
    %scan3A_4 = arith.constant 64 : i32
    %sub3A = arith.constant 156 : i32
    %sub3A_5 = arith.subi %sub3A, %arg1 : i32
    %sub3A_6 = arith.constant 16 : i32
    %sub3A_7 = arith.constant 1 : i32
    %sub3A_8 = arith.subi %sub3A_6, %sub3A_7 : i32
    %add3A = arith.addi %sub3A_5, %sub3A_8 : i32
    %div3A = arith.constant 16 : i32
    %div3A_9 = arith.divsi %add3A, %div3A : i32
    %while3A = arith.constant 16 : i32
    %while3A_10 = arith.constant 0 : i32
    %while3A_11 = arith.subi %div3A_9, %while3A_10 : i32
    %while3A_12 = arith.addi %while3A_10, %while3A_11 : i32
    %while3A_13 = arith.constant 1 : i32
    %while3A_14 = arith.divsi %while3A_11, %while3A_13 : i32
    %while3A_15 = arith.muli %while3A_14, %while3A_13 : i32
    %while3A_16 = arith.addi %while3A_10, %while3A_15 : i32
    %while3A_17 = arith.constant 1 : i32
    scf.for %while3A_58 = %while3A_10 to %while3A_16 step %while3A_17  : i32 {
      %mul3A = arith.muli %while3A_58, %while3A : i32
      %add3A_59 = arith.addi %arg1, %mul3A : i32
      %mul3A_60 = arith.constant 64 : i32
      %mul3A_61 = arith.muli %add3A_59, %mul3A_60 : i32
      "tpu.region"() ({
        %run_scoped3A = tpu.sem_alloc : memref<!tpu.dma_semaphore, #tpu.memory_space<semaphore_mem>>
        %dma_start3A = arith.constant 0 : i32
        %dma_start3A_62 = tpu.memref_slice %arg14[%mul3A_61, %dma_start3A] : memref<10000x128xf32, #tpu.memory_space<vmem_shared>> -> memref<64x128xf32, #tpu.memory_space<vmem_shared>>
        %dma_start3A_63 = arith.constant 0 : i32
        %dma_start3A_64 = tpu.memref_slice %arg14[%mul3A_61, %dma_start3A_63] : memref<10000x128xf32, #tpu.memory_space<vmem_shared>> -> memref<64x128xf32, #tpu.memory_space<vmem_shared>>
        tpu.enqueue_dma source(%arg8 : memref<64x128xf32, #tpu.memory_space<vmem>>) target(%dma_start3A_64 : memref<64x128xf32, #tpu.memory_space<vmem_shared>>) target_semaphore(%run_scoped3A : memref<!tpu.dma_semaphore, #tpu.memory_space<semaphore_mem>>)
        %dma_wait3A = arith.constant 0 : i32
        %dma_wait3A_65 = tpu.memref_slice %arg14[%mul3A_61, %dma_wait3A] : memref<10000x128xf32, #tpu.memory_space<vmem_shared>> -> memref<64x128xf32, #tpu.memory_space<vmem_shared>>
        %dma_wait3A_66 = arith.constant 0 : i32
        %dma_wait3A_67 = tpu.memref_slice %arg14[%mul3A_61, %dma_wait3A_66] : memref<10000x128xf32, #tpu.memory_space<vmem_shared>> -> memref<64x128xf32, #tpu.memory_space<vmem_shared>>
        tpu.wait_dma2 semaphore(%run_scoped3A : memref<!tpu.dma_semaphore, #tpu.memory_space<semaphore_mem>>) src(%arg8 : memref<64x128xf32, #tpu.memory_space<vmem>>) dst(%dma_wait3A_67 : memref<64x128xf32, #tpu.memory_space<vmem_shared>>)
        tpu.yield
      }) : () -> ()
    }
    %while3A_18 = arith.constant 1 : i32
    scf.for %while3A_58 = %while3A_16 to %while3A_12 step %while3A_18  : i32 {
      %mul3A = arith.muli %while3A_58, %while3A : i32
      %add3A_59 = arith.addi %arg1, %mul3A : i32
      %mul3A_60 = arith.constant 64 : i32
      %mul3A_61 = arith.muli %add3A_59, %mul3A_60 : i32
      "tpu.region"() ({
        %run_scoped3A = tpu.sem_alloc : memref<!tpu.dma_semaphore, #tpu.memory_space<semaphore_mem>>
        %dma_start3A = arith.constant 0 : i32
        %dma_start3A_62 = tpu.memref_slice %arg14[%mul3A_61, %dma_start3A] : memref<10000x128xf32, #tpu.memory_space<vmem_shared>> -> memref<64x128xf32, #tpu.memory_space<vmem_shared>>
        %dma_start3A_63 = arith.constant 0 : i32
        %dma_start3A_64 = tpu.memref_slice %arg14[%mul3A_61, %dma_start3A_63] : memref<10000x128xf32, #tpu.memory_space<vmem_shared>> -> memref<64x128xf32, #tpu.memory_space<vmem_shared>>
        tpu.enqueue_dma source(%arg8 : memref<64x128xf32, #tpu.memory_space<vmem>>) target(%dma_start3A_64 : memref<64x128xf32, #tpu.memory_space<vmem_shared>>) target_semaphore(%run_scoped3A : memref<!tpu.dma_semaphore, #tpu.memory_space<semaphore_mem>>)
        %dma_wait3A = arith.constant 0 : i32
        %dma_wait3A_65 = tpu.memref_slice %arg14[%mul3A_61, %dma_wait3A] : memref<10000x128xf32, #tpu.memory_space<vmem_shared>> -> memref<64x128xf32, #tpu.memory_space<vmem_shared>>
        %dma_wait3A_66 = arith.constant 0 : i32
        %dma_wait3A_67 = tpu.memref_slice %arg14[%mul3A_61, %dma_wait3A_66] : memref<10000x128xf32, #tpu.memory_space<vmem_shared>> -> memref<64x128xf32, #tpu.memory_space<vmem_shared>>
        tpu.wait_dma2 semaphore(%run_scoped3A : memref<!tpu.dma_semaphore, #tpu.memory_space<semaphore_mem>>) src(%arg8 : memref<64x128xf32, #tpu.memory_space<vmem>>) dst(%dma_wait3A_67 : memref<64x128xf32, #tpu.memory_space<vmem_shared>>)
        tpu.yield
      }) : () -> ()
    }
    %eq3A = arith.constant 0 : i32
    %eq3A_19 = arith.cmpi eq, %arg1, %eq3A : i32
    %convert_element_type3A = arith.extui %eq3A_19 : i1 to i32
    %cond3A = arith.constant 0 : i32
    %cond3A_20 = arith.cmpi ne, %convert_element_type3A, %cond3A : i32
    scf.if %cond3A_20 {
      "tpu.region"() ({
        %run_scoped3A = tpu.sem_alloc : memref<!tpu.dma_semaphore, #tpu.memory_space<semaphore_mem>>
        %dma_start3A = arith.constant 0 : i32
        %dma_start3A_58 = arith.constant 0 : i32
        %dma_start3A_59 = tpu.memref_slice %arg8[%dma_start3A, %dma_start3A_58] : memref<64x128xf32, #tpu.memory_space<vmem>> -> memref<16x128xf32, #tpu.memory_space<vmem>>
        %dma_start3A_60 = arith.constant 9984 : i32
        %dma_start3A_61 = arith.constant 0 : i32
        %dma_start3A_62 = tpu.memref_slice %arg14[%dma_start3A_60, %dma_start3A_61] : memref<10000x128xf32, #tpu.memory_space<vmem_shared>> -> memref<16x128xf32, #tpu.memory_space<vmem_shared>>
        %dma_start3A_63 = arith.constant 9984 : i32
        %dma_start3A_64 = arith.constant 0 : i32
        %dma_start3A_65 = tpu.memref_slice %arg14[%dma_start3A_63, %dma_start3A_64] : memref<10000x128xf32, #tpu.memory_space<vmem_shared>> -> memref<16x128xf32, #tpu.memory_space<vmem_shared>>
        %dma_start3A_66 = arith.constant 0 : i32
        %dma_start3A_67 = arith.constant 0 : i32
        %dma_start3A_68 = tpu.memref_slice %arg8[%dma_start3A_66, %dma_start3A_67] : memref<64x128xf32, #tpu.memory_space<vmem>> -> memref<16x128xf32, #tpu.memory_space<vmem>>
        tpu.enqueue_dma source(%dma_start3A_68 : memref<16x128xf32, #tpu.memory_space<vmem>>) target(%dma_start3A_65 : memref<16x128xf32, #tpu.memory_space<vmem_shared>>) target_semaphore(%run_scoped3A : memref<!tpu.dma_semaphore, #tpu.memory_space<semaphore_mem>>)
        %dma_wait3A = arith.constant 0 : i32
        %dma_wait3A_69 = arith.constant 0 : i32
        %dma_wait3A_70 = tpu.memref_slice %arg8[%dma_wait3A, %dma_wait3A_69] : memref<64x128xf32, #tpu.memory_space<vmem>> -> memref<16x128xf32, #tpu.memory_space<vmem>>
        %dma_wait3A_71 = arith.constant 9984 : i32
        %dma_wait3A_72 = arith.constant 0 : i32
        %dma_wait3A_73 = tpu.memref_slice %arg14[%dma_wait3A_71, %dma_wait3A_72] : memref<10000x128xf32, #tpu.memory_space<vmem_shared>> -> memref<16x128xf32, #tpu.memory_space<vmem_shared>>
        %dma_wait3A_74 = arith.constant 9984 : i32
        %dma_wait3A_75 = arith.constant 0 : i32
        %dma_wait3A_76 = tpu.memref_slice %arg14[%dma_wait3A_74, %dma_wait3A_75] : memref<10000x128xf32, #tpu.memory_space<vmem_shared>> -> memref<16x128xf32, #tpu.memory_space<vmem_shared>>
        %dma_wait3A_77 = arith.constant 0 : i32
        %dma_wait3A_78 = arith.constant 0 : i32
        %dma_wait3A_79 = tpu.memref_slice %arg8[%dma_wait3A_77, %dma_wait3A_78] : memref<64x128xf32, #tpu.memory_space<vmem>> -> memref<16x128xf32, #tpu.memory_space<vmem>>
        tpu.wait_dma2 semaphore(%run_scoped3A : memref<!tpu.dma_semaphore, #tpu.memory_space<semaphore_mem>>) src(%dma_wait3A_79 : memref<16x128xf32, #tpu.memory_space<vmem>>) dst(%dma_wait3A_76 : memref<16x128xf32, #tpu.memory_space<vmem_shared>>)
        tpu.yield
      }) : () -> ()
    } else {
    }
    %barrier3A = arith.constant 0 : index
    tpu.barrier barrier_id(%barrier3A)
    %sub3A_21 = arith.constant 2500 : i32
    %sub3A_22 = arith.subi %sub3A_21, %arg1 : i32
    %sub3A_23 = arith.constant 32 : i32
    %sub3A_24 = arith.constant 1 : i32
    %sub3A_25 = arith.subi %sub3A_23, %sub3A_24 : i32
    %add3A_26 = arith.addi %sub3A_22, %sub3A_25 : i32
    %div3A_27 = arith.constant 32 : i32
    %div3A_28 = arith.divsi %add3A_26, %div3A_27 : i32
    %while3A_29 = arith.constant 32 : i32
    %while3A_30 = arith.constant 0 : i32
    %while3A_31 = arith.subi %div3A_28, %while3A_30 : i32
    %while3A_32 = arith.addi %while3A_30, %while3A_31 : i32
    %while3A_33 = arith.constant 1 : i32
    %while3A_34 = arith.divsi %while3A_31, %while3A_33 : i32
    %while3A_35 = arith.muli %while3A_34, %while3A_33 : i32
    %while3A_36 = arith.addi %while3A_30, %while3A_35 : i32
    %while3A_37 = arith.constant 1 : i32
    scf.for %while3A_58 = %while3A_30 to %while3A_36 step %while3A_37  : i32 {
      %mul3A = arith.muli %while3A_58, %while3A_29 : i32
      %add3A_59 = arith.addi %arg1, %mul3A : i32
      %add3A_60 = arith.constant 0 : i32
      %add3A_61 = arith.addi %add3A_59, %add3A_60 : i32
      %mul3A_62 = arith.constant 64 : i32
      %mul3A_63 = arith.muli %add3A_61, %mul3A_62 : i32
      %mul3A_64 = arith.constant 2 : i32
      %mul3A_65 = arith.muli %mul3A_64, %arg0 : i32
      %dma_start3A = tpu.memref_slice %arg3[%mul3A_63] : memref<160000xi32, #tpu.memory_space<hbm>> -> memref<64xi32, #tpu.memory_space<hbm>>
      %dma_start3A_66 = tpu.memref_slice %arg3[%mul3A_63] : memref<160000xi32, #tpu.memory_space<hbm>> -> memref<64xi32, #tpu.memory_space<hbm>>
      tpu.enqueue_dma source(%dma_start3A_66 : memref<64xi32, #tpu.memory_space<hbm>>) target(%arg10 : memref<64xi32, #tpu.memory_space<vmem>>) target_semaphore(%arg15 : memref<!tpu.dma_semaphore, #tpu.memory_space<semaphore_mem>>)
      %dma_start3A_67 = tpu.memref_slice %arg4[%mul3A_63] : memref<160000xi32, #tpu.memory_space<hbm>> -> memref<64xi32, #tpu.memory_space<hbm>>
      %dma_start3A_68 = tpu.memref_slice %arg4[%mul3A_63] : memref<160000xi32, #tpu.memory_space<hbm>> -> memref<64xi32, #tpu.memory_space<hbm>>
      tpu.enqueue_dma source(%dma_start3A_68 : memref<64xi32, #tpu.memory_space<hbm>>) target(%arg12 : memref<64xi32, #tpu.memory_space<vmem>>) target_semaphore(%arg15 : memref<!tpu.dma_semaphore, #tpu.memory_space<semaphore_mem>>)
      %dma_start3A_69 = arith.constant 0 : i32
      %dma_start3A_70 = tpu.memref_slice %arg2[%mul3A_63, %mul3A_65, %dma_start3A_69] : memref<160000x4x128xf32, #tpu.memory_space<hbm>> -> memref<64x2x128xf32, #tpu.memory_space<hbm>>
      %dma_start3A_71 = arith.constant 0 : i32
      %dma_start3A_72 = tpu.memref_slice %arg2[%mul3A_63, %mul3A_65, %dma_start3A_71] : memref<160000x4x128xf32, #tpu.memory_space<hbm>> -> memref<64x2x128xf32, #tpu.memory_space<hbm>>
      tpu.enqueue_dma source(%dma_start3A_72 : memref<64x2x128xf32, #tpu.memory_space<hbm>>) target(%arg6 : memref<64x2x128xf32, #tpu.memory_space<vmem>>) target_semaphore(%arg15 : memref<!tpu.dma_semaphore, #tpu.memory_space<semaphore_mem>>)
      %add3A_73 = arith.constant 16 : i32
      %add3A_74 = arith.addi %add3A_59, %add3A_73 : i32
      %mul3A_75 = arith.constant 64 : i32
      %mul3A_76 = arith.muli %add3A_74, %mul3A_75 : i32
      %mul3A_77 = arith.constant 2 : i32
      %mul3A_78 = arith.muli %mul3A_77, %arg0 : i32
      %lt3A = arith.constant 2500 : i32
      %lt3A_79 = arith.cmpi slt, %add3A_74, %lt3A : i32
      %convert_element_type3A_80 = arith.extui %lt3A_79 : i1 to i32
      %cond3A_81 = arith.constant 0 : i32
      %cond3A_82 = arith.cmpi ne, %convert_element_type3A_80, %cond3A_81 : i32
      scf.if %cond3A_82 {
        %dma_start3A_123 = tpu.memref_slice %arg3[%mul3A_76] : memref<160000xi32, #tpu.memory_space<hbm>> -> memref<64xi32, #tpu.memory_space<hbm>>
        %dma_start3A_124 = tpu.memref_slice %arg3[%mul3A_76] : memref<160000xi32, #tpu.memory_space<hbm>> -> memref<64xi32, #tpu.memory_space<hbm>>
        tpu.enqueue_dma source(%dma_start3A_124 : memref<64xi32, #tpu.memory_space<hbm>>) target(%arg11 : memref<64xi32, #tpu.memory_space<vmem>>) target_semaphore(%arg16 : memref<!tpu.dma_semaphore, #tpu.memory_space<semaphore_mem>>)
        %dma_start3A_125 = tpu.memref_slice %arg4[%mul3A_76] : memref<160000xi32, #tpu.memory_space<hbm>> -> memref<64xi32, #tpu.memory_space<hbm>>
        %dma_start3A_126 = tpu.memref_slice %arg4[%mul3A_76] : memref<160000xi32, #tpu.memory_space<hbm>> -> memref<64xi32, #tpu.memory_space<hbm>>
        tpu.enqueue_dma source(%dma_start3A_126 : memref<64xi32, #tpu.memory_space<hbm>>) target(%arg13 : memref<64xi32, #tpu.memory_space<vmem>>) target_semaphore(%arg16 : memref<!tpu.dma_semaphore, #tpu.memory_space<semaphore_mem>>)
        %dma_start3A_127 = arith.constant 0 : i32
        %dma_start3A_128 = tpu.memref_slice %arg2[%mul3A_76, %mul3A_78, %dma_start3A_127] : memref<160000x4x128xf32, #tpu.memory_space<hbm>> -> memref<64x2x128xf32, #tpu.memory_space<hbm>>
        %dma_start3A_129 = arith.constant 0 : i32
        %dma_start3A_130 = tpu.memref_slice %arg2[%mul3A_76, %mul3A_78, %dma_start3A_129] : memref<160000x4x128xf32, #tpu.memory_space<hbm>> -> memref<64x2x128xf32, #tpu.memory_space<hbm>>
        tpu.enqueue_dma source(%dma_start3A_130 : memref<64x2x128xf32, #tpu.memory_space<hbm>>) target(%arg7 : memref<64x2x128xf32, #tpu.memory_space<vmem>>) target_semaphore(%arg16 : memref<!tpu.dma_semaphore, #tpu.memory_space<semaphore_mem>>)
      } else {
      }
      %add3A_83 = arith.constant 0 : i32
      %add3A_84 = arith.addi %add3A_59, %add3A_83 : i32
      %dma_wait3A = tpu.memref_slice %arg3[%mul3A_63] : memref<160000xi32, #tpu.memory_space<hbm>> -> memref<64xi32, #tpu.memory_space<hbm>>
      %dma_wait3A_85 = tpu.memref_slice %arg3[%mul3A_63] : memref<160000xi32, #tpu.memory_space<hbm>> -> memref<64xi32, #tpu.memory_space<hbm>>
      tpu.wait_dma2 semaphore(%arg15 : memref<!tpu.dma_semaphore, #tpu.memory_space<semaphore_mem>>) src(%dma_wait3A_85 : memref<64xi32, #tpu.memory_space<hbm>>) dst(%arg10 : memref<64xi32, #tpu.memory_space<vmem>>)
      %dma_wait3A_86 = tpu.memref_slice %arg4[%mul3A_63] : memref<160000xi32, #tpu.memory_space<hbm>> -> memref<64xi32, #tpu.memory_space<hbm>>
      %dma_wait3A_87 = tpu.memref_slice %arg4[%mul3A_63] : memref<160000xi32, #tpu.memory_space<hbm>> -> memref<64xi32, #tpu.memory_space<hbm>>
      tpu.wait_dma2 semaphore(%arg15 : memref<!tpu.dma_semaphore, #tpu.memory_space<semaphore_mem>>) src(%dma_wait3A_87 : memref<64xi32, #tpu.memory_space<hbm>>) dst(%arg12 : memref<64xi32, #tpu.memory_space<vmem>>)
      %dma_wait3A_88 = arith.constant 0 : i32
      %dma_wait3A_89 = tpu.memref_slice %arg2[%mul3A_63, %mul3A_65, %dma_wait3A_88] : memref<160000x4x128xf32, #tpu.memory_space<hbm>> -> memref<64x2x128xf32, #tpu.memory_space<hbm>>
      %dma_wait3A_90 = arith.constant 0 : i32
      %dma_wait3A_91 = tpu.memref_slice %arg2[%mul3A_63, %mul3A_65, %dma_wait3A_90] : memref<160000x4x128xf32, #tpu.memory_space<hbm>> -> memref<64x2x128xf32, #tpu.memory_space<hbm>>
      tpu.wait_dma2 semaphore(%arg15 : memref<!tpu.dma_semaphore, #tpu.memory_space<semaphore_mem>>) src(%dma_wait3A_91 : memref<64x2x128xf32, #tpu.memory_space<hbm>>) dst(%arg6 : memref<64x2x128xf32, #tpu.memory_space<vmem>>)
      %scan3A_92 = arith.constant 0 : i32
      %scan3A_93 = arith.constant 64 : i32
      %scan3A_94 = arith.addi %scan3A_92, %scan3A_93 : i32
      %scan3A_95 = arith.constant 1 : i32
      scf.for %scan3A_123 = %scan3A_92 to %scan3A_94 step %scan3A_95  : i32 {
        %mul3A_124 = arith.constant 1 : i32
        %mul3A_125 = arith.muli %scan3A_123, %mul3A_124 : i32
        %add3A_126 = arith.constant 0 : i32
        %add3A_127 = arith.addi %add3A_126, %mul3A_125 : i32
        %get3A = arith.constant 0 : i32
        %get3A_128 = arith.index_cast %add3A_127 : i32 to index
        %get3A_129 = arith.index_cast %get3A : i32 to index
        %get3A_130 = arith.constant 0 : index
        %get3A_131 = tpu.vector_load %arg6[%get3A_128, %get3A_129, %get3A_130] {strides = array<i32>} : memref<64x2x128xf32, #tpu.memory_space<vmem>>, vector<1x1x16xf32>,
        %get3A_132 = vector.shape_cast %get3A_131 : vector<1x1x16xf32> to vector<16xf32>
        %get3A_133 = arith.constant 1 : i32
        %get3A_134 = arith.index_cast %add3A_127 : i32 to index
        %get3A_135 = arith.index_cast %get3A_133 : i32 to index
        %get3A_136 = arith.constant 0 : index
        %get3A_137 = tpu.vector_load %arg6[%get3A_134, %get3A_135, %get3A_136] {strides = array<i32>} : memref<64x2x128xf32, #tpu.memory_space<vmem>>, vector<1x1x16xf32>,
        %get3A_138 = vector.shape_cast %get3A_137 : vector<1x1x16xf32> to vector<16xf32>
        %add3A_139 = arith.addf %get3A_132, %get3A_138 : vector<16xf32>
        %swap3A = arith.index_cast %add3A_127 : i32 to index
        %swap3A_140 = arith.constant 0 : index
        %swap3A_141 = tpu.vector_load %arg8[%swap3A, %swap3A_140] {strides = array<i32>} : memref<64x128xf32, #tpu.memory_space<vmem>>, vector<1x16xf32>,
        %swap3A_142 = vector.shape_cast %swap3A_141 : vector<1x16xf32> to vector<16xf32>
        %swap3A_143 = vector.shape_cast %add3A_139 : vector<16xf32> to vector<1x16xf32>
        tpu.vector_store %arg8[%swap3A, %swap3A_140], %swap3A_143 {strides = array<i32>} : memref<64x128xf32, #tpu.memory_space<vmem>>, vector<1x16xf32>,
        %get3A_144 = arith.constant 0 : i32
        %get3A_145 = arith.index_cast %add3A_127 : i32 to index
        %get3A_146 = arith.index_cast %get3A_144 : i32 to index
        %get3A_147 = arith.constant 16 : index
        %get3A_148 = tpu.vector_load %arg6[%get3A_145, %get3A_146, %get3A_147] {strides = array<i32>} : memref<64x2x128xf32, #tpu.memory_space<vmem>>, vector<1x1x16xf32>,
        %get3A_149 = vector.shape_cast %get3A_148 : vector<1x1x16xf32> to vector<16xf32>
        %get3A_150 = arith.constant 1 : i32
        %get3A_151 = arith.index_cast %add3A_127 : i32 to index
        %get3A_152 = arith.index_cast %get3A_150 : i32 to index
        %get3A_153 = arith.constant 16 : index
        %get3A_154 = tpu.vector_load %arg6[%get3A_151, %get3A_152, %get3A_153] {strides = array<i32>} : memref<64x2x128xf32, #tpu.memory_space<vmem>>, vector<1x1x16xf32>,
        %get3A_155 = vector.shape_cast %get3A_154 : vector<1x1x16xf32> to vector<16xf32>
        %add3A_156 = arith.addf %get3A_149, %get3A_155 : vector<16xf32>
        %swap3A_157 = arith.index_cast %add3A_127 : i32 to index
        %swap3A_158 = arith.constant 16 : index
        %swap3A_159 = tpu.vector_load %arg8[%swap3A_157, %swap3A_158] {strides = array<i32>} : memref<64x128xf32, #tpu.memory_space<vmem>>, vector<1x16xf32>,
        %swap3A_160 = vector.shape_cast %swap3A_159 : vector<1x16xf32> to vector<16xf32>
        %swap3A_161 = vector.shape_cast %add3A_156 : vector<16xf32> to vector<1x16xf32>
        tpu.vector_store %arg8[%swap3A_157, %swap3A_158], %swap3A_161 {strides = array<i32>} : memref<64x128xf32, #tpu.memory_space<vmem>>, vector<1x16xf32>,
        %get3A_162 = arith.constant 0 : i32
        %get3A_163 = arith.index_cast %add3A_127 : i32 to index
        %get3A_164 = arith.index_cast %get3A_162 : i32 to index
        %get3A_165 = arith.constant 32 : index
        %get3A_166 = tpu.vector_load %arg6[%get3A_163, %get3A_164, %get3A_165] {strides = array<i32>} : memref<64x2x128xf32, #tpu.memory_space<vmem>>, vector<1x1x16xf32>,
        %get3A_167 = vector.shape_cast %get3A_166 : vector<1x1x16xf32> to vector<16xf32>
        %get3A_168 = arith.constant 1 : i32
        %get3A_169 = arith.index_cast %add3A_127 : i32 to index
        %get3A_170 = arith.index_cast %get3A_168 : i32 to index
        %get3A_171 = arith.constant 32 : index
        %get3A_172 = tpu.vector_load %arg6[%get3A_169, %get3A_170, %get3A_171] {strides = array<i32>} : memref<64x2x128xf32, #tpu.memory_space<vmem>>, vector<1x1x16xf32>,
        %get3A_173 = vector.shape_cast %get3A_172 : vector<1x1x16xf32> to vector<16xf32>
        %add3A_174 = arith.addf %get3A_167, %get3A_173 : vector<16xf32>
        %swap3A_175 = arith.index_cast %add3A_127 : i32 to index
        %swap3A_176 = arith.constant 32 : index
        %swap3A_177 = tpu.vector_load %arg8[%swap3A_175, %swap3A_176] {strides = array<i32>} : memref<64x128xf32, #tpu.memory_space<vmem>>, vector<1x16xf32>,
        %swap3A_178 = vector.shape_cast %swap3A_177 : vector<1x16xf32> to vector<16xf32>
        %swap3A_179 = vector.shape_cast %add3A_174 : vector<16xf32> to vector<1x16xf32>
        tpu.vector_store %arg8[%swap3A_175, %swap3A_176], %swap3A_179 {strides = array<i32>} : memref<64x128xf32, #tpu.memory_space<vmem>>, vector<1x16xf32>,
        %get3A_180 = arith.constant 0 : i32
        %get3A_181 = arith.index_cast %add3A_127 : i32 to index
        %get3A_182 = arith.index_cast %get3A_180 : i32 to index
        %get3A_183 = arith.constant 48 : index
        %get3A_184 = tpu.vector_load %arg6[%get3A_181, %get3A_182, %get3A_183] {strides = array<i32>} : memref<64x2x128xf32, #tpu.memory_space<vmem>>, vector<1x1x16xf32>,
        %get3A_185 = vector.shape_cast %get3A_184 : vector<1x1x16xf32> to vector<16xf32>
        %get3A_186 = arith.constant 1 : i32
        %get3A_187 = arith.index_cast %add3A_127 : i32 to index
        %get3A_188 = arith.index_cast %get3A_186 : i32 to index
        %get3A_189 = arith.constant 48 : index
        %get3A_190 = tpu.vector_load %arg6[%get3A_187, %get3A_188, %get3A_189] {strides = array<i32>} : memref<64x2x128xf32, #tpu.memory_space<vmem>>, vector<1x1x16xf32>,
        %get3A_191 = vector.shape_cast %get3A_190 : vector<1x1x16xf32> to vector<16xf32>
        %add3A_192 = arith.addf %get3A_185, %get3A_191 : vector<16xf32>
        %swap3A_193 = arith.index_cast %add3A_127 : i32 to index
        %swap3A_194 = arith.constant 48 : index
        %swap3A_195 = tpu.vector_load %arg8[%swap3A_193, %swap3A_194] {strides = array<i32>} : memref<64x128xf32, #tpu.memory_space<vmem>>, vector<1x16xf32>,
        %swap3A_196 = vector.shape_cast %swap3A_195 : vector<1x16xf32> to vector<16xf32>
        %swap3A_197 = vector.shape_cast %add3A_192 : vector<16xf32> to vector<1x16xf32>
        tpu.vector_store %arg8[%swap3A_193, %swap3A_194], %swap3A_197 {strides = array<i32>} : memref<64x128xf32, #tpu.memory_space<vmem>>, vector<1x16xf32>,
        %get3A_198 = arith.constant 0 : i32
        %get3A_199 = arith.index_cast %add3A_127 : i32 to index
        %get3A_200 = arith.index_cast %get3A_198 : i32 to index
        %get3A_201 = arith.constant 64 : index
        %get3A_202 = tpu.vector_load %arg6[%get3A_199, %get3A_200, %get3A_201] {strides = array<i32>} : memref<64x2x128xf32, #tpu.memory_space<vmem>>, vector<1x1x16xf32>,
        %get3A_203 = vector.shape_cast %get3A_202 : vector<1x1x16xf32> to vector<16xf32>
        %get3A_204 = arith.constant 1 : i32
        %get3A_205 = arith.index_cast %add3A_127 : i32 to index
        %get3A_206 = arith.index_cast %get3A_204 : i32 to index
        %get3A_207 = arith.constant 64 : index
        %get3A_208 = tpu.vector_load %arg6[%get3A_205, %get3A_206, %get3A_207] {strides = array<i32>} : memref<64x2x128xf32, #tpu.memory_space<vmem>>, vector<1x1x16xf32>,
        %get3A_209 = vector.shape_cast %get3A_208 : vector<1x1x16xf32> to vector<16xf32>
        %add3A_210 = arith.addf %get3A_203, %get3A_209 : vector<16xf32>
        %swap3A_211 = arith.index_cast %add3A_127 : i32 to index
        %swap3A_212 = arith.constant 64 : index
        %swap3A_213 = tpu.vector_load %arg8[%swap3A_211, %swap3A_212] {strides = array<i32>} : memref<64x128xf32, #tpu.memory_space<vmem>>, vector<1x16xf32>,
        %swap3A_214 = vector.shape_cast %swap3A_213 : vector<1x16xf32> to vector<16xf32>
        %swap3A_215 = vector.shape_cast %add3A_210 : vector<16xf32> to vector<1x16xf32>
        tpu.vector_store %arg8[%swap3A_211, %swap3A_212], %swap3A_215 {strides = array<i32>} : memref<64x128xf32, #tpu.memory_space<vmem>>, vector<1x16xf32>,
        %get3A_216 = arith.constant 0 : i32
        %get3A_217 = arith.index_cast %add3A_127 : i32 to index
        %get3A_218 = arith.index_cast %get3A_216 : i32 to index
        %get3A_219 = arith.constant 80 : index
        %get3A_220 = tpu.vector_load %arg6[%get3A_217, %get3A_218, %get3A_219] {strides = array<i32>} : memref<64x2x128xf32, #tpu.memory_space<vmem>>, vector<1x1x16xf32>,
        %get3A_221 = vector.shape_cast %get3A_220 : vector<1x1x16xf32> to vector<16xf32>
        %get3A_222 = arith.constant 1 : i32
        %get3A_223 = arith.index_cast %add3A_127 : i32 to index
        %get3A_224 = arith.index_cast %get3A_222 : i32 to index
        %get3A_225 = arith.constant 80 : index
        %get3A_226 = tpu.vector_load %arg6[%get3A_223, %get3A_224, %get3A_225] {strides = array<i32>} : memref<64x2x128xf32, #tpu.memory_space<vmem>>, vector<1x1x16xf32>,
        %get3A_227 = vector.shape_cast %get3A_226 : vector<1x1x16xf32> to vector<16xf32>
        %add3A_228 = arith.addf %get3A_221, %get3A_227 : vector<16xf32>
        %swap3A_229 = arith.index_cast %add3A_127 : i32 to index
        %swap3A_230 = arith.constant 80 : index
        %swap3A_231 = tpu.vector_load %arg8[%swap3A_229, %swap3A_230] {strides = array<i32>} : memref<64x128xf32, #tpu.memory_space<vmem>>, vector<1x16xf32>,
        %swap3A_232 = vector.shape_cast %swap3A_231 : vector<1x16xf32> to vector<16xf32>
        %swap3A_233 = vector.shape_cast %add3A_228 : vector<16xf32> to vector<1x16xf32>
        tpu.vector_store %arg8[%swap3A_229, %swap3A_230], %swap3A_233 {strides = array<i32>} : memref<64x128xf32, #tpu.memory_space<vmem>>, vector<1x16xf32>,
        %get3A_234 = arith.constant 0 : i32
        %get3A_235 = arith.index_cast %add3A_127 : i32 to index
        %get3A_236 = arith.index_cast %get3A_234 : i32 to index
        %get3A_237 = arith.constant 96 : index
        %get3A_238 = tpu.vector_load %arg6[%get3A_235, %get3A_236, %get3A_237] {strides = array<i32>} : memref<64x2x128xf32, #tpu.memory_space<vmem>>, vector<1x1x16xf32>,
        %get3A_239 = vector.shape_cast %get3A_238 : vector<1x1x16xf32> to vector<16xf32>
        %get3A_240 = arith.constant 1 : i32
        %get3A_241 = arith.index_cast %add3A_127 : i32 to index
        %get3A_242 = arith.index_cast %get3A_240 : i32 to index
        %get3A_243 = arith.constant 96 : index
        %get3A_244 = tpu.vector_load %arg6[%get3A_241, %get3A_242, %get3A_243] {strides = array<i32>} : memref<64x2x128xf32, #tpu.memory_space<vmem>>, vector<1x1x16xf32>,
        %get3A_245 = vector.shape_cast %get3A_244 : vector<1x1x16xf32> to vector<16xf32>
        %add3A_246 = arith.addf %get3A_239, %get3A_245 : vector<16xf32>
        %swap3A_247 = arith.index_cast %add3A_127 : i32 to index
        %swap3A_248 = arith.constant 96 : index
        %swap3A_249 = tpu.vector_load %arg8[%swap3A_247, %swap3A_248] {strides = array<i32>} : memref<64x128xf32, #tpu.memory_space<vmem>>, vector<1x16xf32>,
        %swap3A_250 = vector.shape_cast %swap3A_249 : vector<1x16xf32> to vector<16xf32>
        %swap3A_251 = vector.shape_cast %add3A_246 : vector<16xf32> to vector<1x16xf32>
        tpu.vector_store %arg8[%swap3A_247, %swap3A_248], %swap3A_251 {strides = array<i32>} : memref<64x128xf32, #tpu.memory_space<vmem>>, vector<1x16xf32>,
        %get3A_252 = arith.constant 0 : i32
        %get3A_253 = arith.index_cast %add3A_127 : i32 to index
        %get3A_254 = arith.index_cast %get3A_252 : i32 to index
        %get3A_255 = arith.constant 112 : index
        %get3A_256 = tpu.vector_load %arg6[%get3A_253, %get3A_254, %get3A_255] {strides = array<i32>} : memref<64x2x128xf32, #tpu.memory_space<vmem>>, vector<1x1x16xf32>,
        %get3A_257 = vector.shape_cast %get3A_256 : vector<1x1x16xf32> to vector<16xf32>
        %get3A_258 = arith.constant 1 : i32
        %get3A_259 = arith.index_cast %add3A_127 : i32 to index
        %get3A_260 = arith.index_cast %get3A_258 : i32 to index
        %get3A_261 = arith.constant 112 : index
        %get3A_262 = tpu.vector_load %arg6[%get3A_259, %get3A_260, %get3A_261] {strides = array<i32>} : memref<64x2x128xf32, #tpu.memory_space<vmem>>, vector<1x1x16xf32>,
        %get3A_263 = vector.shape_cast %get3A_262 : vector<1x1x16xf32> to vector<16xf32>
        %add3A_264 = arith.addf %get3A_257, %get3A_263 : vector<16xf32>
        %swap3A_265 = arith.index_cast %add3A_127 : i32 to index
        %swap3A_266 = arith.constant 112 : index
        %swap3A_267 = tpu.vector_load %arg8[%swap3A_265, %swap3A_266] {strides = array<i32>} : memref<64x128xf32, #tpu.memory_space<vmem>>, vector<1x16xf32>,
        %swap3A_268 = vector.shape_cast %swap3A_267 : vector<1x16xf32> to vector<16xf32>
        %swap3A_269 = vector.shape_cast %add3A_264 : vector<16xf32> to vector<1x16xf32>
        tpu.vector_store %arg8[%swap3A_265, %swap3A_266], %swap3A_269 {strides = array<i32>} : memref<64x128xf32, #tpu.memory_space<vmem>>, vector<1x16xf32>,
      }
      %scan3A_96 = arith.constant 64 : i32
      %dma_start3A_97 = arith.constant 0 : i32
      %dma_start3A_98 = arith.constant 0 : i32
      %dma_start3A_99 = tpu.memref_slice %arg14[%dma_start3A_97, %dma_start3A_98] : memref<10000x128xf32, #tpu.memory_space<vmem_shared>> -> memref<10000x128xf32, #tpu.memory_space<vmem_shared>>
      tpu.enqueue_indirect_dma source(%arg8 : memref<64x128xf32, #tpu.memory_space<vmem>>) target(%dma_start3A_99 : memref<10000x128xf32, #tpu.memory_space<vmem_shared>>) offsets(%arg10 : memref<64xi32, #tpu.memory_space<vmem>>) semaphore(%arg15 : memref<!tpu.dma_semaphore, #tpu.memory_space<semaphore_mem>>) {add = true}
      %dma_start3A_100 = arith.constant 0 : i32
      %dma_start3A_101 = arith.constant 0 : i32
      %dma_start3A_102 = tpu.memref_slice %arg14[%dma_start3A_100, %dma_start3A_101] : memref<10000x128xf32, #tpu.memory_space<vmem_shared>> -> memref<10000x128xf32, #tpu.memory_space<vmem_shared>>
      tpu.enqueue_indirect_dma source(%arg8 : memref<64x128xf32, #tpu.memory_space<vmem>>) target(%dma_start3A_102 : memref<10000x128xf32, #tpu.memory_space<vmem_shared>>) offsets(%arg12 : memref<64xi32, #tpu.memory_space<vmem>>) semaphore(%arg15 : memref<!tpu.dma_semaphore, #tpu.memory_space<semaphore_mem>>) {add = true}
      %add3A_103 = arith.constant 16 : i32
      %add3A_104 = arith.addi %add3A_59, %add3A_103 : i32
      %lt3A_105 = arith.constant 2500 : i32
      %lt3A_106 = arith.cmpi slt, %add3A_104, %lt3A_105 : i32
      %convert_element_type3A_107 = arith.extui %lt3A_106 : i1 to i32
      %cond3A_108 = arith.constant 0 : i32
      %cond3A_109 = arith.cmpi ne, %convert_element_type3A_107, %cond3A_108 : i32
      scf.if %cond3A_109 {
        %dma_wait3A_123 = tpu.memref_slice %arg3[%mul3A_76] : memref<160000xi32, #tpu.memory_space<hbm>> -> memref<64xi32, #tpu.memory_space<hbm>>
        %dma_wait3A_124 = tpu.memref_slice %arg3[%mul3A_76] : memref<160000xi32, #tpu.memory_space<hbm>> -> memref<64xi32, #tpu.memory_space<hbm>>
        tpu.wait_dma2 semaphore(%arg16 : memref<!tpu.dma_semaphore, #tpu.memory_space<semaphore_mem>>) src(%dma_wait3A_124 : memref<64xi32, #tpu.memory_space<hbm>>) dst(%arg11 : memref<64xi32, #tpu.memory_space<vmem>>)
        %dma_wait3A_125 = tpu.memref_slice %arg4[%mul3A_76] : memref<160000xi32, #tpu.memory_space<hbm>> -> memref<64xi32, #tpu.memory_space<hbm>>
        %dma_wait3A_126 = tpu.memref_slice %arg4[%mul3A_76] : memref<160000xi32, #tpu.memory_space<hbm>> -> memref<64xi32, #tpu.memory_space<hbm>>
        tpu.wait_dma2 semaphore(%arg16 : memref<!tpu.dma_semaphore, #tpu.memory_space<semaphore_mem>>) src(%dma_wait3A_126 : memref<64xi32, #tpu.memory_space<hbm>>) dst(%arg13 : memref<64xi32, #tpu.memory_space<vmem>>)
        %dma_wait3A_127 = arith.constant 0 : i32
        %dma_wait3A_128 = tpu.memref_slice %arg2[%mul3A_76, %mul3A_78, %dma_wait3A_127] : memref<160000x4x128xf32, #tpu.memory_space<hbm>> -> memref<64x2x128xf32, #tpu.memory_space<hbm>>
        %dma_wait3A_129 = arith.constant 0 : i32
        %dma_wait3A_130 = tpu.memref_slice %arg2[%mul3A_76, %mul3A_78, %dma_wait3A_129] : memref<160000x4x128xf32, #tpu.memory_space<hbm>> -> memref<64x2x128xf32, #tpu.memory_space<hbm>>
        tpu.wait_dma2 semaphore(%arg16 : memref<!tpu.dma_semaphore, #tpu.memory_space<semaphore_mem>>) src(%dma_wait3A_130 : memref<64x2x128xf32, #tpu.memory_space<hbm>>) dst(%arg7 : memref<64x2x128xf32, #tpu.memory_space<vmem>>)
        %scan3A_131 = arith.constant 0 : i32
        %scan3A_132 = arith.constant 64 : i32
        %scan3A_133 = arith.addi %scan3A_131, %scan3A_132 : i32
        %scan3A_134 = arith.constant 1 : i32
        scf.for %scan3A_142 = %scan3A_131 to %scan3A_133 step %scan3A_134  : i32 {
          %mul3A_143 = arith.constant 1 : i32
          %mul3A_144 = arith.muli %scan3A_142, %mul3A_143 : i32
          %add3A_145 = arith.constant 0 : i32
          %add3A_146 = arith.addi %add3A_145, %mul3A_144 : i32
          %get3A = arith.constant 0 : i32
          %get3A_147 = arith.index_cast %add3A_146 : i32 to index
          %get3A_148 = arith.index_cast %get3A : i32 to index
          %get3A_149 = arith.constant 0 : index
          %get3A_150 = tpu.vector_load %arg7[%get3A_147, %get3A_148, %get3A_149] {strides = array<i32>} : memref<64x2x128xf32, #tpu.memory_space<vmem>>, vector<1x1x16xf32>,
          %get3A_151 = vector.shape_cast %get3A_150 : vector<1x1x16xf32> to vector<16xf32>
          %get3A_152 = arith.constant 1 : i32
          %get3A_153 = arith.index_cast %add3A_146 : i32 to index
          %get3A_154 = arith.index_cast %get3A_152 : i32 to index
          %get3A_155 = arith.constant 0 : index
          %get3A_156 = tpu.vector_load %arg7[%get3A_153, %get3A_154, %get3A_155] {strides = array<i32>} : memref<64x2x128xf32, #tpu.memory_space<vmem>>, vector<1x1x16xf32>,
          %get3A_157 = vector.shape_cast %get3A_156 : vector<1x1x16xf32> to vector<16xf32>
          %add3A_158 = arith.addf %get3A_151, %get3A_157 : vector<16xf32>
          %swap3A = arith.index_cast %add3A_146 : i32 to index
          %swap3A_159 = arith.constant 0 : index
          %swap3A_160 = tpu.vector_load %arg9[%swap3A, %swap3A_159] {strides = array<i32>} : memref<64x128xf32, #tpu.memory_space<vmem>>, vector<1x16xf32>,
          %swap3A_161 = vector.shape_cast %swap3A_160 : vector<1x16xf32> to vector<16xf32>
          %swap3A_162 = vector.shape_cast %add3A_158 : vector<16xf32> to vector<1x16xf32>
          tpu.vector_store %arg9[%swap3A, %swap3A_159], %swap3A_162 {strides = array<i32>} : memref<64x128xf32, #tpu.memory_space<vmem>>, vector<1x16xf32>,
          %get3A_163 = arith.constant 0 : i32
          %get3A_164 = arith.index_cast %add3A_146 : i32 to index
          %get3A_165 = arith.index_cast %get3A_163 : i32 to index
          %get3A_166 = arith.constant 16 : index
          %get3A_167 = tpu.vector_load %arg7[%get3A_164, %get3A_165, %get3A_166] {strides = array<i32>} : memref<64x2x128xf32, #tpu.memory_space<vmem>>, vector<1x1x16xf32>,
          %get3A_168 = vector.shape_cast %get3A_167 : vector<1x1x16xf32> to vector<16xf32>
          %get3A_169 = arith.constant 1 : i32
          %get3A_170 = arith.index_cast %add3A_146 : i32 to index
          %get3A_171 = arith.index_cast %get3A_169 : i32 to index
          %get3A_172 = arith.constant 16 : index
          %get3A_173 = tpu.vector_load %arg7[%get3A_170, %get3A_171, %get3A_172] {strides = array<i32>} : memref<64x2x128xf32, #tpu.memory_space<vmem>>, vector<1x1x16xf32>,
          %get3A_174 = vector.shape_cast %get3A_173 : vector<1x1x16xf32> to vector<16xf32>
          %add3A_175 = arith.addf %get3A_168, %get3A_174 : vector<16xf32>
          %swap3A_176 = arith.index_cast %add3A_146 : i32 to index
          %swap3A_177 = arith.constant 16 : index
          %swap3A_178 = tpu.vector_load %arg9[%swap3A_176, %swap3A_177] {strides = array<i32>} : memref<64x128xf32, #tpu.memory_space<vmem>>, vector<1x16xf32>,
          %swap3A_179 = vector.shape_cast %swap3A_178 : vector<1x16xf32> to vector<16xf32>
          %swap3A_180 = vector.shape_cast %add3A_175 : vector<16xf32> to vector<1x16xf32>
          tpu.vector_store %arg9[%swap3A_176, %swap3A_177], %swap3A_180 {strides = array<i32>} : memref<64x128xf32, #tpu.memory_space<vmem>>, vector<1x16xf32>,
          %get3A_181 = arith.constant 0 : i32
          %get3A_182 = arith.index_cast %add3A_146 : i32 to index
          %get3A_183 = arith.index_cast %get3A_181 : i32 to index
          %get3A_184 = arith.constant 32 : index
          %get3A_185 = tpu.vector_load %arg7[%get3A_182, %get3A_183, %get3A_184] {strides = array<i32>} : memref<64x2x128xf32, #tpu.memory_space<vmem>>, vector<1x1x16xf32>,
          %get3A_186 = vector.shape_cast %get3A_185 : vector<1x1x16xf32> to vector<16xf32>
          %get3A_187 = arith.constant 1 : i32
          %get3A_188 = arith.index_cast %add3A_146 : i32 to index
          %get3A_189 = arith.index_cast %get3A_187 : i32 to index
          %get3A_190 = arith.constant 32 : index
          %get3A_191 = tpu.vector_load %arg7[%get3A_188, %get3A_189, %get3A_190] {strides = array<i32>} : memref<64x2x128xf32, #tpu.memory_space<vmem>>, vector<1x1x16xf32>,
          %get3A_192 = vector.shape_cast %get3A_191 : vector<1x1x16xf32> to vector<16xf32>
          %add3A_193 = arith.addf %get3A_186, %get3A_192 : vector<16xf32>
          %swap3A_194 = arith.index_cast %add3A_146 : i32 to index
          %swap3A_195 = arith.constant 32 : index
          %swap3A_196 = tpu.vector_load %arg9[%swap3A_194, %swap3A_195] {strides = array<i32>} : memref<64x128xf32, #tpu.memory_space<vmem>>, vector<1x16xf32>,
          %swap3A_197 = vector.shape_cast %swap3A_196 : vector<1x16xf32> to vector<16xf32>
          %swap3A_198 = vector.shape_cast %add3A_193 : vector<16xf32> to vector<1x16xf32>
          tpu.vector_store %arg9[%swap3A_194, %swap3A_195], %swap3A_198 {strides = array<i32>} : memref<64x128xf32, #tpu.memory_space<vmem>>, vector<1x16xf32>,
          %get3A_199 = arith.constant 0 : i32
          %get3A_200 = arith.index_cast %add3A_146 : i32 to index
          %get3A_201 = arith.index_cast %get3A_199 : i32 to index
          %get3A_202 = arith.constant 48 : index
          %get3A_203 = tpu.vector_load %arg7[%get3A_200, %get3A_201, %get3A_202] {strides = array<i32>} : memref<64x2x128xf32, #tpu.memory_space<vmem>>, vector<1x1x16xf32>,
          %get3A_204 = vector.shape_cast %get3A_203 : vector<1x1x16xf32> to vector<16xf32>
          %get3A_205 = arith.constant 1 : i32
          %get3A_206 = arith.index_cast %add3A_146 : i32 to index
          %get3A_207 = arith.index_cast %get3A_205 : i32 to index
          %get3A_208 = arith.constant 48 : index
          %get3A_209 = tpu.vector_load %arg7[%get3A_206, %get3A_207, %get3A_208] {strides = array<i32>} : memref<64x2x128xf32, #tpu.memory_space<vmem>>, vector<1x1x16xf32>,
          %get3A_210 = vector.shape_cast %get3A_209 : vector<1x1x16xf32> to vector<16xf32>
          %add3A_211 = arith.addf %get3A_204, %get3A_210 : vector<16xf32>
          %swap3A_212 = arith.index_cast %add3A_146 : i32 to index
          %swap3A_213 = arith.constant 48 : index
          %swap3A_214 = tpu.vector_load %arg9[%swap3A_212, %swap3A_213] {strides = array<i32>} : memref<64x128xf32, #tpu.memory_space<vmem>>, vector<1x16xf32>,
          %swap3A_215 = vector.shape_cast %swap3A_214 : vector<1x16xf32> to vector<16xf32>
          %swap3A_216 = vector.shape_cast %add3A_211 : vector<16xf32> to vector<1x16xf32>
          tpu.vector_store %arg9[%swap3A_212, %swap3A_213], %swap3A_216 {strides = array<i32>} : memref<64x128xf32, #tpu.memory_space<vmem>>, vector<1x16xf32>,
          %get3A_217 = arith.constant 0 : i32
          %get3A_218 = arith.index_cast %add3A_146 : i32 to index
          %get3A_219 = arith.index_cast %get3A_217 : i32 to index
          %get3A_220 = arith.constant 64 : index
          %get3A_221 = tpu.vector_load %arg7[%get3A_218, %get3A_219, %get3A_220] {strides = array<i32>} : memref<64x2x128xf32, #tpu.memory_space<vmem>>, vector<1x1x16xf32>,
          %get3A_222 = vector.shape_cast %get3A_221 : vector<1x1x16xf32> to vector<16xf32>
          %get3A_223 = arith.constant 1 : i32
          %get3A_224 = arith.index_cast %add3A_146 : i32 to index
          %get3A_225 = arith.index_cast %get3A_223 : i32 to index
          %get3A_226 = arith.constant 64 : index
          %get3A_227 = tpu.vector_load %arg7[%get3A_224, %get3A_225, %get3A_226] {strides = array<i32>} : memref<64x2x128xf32, #tpu.memory_space<vmem>>, vector<1x1x16xf32>,
          %get3A_228 = vector.shape_cast %get3A_227 : vector<1x1x16xf32> to vector<16xf32>
          %add3A_229 = arith.addf %get3A_222, %get3A_228 : vector<16xf32>
          %swap3A_230 = arith.index_cast %add3A_146 : i32 to index
          %swap3A_231 = arith.constant 64 : index
          %swap3A_232 = tpu.vector_load %arg9[%swap3A_230, %swap3A_231] {strides = array<i32>} : memref<64x128xf32, #tpu.memory_space<vmem>>, vector<1x16xf32>,
          %swap3A_233 = vector.shape_cast %swap3A_232 : vector<1x16xf32> to vector<16xf32>
          %swap3A_234 = vector.shape_cast %add3A_229 : vector<16xf32> to vector<1x16xf32>
          tpu.vector_store %arg9[%swap3A_230, %swap3A_231], %swap3A_234 {strides = array<i32>} : memref<64x128xf32, #tpu.memory_space<vmem>>, vector<1x16xf32>,
          %get3A_235 = arith.constant 0 : i32
          %get3A_236 = arith.index_cast %add3A_146 : i32 to index
          %get3A_237 = arith.index_cast %get3A_235 : i32 to index
          %get3A_238 = arith.constant 80 : index
          %get3A_239 = tpu.vector_load %arg7[%get3A_236, %get3A_237, %get3A_238] {strides = array<i32>} : memref<64x2x128xf32, #tpu.memory_space<vmem>>, vector<1x1x16xf32>,
          %get3A_240 = vector.shape_cast %get3A_239 : vector<1x1x16xf32> to vector<16xf32>
          %get3A_241 = arith.constant 1 : i32
          %get3A_242 = arith.index_cast %add3A_146 : i32 to index
          %get3A_243 = arith.index_cast %get3A_241 : i32 to index
          %get3A_244 = arith.constant 80 : index
          %get3A_245 = tpu.vector_load %arg7[%get3A_242, %get3A_243, %get3A_244] {strides = array<i32>} : memref<64x2x128xf32, #tpu.memory_space<vmem>>, vector<1x1x16xf32>,
          %get3A_246 = vector.shape_cast %get3A_245 : vector<1x1x16xf32> to vector<16xf32>
          %add3A_247 = arith.addf %get3A_240, %get3A_246 : vector<16xf32>
          %swap3A_248 = arith.index_cast %add3A_146 : i32 to index
          %swap3A_249 = arith.constant 80 : index
          %swap3A_250 = tpu.vector_load %arg9[%swap3A_248, %swap3A_249] {strides = array<i32>} : memref<64x128xf32, #tpu.memory_space<vmem>>, vector<1x16xf32>,
          %swap3A_251 = vector.shape_cast %swap3A_250 : vector<1x16xf32> to vector<16xf32>
          %swap3A_252 = vector.shape_cast %add3A_247 : vector<16xf32> to vector<1x16xf32>
          tpu.vector_store %arg9[%swap3A_248, %swap3A_249], %swap3A_252 {strides = array<i32>} : memref<64x128xf32, #tpu.memory_space<vmem>>, vector<1x16xf32>,
          %get3A_253 = arith.constant 0 : i32
          %get3A_254 = arith.index_cast %add3A_146 : i32 to index
          %get3A_255 = arith.index_cast %get3A_253 : i32 to index
          %get3A_256 = arith.constant 96 : index
          %get3A_257 = tpu.vector_load %arg7[%get3A_254, %get3A_255, %get3A_256] {strides = array<i32>} : memref<64x2x128xf32, #tpu.memory_space<vmem>>, vector<1x1x16xf32>,
          %get3A_258 = vector.shape_cast %get3A_257 : vector<1x1x16xf32> to vector<16xf32>
          %get3A_259 = arith.constant 1 : i32
          %get3A_260 = arith.index_cast %add3A_146 : i32 to index
          %get3A_261 = arith.index_cast %get3A_259 : i32 to index
          %get3A_262 = arith.constant 96 : index
          %get3A_263 = tpu.vector_load %arg7[%get3A_260, %get3A_261, %get3A_262] {strides = array<i32>} : memref<64x2x128xf32, #tpu.memory_space<vmem>>, vector<1x1x16xf32>,
          %get3A_264 = vector.shape_cast %get3A_263 : vector<1x1x16xf32> to vector<16xf32>
          %add3A_265 = arith.addf %get3A_258, %get3A_264 : vector<16xf32>
          %swap3A_266 = arith.index_cast %add3A_146 : i32 to index
          %swap3A_267 = arith.constant 96 : index
          %swap3A_268 = tpu.vector_load %arg9[%swap3A_266, %swap3A_267] {strides = array<i32>} : memref<64x128xf32, #tpu.memory_space<vmem>>, vector<1x16xf32>,
          %swap3A_269 = vector.shape_cast %swap3A_268 : vector<1x16xf32> to vector<16xf32>
          %swap3A_270 = vector.shape_cast %add3A_265 : vector<16xf32> to vector<1x16xf32>
          tpu.vector_store %arg9[%swap3A_266, %swap3A_267], %swap3A_270 {strides = array<i32>} : memref<64x128xf32, #tpu.memory_space<vmem>>, vector<1x16xf32>,
          %get3A_271 = arith.constant 0 : i32
          %get3A_272 = arith.index_cast %add3A_146 : i32 to index
          %get3A_273 = arith.index_cast %get3A_271 : i32 to index
          %get3A_274 = arith.constant 112 : index
          %get3A_275 = tpu.vector_load %arg7[%get3A_272, %get3A_273, %get3A_274] {strides = array<i32>} : memref<64x2x128xf32, #tpu.memory_space<vmem>>, vector<1x1x16xf32>,
          %get3A_276 = vector.shape_cast %get3A_275 : vector<1x1x16xf32> to vector<16xf32>
          %get3A_277 = arith.constant 1 : i32
          %get3A_278 = arith.index_cast %add3A_146 : i32 to index
          %get3A_279 = arith.index_cast %get3A_277 : i32 to index
          %get3A_280 = arith.constant 112 : index
          %get3A_281 = tpu.vector_load %arg7[%get3A_278, %get3A_279, %get3A_280] {strides = array<i32>} : memref<64x2x128xf32, #tpu.memory_space<vmem>>, vector<1x1x16xf32>,
          %get3A_282 = vector.shape_cast %get3A_281 : vector<1x1x16xf32> to vector<16xf32>
          %add3A_283 = arith.addf %get3A_276, %get3A_282 : vector<16xf32>
          %swap3A_284 = arith.index_cast %add3A_146 : i32 to index
          %swap3A_285 = arith.constant 112 : index
          %swap3A_286 = tpu.vector_load %arg9[%swap3A_284, %swap3A_285] {strides = array<i32>} : memref<64x128xf32, #tpu.memory_space<vmem>>, vector<1x16xf32>,
          %swap3A_287 = vector.shape_cast %swap3A_286 : vector<1x16xf32> to vector<16xf32>
          %swap3A_288 = vector.shape_cast %add3A_283 : vector<16xf32> to vector<1x16xf32>
          tpu.vector_store %arg9[%swap3A_284, %swap3A_285], %swap3A_288 {strides = array<i32>} : memref<64x128xf32, #tpu.memory_space<vmem>>, vector<1x16xf32>,
        }
        %scan3A_135 = arith.constant 64 : i32
        %dma_start3A_136 = arith.constant 0 : i32
        %dma_start3A_137 = arith.constant 0 : i32
        %dma_start3A_138 = tpu.memref_slice %arg14[%dma_start3A_136, %dma_start3A_137] : memref<10000x128xf32, #tpu.memory_space<vmem_shared>> -> memref<10000x128xf32, #tpu.memory_space<vmem_shared>>
        tpu.enqueue_indirect_dma source(%arg9 : memref<64x128xf32, #tpu.memory_space<vmem>>) target(%dma_start3A_138 : memref<10000x128xf32, #tpu.memory_space<vmem_shared>>) offsets(%arg11 : memref<64xi32, #tpu.memory_space<vmem>>) semaphore(%arg16 : memref<!tpu.dma_semaphore, #tpu.memory_space<semaphore_mem>>) {add = true}
        %dma_start3A_139 = arith.constant 0 : i32
        %dma_start3A_140 = arith.constant 0 : i32
        %dma_start3A_141 = tpu.memref_slice %arg14[%dma_start3A_139, %dma_start3A_140] : memref<10000x128xf32, #tpu.memory_space<vmem_shared>> -> memref<10000x128xf32, #tpu.memory_space<vmem_shared>>
        tpu.enqueue_indirect_dma source(%arg9 : memref<64x128xf32, #tpu.memory_space<vmem>>) target(%dma_start3A_141 : memref<10000x128xf32, #tpu.memory_space<vmem_shared>>) offsets(%arg13 : memref<64xi32, #tpu.memory_space<vmem>>) semaphore(%arg16 : memref<!tpu.dma_semaphore, #tpu.memory_space<semaphore_mem>>) {add = true}
      } else {
      }
      %dma_wait3A_110 = arith.constant 0 : i32
      %dma_wait3A_111 = arith.constant 0 : i32
      %dma_wait3A_112 = tpu.memref_slice %arg14[%dma_wait3A_110, %dma_wait3A_111] : memref<10000x128xf32, #tpu.memory_space<vmem_shared>> -> memref<10000x128xf32, #tpu.memory_space<vmem_shared>>
      tpu.wait_indirect_dma semaphore(%arg15 : memref<!tpu.dma_semaphore, #tpu.memory_space<semaphore_mem>>) src(%arg8 : memref<64x128xf32, #tpu.memory_space<vmem>>) dst(%dma_wait3A_112 : memref<10000x128xf32, #tpu.memory_space<vmem_shared>>)
      %dma_wait3A_113 = arith.constant 0 : i32
      %dma_wait3A_114 = arith.constant 0 : i32
      %dma_wait3A_115 = tpu.memref_slice %arg14[%dma_wait3A_113, %dma_wait3A_114] : memref<10000x128xf32, #tpu.memory_space<vmem_shared>> -> memref<10000x128xf32, #tpu.memory_space<vmem_shared>>
      tpu.wait_indirect_dma semaphore(%arg15 : memref<!tpu.dma_semaphore, #tpu.memory_space<semaphore_mem>>) src(%arg8 : memref<64x128xf32, #tpu.memory_space<vmem>>) dst(%dma_wait3A_115 : memref<10000x128xf32, #tpu.memory_space<vmem_shared>>)
      %add3A_116 = arith.constant 16 : i32
      %add3A_117 = arith.addi %add3A_59, %add3A_116 : i32
      %lt3A_118 = arith.constant 2500 : i32
      %lt3A_119 = arith.cmpi slt, %add3A_117, %lt3A_118 : i32
      %convert_element_type3A_120 = arith.extui %lt3A_119 : i1 to i32
      %cond3A_121 = arith.constant 0 : i32
      %cond3A_122 = arith.cmpi ne, %convert_element_type3A_120, %cond3A_121 : i32
      scf.if %cond3A_122 {
        %dma_wait3A_123 = arith.constant 0 : i32
        %dma_wait3A_124 = arith.constant 0 : i32
        %dma_wait3A_125 = tpu.memref_slice %arg14[%dma_wait3A_123, %dma_wait3A_124] : memref<10000x128xf32, #tpu.memory_space<vmem_shared>> -> memref<10000x128xf32, #tpu.memory_space<vmem_shared>>
        tpu.wait_indirect_dma semaphore(%arg16 : memref<!tpu.dma_semaphore, #tpu.memory_space<semaphore_mem>>) src(%arg9 : memref<64x128xf32, #tpu.memory_space<vmem>>) dst(%dma_wait3A_125 : memref<10000x128xf32, #tpu.memory_space<vmem_shared>>)
        %dma_wait3A_126 = arith.constant 0 : i32
        %dma_wait3A_127 = arith.constant 0 : i32
        %dma_wait3A_128 = tpu.memref_slice %arg14[%dma_wait3A_126, %dma_wait3A_127] : memref<10000x128xf32, #tpu.memory_space<vmem_shared>> -> memref<10000x128xf32, #tpu.memory_space<vmem_shared>>
        tpu.wait_indirect_dma semaphore(%arg16 : memref<!tpu.dma_semaphore, #tpu.memory_space<semaphore_mem>>) src(%arg9 : memref<64x128xf32, #tpu.memory_space<vmem>>) dst(%dma_wait3A_128 : memref<10000x128xf32, #tpu.memory_space<vmem_shared>>)
      } else {
      }
    }
    %while3A_38 = arith.constant 1 : i32
    scf.for %while3A_58 = %while3A_36 to %while3A_32 step %while3A_38  : i32 {
      %mul3A = arith.muli %while3A_58, %while3A_29 : i32
      %add3A_59 = arith.addi %arg1, %mul3A : i32
      %add3A_60 = arith.constant 0 : i32
      %add3A_61 = arith.addi %add3A_59, %add3A_60 : i32
      %mul3A_62 = arith.constant 64 : i32
      %mul3A_63 = arith.muli %add3A_61, %mul3A_62 : i32
      %mul3A_64 = arith.constant 2 : i32
      %mul3A_65 = arith.muli %mul3A_64, %arg0 : i32
      %dma_start3A = tpu.memref_slice %arg3[%mul3A_63] : memref<160000xi32, #tpu.memory_space<hbm>> -> memref<64xi32, #tpu.memory_space<hbm>>
      %dma_start3A_66 = tpu.memref_slice %arg3[%mul3A_63] : memref<160000xi32, #tpu.memory_space<hbm>> -> memref<64xi32, #tpu.memory_space<hbm>>
      tpu.enqueue_dma source(%dma_start3A_66 : memref<64xi32, #tpu.memory_space<hbm>>) target(%arg10 : memref<64xi32, #tpu.memory_space<vmem>>) target_semaphore(%arg15 : memref<!tpu.dma_semaphore, #tpu.memory_space<semaphore_mem>>)
      %dma_start3A_67 = tpu.memref_slice %arg4[%mul3A_63] : memref<160000xi32, #tpu.memory_space<hbm>> -> memref<64xi32, #tpu.memory_space<hbm>>
      %dma_start3A_68 = tpu.memref_slice %arg4[%mul3A_63] : memref<160000xi32, #tpu.memory_space<hbm>> -> memref<64xi32, #tpu.memory_space<hbm>>
      tpu.enqueue_dma source(%dma_start3A_68 : memref<64xi32, #tpu.memory_space<hbm>>) target(%arg12 : memref<64xi32, #tpu.memory_space<vmem>>) target_semaphore(%arg15 : memref<!tpu.dma_semaphore, #tpu.memory_space<semaphore_mem>>)
      %dma_start3A_69 = arith.constant 0 : i32
      %dma_start3A_70 = tpu.memref_slice %arg2[%mul3A_63, %mul3A_65, %dma_start3A_69] : memref<160000x4x128xf32, #tpu.memory_space<hbm>> -> memref<64x2x128xf32, #tpu.memory_space<hbm>>
      %dma_start3A_71 = arith.constant 0 : i32
      %dma_start3A_72 = tpu.memref_slice %arg2[%mul3A_63, %mul3A_65, %dma_start3A_71] : memref<160000x4x128xf32, #tpu.memory_space<hbm>> -> memref<64x2x128xf32, #tpu.memory_space<hbm>>
      tpu.enqueue_dma source(%dma_start3A_72 : memref<64x2x128xf32, #tpu.memory_space<hbm>>) target(%arg6 : memref<64x2x128xf32, #tpu.memory_space<vmem>>) target_semaphore(%arg15 : memref<!tpu.dma_semaphore, #tpu.memory_space<semaphore_mem>>)
      %add3A_73 = arith.constant 16 : i32
      %add3A_74 = arith.addi %add3A_59, %add3A_73 : i32
      %mul3A_75 = arith.constant 64 : i32
      %mul3A_76 = arith.muli %add3A_74, %mul3A_75 : i32
      %mul3A_77 = arith.constant 2 : i32
      %mul3A_78 = arith.muli %mul3A_77, %arg0 : i32
      %lt3A = arith.constant 2500 : i32
      %lt3A_79 = arith.cmpi slt, %add3A_74, %lt3A : i32
      %convert_element_type3A_80 = arith.extui %lt3A_79 : i1 to i32
      %cond3A_81 = arith.constant 0 : i32
      %cond3A_82 = arith.cmpi ne, %convert_element_type3A_80, %cond3A_81 : i32
      scf.if %cond3A_82 {
        %dma_start3A_123 = tpu.memref_slice %arg3[%mul3A_76] : memref<160000xi32, #tpu.memory_space<hbm>> -> memref<64xi32, #tpu.memory_space<hbm>>
        %dma_start3A_124 = tpu.memref_slice %arg3[%mul3A_76] : memref<160000xi32, #tpu.memory_space<hbm>> -> memref<64xi32, #tpu.memory_space<hbm>>
        tpu.enqueue_dma source(%dma_start3A_124 : memref<64xi32, #tpu.memory_space<hbm>>) target(%arg11 : memref<64xi32, #tpu.memory_space<vmem>>) target_semaphore(%arg16 : memref<!tpu.dma_semaphore, #tpu.memory_space<semaphore_mem>>)
        %dma_start3A_125 = tpu.memref_slice %arg4[%mul3A_76] : memref<160000xi32, #tpu.memory_space<hbm>> -> memref<64xi32, #tpu.memory_space<hbm>>
        %dma_start3A_126 = tpu.memref_slice %arg4[%mul3A_76] : memref<160000xi32, #tpu.memory_space<hbm>> -> memref<64xi32, #tpu.memory_space<hbm>>
        tpu.enqueue_dma source(%dma_start3A_126 : memref<64xi32, #tpu.memory_space<hbm>>) target(%arg13 : memref<64xi32, #tpu.memory_space<vmem>>) target_semaphore(%arg16 : memref<!tpu.dma_semaphore, #tpu.memory_space<semaphore_mem>>)
        %dma_start3A_127 = arith.constant 0 : i32
        %dma_start3A_128 = tpu.memref_slice %arg2[%mul3A_76, %mul3A_78, %dma_start3A_127] : memref<160000x4x128xf32, #tpu.memory_space<hbm>> -> memref<64x2x128xf32, #tpu.memory_space<hbm>>
        %dma_start3A_129 = arith.constant 0 : i32
        %dma_start3A_130 = tpu.memref_slice %arg2[%mul3A_76, %mul3A_78, %dma_start3A_129] : memref<160000x4x128xf32, #tpu.memory_space<hbm>> -> memref<64x2x128xf32, #tpu.memory_space<hbm>>
        tpu.enqueue_dma source(%dma_start3A_130 : memref<64x2x128xf32, #tpu.memory_space<hbm>>) target(%arg7 : memref<64x2x128xf32, #tpu.memory_space<vmem>>) target_semaphore(%arg16 : memref<!tpu.dma_semaphore, #tpu.memory_space<semaphore_mem>>)
      } else {
      }
      %add3A_83 = arith.constant 0 : i32
      %add3A_84 = arith.addi %add3A_59, %add3A_83 : i32
      %dma_wait3A = tpu.memref_slice %arg3[%mul3A_63] : memref<160000xi32, #tpu.memory_space<hbm>> -> memref<64xi32, #tpu.memory_space<hbm>>
      %dma_wait3A_85 = tpu.memref_slice %arg3[%mul3A_63] : memref<160000xi32, #tpu.memory_space<hbm>> -> memref<64xi32, #tpu.memory_space<hbm>>
      tpu.wait_dma2 semaphore(%arg15 : memref<!tpu.dma_semaphore, #tpu.memory_space<semaphore_mem>>) src(%dma_wait3A_85 : memref<64xi32, #tpu.memory_space<hbm>>) dst(%arg10 : memref<64xi32, #tpu.memory_space<vmem>>)
      %dma_wait3A_86 = tpu.memref_slice %arg4[%mul3A_63] : memref<160000xi32, #tpu.memory_space<hbm>> -> memref<64xi32, #tpu.memory_space<hbm>>
      %dma_wait3A_87 = tpu.memref_slice %arg4[%mul3A_63] : memref<160000xi32, #tpu.memory_space<hbm>> -> memref<64xi32, #tpu.memory_space<hbm>>
      tpu.wait_dma2 semaphore(%arg15 : memref<!tpu.dma_semaphore, #tpu.memory_space<semaphore_mem>>) src(%dma_wait3A_87 : memref<64xi32, #tpu.memory_space<hbm>>) dst(%arg12 : memref<64xi32, #tpu.memory_space<vmem>>)
      %dma_wait3A_88 = arith.constant 0 : i32
      %dma_wait3A_89 = tpu.memref_slice %arg2[%mul3A_63, %mul3A_65, %dma_wait3A_88] : memref<160000x4x128xf32, #tpu.memory_space<hbm>> -> memref<64x2x128xf32, #tpu.memory_space<hbm>>
      %dma_wait3A_90 = arith.constant 0 : i32
      %dma_wait3A_91 = tpu.memref_slice %arg2[%mul3A_63, %mul3A_65, %dma_wait3A_90] : memref<160000x4x128xf32, #tpu.memory_space<hbm>> -> memref<64x2x128xf32, #tpu.memory_space<hbm>>
      tpu.wait_dma2 semaphore(%arg15 : memref<!tpu.dma_semaphore, #tpu.memory_space<semaphore_mem>>) src(%dma_wait3A_91 : memref<64x2x128xf32, #tpu.memory_space<hbm>>) dst(%arg6 : memref<64x2x128xf32, #tpu.memory_space<vmem>>)
      %scan3A_92 = arith.constant 0 : i32
      %scan3A_93 = arith.constant 64 : i32
      %scan3A_94 = arith.addi %scan3A_92, %scan3A_93 : i32
      %scan3A_95 = arith.constant 1 : i32
      scf.for %scan3A_123 = %scan3A_92 to %scan3A_94 step %scan3A_95  : i32 {
        %mul3A_124 = arith.constant 1 : i32
        %mul3A_125 = arith.muli %scan3A_123, %mul3A_124 : i32
        %add3A_126 = arith.constant 0 : i32
        %add3A_127 = arith.addi %add3A_126, %mul3A_125 : i32
        %get3A = arith.constant 0 : i32
        %get3A_128 = arith.index_cast %add3A_127 : i32 to index
        %get3A_129 = arith.index_cast %get3A : i32 to index
        %get3A_130 = arith.constant 0 : index
        %get3A_131 = tpu.vector_load %arg6[%get3A_128, %get3A_129, %get3A_130] {strides = array<i32>} : memref<64x2x128xf32, #tpu.memory_space<vmem>>, vector<1x1x16xf32>,
        %get3A_132 = vector.shape_cast %get3A_131 : vector<1x1x16xf32> to vector<16xf32>
        %get3A_133 = arith.constant 1 : i32
        %get3A_134 = arith.index_cast %add3A_127 : i32 to index
        %get3A_135 = arith.index_cast %get3A_133 : i32 to index
        %get3A_136 = arith.constant 0 : index
        %get3A_137 = tpu.vector_load %arg6[%get3A_134, %get3A_135, %get3A_136] {strides = array<i32>} : memref<64x2x128xf32, #tpu.memory_space<vmem>>, vector<1x1x16xf32>,
        %get3A_138 = vector.shape_cast %get3A_137 : vector<1x1x16xf32> to vector<16xf32>
        %add3A_139 = arith.addf %get3A_132, %get3A_138 : vector<16xf32>
        %swap3A = arith.index_cast %add3A_127 : i32 to index
        %swap3A_140 = arith.constant 0 : index
        %swap3A_141 = tpu.vector_load %arg8[%swap3A, %swap3A_140] {strides = array<i32>} : memref<64x128xf32, #tpu.memory_space<vmem>>, vector<1x16xf32>,
        %swap3A_142 = vector.shape_cast %swap3A_141 : vector<1x16xf32> to vector<16xf32>
        %swap3A_143 = vector.shape_cast %add3A_139 : vector<16xf32> to vector<1x16xf32>
        tpu.vector_store %arg8[%swap3A, %swap3A_140], %swap3A_143 {strides = array<i32>} : memref<64x128xf32, #tpu.memory_space<vmem>>, vector<1x16xf32>,
        %get3A_144 = arith.constant 0 : i32
        %get3A_145 = arith.index_cast %add3A_127 : i32 to index
        %get3A_146 = arith.index_cast %get3A_144 : i32 to index
        %get3A_147 = arith.constant 16 : index
        %get3A_148 = tpu.vector_load %arg6[%get3A_145, %get3A_146, %get3A_147] {strides = array<i32>} : memref<64x2x128xf32, #tpu.memory_space<vmem>>, vector<1x1x16xf32>,
        %get3A_149 = vector.shape_cast %get3A_148 : vector<1x1x16xf32> to vector<16xf32>
        %get3A_150 = arith.constant 1 : i32
        %get3A_151 = arith.index_cast %add3A_127 : i32 to index
        %get3A_152 = arith.index_cast %get3A_150 : i32 to index
        %get3A_153 = arith.constant 16 : index
        %get3A_154 = tpu.vector_load %arg6[%get3A_151, %get3A_152, %get3A_153] {strides = array<i32>} : memref<64x2x128xf32, #tpu.memory_space<vmem>>, vector<1x1x16xf32>,
        %get3A_155 = vector.shape_cast %get3A_154 : vector<1x1x16xf32> to vector<16xf32>
        %add3A_156 = arith.addf %get3A_149, %get3A_155 : vector<16xf32>
        %swap3A_157 = arith.index_cast %add3A_127 : i32 to index
        %swap3A_158 = arith.constant 16 : index
        %swap3A_159 = tpu.vector_load %arg8[%swap3A_157, %swap3A_158] {strides = array<i32>} : memref<64x128xf32, #tpu.memory_space<vmem>>, vector<1x16xf32>,
        %swap3A_160 = vector.shape_cast %swap3A_159 : vector<1x16xf32> to vector<16xf32>
        %swap3A_161 = vector.shape_cast %add3A_156 : vector<16xf32> to vector<1x16xf32>
        tpu.vector_store %arg8[%swap3A_157, %swap3A_158], %swap3A_161 {strides = array<i32>} : memref<64x128xf32, #tpu.memory_space<vmem>>, vector<1x16xf32>,
        %get3A_162 = arith.constant 0 : i32
        %get3A_163 = arith.index_cast %add3A_127 : i32 to index
        %get3A_164 = arith.index_cast %get3A_162 : i32 to index
        %get3A_165 = arith.constant 32 : index
        %get3A_166 = tpu.vector_load %arg6[%get3A_163, %get3A_164, %get3A_165] {strides = array<i32>} : memref<64x2x128xf32, #tpu.memory_space<vmem>>, vector<1x1x16xf32>,
        %get3A_167 = vector.shape_cast %get3A_166 : vector<1x1x16xf32> to vector<16xf32>
        %get3A_168 = arith.constant 1 : i32
        %get3A_169 = arith.index_cast %add3A_127 : i32 to index
        %get3A_170 = arith.index_cast %get3A_168 : i32 to index
        %get3A_171 = arith.constant 32 : index
        %get3A_172 = tpu.vector_load %arg6[%get3A_169, %get3A_170, %get3A_171] {strides = array<i32>} : memref<64x2x128xf32, #tpu.memory_space<vmem>>, vector<1x1x16xf32>,
        %get3A_173 = vector.shape_cast %get3A_172 : vector<1x1x16xf32> to vector<16xf32>
        %add3A_174 = arith.addf %get3A_167, %get3A_173 : vector<16xf32>
        %swap3A_175 = arith.index_cast %add3A_127 : i32 to index
        %swap3A_176 = arith.constant 32 : index
        %swap3A_177 = tpu.vector_load %arg8[%swap3A_175, %swap3A_176] {strides = array<i32>} : memref<64x128xf32, #tpu.memory_space<vmem>>, vector<1x16xf32>,
        %swap3A_178 = vector.shape_cast %swap3A_177 : vector<1x16xf32> to vector<16xf32>
        %swap3A_179 = vector.shape_cast %add3A_174 : vector<16xf32> to vector<1x16xf32>
        tpu.vector_store %arg8[%swap3A_175, %swap3A_176], %swap3A_179 {strides = array<i32>} : memref<64x128xf32, #tpu.memory_space<vmem>>, vector<1x16xf32>,
        %get3A_180 = arith.constant 0 : i32
        %get3A_181 = arith.index_cast %add3A_127 : i32 to index
        %get3A_182 = arith.index_cast %get3A_180 : i32 to index
        %get3A_183 = arith.constant 48 : index
        %get3A_184 = tpu.vector_load %arg6[%get3A_181, %get3A_182, %get3A_183] {strides = array<i32>} : memref<64x2x128xf32, #tpu.memory_space<vmem>>, vector<1x1x16xf32>,
        %get3A_185 = vector.shape_cast %get3A_184 : vector<1x1x16xf32> to vector<16xf32>
        %get3A_186 = arith.constant 1 : i32
        %get3A_187 = arith.index_cast %add3A_127 : i32 to index
        %get3A_188 = arith.index_cast %get3A_186 : i32 to index
        %get3A_189 = arith.constant 48 : index
        %get3A_190 = tpu.vector_load %arg6[%get3A_187, %get3A_188, %get3A_189] {strides = array<i32>} : memref<64x2x128xf32, #tpu.memory_space<vmem>>, vector<1x1x16xf32>,
        %get3A_191 = vector.shape_cast %get3A_190 : vector<1x1x16xf32> to vector<16xf32>
        %add3A_192 = arith.addf %get3A_185, %get3A_191 : vector<16xf32>
        %swap3A_193 = arith.index_cast %add3A_127 : i32 to index
        %swap3A_194 = arith.constant 48 : index
        %swap3A_195 = tpu.vector_load %arg8[%swap3A_193, %swap3A_194] {strides = array<i32>} : memref<64x128xf32, #tpu.memory_space<vmem>>, vector<1x16xf32>,
        %swap3A_196 = vector.shape_cast %swap3A_195 : vector<1x16xf32> to vector<16xf32>
        %swap3A_197 = vector.shape_cast %add3A_192 : vector<16xf32> to vector<1x16xf32>
        tpu.vector_store %arg8[%swap3A_193, %swap3A_194], %swap3A_197 {strides = array<i32>} : memref<64x128xf32, #tpu.memory_space<vmem>>, vector<1x16xf32>,
        %get3A_198 = arith.constant 0 : i32
        %get3A_199 = arith.index_cast %add3A_127 : i32 to index
        %get3A_200 = arith.index_cast %get3A_198 : i32 to index
        %get3A_201 = arith.constant 64 : index
        %get3A_202 = tpu.vector_load %arg6[%get3A_199, %get3A_200, %get3A_201] {strides = array<i32>} : memref<64x2x128xf32, #tpu.memory_space<vmem>>, vector<1x1x16xf32>,
        %get3A_203 = vector.shape_cast %get3A_202 : vector<1x1x16xf32> to vector<16xf32>
        %get3A_204 = arith.constant 1 : i32
        %get3A_205 = arith.index_cast %add3A_127 : i32 to index
        %get3A_206 = arith.index_cast %get3A_204 : i32 to index
        %get3A_207 = arith.constant 64 : index
        %get3A_208 = tpu.vector_load %arg6[%get3A_205, %get3A_206, %get3A_207] {strides = array<i32>} : memref<64x2x128xf32, #tpu.memory_space<vmem>>, vector<1x1x16xf32>,
        %get3A_209 = vector.shape_cast %get3A_208 : vector<1x1x16xf32> to vector<16xf32>
        %add3A_210 = arith.addf %get3A_203, %get3A_209 : vector<16xf32>
        %swap3A_211 = arith.index_cast %add3A_127 : i32 to index
        %swap3A_212 = arith.constant 64 : index
        %swap3A_213 = tpu.vector_load %arg8[%swap3A_211, %swap3A_212] {strides = array<i32>} : memref<64x128xf32, #tpu.memory_space<vmem>>, vector<1x16xf32>,
        %swap3A_214 = vector.shape_cast %swap3A_213 : vector<1x16xf32> to vector<16xf32>
        %swap3A_215 = vector.shape_cast %add3A_210 : vector<16xf32> to vector<1x16xf32>
        tpu.vector_store %arg8[%swap3A_211, %swap3A_212], %swap3A_215 {strides = array<i32>} : memref<64x128xf32, #tpu.memory_space<vmem>>, vector<1x16xf32>,
        %get3A_216 = arith.constant 0 : i32
        %get3A_217 = arith.index_cast %add3A_127 : i32 to index
        %get3A_218 = arith.index_cast %get3A_216 : i32 to index
        %get3A_219 = arith.constant 80 : index
        %get3A_220 = tpu.vector_load %arg6[%get3A_217, %get3A_218, %get3A_219] {strides = array<i32>} : memref<64x2x128xf32, #tpu.memory_space<vmem>>, vector<1x1x16xf32>,
        %get3A_221 = vector.shape_cast %get3A_220 : vector<1x1x16xf32> to vector<16xf32>
        %get3A_222 = arith.constant 1 : i32
        %get3A_223 = arith.index_cast %add3A_127 : i32 to index
        %get3A_224 = arith.index_cast %get3A_222 : i32 to index
        %get3A_225 = arith.constant 80 : index
        %get3A_226 = tpu.vector_load %arg6[%get3A_223, %get3A_224, %get3A_225] {strides = array<i32>} : memref<64x2x128xf32, #tpu.memory_space<vmem>>, vector<1x1x16xf32>,
        %get3A_227 = vector.shape_cast %get3A_226 : vector<1x1x16xf32> to vector<16xf32>
        %add3A_228 = arith.addf %get3A_221, %get3A_227 : vector<16xf32>
        %swap3A_229 = arith.index_cast %add3A_127 : i32 to index
        %swap3A_230 = arith.constant 80 : index
        %swap3A_231 = tpu.vector_load %arg8[%swap3A_229, %swap3A_230] {strides = array<i32>} : memref<64x128xf32, #tpu.memory_space<vmem>>, vector<1x16xf32>,
        %swap3A_232 = vector.shape_cast %swap3A_231 : vector<1x16xf32> to vector<16xf32>
        %swap3A_233 = vector.shape_cast %add3A_228 : vector<16xf32> to vector<1x16xf32>
        tpu.vector_store %arg8[%swap3A_229, %swap3A_230], %swap3A_233 {strides = array<i32>} : memref<64x128xf32, #tpu.memory_space<vmem>>, vector<1x16xf32>,
        %get3A_234 = arith.constant 0 : i32
        %get3A_235 = arith.index_cast %add3A_127 : i32 to index
        %get3A_236 = arith.index_cast %get3A_234 : i32 to index
        %get3A_237 = arith.constant 96 : index
        %get3A_238 = tpu.vector_load %arg6[%get3A_235, %get3A_236, %get3A_237] {strides = array<i32>} : memref<64x2x128xf32, #tpu.memory_space<vmem>>, vector<1x1x16xf32>,
        %get3A_239 = vector.shape_cast %get3A_238 : vector<1x1x16xf32> to vector<16xf32>
        %get3A_240 = arith.constant 1 : i32
        %get3A_241 = arith.index_cast %add3A_127 : i32 to index
        %get3A_242 = arith.index_cast %get3A_240 : i32 to index
        %get3A_243 = arith.constant 96 : index
        %get3A_244 = tpu.vector_load %arg6[%get3A_241, %get3A_242, %get3A_243] {strides = array<i32>} : memref<64x2x128xf32, #tpu.memory_space<vmem>>, vector<1x1x16xf32>,
        %get3A_245 = vector.shape_cast %get3A_244 : vector<1x1x16xf32> to vector<16xf32>
        %add3A_246 = arith.addf %get3A_239, %get3A_245 : vector<16xf32>
        %swap3A_247 = arith.index_cast %add3A_127 : i32 to index
        %swap3A_248 = arith.constant 96 : index
        %swap3A_249 = tpu.vector_load %arg8[%swap3A_247, %swap3A_248] {strides = array<i32>} : memref<64x128xf32, #tpu.memory_space<vmem>>, vector<1x16xf32>,
        %swap3A_250 = vector.shape_cast %swap3A_249 : vector<1x16xf32> to vector<16xf32>
        %swap3A_251 = vector.shape_cast %add3A_246 : vector<16xf32> to vector<1x16xf32>
        tpu.vector_store %arg8[%swap3A_247, %swap3A_248], %swap3A_251 {strides = array<i32>} : memref<64x128xf32, #tpu.memory_space<vmem>>, vector<1x16xf32>,
        %get3A_252 = arith.constant 0 : i32
        %get3A_253 = arith.index_cast %add3A_127 : i32 to index
        %get3A_254 = arith.index_cast %get3A_252 : i32 to index
        %get3A_255 = arith.constant 112 : index
        %get3A_256 = tpu.vector_load %arg6[%get3A_253, %get3A_254, %get3A_255] {strides = array<i32>} : memref<64x2x128xf32, #tpu.memory_space<vmem>>, vector<1x1x16xf32>,
        %get3A_257 = vector.shape_cast %get3A_256 : vector<1x1x16xf32> to vector<16xf32>
        %get3A_258 = arith.constant 1 : i32
        %get3A_259 = arith.index_cast %add3A_127 : i32 to index
        %get3A_260 = arith.index_cast %get3A_258 : i32 to index
        %get3A_261 = arith.constant 112 : index
        %get3A_262 = tpu.vector_load %arg6[%get3A_259, %get3A_260, %get3A_261] {strides = array<i32>} : memref<64x2x128xf32, #tpu.memory_space<vmem>>, vector<1x1x16xf32>,
        %get3A_263 = vector.shape_cast %get3A_262 : vector<1x1x16xf32> to vector<16xf32>
        %add3A_264 = arith.addf %get3A_257, %get3A_263 : vector<16xf32>
        %swap3A_265 = arith.index_cast %add3A_127 : i32 to index
        %swap3A_266 = arith.constant 112 : index
        %swap3A_267 = tpu.vector_load %arg8[%swap3A_265, %swap3A_266] {strides = array<i32>} : memref<64x128xf32, #tpu.memory_space<vmem>>, vector<1x16xf32>,
        %swap3A_268 = vector.shape_cast %swap3A_267 : vector<1x16xf32> to vector<16xf32>
        %swap3A_269 = vector.shape_cast %add3A_264 : vector<16xf32> to vector<1x16xf32>
        tpu.vector_store %arg8[%swap3A_265, %swap3A_266], %swap3A_269 {strides = array<i32>} : memref<64x128xf32, #tpu.memory_space<vmem>>, vector<1x16xf32>,
      }
      %scan3A_96 = arith.constant 64 : i32
      %dma_start3A_97 = arith.constant 0 : i32
      %dma_start3A_98 = arith.constant 0 : i32
      %dma_start3A_99 = tpu.memref_slice %arg14[%dma_start3A_97, %dma_start3A_98] : memref<10000x128xf32, #tpu.memory_space<vmem_shared>> -> memref<10000x128xf32, #tpu.memory_space<vmem_shared>>
      tpu.enqueue_indirect_dma source(%arg8 : memref<64x128xf32, #tpu.memory_space<vmem>>) target(%dma_start3A_99 : memref<10000x128xf32, #tpu.memory_space<vmem_shared>>) offsets(%arg10 : memref<64xi32, #tpu.memory_space<vmem>>) semaphore(%arg15 : memref<!tpu.dma_semaphore, #tpu.memory_space<semaphore_mem>>) {add = true}
      %dma_start3A_100 = arith.constant 0 : i32
      %dma_start3A_101 = arith.constant 0 : i32
      %dma_start3A_102 = tpu.memref_slice %arg14[%dma_start3A_100, %dma_start3A_101] : memref<10000x128xf32, #tpu.memory_space<vmem_shared>> -> memref<10000x128xf32, #tpu.memory_space<vmem_shared>>
      tpu.enqueue_indirect_dma source(%arg8 : memref<64x128xf32, #tpu.memory_space<vmem>>) target(%dma_start3A_102 : memref<10000x128xf32, #tpu.memory_space<vmem_shared>>) offsets(%arg12 : memref<64xi32, #tpu.memory_space<vmem>>) semaphore(%arg15 : memref<!tpu.dma_semaphore, #tpu.memory_space<semaphore_mem>>) {add = true}
      %add3A_103 = arith.constant 16 : i32
      %add3A_104 = arith.addi %add3A_59, %add3A_103 : i32
      %lt3A_105 = arith.constant 2500 : i32
      %lt3A_106 = arith.cmpi slt, %add3A_104, %lt3A_105 : i32
      %convert_element_type3A_107 = arith.extui %lt3A_106 : i1 to i32
      %cond3A_108 = arith.constant 0 : i32
      %cond3A_109 = arith.cmpi ne, %convert_element_type3A_107, %cond3A_108 : i32
      scf.if %cond3A_109 {
        %dma_wait3A_123 = tpu.memref_slice %arg3[%mul3A_76] : memref<160000xi32, #tpu.memory_space<hbm>> -> memref<64xi32, #tpu.memory_space<hbm>>
        %dma_wait3A_124 = tpu.memref_slice %arg3[%mul3A_76] : memref<160000xi32, #tpu.memory_space<hbm>> -> memref<64xi32, #tpu.memory_space<hbm>>
        tpu.wait_dma2 semaphore(%arg16 : memref<!tpu.dma_semaphore, #tpu.memory_space<semaphore_mem>>) src(%dma_wait3A_124 : memref<64xi32, #tpu.memory_space<hbm>>) dst(%arg11 : memref<64xi32, #tpu.memory_space<vmem>>)
        %dma_wait3A_125 = tpu.memref_slice %arg4[%mul3A_76] : memref<160000xi32, #tpu.memory_space<hbm>> -> memref<64xi32, #tpu.memory_space<hbm>>
        %dma_wait3A_126 = tpu.memref_slice %arg4[%mul3A_76] : memref<160000xi32, #tpu.memory_space<hbm>> -> memref<64xi32, #tpu.memory_space<hbm>>
        tpu.wait_dma2 semaphore(%arg16 : memref<!tpu.dma_semaphore, #tpu.memory_space<semaphore_mem>>) src(%dma_wait3A_126 : memref<64xi32, #tpu.memory_space<hbm>>) dst(%arg13 : memref<64xi32, #tpu.memory_space<vmem>>)
        %dma_wait3A_127 = arith.constant 0 : i32
        %dma_wait3A_128 = tpu.memref_slice %arg2[%mul3A_76, %mul3A_78, %dma_wait3A_127] : memref<160000x4x128xf32, #tpu.memory_space<hbm>> -> memref<64x2x128xf32, #tpu.memory_space<hbm>>
        %dma_wait3A_129 = arith.constant 0 : i32
        %dma_wait3A_130 = tpu.memref_slice %arg2[%mul3A_76, %mul3A_78, %dma_wait3A_129] : memref<160000x4x128xf32, #tpu.memory_space<hbm>> -> memref<64x2x128xf32, #tpu.memory_space<hbm>>
        tpu.wait_dma2 semaphore(%arg16 : memref<!tpu.dma_semaphore, #tpu.memory_space<semaphore_mem>>) src(%dma_wait3A_130 : memref<64x2x128xf32, #tpu.memory_space<hbm>>) dst(%arg7 : memref<64x2x128xf32, #tpu.memory_space<vmem>>)
        %scan3A_131 = arith.constant 0 : i32
        %scan3A_132 = arith.constant 64 : i32
        %scan3A_133 = arith.addi %scan3A_131, %scan3A_132 : i32
        %scan3A_134 = arith.constant 1 : i32
        scf.for %scan3A_142 = %scan3A_131 to %scan3A_133 step %scan3A_134  : i32 {
          %mul3A_143 = arith.constant 1 : i32
          %mul3A_144 = arith.muli %scan3A_142, %mul3A_143 : i32
          %add3A_145 = arith.constant 0 : i32
          %add3A_146 = arith.addi %add3A_145, %mul3A_144 : i32
          %get3A = arith.constant 0 : i32
          %get3A_147 = arith.index_cast %add3A_146 : i32 to index
          %get3A_148 = arith.index_cast %get3A : i32 to index
          %get3A_149 = arith.constant 0 : index
          %get3A_150 = tpu.vector_load %arg7[%get3A_147, %get3A_148, %get3A_149] {strides = array<i32>} : memref<64x2x128xf32, #tpu.memory_space<vmem>>, vector<1x1x16xf32>,
          %get3A_151 = vector.shape_cast %get3A_150 : vector<1x1x16xf32> to vector<16xf32>
          %get3A_152 = arith.constant 1 : i32
          %get3A_153 = arith.index_cast %add3A_146 : i32 to index
          %get3A_154 = arith.index_cast %get3A_152 : i32 to index
          %get3A_155 = arith.constant 0 : index
          %get3A_156 = tpu.vector_load %arg7[%get3A_153, %get3A_154, %get3A_155] {strides = array<i32>} : memref<64x2x128xf32, #tpu.memory_space<vmem>>, vector<1x1x16xf32>,
          %get3A_157 = vector.shape_cast %get3A_156 : vector<1x1x16xf32> to vector<16xf32>
          %add3A_158 = arith.addf %get3A_151, %get3A_157 : vector<16xf32>
          %swap3A = arith.index_cast %add3A_146 : i32 to index
          %swap3A_159 = arith.constant 0 : index
          %swap3A_160 = tpu.vector_load %arg9[%swap3A, %swap3A_159] {strides = array<i32>} : memref<64x128xf32, #tpu.memory_space<vmem>>, vector<1x16xf32>,
          %swap3A_161 = vector.shape_cast %swap3A_160 : vector<1x16xf32> to vector<16xf32>
          %swap3A_162 = vector.shape_cast %add3A_158 : vector<16xf32> to vector<1x16xf32>
          tpu.vector_store %arg9[%swap3A, %swap3A_159], %swap3A_162 {strides = array<i32>} : memref<64x128xf32, #tpu.memory_space<vmem>>, vector<1x16xf32>,
          %get3A_163 = arith.constant 0 : i32
          %get3A_164 = arith.index_cast %add3A_146 : i32 to index
          %get3A_165 = arith.index_cast %get3A_163 : i32 to index
          %get3A_166 = arith.constant 16 : index
          %get3A_167 = tpu.vector_load %arg7[%get3A_164, %get3A_165, %get3A_166] {strides = array<i32>} : memref<64x2x128xf32, #tpu.memory_space<vmem>>, vector<1x1x16xf32>,
          %get3A_168 = vector.shape_cast %get3A_167 : vector<1x1x16xf32> to vector<16xf32>
          %get3A_169 = arith.constant 1 : i32
          %get3A_170 = arith.index_cast %add3A_146 : i32 to index
          %get3A_171 = arith.index_cast %get3A_169 : i32 to index
          %get3A_172 = arith.constant 16 : index
          %get3A_173 = tpu.vector_load %arg7[%get3A_170, %get3A_171, %get3A_172] {strides = array<i32>} : memref<64x2x128xf32, #tpu.memory_space<vmem>>, vector<1x1x16xf32>,
          %get3A_174 = vector.shape_cast %get3A_173 : vector<1x1x16xf32> to vector<16xf32>
          %add3A_175 = arith.addf %get3A_168, %get3A_174 : vector<16xf32>
          %swap3A_176 = arith.index_cast %add3A_146 : i32 to index
          %swap3A_177 = arith.constant 16 : index
          %swap3A_178 = tpu.vector_load %arg9[%swap3A_176, %swap3A_177] {strides = array<i32>} : memref<64x128xf32, #tpu.memory_space<vmem>>, vector<1x16xf32>,
          %swap3A_179 = vector.shape_cast %swap3A_178 : vector<1x16xf32> to vector<16xf32>
          %swap3A_180 = vector.shape_cast %add3A_175 : vector<16xf32> to vector<1x16xf32>
          tpu.vector_store %arg9[%swap3A_176, %swap3A_177], %swap3A_180 {strides = array<i32>} : memref<64x128xf32, #tpu.memory_space<vmem>>, vector<1x16xf32>,
          %get3A_181 = arith.constant 0 : i32
          %get3A_182 = arith.index_cast %add3A_146 : i32 to index
          %get3A_183 = arith.index_cast %get3A_181 : i32 to index
          %get3A_184 = arith.constant 32 : index
          %get3A_185 = tpu.vector_load %arg7[%get3A_182, %get3A_183, %get3A_184] {strides = array<i32>} : memref<64x2x128xf32, #tpu.memory_space<vmem>>, vector<1x1x16xf32>,
          %get3A_186 = vector.shape_cast %get3A_185 : vector<1x1x16xf32> to vector<16xf32>
          %get3A_187 = arith.constant 1 : i32
          %get3A_188 = arith.index_cast %add3A_146 : i32 to index
          %get3A_189 = arith.index_cast %get3A_187 : i32 to index
          %get3A_190 = arith.constant 32 : index
          %get3A_191 = tpu.vector_load %arg7[%get3A_188, %get3A_189, %get3A_190] {strides = array<i32>} : memref<64x2x128xf32, #tpu.memory_space<vmem>>, vector<1x1x16xf32>,
          %get3A_192 = vector.shape_cast %get3A_191 : vector<1x1x16xf32> to vector<16xf32>
          %add3A_193 = arith.addf %get3A_186, %get3A_192 : vector<16xf32>
          %swap3A_194 = arith.index_cast %add3A_146 : i32 to index
          %swap3A_195 = arith.constant 32 : index
          %swap3A_196 = tpu.vector_load %arg9[%swap3A_194, %swap3A_195] {strides = array<i32>} : memref<64x128xf32, #tpu.memory_space<vmem>>, vector<1x16xf32>,
          %swap3A_197 = vector.shape_cast %swap3A_196 : vector<1x16xf32> to vector<16xf32>
          %swap3A_198 = vector.shape_cast %add3A_193 : vector<16xf32> to vector<1x16xf32>
          tpu.vector_store %arg9[%swap3A_194, %swap3A_195], %swap3A_198 {strides = array<i32>} : memref<64x128xf32, #tpu.memory_space<vmem>>, vector<1x16xf32>,
          %get3A_199 = arith.constant 0 : i32
          %get3A_200 = arith.index_cast %add3A_146 : i32 to index
          %get3A_201 = arith.index_cast %get3A_199 : i32 to index
          %get3A_202 = arith.constant 48 : index
          %get3A_203 = tpu.vector_load %arg7[%get3A_200, %get3A_201, %get3A_202] {strides = array<i32>} : memref<64x2x128xf32, #tpu.memory_space<vmem>>, vector<1x1x16xf32>,
          %get3A_204 = vector.shape_cast %get3A_203 : vector<1x1x16xf32> to vector<16xf32>
          %get3A_205 = arith.constant 1 : i32
          %get3A_206 = arith.index_cast %add3A_146 : i32 to index
          %get3A_207 = arith.index_cast %get3A_205 : i32 to index
          %get3A_208 = arith.constant 48 : index
          %get3A_209 = tpu.vector_load %arg7[%get3A_206, %get3A_207, %get3A_208] {strides = array<i32>} : memref<64x2x128xf32, #tpu.memory_space<vmem>>, vector<1x1x16xf32>,
          %get3A_210 = vector.shape_cast %get3A_209 : vector<1x1x16xf32> to vector<16xf32>
          %add3A_211 = arith.addf %get3A_204, %get3A_210 : vector<16xf32>
          %swap3A_212 = arith.index_cast %add3A_146 : i32 to index
          %swap3A_213 = arith.constant 48 : index
          %swap3A_214 = tpu.vector_load %arg9[%swap3A_212, %swap3A_213] {strides = array<i32>} : memref<64x128xf32, #tpu.memory_space<vmem>>, vector<1x16xf32>,
          %swap3A_215 = vector.shape_cast %swap3A_214 : vector<1x16xf32> to vector<16xf32>
          %swap3A_216 = vector.shape_cast %add3A_211 : vector<16xf32> to vector<1x16xf32>
          tpu.vector_store %arg9[%swap3A_212, %swap3A_213], %swap3A_216 {strides = array<i32>} : memref<64x128xf32, #tpu.memory_space<vmem>>, vector<1x16xf32>,
          %get3A_217 = arith.constant 0 : i32
          %get3A_218 = arith.index_cast %add3A_146 : i32 to index
          %get3A_219 = arith.index_cast %get3A_217 : i32 to index
          %get3A_220 = arith.constant 64 : index
          %get3A_221 = tpu.vector_load %arg7[%get3A_218, %get3A_219, %get3A_220] {strides = array<i32>} : memref<64x2x128xf32, #tpu.memory_space<vmem>>, vector<1x1x16xf32>,
          %get3A_222 = vector.shape_cast %get3A_221 : vector<1x1x16xf32> to vector<16xf32>
          %get3A_223 = arith.constant 1 : i32
          %get3A_224 = arith.index_cast %add3A_146 : i32 to index
          %get3A_225 = arith.index_cast %get3A_223 : i32 to index
          %get3A_226 = arith.constant 64 : index
          %get3A_227 = tpu.vector_load %arg7[%get3A_224, %get3A_225, %get3A_226] {strides = array<i32>} : memref<64x2x128xf32, #tpu.memory_space<vmem>>, vector<1x1x16xf32>,
          %get3A_228 = vector.shape_cast %get3A_227 : vector<1x1x16xf32> to vector<16xf32>
          %add3A_229 = arith.addf %get3A_222, %get3A_228 : vector<16xf32>
          %swap3A_230 = arith.index_cast %add3A_146 : i32 to index
          %swap3A_231 = arith.constant 64 : index
          %swap3A_232 = tpu.vector_load %arg9[%swap3A_230, %swap3A_231] {strides = array<i32>} : memref<64x128xf32, #tpu.memory_space<vmem>>, vector<1x16xf32>,
          %swap3A_233 = vector.shape_cast %swap3A_232 : vector<1x16xf32> to vector<16xf32>
          %swap3A_234 = vector.shape_cast %add3A_229 : vector<16xf32> to vector<1x16xf32>
          tpu.vector_store %arg9[%swap3A_230, %swap3A_231], %swap3A_234 {strides = array<i32>} : memref<64x128xf32, #tpu.memory_space<vmem>>, vector<1x16xf32>,
          %get3A_235 = arith.constant 0 : i32
          %get3A_236 = arith.index_cast %add3A_146 : i32 to index
          %get3A_237 = arith.index_cast %get3A_235 : i32 to index
          %get3A_238 = arith.constant 80 : index
          %get3A_239 = tpu.vector_load %arg7[%get3A_236, %get3A_237, %get3A_238] {strides = array<i32>} : memref<64x2x128xf32, #tpu.memory_space<vmem>>, vector<1x1x16xf32>,
          %get3A_240 = vector.shape_cast %get3A_239 : vector<1x1x16xf32> to vector<16xf32>
          %get3A_241 = arith.constant 1 : i32
          %get3A_242 = arith.index_cast %add3A_146 : i32 to index
          %get3A_243 = arith.index_cast %get3A_241 : i32 to index
          %get3A_244 = arith.constant 80 : index
          %get3A_245 = tpu.vector_load %arg7[%get3A_242, %get3A_243, %get3A_244] {strides = array<i32>} : memref<64x2x128xf32, #tpu.memory_space<vmem>>, vector<1x1x16xf32>,
          %get3A_246 = vector.shape_cast %get3A_245 : vector<1x1x16xf32> to vector<16xf32>
          %add3A_247 = arith.addf %get3A_240, %get3A_246 : vector<16xf32>
          %swap3A_248 = arith.index_cast %add3A_146 : i32 to index
          %swap3A_249 = arith.constant 80 : index
          %swap3A_250 = tpu.vector_load %arg9[%swap3A_248, %swap3A_249] {strides = array<i32>} : memref<64x128xf32, #tpu.memory_space<vmem>>, vector<1x16xf32>,
          %swap3A_251 = vector.shape_cast %swap3A_250 : vector<1x16xf32> to vector<16xf32>
          %swap3A_252 = vector.shape_cast %add3A_247 : vector<16xf32> to vector<1x16xf32>
          tpu.vector_store %arg9[%swap3A_248, %swap3A_249], %swap3A_252 {strides = array<i32>} : memref<64x128xf32, #tpu.memory_space<vmem>>, vector<1x16xf32>,
          %get3A_253 = arith.constant 0 : i32
          %get3A_254 = arith.index_cast %add3A_146 : i32 to index
          %get3A_255 = arith.index_cast %get3A_253 : i32 to index
          %get3A_256 = arith.constant 96 : index
          %get3A_257 = tpu.vector_load %arg7[%get3A_254, %get3A_255, %get3A_256] {strides = array<i32>} : memref<64x2x128xf32, #tpu.memory_space<vmem>>, vector<1x1x16xf32>,
          %get3A_258 = vector.shape_cast %get3A_257 : vector<1x1x16xf32> to vector<16xf32>
          %get3A_259 = arith.constant 1 : i32
          %get3A_260 = arith.index_cast %add3A_146 : i32 to index
          %get3A_261 = arith.index_cast %get3A_259 : i32 to index
          %get3A_262 = arith.constant 96 : index
          %get3A_263 = tpu.vector_load %arg7[%get3A_260, %get3A_261, %get3A_262] {strides = array<i32>} : memref<64x2x128xf32, #tpu.memory_space<vmem>>, vector<1x1x16xf32>,
          %get3A_264 = vector.shape_cast %get3A_263 : vector<1x1x16xf32> to vector<16xf32>
          %add3A_265 = arith.addf %get3A_258, %get3A_264 : vector<16xf32>
          %swap3A_266 = arith.index_cast %add3A_146 : i32 to index
          %swap3A_267 = arith.constant 96 : index
          %swap3A_268 = tpu.vector_load %arg9[%swap3A_266, %swap3A_267] {strides = array<i32>} : memref<64x128xf32, #tpu.memory_space<vmem>>, vector<1x16xf32>,
          %swap3A_269 = vector.shape_cast %swap3A_268 : vector<1x16xf32> to vector<16xf32>
          %swap3A_270 = vector.shape_cast %add3A_265 : vector<16xf32> to vector<1x16xf32>
          tpu.vector_store %arg9[%swap3A_266, %swap3A_267], %swap3A_270 {strides = array<i32>} : memref<64x128xf32, #tpu.memory_space<vmem>>, vector<1x16xf32>,
          %get3A_271 = arith.constant 0 : i32
          %get3A_272 = arith.index_cast %add3A_146 : i32 to index
          %get3A_273 = arith.index_cast %get3A_271 : i32 to index
          %get3A_274 = arith.constant 112 : index
          %get3A_275 = tpu.vector_load %arg7[%get3A_272, %get3A_273, %get3A_274] {strides = array<i32>} : memref<64x2x128xf32, #tpu.memory_space<vmem>>, vector<1x1x16xf32>,
          %get3A_276 = vector.shape_cast %get3A_275 : vector<1x1x16xf32> to vector<16xf32>
          %get3A_277 = arith.constant 1 : i32
          %get3A_278 = arith.index_cast %add3A_146 : i32 to index
          %get3A_279 = arith.index_cast %get3A_277 : i32 to index
          %get3A_280 = arith.constant 112 : index
          %get3A_281 = tpu.vector_load %arg7[%get3A_278, %get3A_279, %get3A_280] {strides = array<i32>} : memref<64x2x128xf32, #tpu.memory_space<vmem>>, vector<1x1x16xf32>,
          %get3A_282 = vector.shape_cast %get3A_281 : vector<1x1x16xf32> to vector<16xf32>
          %add3A_283 = arith.addf %get3A_276, %get3A_282 : vector<16xf32>
          %swap3A_284 = arith.index_cast %add3A_146 : i32 to index
          %swap3A_285 = arith.constant 112 : index
          %swap3A_286 = tpu.vector_load %arg9[%swap3A_284, %swap3A_285] {strides = array<i32>} : memref<64x128xf32, #tpu.memory_space<vmem>>, vector<1x16xf32>,
          %swap3A_287 = vector.shape_cast %swap3A_286 : vector<1x16xf32> to vector<16xf32>
          %swap3A_288 = vector.shape_cast %add3A_283 : vector<16xf32> to vector<1x16xf32>
          tpu.vector_store %arg9[%swap3A_284, %swap3A_285], %swap3A_288 {strides = array<i32>} : memref<64x128xf32, #tpu.memory_space<vmem>>, vector<1x16xf32>,
        }
        %scan3A_135 = arith.constant 64 : i32
        %dma_start3A_136 = arith.constant 0 : i32
        %dma_start3A_137 = arith.constant 0 : i32
        %dma_start3A_138 = tpu.memref_slice %arg14[%dma_start3A_136, %dma_start3A_137] : memref<10000x128xf32, #tpu.memory_space<vmem_shared>> -> memref<10000x128xf32, #tpu.memory_space<vmem_shared>>
        tpu.enqueue_indirect_dma source(%arg9 : memref<64x128xf32, #tpu.memory_space<vmem>>) target(%dma_start3A_138 : memref<10000x128xf32, #tpu.memory_space<vmem_shared>>) offsets(%arg11 : memref<64xi32, #tpu.memory_space<vmem>>) semaphore(%arg16 : memref<!tpu.dma_semaphore, #tpu.memory_space<semaphore_mem>>) {add = true}
        %dma_start3A_139 = arith.constant 0 : i32
        %dma_start3A_140 = arith.constant 0 : i32
        %dma_start3A_141 = tpu.memref_slice %arg14[%dma_start3A_139, %dma_start3A_140] : memref<10000x128xf32, #tpu.memory_space<vmem_shared>> -> memref<10000x128xf32, #tpu.memory_space<vmem_shared>>
        tpu.enqueue_indirect_dma source(%arg9 : memref<64x128xf32, #tpu.memory_space<vmem>>) target(%dma_start3A_141 : memref<10000x128xf32, #tpu.memory_space<vmem_shared>>) offsets(%arg13 : memref<64xi32, #tpu.memory_space<vmem>>) semaphore(%arg16 : memref<!tpu.dma_semaphore, #tpu.memory_space<semaphore_mem>>) {add = true}
      } else {
      }
      %dma_wait3A_110 = arith.constant 0 : i32
      %dma_wait3A_111 = arith.constant 0 : i32
      %dma_wait3A_112 = tpu.memref_slice %arg14[%dma_wait3A_110, %dma_wait3A_111] : memref<10000x128xf32, #tpu.memory_space<vmem_shared>> -> memref<10000x128xf32, #tpu.memory_space<vmem_shared>>
      tpu.wait_indirect_dma semaphore(%arg15 : memref<!tpu.dma_semaphore, #tpu.memory_space<semaphore_mem>>) src(%arg8 : memref<64x128xf32, #tpu.memory_space<vmem>>) dst(%dma_wait3A_112 : memref<10000x128xf32, #tpu.memory_space<vmem_shared>>)
      %dma_wait3A_113 = arith.constant 0 : i32
      %dma_wait3A_114 = arith.constant 0 : i32
      %dma_wait3A_115 = tpu.memref_slice %arg14[%dma_wait3A_113, %dma_wait3A_114] : memref<10000x128xf32, #tpu.memory_space<vmem_shared>> -> memref<10000x128xf32, #tpu.memory_space<vmem_shared>>
      tpu.wait_indirect_dma semaphore(%arg15 : memref<!tpu.dma_semaphore, #tpu.memory_space<semaphore_mem>>) src(%arg8 : memref<64x128xf32, #tpu.memory_space<vmem>>) dst(%dma_wait3A_115 : memref<10000x128xf32, #tpu.memory_space<vmem_shared>>)
      %add3A_116 = arith.constant 16 : i32
      %add3A_117 = arith.addi %add3A_59, %add3A_116 : i32
      %lt3A_118 = arith.constant 2500 : i32
      %lt3A_119 = arith.cmpi slt, %add3A_117, %lt3A_118 : i32
      %convert_element_type3A_120 = arith.extui %lt3A_119 : i1 to i32
      %cond3A_121 = arith.constant 0 : i32
      %cond3A_122 = arith.cmpi ne, %convert_element_type3A_120, %cond3A_121 : i32
      scf.if %cond3A_122 {
        %dma_wait3A_123 = arith.constant 0 : i32
        %dma_wait3A_124 = arith.constant 0 : i32
        %dma_wait3A_125 = tpu.memref_slice %arg14[%dma_wait3A_123, %dma_wait3A_124] : memref<10000x128xf32, #tpu.memory_space<vmem_shared>> -> memref<10000x128xf32, #tpu.memory_space<vmem_shared>>
        tpu.wait_indirect_dma semaphore(%arg16 : memref<!tpu.dma_semaphore, #tpu.memory_space<semaphore_mem>>) src(%arg9 : memref<64x128xf32, #tpu.memory_space<vmem>>) dst(%dma_wait3A_125 : memref<10000x128xf32, #tpu.memory_space<vmem_shared>>)
        %dma_wait3A_126 = arith.constant 0 : i32
        %dma_wait3A_127 = arith.constant 0 : i32
        %dma_wait3A_128 = tpu.memref_slice %arg14[%dma_wait3A_126, %dma_wait3A_127] : memref<10000x128xf32, #tpu.memory_space<vmem_shared>> -> memref<10000x128xf32, #tpu.memory_space<vmem_shared>>
        tpu.wait_indirect_dma semaphore(%arg16 : memref<!tpu.dma_semaphore, #tpu.memory_space<semaphore_mem>>) src(%arg9 : memref<64x128xf32, #tpu.memory_space<vmem>>) dst(%dma_wait3A_128 : memref<10000x128xf32, #tpu.memory_space<vmem_shared>>)
      } else {
      }
    }
    %barrier3A_39 = arith.constant 0 : index
    tpu.barrier barrier_id(%barrier3A_39)
    %sub3A_40 = arith.constant 50 : i32
    %sub3A_41 = arith.subi %sub3A_40, %arg1 : i32
    %sub3A_42 = arith.constant 16 : i32
    %sub3A_43 = arith.constant 1 : i32
    %sub3A_44 = arith.subi %sub3A_42, %sub3A_43 : i32
    %add3A_45 = arith.addi %sub3A_41, %sub3A_44 : i32
    %div3A_46 = arith.constant 16 : i32
    %div3A_47 = arith.divsi %add3A_45, %div3A_46 : i32
    %while3A_48 = arith.constant 16 : i32
    %while3A_49 = arith.constant 0 : i32
    %while3A_50 = arith.subi %div3A_47, %while3A_49 : i32
    %while3A_51 = arith.addi %while3A_49, %while3A_50 : i32
    %while3A_52 = arith.constant 1 : i32
    %while3A_53 = arith.divsi %while3A_50, %while3A_52 : i32
    %while3A_54 = arith.muli %while3A_53, %while3A_52 : i32
    %while3A_55 = arith.addi %while3A_49, %while3A_54 : i32
    %while3A_56 = arith.constant 1 : i32
    scf.for %while3A_58 = %while3A_49 to %while3A_55 step %while3A_56  : i32 {
      %mul3A = arith.muli %while3A_58, %while3A_48 : i32
      %add3A_59 = arith.addi %arg1, %mul3A : i32
      %mul3A_60 = arith.constant 200 : i32
      %mul3A_61 = arith.muli %add3A_59, %mul3A_60 : i32
      "tpu.region"() ({
        %run_scoped3A = tpu.sem_alloc : memref<!tpu.dma_semaphore, #tpu.memory_space<semaphore_mem>>
        %dma_start3A = arith.constant 0 : i32
        %dma_start3A_62 = tpu.memref_slice %arg5[%arg0, %mul3A_61, %dma_start3A] : memref<2x10000x128xf32, #tpu.memory_space<hbm>> -> memref<1x200x128xf32, #tpu.memory_space<hbm>>
        %dma_start3A_63 = tpu.memref_squeeze %dma_start3A_62 : memref<1x200x128xf32, #tpu.memory_space<hbm>> -> memref<200x128xf32, #tpu.memory_space<hbm>>
        %dma_start3A_64 = arith.constant 0 : i32
        %dma_start3A_65 = tpu.memref_slice %arg14[%mul3A_61, %dma_start3A_64] : memref<10000x128xf32, #tpu.memory_space<vmem_shared>> -> memref<200x128xf32, #tpu.memory_space<vmem_shared>>
        tpu.enqueue_dma source(%dma_start3A_65 : memref<200x128xf32, #tpu.memory_space<vmem_shared>>) target(%dma_start3A_63 : memref<200x128xf32, #tpu.memory_space<hbm>>) target_semaphore(%run_scoped3A : memref<!tpu.dma_semaphore, #tpu.memory_space<semaphore_mem>>)
        %dma_wait3A = arith.constant 0 : i32
        %dma_wait3A_66 = tpu.memref_slice %arg5[%arg0, %mul3A_61, %dma_wait3A] : memref<2x10000x128xf32, #tpu.memory_space<hbm>> -> memref<1x200x128xf32, #tpu.memory_space<hbm>>
        %dma_wait3A_67 = tpu.memref_squeeze %dma_wait3A_66 : memref<1x200x128xf32, #tpu.memory_space<hbm>> -> memref<200x128xf32, #tpu.memory_space<hbm>>
        %dma_wait3A_68 = arith.constant 0 : i32
        %dma_wait3A_69 = tpu.memref_slice %arg14[%mul3A_61, %dma_wait3A_68] : memref<10000x128xf32, #tpu.memory_space<vmem_shared>> -> memref<200x128xf32, #tpu.memory_space<vmem_shared>>
        tpu.wait_dma2 semaphore(%run_scoped3A : memref<!tpu.dma_semaphore, #tpu.memory_space<semaphore_mem>>) src(%dma_wait3A_69 : memref<200x128xf32, #tpu.memory_space<vmem_shared>>) dst(%dma_wait3A_67 : memref<200x128xf32, #tpu.memory_space<hbm>>)
        tpu.yield
      }) : () -> ()
    }
    %while3A_57 = arith.constant 1 : i32
    scf.for %while3A_58 = %while3A_55 to %while3A_51 step %while3A_57  : i32 {
      %mul3A = arith.muli %while3A_58, %while3A_48 : i32
      %add3A_59 = arith.addi %arg1, %mul3A : i32
      %mul3A_60 = arith.constant 200 : i32
      %mul3A_61 = arith.muli %add3A_59, %mul3A_60 : i32
      "tpu.region"() ({
        %run_scoped3A = tpu.sem_alloc : memref<!tpu.dma_semaphore, #tpu.memory_space<semaphore_mem>>
        %dma_start3A = arith.constant 0 : i32
        %dma_start3A_62 = tpu.memref_slice %arg5[%arg0, %mul3A_61, %dma_start3A] : memref<2x10000x128xf32, #tpu.memory_space<hbm>> -> memref<1x200x128xf32, #tpu.memory_space<hbm>>
        %dma_start3A_63 = tpu.memref_squeeze %dma_start3A_62 : memref<1x200x128xf32, #tpu.memory_space<hbm>> -> memref<200x128xf32, #tpu.memory_space<hbm>>
        %dma_start3A_64 = arith.constant 0 : i32
        %dma_start3A_65 = tpu.memref_slice %arg14[%mul3A_61, %dma_start3A_64] : memref<10000x128xf32, #tpu.memory_space<vmem_shared>> -> memref<200x128xf32, #tpu.memory_space<vmem_shared>>
        tpu.enqueue_dma source(%dma_start3A_65 : memref<200x128xf32, #tpu.memory_space<vmem_shared>>) target(%dma_start3A_63 : memref<200x128xf32, #tpu.memory_space<hbm>>) target_semaphore(%run_scoped3A : memref<!tpu.dma_semaphore, #tpu.memory_space<semaphore_mem>>)
        %dma_wait3A = arith.constant 0 : i32
        %dma_wait3A_66 = tpu.memref_slice %arg5[%arg0, %mul3A_61, %dma_wait3A] : memref<2x10000x128xf32, #tpu.memory_space<hbm>> -> memref<1x200x128xf32, #tpu.memory_space<hbm>>
        %dma_wait3A_67 = tpu.memref_squeeze %dma_wait3A_66 : memref<1x200x128xf32, #tpu.memory_space<hbm>> -> memref<200x128xf32, #tpu.memory_space<hbm>>
        %dma_wait3A_68 = arith.constant 0 : i32
        %dma_wait3A_69 = tpu.memref_slice %arg14[%mul3A_61, %dma_wait3A_68] : memref<10000x128xf32, #tpu.memory_space<vmem_shared>> -> memref<200x128xf32, #tpu.memory_space<vmem_shared>>
        tpu.wait_dma2 semaphore(%run_scoped3A : memref<!tpu.dma_semaphore, #tpu.memory_space<semaphore_mem>>) src(%dma_wait3A_69 : memref<200x128xf32, #tpu.memory_space<vmem_shared>>) dst(%dma_wait3A_67 : memref<200x128xf32, #tpu.memory_space<hbm>>)
        tpu.yield
      }) : () -> ()
    }
    return
  }
}

#map = affine_map<(d0, d1) -> (0, 0)>
#map1 = affine_map<(d0, d1) -> (0)>
module attributes {stable_mosaic.version = 14 : i64} {
  func.func @body(%arg0: i32, %arg1: i32, %arg2: memref<10000x256xf32, #tpu.memory_space<hbm>>, %arg3: memref<640000x128xf32, #tpu.memory_space<hbm>>, %arg4: memref<160000xi32, #tpu.memory_space<hbm>>, %arg5: memref<160000xi32, #tpu.memory_space<hbm>>, %arg6: memref<640000x128xf32, #tpu.memory_space<hbm>>, %arg7: memref<40xi32, #tpu.memory_space<vmem>>, %arg8: memref<40xi32, #tpu.memory_space<vmem>>, %arg9: memref<40xi32, #tpu.memory_space<vmem>>, %arg10: memref<40xi32, #tpu.memory_space<vmem>>, %arg11: memref<40x256xf32, #tpu.memory_space<vmem>>, %arg12: memref<40x256xf32, #tpu.memory_space<vmem>>, %arg13: memref<40x256xf32, #tpu.memory_space<vmem>>, %arg14: memref<40x256xf32, #tpu.memory_space<vmem>>, %arg15: memref<160x128xf32, #tpu.memory_space<vmem>>, %arg16: memref<160x128xf32, #tpu.memory_space<vmem>>, %arg17: memref<!tpu.dma_semaphore, #tpu.memory_space<semaphore_mem>>, %arg18: memref<!tpu.dma_semaphore, #tpu.memory_space<semaphore_mem>>) attributes {dimension_semantics = [#tpu.dimension_semantics<core_parallel>, #tpu.dimension_semantics<subcore_parallel>], iteration_bounds = array<i64: 2, 16>, scalar_prefetch = 0 : i64, scratch_operands = 12 : i64, tpu.core_type = #tpu.core_type<sc_vector_subcore>, window_params = [{transform_indices = #map}, {transform_indices = #map}, {transform_indices = #map1}, {transform_indices = #map1}, {transform_indices = #map}]} {
    %mul3A = arith.constant 2 : i32
    %mul3A_0 = arith.muli %arg1, %mul3A : i32
    %add3A = arith.addi %mul3A_0, %arg0 : i32
    %sub3A = arith.constant 4000 : i32
    %sub3A_1 = arith.subi %sub3A, %add3A : i32
    %sub3A_2 = arith.constant 64 : i32
    %sub3A_3 = arith.constant 1 : i32
    %sub3A_4 = arith.subi %sub3A_2, %sub3A_3 : i32
    %add3A_5 = arith.addi %sub3A_1, %sub3A_4 : i32
    %div3A = arith.constant 64 : i32
    %div3A_6 = arith.divsi %add3A_5, %div3A : i32
    %while3A = arith.constant 64 : i32
    %while3A_7 = arith.constant 0 : i32
    %while3A_8 = arith.subi %div3A_6, %while3A_7 : i32
    %while3A_9 = arith.addi %while3A_7, %while3A_8 : i32
    %while3A_10 = arith.constant 1 : i32
    %while3A_11 = arith.divsi %while3A_8, %while3A_10 : i32
    %while3A_12 = arith.muli %while3A_11, %while3A_10 : i32
    %while3A_13 = arith.addi %while3A_7, %while3A_12 : i32
    %while3A_14 = arith.constant 1 : i32
    scf.for %while3A_16 = %while3A_7 to %while3A_13 step %while3A_14  : i32 {
      %mul3A_17 = arith.muli %while3A_16, %while3A : i32
      %add3A_18 = arith.addi %add3A, %mul3A_17 : i32
      %add3A_19 = arith.constant 0 : i32
      %add3A_20 = arith.addi %add3A_18, %add3A_19 : i32
      %mul3A_21 = arith.constant 40 : i32
      %mul3A_22 = arith.muli %add3A_20, %mul3A_21 : i32
      %mul3A_23 = arith.constant 4 : i32
      %mul3A_24 = arith.muli %mul3A_22, %mul3A_23 : i32
      %dma_start3A = tpu.memref_slice %arg4[%mul3A_22] : memref<160000xi32, #tpu.memory_space<hbm>> -> memref<40xi32, #tpu.memory_space<hbm>>
      %dma_start3A_25 = tpu.memref_slice %arg4[%mul3A_22] : memref<160000xi32, #tpu.memory_space<hbm>> -> memref<40xi32, #tpu.memory_space<hbm>>
      tpu.enqueue_dma source(%dma_start3A_25 : memref<40xi32, #tpu.memory_space<hbm>>) target(%arg7 : memref<40xi32, #tpu.memory_space<vmem>>) target_semaphore(%arg17 : memref<!tpu.dma_semaphore, #tpu.memory_space<semaphore_mem>>)
      %dma_start3A_26 = tpu.memref_slice %arg5[%mul3A_22] : memref<160000xi32, #tpu.memory_space<hbm>> -> memref<40xi32, #tpu.memory_space<hbm>>
      %dma_start3A_27 = tpu.memref_slice %arg5[%mul3A_22] : memref<160000xi32, #tpu.memory_space<hbm>> -> memref<40xi32, #tpu.memory_space<hbm>>
      tpu.enqueue_dma source(%dma_start3A_27 : memref<40xi32, #tpu.memory_space<hbm>>) target(%arg9 : memref<40xi32, #tpu.memory_space<vmem>>) target_semaphore(%arg17 : memref<!tpu.dma_semaphore, #tpu.memory_space<semaphore_mem>>)
      %dma_wait3A = tpu.memref_slice %arg4[%mul3A_22] : memref<160000xi32, #tpu.memory_space<hbm>> -> memref<40xi32, #tpu.memory_space<hbm>>
      %dma_wait3A_28 = tpu.memref_slice %arg4[%mul3A_22] : memref<160000xi32, #tpu.memory_space<hbm>> -> memref<40xi32, #tpu.memory_space<hbm>>
      tpu.wait_dma2 semaphore(%arg17 : memref<!tpu.dma_semaphore, #tpu.memory_space<semaphore_mem>>) src(%dma_wait3A_28 : memref<40xi32, #tpu.memory_space<hbm>>) dst(%arg7 : memref<40xi32, #tpu.memory_space<vmem>>)
      %dma_wait3A_29 = tpu.memref_slice %arg5[%mul3A_22] : memref<160000xi32, #tpu.memory_space<hbm>> -> memref<40xi32, #tpu.memory_space<hbm>>
      %dma_wait3A_30 = tpu.memref_slice %arg5[%mul3A_22] : memref<160000xi32, #tpu.memory_space<hbm>> -> memref<40xi32, #tpu.memory_space<hbm>>
      tpu.wait_dma2 semaphore(%arg17 : memref<!tpu.dma_semaphore, #tpu.memory_space<semaphore_mem>>) src(%dma_wait3A_30 : memref<40xi32, #tpu.memory_space<hbm>>) dst(%arg9 : memref<40xi32, #tpu.memory_space<vmem>>)
      %dma_start3A_31 = arith.constant 0 : i32
      %dma_start3A_32 = arith.constant 0 : i32
      %dma_start3A_33 = tpu.memref_slice %arg2[%dma_start3A_31, %dma_start3A_32] : memref<10000x256xf32, #tpu.memory_space<hbm>> -> memref<10000x256xf32, #tpu.memory_space<hbm>>
      tpu.enqueue_indirect_dma source(%dma_start3A_33 : memref<10000x256xf32, #tpu.memory_space<hbm>>) target(%arg11 : memref<40x256xf32, #tpu.memory_space<vmem>>) offsets(%arg7 : memref<40xi32, #tpu.memory_space<vmem>>) semaphore(%arg17 : memref<!tpu.dma_semaphore, #tpu.memory_space<semaphore_mem>>)
      %dma_start3A_34 = arith.constant 0 : i32
      %dma_start3A_35 = arith.constant 0 : i32
      %dma_start3A_36 = tpu.memref_slice %arg2[%dma_start3A_34, %dma_start3A_35] : memref<10000x256xf32, #tpu.memory_space<hbm>> -> memref<10000x256xf32, #tpu.memory_space<hbm>>
      tpu.enqueue_indirect_dma source(%dma_start3A_36 : memref<10000x256xf32, #tpu.memory_space<hbm>>) target(%arg13 : memref<40x256xf32, #tpu.memory_space<vmem>>) offsets(%arg9 : memref<40xi32, #tpu.memory_space<vmem>>) semaphore(%arg17 : memref<!tpu.dma_semaphore, #tpu.memory_space<semaphore_mem>>)
      %dma_start3A_37 = arith.constant 0 : i32
      %dma_start3A_38 = tpu.memref_slice %arg3[%mul3A_24, %dma_start3A_37] : memref<640000x128xf32, #tpu.memory_space<hbm>> -> memref<160x128xf32, #tpu.memory_space<hbm>>
      %dma_start3A_39 = arith.constant 0 : i32
      %dma_start3A_40 = tpu.memref_slice %arg3[%mul3A_24, %dma_start3A_39] : memref<640000x128xf32, #tpu.memory_space<hbm>> -> memref<160x128xf32, #tpu.memory_space<hbm>>
      tpu.enqueue_dma source(%dma_start3A_40 : memref<160x128xf32, #tpu.memory_space<hbm>>) target(%arg15 : memref<160x128xf32, #tpu.memory_space<vmem>>) target_semaphore(%arg17 : memref<!tpu.dma_semaphore, #tpu.memory_space<semaphore_mem>>)
      %add3A_41 = arith.constant 32 : i32
      %add3A_42 = arith.addi %add3A_18, %add3A_41 : i32
      %mul3A_43 = arith.constant 40 : i32
      %mul3A_44 = arith.muli %add3A_42, %mul3A_43 : i32
      %mul3A_45 = arith.constant 4 : i32
      %mul3A_46 = arith.muli %mul3A_44, %mul3A_45 : i32
      %lt3A = arith.constant 4000 : i32
      %lt3A_47 = arith.cmpi slt, %add3A_42, %lt3A : i32
      %convert_element_type3A = arith.extui %lt3A_47 : i1 to i32
      %cond3A = arith.constant 0 : i32
      %cond3A_48 = arith.cmpi ne, %convert_element_type3A, %cond3A : i32
      scf.if %cond3A_48 {
        %dma_start3A_91 = tpu.memref_slice %arg4[%mul3A_44] : memref<160000xi32, #tpu.memory_space<hbm>> -> memref<40xi32, #tpu.memory_space<hbm>>
        %dma_start3A_92 = tpu.memref_slice %arg4[%mul3A_44] : memref<160000xi32, #tpu.memory_space<hbm>> -> memref<40xi32, #tpu.memory_space<hbm>>
        tpu.enqueue_dma source(%dma_start3A_92 : memref<40xi32, #tpu.memory_space<hbm>>) target(%arg8 : memref<40xi32, #tpu.memory_space<vmem>>) target_semaphore(%arg18 : memref<!tpu.dma_semaphore, #tpu.memory_space<semaphore_mem>>)
        %dma_start3A_93 = tpu.memref_slice %arg5[%mul3A_44] : memref<160000xi32, #tpu.memory_space<hbm>> -> memref<40xi32, #tpu.memory_space<hbm>>
        %dma_start3A_94 = tpu.memref_slice %arg5[%mul3A_44] : memref<160000xi32, #tpu.memory_space<hbm>> -> memref<40xi32, #tpu.memory_space<hbm>>
        tpu.enqueue_dma source(%dma_start3A_94 : memref<40xi32, #tpu.memory_space<hbm>>) target(%arg10 : memref<40xi32, #tpu.memory_space<vmem>>) target_semaphore(%arg18 : memref<!tpu.dma_semaphore, #tpu.memory_space<semaphore_mem>>)
        %dma_wait3A_95 = tpu.memref_slice %arg4[%mul3A_44] : memref<160000xi32, #tpu.memory_space<hbm>> -> memref<40xi32, #tpu.memory_space<hbm>>
        %dma_wait3A_96 = tpu.memref_slice %arg4[%mul3A_44] : memref<160000xi32, #tpu.memory_space<hbm>> -> memref<40xi32, #tpu.memory_space<hbm>>
        tpu.wait_dma2 semaphore(%arg18 : memref<!tpu.dma_semaphore, #tpu.memory_space<semaphore_mem>>) src(%dma_wait3A_96 : memref<40xi32, #tpu.memory_space<hbm>>) dst(%arg8 : memref<40xi32, #tpu.memory_space<vmem>>)
        %dma_wait3A_97 = tpu.memref_slice %arg5[%mul3A_44] : memref<160000xi32, #tpu.memory_space<hbm>> -> memref<40xi32, #tpu.memory_space<hbm>>
        %dma_wait3A_98 = tpu.memref_slice %arg5[%mul3A_44] : memref<160000xi32, #tpu.memory_space<hbm>> -> memref<40xi32, #tpu.memory_space<hbm>>
        tpu.wait_dma2 semaphore(%arg18 : memref<!tpu.dma_semaphore, #tpu.memory_space<semaphore_mem>>) src(%dma_wait3A_98 : memref<40xi32, #tpu.memory_space<hbm>>) dst(%arg10 : memref<40xi32, #tpu.memory_space<vmem>>)
      } else {
      }
      %lt3A_49 = arith.constant 4000 : i32
      %lt3A_50 = arith.cmpi slt, %add3A_42, %lt3A_49 : i32
      %convert_element_type3A_51 = arith.extui %lt3A_50 : i1 to i32
      %cond3A_52 = arith.constant 0 : i32
      %cond3A_53 = arith.cmpi ne, %convert_element_type3A_51, %cond3A_52 : i32
      scf.if %cond3A_53 {
        %dma_start3A_91 = arith.constant 0 : i32
        %dma_start3A_92 = arith.constant 0 : i32
        %dma_start3A_93 = tpu.memref_slice %arg2[%dma_start3A_91, %dma_start3A_92] : memref<10000x256xf32, #tpu.memory_space<hbm>> -> memref<10000x256xf32, #tpu.memory_space<hbm>>
        tpu.enqueue_indirect_dma source(%dma_start3A_93 : memref<10000x256xf32, #tpu.memory_space<hbm>>) target(%arg12 : memref<40x256xf32, #tpu.memory_space<vmem>>) offsets(%arg8 : memref<40xi32, #tpu.memory_space<vmem>>) semaphore(%arg18 : memref<!tpu.dma_semaphore, #tpu.memory_space<semaphore_mem>>)
        %dma_start3A_94 = arith.constant 0 : i32
        %dma_start3A_95 = arith.constant 0 : i32
        %dma_start3A_96 = tpu.memref_slice %arg2[%dma_start3A_94, %dma_start3A_95] : memref<10000x256xf32, #tpu.memory_space<hbm>> -> memref<10000x256xf32, #tpu.memory_space<hbm>>
        tpu.enqueue_indirect_dma source(%dma_start3A_96 : memref<10000x256xf32, #tpu.memory_space<hbm>>) target(%arg14 : memref<40x256xf32, #tpu.memory_space<vmem>>) offsets(%arg10 : memref<40xi32, #tpu.memory_space<vmem>>) semaphore(%arg18 : memref<!tpu.dma_semaphore, #tpu.memory_space<semaphore_mem>>)
        %dma_start3A_97 = arith.constant 0 : i32
        %dma_start3A_98 = tpu.memref_slice %arg3[%mul3A_46, %dma_start3A_97] : memref<640000x128xf32, #tpu.memory_space<hbm>> -> memref<160x128xf32, #tpu.memory_space<hbm>>
        %dma_start3A_99 = arith.constant 0 : i32
        %dma_start3A_100 = tpu.memref_slice %arg3[%mul3A_46, %dma_start3A_99] : memref<640000x128xf32, #tpu.memory_space<hbm>> -> memref<160x128xf32, #tpu.memory_space<hbm>>
        tpu.enqueue_dma source(%dma_start3A_100 : memref<160x128xf32, #tpu.memory_space<hbm>>) target(%arg16 : memref<160x128xf32, #tpu.memory_space<vmem>>) target_semaphore(%arg18 : memref<!tpu.dma_semaphore, #tpu.memory_space<semaphore_mem>>)
      } else {
      }
      %add3A_54 = arith.constant 0 : i32
      %add3A_55 = arith.addi %add3A_18, %add3A_54 : i32
      %mul3A_56 = arith.constant 40 : i32
      %mul3A_57 = arith.muli %add3A_55, %mul3A_56 : i32
      %dma_wait3A_58 = arith.constant 0 : i32
      %dma_wait3A_59 = arith.constant 0 : i32
      %dma_wait3A_60 = tpu.memref_slice %arg2[%dma_wait3A_58, %dma_wait3A_59] : memref<10000x256xf32, #tpu.memory_space<hbm>> -> memref<10000x256xf32, #tpu.memory_space<hbm>>
      tpu.wait_indirect_dma semaphore(%arg17 : memref<!tpu.dma_semaphore, #tpu.memory_space<semaphore_mem>>) src(%dma_wait3A_60 : memref<10000x256xf32, #tpu.memory_space<hbm>>) dst(%arg11 : memref<40x256xf32, #tpu.memory_space<vmem>>)
      %dma_wait3A_61 = arith.constant 0 : i32
      %dma_wait3A_62 = arith.constant 0 : i32
      %dma_wait3A_63 = tpu.memref_slice %arg2[%dma_wait3A_61, %dma_wait3A_62] : memref<10000x256xf32, #tpu.memory_space<hbm>> -> memref<10000x256xf32, #tpu.memory_space<hbm>>
      tpu.wait_indirect_dma semaphore(%arg17 : memref<!tpu.dma_semaphore, #tpu.memory_space<semaphore_mem>>) src(%dma_wait3A_63 : memref<10000x256xf32, #tpu.memory_space<hbm>>) dst(%arg13 : memref<40x256xf32, #tpu.memory_space<vmem>>)
      %dma_wait3A_64 = arith.constant 0 : i32
      %dma_wait3A_65 = tpu.memref_slice %arg3[%mul3A_24, %dma_wait3A_64] : memref<640000x128xf32, #tpu.memory_space<hbm>> -> memref<160x128xf32, #tpu.memory_space<hbm>>
      %dma_wait3A_66 = arith.constant 0 : i32
      %dma_wait3A_67 = tpu.memref_slice %arg3[%mul3A_24, %dma_wait3A_66] : memref<640000x128xf32, #tpu.memory_space<hbm>> -> memref<160x128xf32, #tpu.memory_space<hbm>>
      tpu.wait_dma2 semaphore(%arg17 : memref<!tpu.dma_semaphore, #tpu.memory_space<semaphore_mem>>) src(%dma_wait3A_67 : memref<160x128xf32, #tpu.memory_space<hbm>>) dst(%arg15 : memref<160x128xf32, #tpu.memory_space<vmem>>)
      %scan3A = arith.constant 0 : i32
      %scan3A_68 = arith.constant 40 : i32
      %scan3A_69 = arith.addi %scan3A, %scan3A_68 : i32
      %scan3A_70 = arith.constant 1 : i32
      scf.for %scan3A_91 = %scan3A to %scan3A_69 step %scan3A_70  : i32 {
        %mul3A_92 = arith.constant 1 : i32
        %mul3A_93 = arith.muli %scan3A_91, %mul3A_92 : i32
        %add3A_94 = arith.constant 0 : i32
        %add3A_95 = arith.addi %add3A_94, %mul3A_93 : i32
        %get3A = arith.index_cast %add3A_95 : i32 to index
        %get3A_96 = arith.constant 0 : index
        %get3A_97 = tpu.vector_load %arg11[%get3A, %get3A_96] {strides = array<i32>} : memref<40x256xf32, #tpu.memory_space<vmem>>, vector<1x16xf32>,
        %get3A_98 = vector.shape_cast %get3A_97 : vector<1x16xf32> to vector<16xf32>
        %get3A_99 = arith.index_cast %add3A_95 : i32 to index
        %get3A_100 = arith.constant 128 : index
        %get3A_101 = tpu.vector_load %arg11[%get3A_99, %get3A_100] {strides = array<i32>} : memref<40x256xf32, #tpu.memory_space<vmem>>, vector<1x16xf32>,
        %get3A_102 = vector.shape_cast %get3A_101 : vector<1x16xf32> to vector<16xf32>
        %get3A_103 = arith.index_cast %add3A_95 : i32 to index
        %get3A_104 = arith.constant 0 : index
        %get3A_105 = tpu.vector_load %arg13[%get3A_103, %get3A_104] {strides = array<i32>} : memref<40x256xf32, #tpu.memory_space<vmem>>, vector<1x16xf32>,
        %get3A_106 = vector.shape_cast %get3A_105 : vector<1x16xf32> to vector<16xf32>
        %get3A_107 = arith.index_cast %add3A_95 : i32 to index
        %get3A_108 = arith.constant 128 : index
        %get3A_109 = tpu.vector_load %arg13[%get3A_107, %get3A_108] {strides = array<i32>} : memref<40x256xf32, #tpu.memory_space<vmem>>, vector<1x16xf32>,
        %get3A_110 = vector.shape_cast %get3A_109 : vector<1x16xf32> to vector<16xf32>
        %mul3A_111 = arith.constant 4 : i32
        %mul3A_112 = arith.muli %mul3A_111, %add3A_95 : i32
        %get3A_113 = arith.index_cast %mul3A_112 : i32 to index
        %get3A_114 = arith.constant 0 : index
        %get3A_115 = tpu.vector_load %arg15[%get3A_113, %get3A_114] {strides = array<i32>} : memref<160x128xf32, #tpu.memory_space<vmem>>, vector<1x16xf32>,
        %get3A_116 = vector.shape_cast %get3A_115 : vector<1x16xf32> to vector<16xf32>
        %add3A_117 = arith.addf %get3A_98, %get3A_106 : vector<16xf32>
        %add3A_118 = arith.addf %get3A_116, %add3A_117 : vector<16xf32>
        %mul3A_119 = arith.constant 4 : i32
        %mul3A_120 = arith.muli %mul3A_119, %add3A_95 : i32
        %swap3A = arith.index_cast %mul3A_120 : i32 to index
        %swap3A_121 = arith.constant 0 : index
        %swap3A_122 = tpu.vector_load %arg15[%swap3A, %swap3A_121] {strides = array<i32>} : memref<160x128xf32, #tpu.memory_space<vmem>>, vector<1x16xf32>,
        %swap3A_123 = vector.shape_cast %swap3A_122 : vector<1x16xf32> to vector<16xf32>
        %swap3A_124 = vector.shape_cast %add3A_118 : vector<16xf32> to vector<1x16xf32>
        tpu.vector_store %arg15[%swap3A, %swap3A_121], %swap3A_124 {strides = array<i32>} : memref<160x128xf32, #tpu.memory_space<vmem>>, vector<1x16xf32>,
        %mul3A_125 = arith.constant 4 : i32
        %mul3A_126 = arith.muli %mul3A_125, %add3A_95 : i32
        %add3A_127 = arith.constant 1 : i32
        %add3A_128 = arith.addi %mul3A_126, %add3A_127 : i32
        %get3A_129 = arith.index_cast %add3A_128 : i32 to index
        %get3A_130 = arith.constant 0 : index
        %get3A_131 = tpu.vector_load %arg15[%get3A_129, %get3A_130] {strides = array<i32>} : memref<160x128xf32, #tpu.memory_space<vmem>>, vector<1x16xf32>,
        %get3A_132 = vector.shape_cast %get3A_131 : vector<1x16xf32> to vector<16xf32>
        %add3A_133 = arith.addf %get3A_98, %get3A_110 : vector<16xf32>
        %add3A_134 = arith.addf %get3A_132, %add3A_133 : vector<16xf32>
        %mul3A_135 = arith.constant 4 : i32
        %mul3A_136 = arith.muli %mul3A_135, %add3A_95 : i32
        %add3A_137 = arith.constant 1 : i32
        %add3A_138 = arith.addi %mul3A_136, %add3A_137 : i32
        %swap3A_139 = arith.index_cast %add3A_138 : i32 to index
        %swap3A_140 = arith.constant 0 : index
        %swap3A_141 = tpu.vector_load %arg15[%swap3A_139, %swap3A_140] {strides = array<i32>} : memref<160x128xf32, #tpu.memory_space<vmem>>, vector<1x16xf32>,
        %swap3A_142 = vector.shape_cast %swap3A_141 : vector<1x16xf32> to vector<16xf32>
        %swap3A_143 = vector.shape_cast %add3A_134 : vector<16xf32> to vector<1x16xf32>
        tpu.vector_store %arg15[%swap3A_139, %swap3A_140], %swap3A_143 {strides = array<i32>} : memref<160x128xf32, #tpu.memory_space<vmem>>, vector<1x16xf32>,
        %mul3A_144 = arith.constant 4 : i32
        %mul3A_145 = arith.muli %mul3A_144, %add3A_95 : i32
        %add3A_146 = arith.constant 2 : i32
        %add3A_147 = arith.addi %mul3A_145, %add3A_146 : i32
        %get3A_148 = arith.index_cast %add3A_147 : i32 to index
        %get3A_149 = arith.constant 0 : index
        %get3A_150 = tpu.vector_load %arg15[%get3A_148, %get3A_149] {strides = array<i32>} : memref<160x128xf32, #tpu.memory_space<vmem>>, vector<1x16xf32>,
        %get3A_151 = vector.shape_cast %get3A_150 : vector<1x16xf32> to vector<16xf32>
        %add3A_152 = arith.addf %get3A_102, %get3A_106 : vector<16xf32>
        %add3A_153 = arith.addf %get3A_151, %add3A_152 : vector<16xf32>
        %mul3A_154 = arith.constant 4 : i32
        %mul3A_155 = arith.muli %mul3A_154, %add3A_95 : i32
        %add3A_156 = arith.constant 2 : i32
        %add3A_157 = arith.addi %mul3A_155, %add3A_156 : i32
        %swap3A_158 = arith.index_cast %add3A_157 : i32 to index
        %swap3A_159 = arith.constant 0 : index
        %swap3A_160 = tpu.vector_load %arg15[%swap3A_158, %swap3A_159] {strides = array<i32>} : memref<160x128xf32, #tpu.memory_space<vmem>>, vector<1x16xf32>,
        %swap3A_161 = vector.shape_cast %swap3A_160 : vector<1x16xf32> to vector<16xf32>
        %swap3A_162 = vector.shape_cast %add3A_153 : vector<16xf32> to vector<1x16xf32>
        tpu.vector_store %arg15[%swap3A_158, %swap3A_159], %swap3A_162 {strides = array<i32>} : memref<160x128xf32, #tpu.memory_space<vmem>>, vector<1x16xf32>,
        %mul3A_163 = arith.constant 4 : i32
        %mul3A_164 = arith.muli %mul3A_163, %add3A_95 : i32
        %add3A_165 = arith.constant 3 : i32
        %add3A_166 = arith.addi %mul3A_164, %add3A_165 : i32
        %get3A_167 = arith.index_cast %add3A_166 : i32 to index
        %get3A_168 = arith.constant 0 : index
        %get3A_169 = tpu.vector_load %arg15[%get3A_167, %get3A_168] {strides = array<i32>} : memref<160x128xf32, #tpu.memory_space<vmem>>, vector<1x16xf32>,
        %get3A_170 = vector.shape_cast %get3A_169 : vector<1x16xf32> to vector<16xf32>
        %add3A_171 = arith.addf %get3A_102, %get3A_110 : vector<16xf32>
        %add3A_172 = arith.addf %get3A_170, %add3A_171 : vector<16xf32>
        %mul3A_173 = arith.constant 4 : i32
        %mul3A_174 = arith.muli %mul3A_173, %add3A_95 : i32
        %add3A_175 = arith.constant 3 : i32
        %add3A_176 = arith.addi %mul3A_174, %add3A_175 : i32
        %swap3A_177 = arith.index_cast %add3A_176 : i32 to index
        %swap3A_178 = arith.constant 0 : index
        %swap3A_179 = tpu.vector_load %arg15[%swap3A_177, %swap3A_178] {strides = array<i32>} : memref<160x128xf32, #tpu.memory_space<vmem>>, vector<1x16xf32>,
        %swap3A_180 = vector.shape_cast %swap3A_179 : vector<1x16xf32> to vector<16xf32>
        %swap3A_181 = vector.shape_cast %add3A_172 : vector<16xf32> to vector<1x16xf32>
        tpu.vector_store %arg15[%swap3A_177, %swap3A_178], %swap3A_181 {strides = array<i32>} : memref<160x128xf32, #tpu.memory_space<vmem>>, vector<1x16xf32>,
        %get3A_182 = arith.index_cast %add3A_95 : i32 to index
        %get3A_183 = arith.constant 16 : index
        %get3A_184 = tpu.vector_load %arg11[%get3A_182, %get3A_183] {strides = array<i32>} : memref<40x256xf32, #tpu.memory_space<vmem>>, vector<1x16xf32>,
        %get3A_185 = vector.shape_cast %get3A_184 : vector<1x16xf32> to vector<16xf32>
        %get3A_186 = arith.index_cast %add3A_95 : i32 to index
        %get3A_187 = arith.constant 144 : index
        %get3A_188 = tpu.vector_load %arg11[%get3A_186, %get3A_187] {strides = array<i32>} : memref<40x256xf32, #tpu.memory_space<vmem>>, vector<1x16xf32>,
        %get3A_189 = vector.shape_cast %get3A_188 : vector<1x16xf32> to vector<16xf32>
        %get3A_190 = arith.index_cast %add3A_95 : i32 to index
        %get3A_191 = arith.constant 16 : index
        %get3A_192 = tpu.vector_load %arg13[%get3A_190, %get3A_191] {strides = array<i32>} : memref<40x256xf32, #tpu.memory_space<vmem>>, vector<1x16xf32>,
        %get3A_193 = vector.shape_cast %get3A_192 : vector<1x16xf32> to vector<16xf32>
        %get3A_194 = arith.index_cast %add3A_95 : i32 to index
        %get3A_195 = arith.constant 144 : index
        %get3A_196 = tpu.vector_load %arg13[%get3A_194, %get3A_195] {strides = array<i32>} : memref<40x256xf32, #tpu.memory_space<vmem>>, vector<1x16xf32>,
        %get3A_197 = vector.shape_cast %get3A_196 : vector<1x16xf32> to vector<16xf32>
        %mul3A_198 = arith.constant 4 : i32
        %mul3A_199 = arith.muli %mul3A_198, %add3A_95 : i32
        %get3A_200 = arith.index_cast %mul3A_199 : i32 to index
        %get3A_201 = arith.constant 16 : index
        %get3A_202 = tpu.vector_load %arg15[%get3A_200, %get3A_201] {strides = array<i32>} : memref<160x128xf32, #tpu.memory_space<vmem>>, vector<1x16xf32>,
        %get3A_203 = vector.shape_cast %get3A_202 : vector<1x16xf32> to vector<16xf32>
        %add3A_204 = arith.addf %get3A_185, %get3A_193 : vector<16xf32>
        %add3A_205 = arith.addf %get3A_203, %add3A_204 : vector<16xf32>
        %mul3A_206 = arith.constant 4 : i32
        %mul3A_207 = arith.muli %mul3A_206, %add3A_95 : i32
        %swap3A_208 = arith.index_cast %mul3A_207 : i32 to index
        %swap3A_209 = arith.constant 16 : index
        %swap3A_210 = tpu.vector_load %arg15[%swap3A_208, %swap3A_209] {strides = array<i32>} : memref<160x128xf32, #tpu.memory_space<vmem>>, vector<1x16xf32>,
        %swap3A_211 = vector.shape_cast %swap3A_210 : vector<1x16xf32> to vector<16xf32>
        %swap3A_212 = vector.shape_cast %add3A_205 : vector<16xf32> to vector<1x16xf32>
        tpu.vector_store %arg15[%swap3A_208, %swap3A_209], %swap3A_212 {strides = array<i32>} : memref<160x128xf32, #tpu.memory_space<vmem>>, vector<1x16xf32>,
        %mul3A_213 = arith.constant 4 : i32
        %mul3A_214 = arith.muli %mul3A_213, %add3A_95 : i32
        %add3A_215 = arith.constant 1 : i32
        %add3A_216 = arith.addi %mul3A_214, %add3A_215 : i32
        %get3A_217 = arith.index_cast %add3A_216 : i32 to index
        %get3A_218 = arith.constant 16 : index
        %get3A_219 = tpu.vector_load %arg15[%get3A_217, %get3A_218] {strides = array<i32>} : memref<160x128xf32, #tpu.memory_space<vmem>>, vector<1x16xf32>,
        %get3A_220 = vector.shape_cast %get3A_219 : vector<1x16xf32> to vector<16xf32>
        %add3A_221 = arith.addf %get3A_185, %get3A_197 : vector<16xf32>
        %add3A_222 = arith.addf %get3A_220, %add3A_221 : vector<16xf32>
        %mul3A_223 = arith.constant 4 : i32
        %mul3A_224 = arith.muli %mul3A_223, %add3A_95 : i32
        %add3A_225 = arith.constant 1 : i32
        %add3A_226 = arith.addi %mul3A_224, %add3A_225 : i32
        %swap3A_227 = arith.index_cast %add3A_226 : i32 to index
        %swap3A_228 = arith.constant 16 : index
        %swap3A_229 = tpu.vector_load %arg15[%swap3A_227, %swap3A_228] {strides = array<i32>} : memref<160x128xf32, #tpu.memory_space<vmem>>, vector<1x16xf32>,
        %swap3A_230 = vector.shape_cast %swap3A_229 : vector<1x16xf32> to vector<16xf32>
        %swap3A_231 = vector.shape_cast %add3A_222 : vector<16xf32> to vector<1x16xf32>
        tpu.vector_store %arg15[%swap3A_227, %swap3A_228], %swap3A_231 {strides = array<i32>} : memref<160x128xf32, #tpu.memory_space<vmem>>, vector<1x16xf32>,
        %mul3A_232 = arith.constant 4 : i32
        %mul3A_233 = arith.muli %mul3A_232, %add3A_95 : i32
        %add3A_234 = arith.constant 2 : i32
        %add3A_235 = arith.addi %mul3A_233, %add3A_234 : i32
        %get3A_236 = arith.index_cast %add3A_235 : i32 to index
        %get3A_237 = arith.constant 16 : index
        %get3A_238 = tpu.vector_load %arg15[%get3A_236, %get3A_237] {strides = array<i32>} : memref<160x128xf32, #tpu.memory_space<vmem>>, vector<1x16xf32>,
        %get3A_239 = vector.shape_cast %get3A_238 : vector<1x16xf32> to vector<16xf32>
        %add3A_240 = arith.addf %get3A_189, %get3A_193 : vector<16xf32>
        %add3A_241 = arith.addf %get3A_239, %add3A_240 : vector<16xf32>
        %mul3A_242 = arith.constant 4 : i32
        %mul3A_243 = arith.muli %mul3A_242, %add3A_95 : i32
        %add3A_244 = arith.constant 2 : i32
        %add3A_245 = arith.addi %mul3A_243, %add3A_244 : i32
        %swap3A_246 = arith.index_cast %add3A_245 : i32 to index
        %swap3A_247 = arith.constant 16 : index
        %swap3A_248 = tpu.vector_load %arg15[%swap3A_246, %swap3A_247] {strides = array<i32>} : memref<160x128xf32, #tpu.memory_space<vmem>>, vector<1x16xf32>,
        %swap3A_249 = vector.shape_cast %swap3A_248 : vector<1x16xf32> to vector<16xf32>
        %swap3A_250 = vector.shape_cast %add3A_241 : vector<16xf32> to vector<1x16xf32>
        tpu.vector_store %arg15[%swap3A_246, %swap3A_247], %swap3A_250 {strides = array<i32>} : memref<160x128xf32, #tpu.memory_space<vmem>>, vector<1x16xf32>,
        %mul3A_251 = arith.constant 4 : i32
        %mul3A_252 = arith.muli %mul3A_251, %add3A_95 : i32
        %add3A_253 = arith.constant 3 : i32
        %add3A_254 = arith.addi %mul3A_252, %add3A_253 : i32
        %get3A_255 = arith.index_cast %add3A_254 : i32 to index
        %get3A_256 = arith.constant 16 : index
        %get3A_257 = tpu.vector_load %arg15[%get3A_255, %get3A_256] {strides = array<i32>} : memref<160x128xf32, #tpu.memory_space<vmem>>, vector<1x16xf32>,
        %get3A_258 = vector.shape_cast %get3A_257 : vector<1x16xf32> to vector<16xf32>
        %add3A_259 = arith.addf %get3A_189, %get3A_197 : vector<16xf32>
        %add3A_260 = arith.addf %get3A_258, %add3A_259 : vector<16xf32>
        %mul3A_261 = arith.constant 4 : i32
        %mul3A_262 = arith.muli %mul3A_261, %add3A_95 : i32
        %add3A_263 = arith.constant 3 : i32
        %add3A_264 = arith.addi %mul3A_262, %add3A_263 : i32
        %swap3A_265 = arith.index_cast %add3A_264 : i32 to index
        %swap3A_266 = arith.constant 16 : index
        %swap3A_267 = tpu.vector_load %arg15[%swap3A_265, %swap3A_266] {strides = array<i32>} : memref<160x128xf32, #tpu.memory_space<vmem>>, vector<1x16xf32>,
        %swap3A_268 = vector.shape_cast %swap3A_267 : vector<1x16xf32> to vector<16xf32>
        %swap3A_269 = vector.shape_cast %add3A_260 : vector<16xf32> to vector<1x16xf32>
        tpu.vector_store %arg15[%swap3A_265, %swap3A_266], %swap3A_269 {strides = array<i32>} : memref<160x128xf32, #tpu.memory_space<vmem>>, vector<1x16xf32>,
        %get3A_270 = arith.index_cast %add3A_95 : i32 to index
        %get3A_271 = arith.constant 32 : index
        %get3A_272 = tpu.vector_load %arg11[%get3A_270, %get3A_271] {strides = array<i32>} : memref<40x256xf32, #tpu.memory_space<vmem>>, vector<1x16xf32>,
        %get3A_273 = vector.shape_cast %get3A_272 : vector<1x16xf32> to vector<16xf32>
        %get3A_274 = arith.index_cast %add3A_95 : i32 to index
        %get3A_275 = arith.constant 160 : index
        %get3A_276 = tpu.vector_load %arg11[%get3A_274, %get3A_275] {strides = array<i32>} : memref<40x256xf32, #tpu.memory_space<vmem>>, vector<1x16xf32>,
        %get3A_277 = vector.shape_cast %get3A_276 : vector<1x16xf32> to vector<16xf32>
        %get3A_278 = arith.index_cast %add3A_95 : i32 to index
        %get3A_279 = arith.constant 32 : index
        %get3A_280 = tpu.vector_load %arg13[%get3A_278, %get3A_279] {strides = array<i32>} : memref<40x256xf32, #tpu.memory_space<vmem>>, vector<1x16xf32>,
        %get3A_281 = vector.shape_cast %get3A_280 : vector<1x16xf32> to vector<16xf32>
        %get3A_282 = arith.index_cast %add3A_95 : i32 to index
        %get3A_283 = arith.constant 160 : index
        %get3A_284 = tpu.vector_load %arg13[%get3A_282, %get3A_283] {strides = array<i32>} : memref<40x256xf32, #tpu.memory_space<vmem>>, vector<1x16xf32>,
        %get3A_285 = vector.shape_cast %get3A_284 : vector<1x16xf32> to vector<16xf32>
        %mul3A_286 = arith.constant 4 : i32
        %mul3A_287 = arith.muli %mul3A_286, %add3A_95 : i32
        %get3A_288 = arith.index_cast %mul3A_287 : i32 to index
        %get3A_289 = arith.constant 32 : index
        %get3A_290 = tpu.vector_load %arg15[%get3A_288, %get3A_289] {strides = array<i32>} : memref<160x128xf32, #tpu.memory_space<vmem>>, vector<1x16xf32>,
        %get3A_291 = vector.shape_cast %get3A_290 : vector<1x16xf32> to vector<16xf32>
        %add3A_292 = arith.addf %get3A_273, %get3A_281 : vector<16xf32>
        %add3A_293 = arith.addf %get3A_291, %add3A_292 : vector<16xf32>
        %mul3A_294 = arith.constant 4 : i32
        %mul3A_295 = arith.muli %mul3A_294, %add3A_95 : i32
        %swap3A_296 = arith.index_cast %mul3A_295 : i32 to index
        %swap3A_297 = arith.constant 32 : index
        %swap3A_298 = tpu.vector_load %arg15[%swap3A_296, %swap3A_297] {strides = array<i32>} : memref<160x128xf32, #tpu.memory_space<vmem>>, vector<1x16xf32>,
        %swap3A_299 = vector.shape_cast %swap3A_298 : vector<1x16xf32> to vector<16xf32>
        %swap3A_300 = vector.shape_cast %add3A_293 : vector<16xf32> to vector<1x16xf32>
        tpu.vector_store %arg15[%swap3A_296, %swap3A_297], %swap3A_300 {strides = array<i32>} : memref<160x128xf32, #tpu.memory_space<vmem>>, vector<1x16xf32>,
        %mul3A_301 = arith.constant 4 : i32
        %mul3A_302 = arith.muli %mul3A_301, %add3A_95 : i32
        %add3A_303 = arith.constant 1 : i32
        %add3A_304 = arith.addi %mul3A_302, %add3A_303 : i32
        %get3A_305 = arith.index_cast %add3A_304 : i32 to index
        %get3A_306 = arith.constant 32 : index
        %get3A_307 = tpu.vector_load %arg15[%get3A_305, %get3A_306] {strides = array<i32>} : memref<160x128xf32, #tpu.memory_space<vmem>>, vector<1x16xf32>,
        %get3A_308 = vector.shape_cast %get3A_307 : vector<1x16xf32> to vector<16xf32>
        %add3A_309 = arith.addf %get3A_273, %get3A_285 : vector<16xf32>
        %add3A_310 = arith.addf %get3A_308, %add3A_309 : vector<16xf32>
        %mul3A_311 = arith.constant 4 : i32
        %mul3A_312 = arith.muli %mul3A_311, %add3A_95 : i32
        %add3A_313 = arith.constant 1 : i32
        %add3A_314 = arith.addi %mul3A_312, %add3A_313 : i32
        %swap3A_315 = arith.index_cast %add3A_314 : i32 to index
        %swap3A_316 = arith.constant 32 : index
        %swap3A_317 = tpu.vector_load %arg15[%swap3A_315, %swap3A_316] {strides = array<i32>} : memref<160x128xf32, #tpu.memory_space<vmem>>, vector<1x16xf32>,
        %swap3A_318 = vector.shape_cast %swap3A_317 : vector<1x16xf32> to vector<16xf32>
        %swap3A_319 = vector.shape_cast %add3A_310 : vector<16xf32> to vector<1x16xf32>
        tpu.vector_store %arg15[%swap3A_315, %swap3A_316], %swap3A_319 {strides = array<i32>} : memref<160x128xf32, #tpu.memory_space<vmem>>, vector<1x16xf32>,
        %mul3A_320 = arith.constant 4 : i32
        %mul3A_321 = arith.muli %mul3A_320, %add3A_95 : i32
        %add3A_322 = arith.constant 2 : i32
        %add3A_323 = arith.addi %mul3A_321, %add3A_322 : i32
        %get3A_324 = arith.index_cast %add3A_323 : i32 to index
        %get3A_325 = arith.constant 32 : index
        %get3A_326 = tpu.vector_load %arg15[%get3A_324, %get3A_325] {strides = array<i32>} : memref<160x128xf32, #tpu.memory_space<vmem>>, vector<1x16xf32>,
        %get3A_327 = vector.shape_cast %get3A_326 : vector<1x16xf32> to vector<16xf32>
        %add3A_328 = arith.addf %get3A_277, %get3A_281 : vector<16xf32>
        %add3A_329 = arith.addf %get3A_327, %add3A_328 : vector<16xf32>
        %mul3A_330 = arith.constant 4 : i32
        %mul3A_331 = arith.muli %mul3A_330, %add3A_95 : i32
        %add3A_332 = arith.constant 2 : i32
        %add3A_333 = arith.addi %mul3A_331, %add3A_332 : i32
        %swap3A_334 = arith.index_cast %add3A_333 : i32 to index
        %swap3A_335 = arith.constant 32 : index
        %swap3A_336 = tpu.vector_load %arg15[%swap3A_334, %swap3A_335] {strides = array<i32>} : memref<160x128xf32, #tpu.memory_space<vmem>>, vector<1x16xf32>,
        %swap3A_337 = vector.shape_cast %swap3A_336 : vector<1x16xf32> to vector<16xf32>
        %swap3A_338 = vector.shape_cast %add3A_329 : vector<16xf32> to vector<1x16xf32>
        tpu.vector_store %arg15[%swap3A_334, %swap3A_335], %swap3A_338 {strides = array<i32>} : memref<160x128xf32, #tpu.memory_space<vmem>>, vector<1x16xf32>,
        %mul3A_339 = arith.constant 4 : i32
        %mul3A_340 = arith.muli %mul3A_339, %add3A_95 : i32
        %add3A_341 = arith.constant 3 : i32
        %add3A_342 = arith.addi %mul3A_340, %add3A_341 : i32
        %get3A_343 = arith.index_cast %add3A_342 : i32 to index
        %get3A_344 = arith.constant 32 : index
        %get3A_345 = tpu.vector_load %arg15[%get3A_343, %get3A_344] {strides = array<i32>} : memref<160x128xf32, #tpu.memory_space<vmem>>, vector<1x16xf32>,
        %get3A_346 = vector.shape_cast %get3A_345 : vector<1x16xf32> to vector<16xf32>
        %add3A_347 = arith.addf %get3A_277, %get3A_285 : vector<16xf32>
        %add3A_348 = arith.addf %get3A_346, %add3A_347 : vector<16xf32>
        %mul3A_349 = arith.constant 4 : i32
        %mul3A_350 = arith.muli %mul3A_349, %add3A_95 : i32
        %add3A_351 = arith.constant 3 : i32
        %add3A_352 = arith.addi %mul3A_350, %add3A_351 : i32
        %swap3A_353 = arith.index_cast %add3A_352 : i32 to index
        %swap3A_354 = arith.constant 32 : index
        %swap3A_355 = tpu.vector_load %arg15[%swap3A_353, %swap3A_354] {strides = array<i32>} : memref<160x128xf32, #tpu.memory_space<vmem>>, vector<1x16xf32>,
        %swap3A_356 = vector.shape_cast %swap3A_355 : vector<1x16xf32> to vector<16xf32>
        %swap3A_357 = vector.shape_cast %add3A_348 : vector<16xf32> to vector<1x16xf32>
        tpu.vector_store %arg15[%swap3A_353, %swap3A_354], %swap3A_357 {strides = array<i32>} : memref<160x128xf32, #tpu.memory_space<vmem>>, vector<1x16xf32>,
        %get3A_358 = arith.index_cast %add3A_95 : i32 to index
        %get3A_359 = arith.constant 48 : index
        %get3A_360 = tpu.vector_load %arg11[%get3A_358, %get3A_359] {strides = array<i32>} : memref<40x256xf32, #tpu.memory_space<vmem>>, vector<1x16xf32>,
        %get3A_361 = vector.shape_cast %get3A_360 : vector<1x16xf32> to vector<16xf32>
        %get3A_362 = arith.index_cast %add3A_95 : i32 to index
        %get3A_363 = arith.constant 176 : index
        %get3A_364 = tpu.vector_load %arg11[%get3A_362, %get3A_363] {strides = array<i32>} : memref<40x256xf32, #tpu.memory_space<vmem>>, vector<1x16xf32>,
        %get3A_365 = vector.shape_cast %get3A_364 : vector<1x16xf32> to vector<16xf32>
        %get3A_366 = arith.index_cast %add3A_95 : i32 to index
        %get3A_367 = arith.constant 48 : index
        %get3A_368 = tpu.vector_load %arg13[%get3A_366, %get3A_367] {strides = array<i32>} : memref<40x256xf32, #tpu.memory_space<vmem>>, vector<1x16xf32>,
        %get3A_369 = vector.shape_cast %get3A_368 : vector<1x16xf32> to vector<16xf32>
        %get3A_370 = arith.index_cast %add3A_95 : i32 to index
        %get3A_371 = arith.constant 176 : index
        %get3A_372 = tpu.vector_load %arg13[%get3A_370, %get3A_371] {strides = array<i32>} : memref<40x256xf32, #tpu.memory_space<vmem>>, vector<1x16xf32>,
        %get3A_373 = vector.shape_cast %get3A_372 : vector<1x16xf32> to vector<16xf32>
        %mul3A_374 = arith.constant 4 : i32
        %mul3A_375 = arith.muli %mul3A_374, %add3A_95 : i32
        %get3A_376 = arith.index_cast %mul3A_375 : i32 to index
        %get3A_377 = arith.constant 48 : index
        %get3A_378 = tpu.vector_load %arg15[%get3A_376, %get3A_377] {strides = array<i32>} : memref<160x128xf32, #tpu.memory_space<vmem>>, vector<1x16xf32>,
        %get3A_379 = vector.shape_cast %get3A_378 : vector<1x16xf32> to vector<16xf32>
        %add3A_380 = arith.addf %get3A_361, %get3A_369 : vector<16xf32>
        %add3A_381 = arith.addf %get3A_379, %add3A_380 : vector<16xf32>
        %mul3A_382 = arith.constant 4 : i32
        %mul3A_383 = arith.muli %mul3A_382, %add3A_95 : i32
        %swap3A_384 = arith.index_cast %mul3A_383 : i32 to index
        %swap3A_385 = arith.constant 48 : index
        %swap3A_386 = tpu.vector_load %arg15[%swap3A_384, %swap3A_385] {strides = array<i32>} : memref<160x128xf32, #tpu.memory_space<vmem>>, vector<1x16xf32>,
        %swap3A_387 = vector.shape_cast %swap3A_386 : vector<1x16xf32> to vector<16xf32>
        %swap3A_388 = vector.shape_cast %add3A_381 : vector<16xf32> to vector<1x16xf32>
        tpu.vector_store %arg15[%swap3A_384, %swap3A_385], %swap3A_388 {strides = array<i32>} : memref<160x128xf32, #tpu.memory_space<vmem>>, vector<1x16xf32>,
        %mul3A_389 = arith.constant 4 : i32
        %mul3A_390 = arith.muli %mul3A_389, %add3A_95 : i32
        %add3A_391 = arith.constant 1 : i32
        %add3A_392 = arith.addi %mul3A_390, %add3A_391 : i32
        %get3A_393 = arith.index_cast %add3A_392 : i32 to index
        %get3A_394 = arith.constant 48 : index
        %get3A_395 = tpu.vector_load %arg15[%get3A_393, %get3A_394] {strides = array<i32>} : memref<160x128xf32, #tpu.memory_space<vmem>>, vector<1x16xf32>,
        %get3A_396 = vector.shape_cast %get3A_395 : vector<1x16xf32> to vector<16xf32>
        %add3A_397 = arith.addf %get3A_361, %get3A_373 : vector<16xf32>
        %add3A_398 = arith.addf %get3A_396, %add3A_397 : vector<16xf32>
        %mul3A_399 = arith.constant 4 : i32
        %mul3A_400 = arith.muli %mul3A_399, %add3A_95 : i32
        %add3A_401 = arith.constant 1 : i32
        %add3A_402 = arith.addi %mul3A_400, %add3A_401 : i32
        %swap3A_403 = arith.index_cast %add3A_402 : i32 to index
        %swap3A_404 = arith.constant 48 : index
        %swap3A_405 = tpu.vector_load %arg15[%swap3A_403, %swap3A_404] {strides = array<i32>} : memref<160x128xf32, #tpu.memory_space<vmem>>, vector<1x16xf32>,
        %swap3A_406 = vector.shape_cast %swap3A_405 : vector<1x16xf32> to vector<16xf32>
        %swap3A_407 = vector.shape_cast %add3A_398 : vector<16xf32> to vector<1x16xf32>
        tpu.vector_store %arg15[%swap3A_403, %swap3A_404], %swap3A_407 {strides = array<i32>} : memref<160x128xf32, #tpu.memory_space<vmem>>, vector<1x16xf32>,
        %mul3A_408 = arith.constant 4 : i32
        %mul3A_409 = arith.muli %mul3A_408, %add3A_95 : i32
        %add3A_410 = arith.constant 2 : i32
        %add3A_411 = arith.addi %mul3A_409, %add3A_410 : i32
        %get3A_412 = arith.index_cast %add3A_411 : i32 to index
        %get3A_413 = arith.constant 48 : index
        %get3A_414 = tpu.vector_load %arg15[%get3A_412, %get3A_413] {strides = array<i32>} : memref<160x128xf32, #tpu.memory_space<vmem>>, vector<1x16xf32>,
        %get3A_415 = vector.shape_cast %get3A_414 : vector<1x16xf32> to vector<16xf32>
        %add3A_416 = arith.addf %get3A_365, %get3A_369 : vector<16xf32>
        %add3A_417 = arith.addf %get3A_415, %add3A_416 : vector<16xf32>
        %mul3A_418 = arith.constant 4 : i32
        %mul3A_419 = arith.muli %mul3A_418, %add3A_95 : i32
        %add3A_420 = arith.constant 2 : i32
        %add3A_421 = arith.addi %mul3A_419, %add3A_420 : i32
        %swap3A_422 = arith.index_cast %add3A_421 : i32 to index
        %swap3A_423 = arith.constant 48 : index
        %swap3A_424 = tpu.vector_load %arg15[%swap3A_422, %swap3A_423] {strides = array<i32>} : memref<160x128xf32, #tpu.memory_space<vmem>>, vector<1x16xf32>,
        %swap3A_425 = vector.shape_cast %swap3A_424 : vector<1x16xf32> to vector<16xf32>
        %swap3A_426 = vector.shape_cast %add3A_417 : vector<16xf32> to vector<1x16xf32>
        tpu.vector_store %arg15[%swap3A_422, %swap3A_423], %swap3A_426 {strides = array<i32>} : memref<160x128xf32, #tpu.memory_space<vmem>>, vector<1x16xf32>,
        %mul3A_427 = arith.constant 4 : i32
        %mul3A_428 = arith.muli %mul3A_427, %add3A_95 : i32
        %add3A_429 = arith.constant 3 : i32
        %add3A_430 = arith.addi %mul3A_428, %add3A_429 : i32
        %get3A_431 = arith.index_cast %add3A_430 : i32 to index
        %get3A_432 = arith.constant 48 : index
        %get3A_433 = tpu.vector_load %arg15[%get3A_431, %get3A_432] {strides = array<i32>} : memref<160x128xf32, #tpu.memory_space<vmem>>, vector<1x16xf32>,
        %get3A_434 = vector.shape_cast %get3A_433 : vector<1x16xf32> to vector<16xf32>
        %add3A_435 = arith.addf %get3A_365, %get3A_373 : vector<16xf32>
        %add3A_436 = arith.addf %get3A_434, %add3A_435 : vector<16xf32>
        %mul3A_437 = arith.constant 4 : i32
        %mul3A_438 = arith.muli %mul3A_437, %add3A_95 : i32
        %add3A_439 = arith.constant 3 : i32
        %add3A_440 = arith.addi %mul3A_438, %add3A_439 : i32
        %swap3A_441 = arith.index_cast %add3A_440 : i32 to index
        %swap3A_442 = arith.constant 48 : index
        %swap3A_443 = tpu.vector_load %arg15[%swap3A_441, %swap3A_442] {strides = array<i32>} : memref<160x128xf32, #tpu.memory_space<vmem>>, vector<1x16xf32>,
        %swap3A_444 = vector.shape_cast %swap3A_443 : vector<1x16xf32> to vector<16xf32>
        %swap3A_445 = vector.shape_cast %add3A_436 : vector<16xf32> to vector<1x16xf32>
        tpu.vector_store %arg15[%swap3A_441, %swap3A_442], %swap3A_445 {strides = array<i32>} : memref<160x128xf32, #tpu.memory_space<vmem>>, vector<1x16xf32>,
        %get3A_446 = arith.index_cast %add3A_95 : i32 to index
        %get3A_447 = arith.constant 64 : index
        %get3A_448 = tpu.vector_load %arg11[%get3A_446, %get3A_447] {strides = array<i32>} : memref<40x256xf32, #tpu.memory_space<vmem>>, vector<1x16xf32>,
        %get3A_449 = vector.shape_cast %get3A_448 : vector<1x16xf32> to vector<16xf32>
        %get3A_450 = arith.index_cast %add3A_95 : i32 to index
        %get3A_451 = arith.constant 192 : index
        %get3A_452 = tpu.vector_load %arg11[%get3A_450, %get3A_451] {strides = array<i32>} : memref<40x256xf32, #tpu.memory_space<vmem>>, vector<1x16xf32>,
        %get3A_453 = vector.shape_cast %get3A_452 : vector<1x16xf32> to vector<16xf32>
        %get3A_454 = arith.index_cast %add3A_95 : i32 to index
        %get3A_455 = arith.constant 64 : index
        %get3A_456 = tpu.vector_load %arg13[%get3A_454, %get3A_455] {strides = array<i32>} : memref<40x256xf32, #tpu.memory_space<vmem>>, vector<1x16xf32>,
        %get3A_457 = vector.shape_cast %get3A_456 : vector<1x16xf32> to vector<16xf32>
        %get3A_458 = arith.index_cast %add3A_95 : i32 to index
        %get3A_459 = arith.constant 192 : index
        %get3A_460 = tpu.vector_load %arg13[%get3A_458, %get3A_459] {strides = array<i32>} : memref<40x256xf32, #tpu.memory_space<vmem>>, vector<1x16xf32>,
        %get3A_461 = vector.shape_cast %get3A_460 : vector<1x16xf32> to vector<16xf32>
        %mul3A_462 = arith.constant 4 : i32
        %mul3A_463 = arith.muli %mul3A_462, %add3A_95 : i32
        %get3A_464 = arith.index_cast %mul3A_463 : i32 to index
        %get3A_465 = arith.constant 64 : index
        %get3A_466 = tpu.vector_load %arg15[%get3A_464, %get3A_465] {strides = array<i32>} : memref<160x128xf32, #tpu.memory_space<vmem>>, vector<1x16xf32>,
        %get3A_467 = vector.shape_cast %get3A_466 : vector<1x16xf32> to vector<16xf32>
        %add3A_468 = arith.addf %get3A_449, %get3A_457 : vector<16xf32>
        %add3A_469 = arith.addf %get3A_467, %add3A_468 : vector<16xf32>
        %mul3A_470 = arith.constant 4 : i32
        %mul3A_471 = arith.muli %mul3A_470, %add3A_95 : i32
        %swap3A_472 = arith.index_cast %mul3A_471 : i32 to index
        %swap3A_473 = arith.constant 64 : index
        %swap3A_474 = tpu.vector_load %arg15[%swap3A_472, %swap3A_473] {strides = array<i32>} : memref<160x128xf32, #tpu.memory_space<vmem>>, vector<1x16xf32>,
        %swap3A_475 = vector.shape_cast %swap3A_474 : vector<1x16xf32> to vector<16xf32>
        %swap3A_476 = vector.shape_cast %add3A_469 : vector<16xf32> to vector<1x16xf32>
        tpu.vector_store %arg15[%swap3A_472, %swap3A_473], %swap3A_476 {strides = array<i32>} : memref<160x128xf32, #tpu.memory_space<vmem>>, vector<1x16xf32>,
        %mul3A_477 = arith.constant 4 : i32
        %mul3A_478 = arith.muli %mul3A_477, %add3A_95 : i32
        %add3A_479 = arith.constant 1 : i32
        %add3A_480 = arith.addi %mul3A_478, %add3A_479 : i32
        %get3A_481 = arith.index_cast %add3A_480 : i32 to index
        %get3A_482 = arith.constant 64 : index
        %get3A_483 = tpu.vector_load %arg15[%get3A_481, %get3A_482] {strides = array<i32>} : memref<160x128xf32, #tpu.memory_space<vmem>>, vector<1x16xf32>,
        %get3A_484 = vector.shape_cast %get3A_483 : vector<1x16xf32> to vector<16xf32>
        %add3A_485 = arith.addf %get3A_449, %get3A_461 : vector<16xf32>
        %add3A_486 = arith.addf %get3A_484, %add3A_485 : vector<16xf32>
        %mul3A_487 = arith.constant 4 : i32
        %mul3A_488 = arith.muli %mul3A_487, %add3A_95 : i32
        %add3A_489 = arith.constant 1 : i32
        %add3A_490 = arith.addi %mul3A_488, %add3A_489 : i32
        %swap3A_491 = arith.index_cast %add3A_490 : i32 to index
        %swap3A_492 = arith.constant 64 : index
        %swap3A_493 = tpu.vector_load %arg15[%swap3A_491, %swap3A_492] {strides = array<i32>} : memref<160x128xf32, #tpu.memory_space<vmem>>, vector<1x16xf32>,
        %swap3A_494 = vector.shape_cast %swap3A_493 : vector<1x16xf32> to vector<16xf32>
        %swap3A_495 = vector.shape_cast %add3A_486 : vector<16xf32> to vector<1x16xf32>
        tpu.vector_store %arg15[%swap3A_491, %swap3A_492], %swap3A_495 {strides = array<i32>} : memref<160x128xf32, #tpu.memory_space<vmem>>, vector<1x16xf32>,
        %mul3A_496 = arith.constant 4 : i32
        %mul3A_497 = arith.muli %mul3A_496, %add3A_95 : i32
        %add3A_498 = arith.constant 2 : i32
        %add3A_499 = arith.addi %mul3A_497, %add3A_498 : i32
        %get3A_500 = arith.index_cast %add3A_499 : i32 to index
        %get3A_501 = arith.constant 64 : index
        %get3A_502 = tpu.vector_load %arg15[%get3A_500, %get3A_501] {strides = array<i32>} : memref<160x128xf32, #tpu.memory_space<vmem>>, vector<1x16xf32>,
        %get3A_503 = vector.shape_cast %get3A_502 : vector<1x16xf32> to vector<16xf32>
        %add3A_504 = arith.addf %get3A_453, %get3A_457 : vector<16xf32>
        %add3A_505 = arith.addf %get3A_503, %add3A_504 : vector<16xf32>
        %mul3A_506 = arith.constant 4 : i32
        %mul3A_507 = arith.muli %mul3A_506, %add3A_95 : i32
        %add3A_508 = arith.constant 2 : i32
        %add3A_509 = arith.addi %mul3A_507, %add3A_508 : i32
        %swap3A_510 = arith.index_cast %add3A_509 : i32 to index
        %swap3A_511 = arith.constant 64 : index
        %swap3A_512 = tpu.vector_load %arg15[%swap3A_510, %swap3A_511] {strides = array<i32>} : memref<160x128xf32, #tpu.memory_space<vmem>>, vector<1x16xf32>,
        %swap3A_513 = vector.shape_cast %swap3A_512 : vector<1x16xf32> to vector<16xf32>
        %swap3A_514 = vector.shape_cast %add3A_505 : vector<16xf32> to vector<1x16xf32>
        tpu.vector_store %arg15[%swap3A_510, %swap3A_511], %swap3A_514 {strides = array<i32>} : memref<160x128xf32, #tpu.memory_space<vmem>>, vector<1x16xf32>,
        %mul3A_515 = arith.constant 4 : i32
        %mul3A_516 = arith.muli %mul3A_515, %add3A_95 : i32
        %add3A_517 = arith.constant 3 : i32
        %add3A_518 = arith.addi %mul3A_516, %add3A_517 : i32
        %get3A_519 = arith.index_cast %add3A_518 : i32 to index
        %get3A_520 = arith.constant 64 : index
        %get3A_521 = tpu.vector_load %arg15[%get3A_519, %get3A_520] {strides = array<i32>} : memref<160x128xf32, #tpu.memory_space<vmem>>, vector<1x16xf32>,
        %get3A_522 = vector.shape_cast %get3A_521 : vector<1x16xf32> to vector<16xf32>
        %add3A_523 = arith.addf %get3A_453, %get3A_461 : vector<16xf32>
        %add3A_524 = arith.addf %get3A_522, %add3A_523 : vector<16xf32>
        %mul3A_525 = arith.constant 4 : i32
        %mul3A_526 = arith.muli %mul3A_525, %add3A_95 : i32
        %add3A_527 = arith.constant 3 : i32
        %add3A_528 = arith.addi %mul3A_526, %add3A_527 : i32
        %swap3A_529 = arith.index_cast %add3A_528 : i32 to index
        %swap3A_530 = arith.constant 64 : index
        %swap3A_531 = tpu.vector_load %arg15[%swap3A_529, %swap3A_530] {strides = array<i32>} : memref<160x128xf32, #tpu.memory_space<vmem>>, vector<1x16xf32>,
        %swap3A_532 = vector.shape_cast %swap3A_531 : vector<1x16xf32> to vector<16xf32>
        %swap3A_533 = vector.shape_cast %add3A_524 : vector<16xf32> to vector<1x16xf32>
        tpu.vector_store %arg15[%swap3A_529, %swap3A_530], %swap3A_533 {strides = array<i32>} : memref<160x128xf32, #tpu.memory_space<vmem>>, vector<1x16xf32>,
        %get3A_534 = arith.index_cast %add3A_95 : i32 to index
        %get3A_535 = arith.constant 80 : index
        %get3A_536 = tpu.vector_load %arg11[%get3A_534, %get3A_535] {strides = array<i32>} : memref<40x256xf32, #tpu.memory_space<vmem>>, vector<1x16xf32>,
        %get3A_537 = vector.shape_cast %get3A_536 : vector<1x16xf32> to vector<16xf32>
        %get3A_538 = arith.index_cast %add3A_95 : i32 to index
        %get3A_539 = arith.constant 208 : index
        %get3A_540 = tpu.vector_load %arg11[%get3A_538, %get3A_539] {strides = array<i32>} : memref<40x256xf32, #tpu.memory_space<vmem>>, vector<1x16xf32>,
        %get3A_541 = vector.shape_cast %get3A_540 : vector<1x16xf32> to vector<16xf32>
        %get3A_542 = arith.index_cast %add3A_95 : i32 to index
        %get3A_543 = arith.constant 80 : index
        %get3A_544 = tpu.vector_load %arg13[%get3A_542, %get3A_543] {strides = array<i32>} : memref<40x256xf32, #tpu.memory_space<vmem>>, vector<1x16xf32>,
        %get3A_545 = vector.shape_cast %get3A_544 : vector<1x16xf32> to vector<16xf32>
        %get3A_546 = arith.index_cast %add3A_95 : i32 to index
        %get3A_547 = arith.constant 208 : index
        %get3A_548 = tpu.vector_load %arg13[%get3A_546, %get3A_547] {strides = array<i32>} : memref<40x256xf32, #tpu.memory_space<vmem>>, vector<1x16xf32>,
        %get3A_549 = vector.shape_cast %get3A_548 : vector<1x16xf32> to vector<16xf32>
        %mul3A_550 = arith.constant 4 : i32
        %mul3A_551 = arith.muli %mul3A_550, %add3A_95 : i32
        %get3A_552 = arith.index_cast %mul3A_551 : i32 to index
        %get3A_553 = arith.constant 80 : index
        %get3A_554 = tpu.vector_load %arg15[%get3A_552, %get3A_553] {strides = array<i32>} : memref<160x128xf32, #tpu.memory_space<vmem>>, vector<1x16xf32>,
        %get3A_555 = vector.shape_cast %get3A_554 : vector<1x16xf32> to vector<16xf32>
        %add3A_556 = arith.addf %get3A_537, %get3A_545 : vector<16xf32>
        %add3A_557 = arith.addf %get3A_555, %add3A_556 : vector<16xf32>
        %mul3A_558 = arith.constant 4 : i32
        %mul3A_559 = arith.muli %mul3A_558, %add3A_95 : i32
        %swap3A_560 = arith.index_cast %mul3A_559 : i32 to index
        %swap3A_561 = arith.constant 80 : index
        %swap3A_562 = tpu.vector_load %arg15[%swap3A_560, %swap3A_561] {strides = array<i32>} : memref<160x128xf32, #tpu.memory_space<vmem>>, vector<1x16xf32>,
        %swap3A_563 = vector.shape_cast %swap3A_562 : vector<1x16xf32> to vector<16xf32>
        %swap3A_564 = vector.shape_cast %add3A_557 : vector<16xf32> to vector<1x16xf32>
        tpu.vector_store %arg15[%swap3A_560, %swap3A_561], %swap3A_564 {strides = array<i32>} : memref<160x128xf32, #tpu.memory_space<vmem>>, vector<1x16xf32>,
        %mul3A_565 = arith.constant 4 : i32
        %mul3A_566 = arith.muli %mul3A_565, %add3A_95 : i32
        %add3A_567 = arith.constant 1 : i32
        %add3A_568 = arith.addi %mul3A_566, %add3A_567 : i32
        %get3A_569 = arith.index_cast %add3A_568 : i32 to index
        %get3A_570 = arith.constant 80 : index
        %get3A_571 = tpu.vector_load %arg15[%get3A_569, %get3A_570] {strides = array<i32>} : memref<160x128xf32, #tpu.memory_space<vmem>>, vector<1x16xf32>,
        %get3A_572 = vector.shape_cast %get3A_571 : vector<1x16xf32> to vector<16xf32>
        %add3A_573 = arith.addf %get3A_537, %get3A_549 : vector<16xf32>
        %add3A_574 = arith.addf %get3A_572, %add3A_573 : vector<16xf32>
        %mul3A_575 = arith.constant 4 : i32
        %mul3A_576 = arith.muli %mul3A_575, %add3A_95 : i32
        %add3A_577 = arith.constant 1 : i32
        %add3A_578 = arith.addi %mul3A_576, %add3A_577 : i32
        %swap3A_579 = arith.index_cast %add3A_578 : i32 to index
        %swap3A_580 = arith.constant 80 : index
        %swap3A_581 = tpu.vector_load %arg15[%swap3A_579, %swap3A_580] {strides = array<i32>} : memref<160x128xf32, #tpu.memory_space<vmem>>, vector<1x16xf32>,
        %swap3A_582 = vector.shape_cast %swap3A_581 : vector<1x16xf32> to vector<16xf32>
        %swap3A_583 = vector.shape_cast %add3A_574 : vector<16xf32> to vector<1x16xf32>
        tpu.vector_store %arg15[%swap3A_579, %swap3A_580], %swap3A_583 {strides = array<i32>} : memref<160x128xf32, #tpu.memory_space<vmem>>, vector<1x16xf32>,
        %mul3A_584 = arith.constant 4 : i32
        %mul3A_585 = arith.muli %mul3A_584, %add3A_95 : i32
        %add3A_586 = arith.constant 2 : i32
        %add3A_587 = arith.addi %mul3A_585, %add3A_586 : i32
        %get3A_588 = arith.index_cast %add3A_587 : i32 to index
        %get3A_589 = arith.constant 80 : index
        %get3A_590 = tpu.vector_load %arg15[%get3A_588, %get3A_589] {strides = array<i32>} : memref<160x128xf32, #tpu.memory_space<vmem>>, vector<1x16xf32>,
        %get3A_591 = vector.shape_cast %get3A_590 : vector<1x16xf32> to vector<16xf32>
        %add3A_592 = arith.addf %get3A_541, %get3A_545 : vector<16xf32>
        %add3A_593 = arith.addf %get3A_591, %add3A_592 : vector<16xf32>
        %mul3A_594 = arith.constant 4 : i32
        %mul3A_595 = arith.muli %mul3A_594, %add3A_95 : i32
        %add3A_596 = arith.constant 2 : i32
        %add3A_597 = arith.addi %mul3A_595, %add3A_596 : i32
        %swap3A_598 = arith.index_cast %add3A_597 : i32 to index
        %swap3A_599 = arith.constant 80 : index
        %swap3A_600 = tpu.vector_load %arg15[%swap3A_598, %swap3A_599] {strides = array<i32>} : memref<160x128xf32, #tpu.memory_space<vmem>>, vector<1x16xf32>,
        %swap3A_601 = vector.shape_cast %swap3A_600 : vector<1x16xf32> to vector<16xf32>
        %swap3A_602 = vector.shape_cast %add3A_593 : vector<16xf32> to vector<1x16xf32>
        tpu.vector_store %arg15[%swap3A_598, %swap3A_599], %swap3A_602 {strides = array<i32>} : memref<160x128xf32, #tpu.memory_space<vmem>>, vector<1x16xf32>,
        %mul3A_603 = arith.constant 4 : i32
        %mul3A_604 = arith.muli %mul3A_603, %add3A_95 : i32
        %add3A_605 = arith.constant 3 : i32
        %add3A_606 = arith.addi %mul3A_604, %add3A_605 : i32
        %get3A_607 = arith.index_cast %add3A_606 : i32 to index
        %get3A_608 = arith.constant 80 : index
        %get3A_609 = tpu.vector_load %arg15[%get3A_607, %get3A_608] {strides = array<i32>} : memref<160x128xf32, #tpu.memory_space<vmem>>, vector<1x16xf32>,
        %get3A_610 = vector.shape_cast %get3A_609 : vector<1x16xf32> to vector<16xf32>
        %add3A_611 = arith.addf %get3A_541, %get3A_549 : vector<16xf32>
        %add3A_612 = arith.addf %get3A_610, %add3A_611 : vector<16xf32>
        %mul3A_613 = arith.constant 4 : i32
        %mul3A_614 = arith.muli %mul3A_613, %add3A_95 : i32
        %add3A_615 = arith.constant 3 : i32
        %add3A_616 = arith.addi %mul3A_614, %add3A_615 : i32
        %swap3A_617 = arith.index_cast %add3A_616 : i32 to index
        %swap3A_618 = arith.constant 80 : index
        %swap3A_619 = tpu.vector_load %arg15[%swap3A_617, %swap3A_618] {strides = array<i32>} : memref<160x128xf32, #tpu.memory_space<vmem>>, vector<1x16xf32>,
        %swap3A_620 = vector.shape_cast %swap3A_619 : vector<1x16xf32> to vector<16xf32>
        %swap3A_621 = vector.shape_cast %add3A_612 : vector<16xf32> to vector<1x16xf32>
        tpu.vector_store %arg15[%swap3A_617, %swap3A_618], %swap3A_621 {strides = array<i32>} : memref<160x128xf32, #tpu.memory_space<vmem>>, vector<1x16xf32>,
        %get3A_622 = arith.index_cast %add3A_95 : i32 to index
        %get3A_623 = arith.constant 96 : index
        %get3A_624 = tpu.vector_load %arg11[%get3A_622, %get3A_623] {strides = array<i32>} : memref<40x256xf32, #tpu.memory_space<vmem>>, vector<1x16xf32>,
        %get3A_625 = vector.shape_cast %get3A_624 : vector<1x16xf32> to vector<16xf32>
        %get3A_626 = arith.index_cast %add3A_95 : i32 to index
        %get3A_627 = arith.constant 224 : index
        %get3A_628 = tpu.vector_load %arg11[%get3A_626, %get3A_627] {strides = array<i32>} : memref<40x256xf32, #tpu.memory_space<vmem>>, vector<1x16xf32>,
        %get3A_629 = vector.shape_cast %get3A_628 : vector<1x16xf32> to vector<16xf32>
        %get3A_630 = arith.index_cast %add3A_95 : i32 to index
        %get3A_631 = arith.constant 96 : index
        %get3A_632 = tpu.vector_load %arg13[%get3A_630, %get3A_631] {strides = array<i32>} : memref<40x256xf32, #tpu.memory_space<vmem>>, vector<1x16xf32>,
        %get3A_633 = vector.shape_cast %get3A_632 : vector<1x16xf32> to vector<16xf32>
        %get3A_634 = arith.index_cast %add3A_95 : i32 to index
        %get3A_635 = arith.constant 224 : index
        %get3A_636 = tpu.vector_load %arg13[%get3A_634, %get3A_635] {strides = array<i32>} : memref<40x256xf32, #tpu.memory_space<vmem>>, vector<1x16xf32>,
        %get3A_637 = vector.shape_cast %get3A_636 : vector<1x16xf32> to vector<16xf32>
        %mul3A_638 = arith.constant 4 : i32
        %mul3A_639 = arith.muli %mul3A_638, %add3A_95 : i32
        %get3A_640 = arith.index_cast %mul3A_639 : i32 to index
        %get3A_641 = arith.constant 96 : index
        %get3A_642 = tpu.vector_load %arg15[%get3A_640, %get3A_641] {strides = array<i32>} : memref<160x128xf32, #tpu.memory_space<vmem>>, vector<1x16xf32>,
        %get3A_643 = vector.shape_cast %get3A_642 : vector<1x16xf32> to vector<16xf32>
        %add3A_644 = arith.addf %get3A_625, %get3A_633 : vector<16xf32>
        %add3A_645 = arith.addf %get3A_643, %add3A_644 : vector<16xf32>
        %mul3A_646 = arith.constant 4 : i32
        %mul3A_647 = arith.muli %mul3A_646, %add3A_95 : i32
        %swap3A_648 = arith.index_cast %mul3A_647 : i32 to index
        %swap3A_649 = arith.constant 96 : index
        %swap3A_650 = tpu.vector_load %arg15[%swap3A_648, %swap3A_649] {strides = array<i32>} : memref<160x128xf32, #tpu.memory_space<vmem>>, vector<1x16xf32>,
        %swap3A_651 = vector.shape_cast %swap3A_650 : vector<1x16xf32> to vector<16xf32>
        %swap3A_652 = vector.shape_cast %add3A_645 : vector<16xf32> to vector<1x16xf32>
        tpu.vector_store %arg15[%swap3A_648, %swap3A_649], %swap3A_652 {strides = array<i32>} : memref<160x128xf32, #tpu.memory_space<vmem>>, vector<1x16xf32>,
        %mul3A_653 = arith.constant 4 : i32
        %mul3A_654 = arith.muli %mul3A_653, %add3A_95 : i32
        %add3A_655 = arith.constant 1 : i32
        %add3A_656 = arith.addi %mul3A_654, %add3A_655 : i32
        %get3A_657 = arith.index_cast %add3A_656 : i32 to index
        %get3A_658 = arith.constant 96 : index
        %get3A_659 = tpu.vector_load %arg15[%get3A_657, %get3A_658] {strides = array<i32>} : memref<160x128xf32, #tpu.memory_space<vmem>>, vector<1x16xf32>,
        %get3A_660 = vector.shape_cast %get3A_659 : vector<1x16xf32> to vector<16xf32>
        %add3A_661 = arith.addf %get3A_625, %get3A_637 : vector<16xf32>
        %add3A_662 = arith.addf %get3A_660, %add3A_661 : vector<16xf32>
        %mul3A_663 = arith.constant 4 : i32
        %mul3A_664 = arith.muli %mul3A_663, %add3A_95 : i32
        %add3A_665 = arith.constant 1 : i32
        %add3A_666 = arith.addi %mul3A_664, %add3A_665 : i32
        %swap3A_667 = arith.index_cast %add3A_666 : i32 to index
        %swap3A_668 = arith.constant 96 : index
        %swap3A_669 = tpu.vector_load %arg15[%swap3A_667, %swap3A_668] {strides = array<i32>} : memref<160x128xf32, #tpu.memory_space<vmem>>, vector<1x16xf32>,
        %swap3A_670 = vector.shape_cast %swap3A_669 : vector<1x16xf32> to vector<16xf32>
        %swap3A_671 = vector.shape_cast %add3A_662 : vector<16xf32> to vector<1x16xf32>
        tpu.vector_store %arg15[%swap3A_667, %swap3A_668], %swap3A_671 {strides = array<i32>} : memref<160x128xf32, #tpu.memory_space<vmem>>, vector<1x16xf32>,
        %mul3A_672 = arith.constant 4 : i32
        %mul3A_673 = arith.muli %mul3A_672, %add3A_95 : i32
        %add3A_674 = arith.constant 2 : i32
        %add3A_675 = arith.addi %mul3A_673, %add3A_674 : i32
        %get3A_676 = arith.index_cast %add3A_675 : i32 to index
        %get3A_677 = arith.constant 96 : index
        %get3A_678 = tpu.vector_load %arg15[%get3A_676, %get3A_677] {strides = array<i32>} : memref<160x128xf32, #tpu.memory_space<vmem>>, vector<1x16xf32>,
        %get3A_679 = vector.shape_cast %get3A_678 : vector<1x16xf32> to vector<16xf32>
        %add3A_680 = arith.addf %get3A_629, %get3A_633 : vector<16xf32>
        %add3A_681 = arith.addf %get3A_679, %add3A_680 : vector<16xf32>
        %mul3A_682 = arith.constant 4 : i32
        %mul3A_683 = arith.muli %mul3A_682, %add3A_95 : i32
        %add3A_684 = arith.constant 2 : i32
        %add3A_685 = arith.addi %mul3A_683, %add3A_684 : i32
        %swap3A_686 = arith.index_cast %add3A_685 : i32 to index
        %swap3A_687 = arith.constant 96 : index
        %swap3A_688 = tpu.vector_load %arg15[%swap3A_686, %swap3A_687] {strides = array<i32>} : memref<160x128xf32, #tpu.memory_space<vmem>>, vector<1x16xf32>,
        %swap3A_689 = vector.shape_cast %swap3A_688 : vector<1x16xf32> to vector<16xf32>
        %swap3A_690 = vector.shape_cast %add3A_681 : vector<16xf32> to vector<1x16xf32>
        tpu.vector_store %arg15[%swap3A_686, %swap3A_687], %swap3A_690 {strides = array<i32>} : memref<160x128xf32, #tpu.memory_space<vmem>>, vector<1x16xf32>,
        %mul3A_691 = arith.constant 4 : i32
        %mul3A_692 = arith.muli %mul3A_691, %add3A_95 : i32
        %add3A_693 = arith.constant 3 : i32
        %add3A_694 = arith.addi %mul3A_692, %add3A_693 : i32
        %get3A_695 = arith.index_cast %add3A_694 : i32 to index
        %get3A_696 = arith.constant 96 : index
        %get3A_697 = tpu.vector_load %arg15[%get3A_695, %get3A_696] {strides = array<i32>} : memref<160x128xf32, #tpu.memory_space<vmem>>, vector<1x16xf32>,
        %get3A_698 = vector.shape_cast %get3A_697 : vector<1x16xf32> to vector<16xf32>
        %add3A_699 = arith.addf %get3A_629, %get3A_637 : vector<16xf32>
        %add3A_700 = arith.addf %get3A_698, %add3A_699 : vector<16xf32>
        %mul3A_701 = arith.constant 4 : i32
        %mul3A_702 = arith.muli %mul3A_701, %add3A_95 : i32
        %add3A_703 = arith.constant 3 : i32
        %add3A_704 = arith.addi %mul3A_702, %add3A_703 : i32
        %swap3A_705 = arith.index_cast %add3A_704 : i32 to index
        %swap3A_706 = arith.constant 96 : index
        %swap3A_707 = tpu.vector_load %arg15[%swap3A_705, %swap3A_706] {strides = array<i32>} : memref<160x128xf32, #tpu.memory_space<vmem>>, vector<1x16xf32>,
        %swap3A_708 = vector.shape_cast %swap3A_707 : vector<1x16xf32> to vector<16xf32>
        %swap3A_709 = vector.shape_cast %add3A_700 : vector<16xf32> to vector<1x16xf32>
        tpu.vector_store %arg15[%swap3A_705, %swap3A_706], %swap3A_709 {strides = array<i32>} : memref<160x128xf32, #tpu.memory_space<vmem>>, vector<1x16xf32>,
        %get3A_710 = arith.index_cast %add3A_95 : i32 to index
        %get3A_711 = arith.constant 112 : index
        %get3A_712 = tpu.vector_load %arg11[%get3A_710, %get3A_711] {strides = array<i32>} : memref<40x256xf32, #tpu.memory_space<vmem>>, vector<1x16xf32>,
        %get3A_713 = vector.shape_cast %get3A_712 : vector<1x16xf32> to vector<16xf32>
        %get3A_714 = arith.index_cast %add3A_95 : i32 to index
        %get3A_715 = arith.constant 240 : index
        %get3A_716 = tpu.vector_load %arg11[%get3A_714, %get3A_715] {strides = array<i32>} : memref<40x256xf32, #tpu.memory_space<vmem>>, vector<1x16xf32>,
        %get3A_717 = vector.shape_cast %get3A_716 : vector<1x16xf32> to vector<16xf32>
        %get3A_718 = arith.index_cast %add3A_95 : i32 to index
        %get3A_719 = arith.constant 112 : index
        %get3A_720 = tpu.vector_load %arg13[%get3A_718, %get3A_719] {strides = array<i32>} : memref<40x256xf32, #tpu.memory_space<vmem>>, vector<1x16xf32>,
        %get3A_721 = vector.shape_cast %get3A_720 : vector<1x16xf32> to vector<16xf32>
        %get3A_722 = arith.index_cast %add3A_95 : i32 to index
        %get3A_723 = arith.constant 240 : index
        %get3A_724 = tpu.vector_load %arg13[%get3A_722, %get3A_723] {strides = array<i32>} : memref<40x256xf32, #tpu.memory_space<vmem>>, vector<1x16xf32>,
        %get3A_725 = vector.shape_cast %get3A_724 : vector<1x16xf32> to vector<16xf32>
        %mul3A_726 = arith.constant 4 : i32
        %mul3A_727 = arith.muli %mul3A_726, %add3A_95 : i32
        %get3A_728 = arith.index_cast %mul3A_727 : i32 to index
        %get3A_729 = arith.constant 112 : index
        %get3A_730 = tpu.vector_load %arg15[%get3A_728, %get3A_729] {strides = array<i32>} : memref<160x128xf32, #tpu.memory_space<vmem>>, vector<1x16xf32>,
        %get3A_731 = vector.shape_cast %get3A_730 : vector<1x16xf32> to vector<16xf32>
        %add3A_732 = arith.addf %get3A_713, %get3A_721 : vector<16xf32>
        %add3A_733 = arith.addf %get3A_731, %add3A_732 : vector<16xf32>
        %mul3A_734 = arith.constant 4 : i32
        %mul3A_735 = arith.muli %mul3A_734, %add3A_95 : i32
        %swap3A_736 = arith.index_cast %mul3A_735 : i32 to index
        %swap3A_737 = arith.constant 112 : index
        %swap3A_738 = tpu.vector_load %arg15[%swap3A_736, %swap3A_737] {strides = array<i32>} : memref<160x128xf32, #tpu.memory_space<vmem>>, vector<1x16xf32>,
        %swap3A_739 = vector.shape_cast %swap3A_738 : vector<1x16xf32> to vector<16xf32>
        %swap3A_740 = vector.shape_cast %add3A_733 : vector<16xf32> to vector<1x16xf32>
        tpu.vector_store %arg15[%swap3A_736, %swap3A_737], %swap3A_740 {strides = array<i32>} : memref<160x128xf32, #tpu.memory_space<vmem>>, vector<1x16xf32>,
        %mul3A_741 = arith.constant 4 : i32
        %mul3A_742 = arith.muli %mul3A_741, %add3A_95 : i32
        %add3A_743 = arith.constant 1 : i32
        %add3A_744 = arith.addi %mul3A_742, %add3A_743 : i32
        %get3A_745 = arith.index_cast %add3A_744 : i32 to index
        %get3A_746 = arith.constant 112 : index
        %get3A_747 = tpu.vector_load %arg15[%get3A_745, %get3A_746] {strides = array<i32>} : memref<160x128xf32, #tpu.memory_space<vmem>>, vector<1x16xf32>,
        %get3A_748 = vector.shape_cast %get3A_747 : vector<1x16xf32> to vector<16xf32>
        %add3A_749 = arith.addf %get3A_713, %get3A_725 : vector<16xf32>
        %add3A_750 = arith.addf %get3A_748, %add3A_749 : vector<16xf32>
        %mul3A_751 = arith.constant 4 : i32
        %mul3A_752 = arith.muli %mul3A_751, %add3A_95 : i32
        %add3A_753 = arith.constant 1 : i32
        %add3A_754 = arith.addi %mul3A_752, %add3A_753 : i32
        %swap3A_755 = arith.index_cast %add3A_754 : i32 to index
        %swap3A_756 = arith.constant 112 : index
        %swap3A_757 = tpu.vector_load %arg15[%swap3A_755, %swap3A_756] {strides = array<i32>} : memref<160x128xf32, #tpu.memory_space<vmem>>, vector<1x16xf32>,
        %swap3A_758 = vector.shape_cast %swap3A_757 : vector<1x16xf32> to vector<16xf32>
        %swap3A_759 = vector.shape_cast %add3A_750 : vector<16xf32> to vector<1x16xf32>
        tpu.vector_store %arg15[%swap3A_755, %swap3A_756], %swap3A_759 {strides = array<i32>} : memref<160x128xf32, #tpu.memory_space<vmem>>, vector<1x16xf32>,
        %mul3A_760 = arith.constant 4 : i32
        %mul3A_761 = arith.muli %mul3A_760, %add3A_95 : i32
        %add3A_762 = arith.constant 2 : i32
        %add3A_763 = arith.addi %mul3A_761, %add3A_762 : i32
        %get3A_764 = arith.index_cast %add3A_763 : i32 to index
        %get3A_765 = arith.constant 112 : index
        %get3A_766 = tpu.vector_load %arg15[%get3A_764, %get3A_765] {strides = array<i32>} : memref<160x128xf32, #tpu.memory_space<vmem>>, vector<1x16xf32>,
        %get3A_767 = vector.shape_cast %get3A_766 : vector<1x16xf32> to vector<16xf32>
        %add3A_768 = arith.addf %get3A_717, %get3A_721 : vector<16xf32>
        %add3A_769 = arith.addf %get3A_767, %add3A_768 : vector<16xf32>
        %mul3A_770 = arith.constant 4 : i32
        %mul3A_771 = arith.muli %mul3A_770, %add3A_95 : i32
        %add3A_772 = arith.constant 2 : i32
        %add3A_773 = arith.addi %mul3A_771, %add3A_772 : i32
        %swap3A_774 = arith.index_cast %add3A_773 : i32 to index
        %swap3A_775 = arith.constant 112 : index
        %swap3A_776 = tpu.vector_load %arg15[%swap3A_774, %swap3A_775] {strides = array<i32>} : memref<160x128xf32, #tpu.memory_space<vmem>>, vector<1x16xf32>,
        %swap3A_777 = vector.shape_cast %swap3A_776 : vector<1x16xf32> to vector<16xf32>
        %swap3A_778 = vector.shape_cast %add3A_769 : vector<16xf32> to vector<1x16xf32>
        tpu.vector_store %arg15[%swap3A_774, %swap3A_775], %swap3A_778 {strides = array<i32>} : memref<160x128xf32, #tpu.memory_space<vmem>>, vector<1x16xf32>,
        %mul3A_779 = arith.constant 4 : i32
        %mul3A_780 = arith.muli %mul3A_779, %add3A_95 : i32
        %add3A_781 = arith.constant 3 : i32
        %add3A_782 = arith.addi %mul3A_780, %add3A_781 : i32
        %get3A_783 = arith.index_cast %add3A_782 : i32 to index
        %get3A_784 = arith.constant 112 : index
        %get3A_785 = tpu.vector_load %arg15[%get3A_783, %get3A_784] {strides = array<i32>} : memref<160x128xf32, #tpu.memory_space<vmem>>, vector<1x16xf32>,
        %get3A_786 = vector.shape_cast %get3A_785 : vector<1x16xf32> to vector<16xf32>
        %add3A_787 = arith.addf %get3A_717, %get3A_725 : vector<16xf32>
        %add3A_788 = arith.addf %get3A_786, %add3A_787 : vector<16xf32>
        %mul3A_789 = arith.constant 4 : i32
        %mul3A_790 = arith.muli %mul3A_789, %add3A_95 : i32
        %add3A_791 = arith.constant 3 : i32
        %add3A_792 = arith.addi %mul3A_790, %add3A_791 : i32
        %swap3A_793 = arith.index_cast %add3A_792 : i32 to index
        %swap3A_794 = arith.constant 112 : index
        %swap3A_795 = tpu.vector_load %arg15[%swap3A_793, %swap3A_794] {strides = array<i32>} : memref<160x128xf32, #tpu.memory_space<vmem>>, vector<1x16xf32>,
        %swap3A_796 = vector.shape_cast %swap3A_795 : vector<1x16xf32> to vector<16xf32>
        %swap3A_797 = vector.shape_cast %add3A_788 : vector<16xf32> to vector<1x16xf32>
        tpu.vector_store %arg15[%swap3A_793, %swap3A_794], %swap3A_797 {strides = array<i32>} : memref<160x128xf32, #tpu.memory_space<vmem>>, vector<1x16xf32>,
      }
      %scan3A_71 = arith.constant 40 : i32
      %mul3A_72 = arith.constant 4 : i32
      %mul3A_73 = arith.muli %mul3A_57, %mul3A_72 : i32
      %dma_start3A_74 = arith.constant 0 : i32
      %dma_start3A_75 = tpu.memref_slice %arg6[%mul3A_73, %dma_start3A_74] : memref<640000x128xf32, #tpu.memory_space<hbm>> -> memref<160x128xf32, #tpu.memory_space<hbm>>
      %dma_start3A_76 = arith.constant 0 : i32
      %dma_start3A_77 = tpu.memref_slice %arg6[%mul3A_73, %dma_start3A_76] : memref<640000x128xf32, #tpu.memory_space<hbm>> -> memref<160x128xf32, #tpu.memory_space<hbm>>
      tpu.enqueue_dma source(%arg15 : memref<160x128xf32, #tpu.memory_space<vmem>>) target(%dma_start3A_77 : memref<160x128xf32, #tpu.memory_space<hbm>>) target_semaphore(%arg17 : memref<!tpu.dma_semaphore, #tpu.memory_space<semaphore_mem>>)
      %add3A_78 = arith.constant 32 : i32
      %add3A_79 = arith.addi %add3A_18, %add3A_78 : i32
      %mul3A_80 = arith.constant 40 : i32
      %mul3A_81 = arith.muli %add3A_79, %mul3A_80 : i32
      %lt3A_82 = arith.constant 4000 : i32
      %lt3A_83 = arith.cmpi slt, %add3A_79, %lt3A_82 : i32
      %convert_element_type3A_84 = arith.extui %lt3A_83 : i1 to i32
      %cond3A_85 = arith.constant 0 : i32
      %cond3A_86 = arith.cmpi ne, %convert_element_type3A_84, %cond3A_85 : i32
      scf.if %cond3A_86 {
        %dma_wait3A_91 = arith.constant 0 : i32
        %dma_wait3A_92 = arith.constant 0 : i32
        %dma_wait3A_93 = tpu.memref_slice %arg2[%dma_wait3A_91, %dma_wait3A_92] : memref<10000x256xf32, #tpu.memory_space<hbm>> -> memref<10000x256xf32, #tpu.memory_space<hbm>>
        tpu.wait_indirect_dma semaphore(%arg18 : memref<!tpu.dma_semaphore, #tpu.memory_space<semaphore_mem>>) src(%dma_wait3A_93 : memref<10000x256xf32, #tpu.memory_space<hbm>>) dst(%arg12 : memref<40x256xf32, #tpu.memory_space<vmem>>)
        %dma_wait3A_94 = arith.constant 0 : i32
        %dma_wait3A_95 = arith.constant 0 : i32
        %dma_wait3A_96 = tpu.memref_slice %arg2[%dma_wait3A_94, %dma_wait3A_95] : memref<10000x256xf32, #tpu.memory_space<hbm>> -> memref<10000x256xf32, #tpu.memory_space<hbm>>
        tpu.wait_indirect_dma semaphore(%arg18 : memref<!tpu.dma_semaphore, #tpu.memory_space<semaphore_mem>>) src(%dma_wait3A_96 : memref<10000x256xf32, #tpu.memory_space<hbm>>) dst(%arg14 : memref<40x256xf32, #tpu.memory_space<vmem>>)
        %dma_wait3A_97 = arith.constant 0 : i32
        %dma_wait3A_98 = tpu.memref_slice %arg3[%mul3A_46, %dma_wait3A_97] : memref<640000x128xf32, #tpu.memory_space<hbm>> -> memref<160x128xf32, #tpu.memory_space<hbm>>
        %dma_wait3A_99 = arith.constant 0 : i32
        %dma_wait3A_100 = tpu.memref_slice %arg3[%mul3A_46, %dma_wait3A_99] : memref<640000x128xf32, #tpu.memory_space<hbm>> -> memref<160x128xf32, #tpu.memory_space<hbm>>
        tpu.wait_dma2 semaphore(%arg18 : memref<!tpu.dma_semaphore, #tpu.memory_space<semaphore_mem>>) src(%dma_wait3A_100 : memref<160x128xf32, #tpu.memory_space<hbm>>) dst(%arg16 : memref<160x128xf32, #tpu.memory_space<vmem>>)
        %scan3A_101 = arith.constant 0 : i32
        %scan3A_102 = arith.constant 40 : i32
        %scan3A_103 = arith.addi %scan3A_101, %scan3A_102 : i32
        %scan3A_104 = arith.constant 1 : i32
        scf.for %scan3A_116 = %scan3A_101 to %scan3A_103 step %scan3A_104  : i32 {
          %mul3A_117 = arith.constant 1 : i32
          %mul3A_118 = arith.muli %scan3A_116, %mul3A_117 : i32
          %add3A_119 = arith.constant 0 : i32
          %add3A_120 = arith.addi %add3A_119, %mul3A_118 : i32
          %get3A = arith.index_cast %add3A_120 : i32 to index
          %get3A_121 = arith.constant 0 : index
          %get3A_122 = tpu.vector_load %arg12[%get3A, %get3A_121] {strides = array<i32>} : memref<40x256xf32, #tpu.memory_space<vmem>>, vector<1x16xf32>,
          %get3A_123 = vector.shape_cast %get3A_122 : vector<1x16xf32> to vector<16xf32>
          %get3A_124 = arith.index_cast %add3A_120 : i32 to index
          %get3A_125 = arith.constant 128 : index
          %get3A_126 = tpu.vector_load %arg12[%get3A_124, %get3A_125] {strides = array<i32>} : memref<40x256xf32, #tpu.memory_space<vmem>>, vector<1x16xf32>,
          %get3A_127 = vector.shape_cast %get3A_126 : vector<1x16xf32> to vector<16xf32>
          %get3A_128 = arith.index_cast %add3A_120 : i32 to index
          %get3A_129 = arith.constant 0 : index
          %get3A_130 = tpu.vector_load %arg14[%get3A_128, %get3A_129] {strides = array<i32>} : memref<40x256xf32, #tpu.memory_space<vmem>>, vector<1x16xf32>,
          %get3A_131 = vector.shape_cast %get3A_130 : vector<1x16xf32> to vector<16xf32>
          %get3A_132 = arith.index_cast %add3A_120 : i32 to index
          %get3A_133 = arith.constant 128 : index
          %get3A_134 = tpu.vector_load %arg14[%get3A_132, %get3A_133] {strides = array<i32>} : memref<40x256xf32, #tpu.memory_space<vmem>>, vector<1x16xf32>,
          %get3A_135 = vector.shape_cast %get3A_134 : vector<1x16xf32> to vector<16xf32>
          %mul3A_136 = arith.constant 4 : i32
          %mul3A_137 = arith.muli %mul3A_136, %add3A_120 : i32
          %get3A_138 = arith.index_cast %mul3A_137 : i32 to index
          %get3A_139 = arith.constant 0 : index
          %get3A_140 = tpu.vector_load %arg16[%get3A_138, %get3A_139] {strides = array<i32>} : memref<160x128xf32, #tpu.memory_space<vmem>>, vector<1x16xf32>,
          %get3A_141 = vector.shape_cast %get3A_140 : vector<1x16xf32> to vector<16xf32>
          %add3A_142 = arith.addf %get3A_123, %get3A_131 : vector<16xf32>
          %add3A_143 = arith.addf %get3A_141, %add3A_142 : vector<16xf32>
          %mul3A_144 = arith.constant 4 : i32
          %mul3A_145 = arith.muli %mul3A_144, %add3A_120 : i32
          %swap3A = arith.index_cast %mul3A_145 : i32 to index
          %swap3A_146 = arith.constant 0 : index
          %swap3A_147 = tpu.vector_load %arg16[%swap3A, %swap3A_146] {strides = array<i32>} : memref<160x128xf32, #tpu.memory_space<vmem>>, vector<1x16xf32>,
          %swap3A_148 = vector.shape_cast %swap3A_147 : vector<1x16xf32> to vector<16xf32>
          %swap3A_149 = vector.shape_cast %add3A_143 : vector<16xf32> to vector<1x16xf32>
          tpu.vector_store %arg16[%swap3A, %swap3A_146], %swap3A_149 {strides = array<i32>} : memref<160x128xf32, #tpu.memory_space<vmem>>, vector<1x16xf32>,
          %mul3A_150 = arith.constant 4 : i32
          %mul3A_151 = arith.muli %mul3A_150, %add3A_120 : i32
          %add3A_152 = arith.constant 1 : i32
          %add3A_153 = arith.addi %mul3A_151, %add3A_152 : i32
          %get3A_154 = arith.index_cast %add3A_153 : i32 to index
          %get3A_155 = arith.constant 0 : index
          %get3A_156 = tpu.vector_load %arg16[%get3A_154, %get3A_155] {strides = array<i32>} : memref<160x128xf32, #tpu.memory_space<vmem>>, vector<1x16xf32>,
          %get3A_157 = vector.shape_cast %get3A_156 : vector<1x16xf32> to vector<16xf32>
          %add3A_158 = arith.addf %get3A_123, %get3A_135 : vector<16xf32>
          %add3A_159 = arith.addf %get3A_157, %add3A_158 : vector<16xf32>
          %mul3A_160 = arith.constant 4 : i32
          %mul3A_161 = arith.muli %mul3A_160, %add3A_120 : i32
          %add3A_162 = arith.constant 1 : i32
          %add3A_163 = arith.addi %mul3A_161, %add3A_162 : i32
          %swap3A_164 = arith.index_cast %add3A_163 : i32 to index
          %swap3A_165 = arith.constant 0 : index
          %swap3A_166 = tpu.vector_load %arg16[%swap3A_164, %swap3A_165] {strides = array<i32>} : memref<160x128xf32, #tpu.memory_space<vmem>>, vector<1x16xf32>,
          %swap3A_167 = vector.shape_cast %swap3A_166 : vector<1x16xf32> to vector<16xf32>
          %swap3A_168 = vector.shape_cast %add3A_159 : vector<16xf32> to vector<1x16xf32>
          tpu.vector_store %arg16[%swap3A_164, %swap3A_165], %swap3A_168 {strides = array<i32>} : memref<160x128xf32, #tpu.memory_space<vmem>>, vector<1x16xf32>,
          %mul3A_169 = arith.constant 4 : i32
          %mul3A_170 = arith.muli %mul3A_169, %add3A_120 : i32
          %add3A_171 = arith.constant 2 : i32
          %add3A_172 = arith.addi %mul3A_170, %add3A_171 : i32
          %get3A_173 = arith.index_cast %add3A_172 : i32 to index
          %get3A_174 = arith.constant 0 : index
          %get3A_175 = tpu.vector_load %arg16[%get3A_173, %get3A_174] {strides = array<i32>} : memref<160x128xf32, #tpu.memory_space<vmem>>, vector<1x16xf32>,
          %get3A_176 = vector.shape_cast %get3A_175 : vector<1x16xf32> to vector<16xf32>
          %add3A_177 = arith.addf %get3A_127, %get3A_131 : vector<16xf32>
          %add3A_178 = arith.addf %get3A_176, %add3A_177 : vector<16xf32>
          %mul3A_179 = arith.constant 4 : i32
          %mul3A_180 = arith.muli %mul3A_179, %add3A_120 : i32
          %add3A_181 = arith.constant 2 : i32
          %add3A_182 = arith.addi %mul3A_180, %add3A_181 : i32
          %swap3A_183 = arith.index_cast %add3A_182 : i32 to index
          %swap3A_184 = arith.constant 0 : index
          %swap3A_185 = tpu.vector_load %arg16[%swap3A_183, %swap3A_184] {strides = array<i32>} : memref<160x128xf32, #tpu.memory_space<vmem>>, vector<1x16xf32>,
          %swap3A_186 = vector.shape_cast %swap3A_185 : vector<1x16xf32> to vector<16xf32>
          %swap3A_187 = vector.shape_cast %add3A_178 : vector<16xf32> to vector<1x16xf32>
          tpu.vector_store %arg16[%swap3A_183, %swap3A_184], %swap3A_187 {strides = array<i32>} : memref<160x128xf32, #tpu.memory_space<vmem>>, vector<1x16xf32>,
          %mul3A_188 = arith.constant 4 : i32
          %mul3A_189 = arith.muli %mul3A_188, %add3A_120 : i32
          %add3A_190 = arith.constant 3 : i32
          %add3A_191 = arith.addi %mul3A_189, %add3A_190 : i32
          %get3A_192 = arith.index_cast %add3A_191 : i32 to index
          %get3A_193 = arith.constant 0 : index
          %get3A_194 = tpu.vector_load %arg16[%get3A_192, %get3A_193] {strides = array<i32>} : memref<160x128xf32, #tpu.memory_space<vmem>>, vector<1x16xf32>,
          %get3A_195 = vector.shape_cast %get3A_194 : vector<1x16xf32> to vector<16xf32>
          %add3A_196 = arith.addf %get3A_127, %get3A_135 : vector<16xf32>
          %add3A_197 = arith.addf %get3A_195, %add3A_196 : vector<16xf32>
          %mul3A_198 = arith.constant 4 : i32
          %mul3A_199 = arith.muli %mul3A_198, %add3A_120 : i32
          %add3A_200 = arith.constant 3 : i32
          %add3A_201 = arith.addi %mul3A_199, %add3A_200 : i32
          %swap3A_202 = arith.index_cast %add3A_201 : i32 to index
          %swap3A_203 = arith.constant 0 : index
          %swap3A_204 = tpu.vector_load %arg16[%swap3A_202, %swap3A_203] {strides = array<i32>} : memref<160x128xf32, #tpu.memory_space<vmem>>, vector<1x16xf32>,
          %swap3A_205 = vector.shape_cast %swap3A_204 : vector<1x16xf32> to vector<16xf32>
          %swap3A_206 = vector.shape_cast %add3A_197 : vector<16xf32> to vector<1x16xf32>
          tpu.vector_store %arg16[%swap3A_202, %swap3A_203], %swap3A_206 {strides = array<i32>} : memref<160x128xf32, #tpu.memory_space<vmem>>, vector<1x16xf32>,
          %get3A_207 = arith.index_cast %add3A_120 : i32 to index
          %get3A_208 = arith.constant 16 : index
          %get3A_209 = tpu.vector_load %arg12[%get3A_207, %get3A_208] {strides = array<i32>} : memref<40x256xf32, #tpu.memory_space<vmem>>, vector<1x16xf32>,
          %get3A_210 = vector.shape_cast %get3A_209 : vector<1x16xf32> to vector<16xf32>
          %get3A_211 = arith.index_cast %add3A_120 : i32 to index
          %get3A_212 = arith.constant 144 : index
          %get3A_213 = tpu.vector_load %arg12[%get3A_211, %get3A_212] {strides = array<i32>} : memref<40x256xf32, #tpu.memory_space<vmem>>, vector<1x16xf32>,
          %get3A_214 = vector.shape_cast %get3A_213 : vector<1x16xf32> to vector<16xf32>
          %get3A_215 = arith.index_cast %add3A_120 : i32 to index
          %get3A_216 = arith.constant 16 : index
          %get3A_217 = tpu.vector_load %arg14[%get3A_215, %get3A_216] {strides = array<i32>} : memref<40x256xf32, #tpu.memory_space<vmem>>, vector<1x16xf32>,
          %get3A_218 = vector.shape_cast %get3A_217 : vector<1x16xf32> to vector<16xf32>
          %get3A_219 = arith.index_cast %add3A_120 : i32 to index
          %get3A_220 = arith.constant 144 : index
          %get3A_221 = tpu.vector_load %arg14[%get3A_219, %get3A_220] {strides = array<i32>} : memref<40x256xf32, #tpu.memory_space<vmem>>, vector<1x16xf32>,
          %get3A_222 = vector.shape_cast %get3A_221 : vector<1x16xf32> to vector<16xf32>
          %mul3A_223 = arith.constant 4 : i32
          %mul3A_224 = arith.muli %mul3A_223, %add3A_120 : i32
          %get3A_225 = arith.index_cast %mul3A_224 : i32 to index
          %get3A_226 = arith.constant 16 : index
          %get3A_227 = tpu.vector_load %arg16[%get3A_225, %get3A_226] {strides = array<i32>} : memref<160x128xf32, #tpu.memory_space<vmem>>, vector<1x16xf32>,
          %get3A_228 = vector.shape_cast %get3A_227 : vector<1x16xf32> to vector<16xf32>
          %add3A_229 = arith.addf %get3A_210, %get3A_218 : vector<16xf32>
          %add3A_230 = arith.addf %get3A_228, %add3A_229 : vector<16xf32>
          %mul3A_231 = arith.constant 4 : i32
          %mul3A_232 = arith.muli %mul3A_231, %add3A_120 : i32
          %swap3A_233 = arith.index_cast %mul3A_232 : i32 to index
          %swap3A_234 = arith.constant 16 : index
          %swap3A_235 = tpu.vector_load %arg16[%swap3A_233, %swap3A_234] {strides = array<i32>} : memref<160x128xf32, #tpu.memory_space<vmem>>, vector<1x16xf32>,
          %swap3A_236 = vector.shape_cast %swap3A_235 : vector<1x16xf32> to vector<16xf32>
          %swap3A_237 = vector.shape_cast %add3A_230 : vector<16xf32> to vector<1x16xf32>
          tpu.vector_store %arg16[%swap3A_233, %swap3A_234], %swap3A_237 {strides = array<i32>} : memref<160x128xf32, #tpu.memory_space<vmem>>, vector<1x16xf32>,
          %mul3A_238 = arith.constant 4 : i32
          %mul3A_239 = arith.muli %mul3A_238, %add3A_120 : i32
          %add3A_240 = arith.constant 1 : i32
          %add3A_241 = arith.addi %mul3A_239, %add3A_240 : i32
          %get3A_242 = arith.index_cast %add3A_241 : i32 to index
          %get3A_243 = arith.constant 16 : index
          %get3A_244 = tpu.vector_load %arg16[%get3A_242, %get3A_243] {strides = array<i32>} : memref<160x128xf32, #tpu.memory_space<vmem>>, vector<1x16xf32>,
          %get3A_245 = vector.shape_cast %get3A_244 : vector<1x16xf32> to vector<16xf32>
          %add3A_246 = arith.addf %get3A_210, %get3A_222 : vector<16xf32>
          %add3A_247 = arith.addf %get3A_245, %add3A_246 : vector<16xf32>
          %mul3A_248 = arith.constant 4 : i32
          %mul3A_249 = arith.muli %mul3A_248, %add3A_120 : i32
          %add3A_250 = arith.constant 1 : i32
          %add3A_251 = arith.addi %mul3A_249, %add3A_250 : i32
          %swap3A_252 = arith.index_cast %add3A_251 : i32 to index
          %swap3A_253 = arith.constant 16 : index
          %swap3A_254 = tpu.vector_load %arg16[%swap3A_252, %swap3A_253] {strides = array<i32>} : memref<160x128xf32, #tpu.memory_space<vmem>>, vector<1x16xf32>,
          %swap3A_255 = vector.shape_cast %swap3A_254 : vector<1x16xf32> to vector<16xf32>
          %swap3A_256 = vector.shape_cast %add3A_247 : vector<16xf32> to vector<1x16xf32>
          tpu.vector_store %arg16[%swap3A_252, %swap3A_253], %swap3A_256 {strides = array<i32>} : memref<160x128xf32, #tpu.memory_space<vmem>>, vector<1x16xf32>,
          %mul3A_257 = arith.constant 4 : i32
          %mul3A_258 = arith.muli %mul3A_257, %add3A_120 : i32
          %add3A_259 = arith.constant 2 : i32
          %add3A_260 = arith.addi %mul3A_258, %add3A_259 : i32
          %get3A_261 = arith.index_cast %add3A_260 : i32 to index
          %get3A_262 = arith.constant 16 : index
          %get3A_263 = tpu.vector_load %arg16[%get3A_261, %get3A_262] {strides = array<i32>} : memref<160x128xf32, #tpu.memory_space<vmem>>, vector<1x16xf32>,
          %get3A_264 = vector.shape_cast %get3A_263 : vector<1x16xf32> to vector<16xf32>
          %add3A_265 = arith.addf %get3A_214, %get3A_218 : vector<16xf32>
          %add3A_266 = arith.addf %get3A_264, %add3A_265 : vector<16xf32>
          %mul3A_267 = arith.constant 4 : i32
          %mul3A_268 = arith.muli %mul3A_267, %add3A_120 : i32
          %add3A_269 = arith.constant 2 : i32
          %add3A_270 = arith.addi %mul3A_268, %add3A_269 : i32
          %swap3A_271 = arith.index_cast %add3A_270 : i32 to index
          %swap3A_272 = arith.constant 16 : index
          %swap3A_273 = tpu.vector_load %arg16[%swap3A_271, %swap3A_272] {strides = array<i32>} : memref<160x128xf32, #tpu.memory_space<vmem>>, vector<1x16xf32>,
          %swap3A_274 = vector.shape_cast %swap3A_273 : vector<1x16xf32> to vector<16xf32>
          %swap3A_275 = vector.shape_cast %add3A_266 : vector<16xf32> to vector<1x16xf32>
          tpu.vector_store %arg16[%swap3A_271, %swap3A_272], %swap3A_275 {strides = array<i32>} : memref<160x128xf32, #tpu.memory_space<vmem>>, vector<1x16xf32>,
          %mul3A_276 = arith.constant 4 : i32
          %mul3A_277 = arith.muli %mul3A_276, %add3A_120 : i32
          %add3A_278 = arith.constant 3 : i32
          %add3A_279 = arith.addi %mul3A_277, %add3A_278 : i32
          %get3A_280 = arith.index_cast %add3A_279 : i32 to index
          %get3A_281 = arith.constant 16 : index
          %get3A_282 = tpu.vector_load %arg16[%get3A_280, %get3A_281] {strides = array<i32>} : memref<160x128xf32, #tpu.memory_space<vmem>>, vector<1x16xf32>,
          %get3A_283 = vector.shape_cast %get3A_282 : vector<1x16xf32> to vector<16xf32>
          %add3A_284 = arith.addf %get3A_214, %get3A_222 : vector<16xf32>
          %add3A_285 = arith.addf %get3A_283, %add3A_284 : vector<16xf32>
          %mul3A_286 = arith.constant 4 : i32
          %mul3A_287 = arith.muli %mul3A_286, %add3A_120 : i32
          %add3A_288 = arith.constant 3 : i32
          %add3A_289 = arith.addi %mul3A_287, %add3A_288 : i32
          %swap3A_290 = arith.index_cast %add3A_289 : i32 to index
          %swap3A_291 = arith.constant 16 : index
          %swap3A_292 = tpu.vector_load %arg16[%swap3A_290, %swap3A_291] {strides = array<i32>} : memref<160x128xf32, #tpu.memory_space<vmem>>, vector<1x16xf32>,
          %swap3A_293 = vector.shape_cast %swap3A_292 : vector<1x16xf32> to vector<16xf32>
          %swap3A_294 = vector.shape_cast %add3A_285 : vector<16xf32> to vector<1x16xf32>
          tpu.vector_store %arg16[%swap3A_290, %swap3A_291], %swap3A_294 {strides = array<i32>} : memref<160x128xf32, #tpu.memory_space<vmem>>, vector<1x16xf32>,
          %get3A_295 = arith.index_cast %add3A_120 : i32 to index
          %get3A_296 = arith.constant 32 : index
          %get3A_297 = tpu.vector_load %arg12[%get3A_295, %get3A_296] {strides = array<i32>} : memref<40x256xf32, #tpu.memory_space<vmem>>, vector<1x16xf32>,
          %get3A_298 = vector.shape_cast %get3A_297 : vector<1x16xf32> to vector<16xf32>
          %get3A_299 = arith.index_cast %add3A_120 : i32 to index
          %get3A_300 = arith.constant 160 : index
          %get3A_301 = tpu.vector_load %arg12[%get3A_299, %get3A_300] {strides = array<i32>} : memref<40x256xf32, #tpu.memory_space<vmem>>, vector<1x16xf32>,
          %get3A_302 = vector.shape_cast %get3A_301 : vector<1x16xf32> to vector<16xf32>
          %get3A_303 = arith.index_cast %add3A_120 : i32 to index
          %get3A_304 = arith.constant 32 : index
          %get3A_305 = tpu.vector_load %arg14[%get3A_303, %get3A_304] {strides = array<i32>} : memref<40x256xf32, #tpu.memory_space<vmem>>, vector<1x16xf32>,
          %get3A_306 = vector.shape_cast %get3A_305 : vector<1x16xf32> to vector<16xf32>
          %get3A_307 = arith.index_cast %add3A_120 : i32 to index
          %get3A_308 = arith.constant 160 : index
          %get3A_309 = tpu.vector_load %arg14[%get3A_307, %get3A_308] {strides = array<i32>} : memref<40x256xf32, #tpu.memory_space<vmem>>, vector<1x16xf32>,
          %get3A_310 = vector.shape_cast %get3A_309 : vector<1x16xf32> to vector<16xf32>
          %mul3A_311 = arith.constant 4 : i32
          %mul3A_312 = arith.muli %mul3A_311, %add3A_120 : i32
          %get3A_313 = arith.index_cast %mul3A_312 : i32 to index
          %get3A_314 = arith.constant 32 : index
          %get3A_315 = tpu.vector_load %arg16[%get3A_313, %get3A_314] {strides = array<i32>} : memref<160x128xf32, #tpu.memory_space<vmem>>, vector<1x16xf32>,
          %get3A_316 = vector.shape_cast %get3A_315 : vector<1x16xf32> to vector<16xf32>
          %add3A_317 = arith.addf %get3A_298, %get3A_306 : vector<16xf32>
          %add3A_318 = arith.addf %get3A_316, %add3A_317 : vector<16xf32>
          %mul3A_319 = arith.constant 4 : i32
          %mul3A_320 = arith.muli %mul3A_319, %add3A_120 : i32
          %swap3A_321 = arith.index_cast %mul3A_320 : i32 to index
          %swap3A_322 = arith.constant 32 : index
          %swap3A_323 = tpu.vector_load %arg16[%swap3A_321, %swap3A_322] {strides = array<i32>} : memref<160x128xf32, #tpu.memory_space<vmem>>, vector<1x16xf32>,
          %swap3A_324 = vector.shape_cast %swap3A_323 : vector<1x16xf32> to vector<16xf32>
          %swap3A_325 = vector.shape_cast %add3A_318 : vector<16xf32> to vector<1x16xf32>
          tpu.vector_store %arg16[%swap3A_321, %swap3A_322], %swap3A_325 {strides = array<i32>} : memref<160x128xf32, #tpu.memory_space<vmem>>, vector<1x16xf32>,
          %mul3A_326 = arith.constant 4 : i32
          %mul3A_327 = arith.muli %mul3A_326, %add3A_120 : i32
          %add3A_328 = arith.constant 1 : i32
          %add3A_329 = arith.addi %mul3A_327, %add3A_328 : i32
          %get3A_330 = arith.index_cast %add3A_329 : i32 to index
          %get3A_331 = arith.constant 32 : index
          %get3A_332 = tpu.vector_load %arg16[%get3A_330, %get3A_331] {strides = array<i32>} : memref<160x128xf32, #tpu.memory_space<vmem>>, vector<1x16xf32>,
          %get3A_333 = vector.shape_cast %get3A_332 : vector<1x16xf32> to vector<16xf32>
          %add3A_334 = arith.addf %get3A_298, %get3A_310 : vector<16xf32>
          %add3A_335 = arith.addf %get3A_333, %add3A_334 : vector<16xf32>
          %mul3A_336 = arith.constant 4 : i32
          %mul3A_337 = arith.muli %mul3A_336, %add3A_120 : i32
          %add3A_338 = arith.constant 1 : i32
          %add3A_339 = arith.addi %mul3A_337, %add3A_338 : i32
          %swap3A_340 = arith.index_cast %add3A_339 : i32 to index
          %swap3A_341 = arith.constant 32 : index
          %swap3A_342 = tpu.vector_load %arg16[%swap3A_340, %swap3A_341] {strides = array<i32>} : memref<160x128xf32, #tpu.memory_space<vmem>>, vector<1x16xf32>,
          %swap3A_343 = vector.shape_cast %swap3A_342 : vector<1x16xf32> to vector<16xf32>
          %swap3A_344 = vector.shape_cast %add3A_335 : vector<16xf32> to vector<1x16xf32>
          tpu.vector_store %arg16[%swap3A_340, %swap3A_341], %swap3A_344 {strides = array<i32>} : memref<160x128xf32, #tpu.memory_space<vmem>>, vector<1x16xf32>,
          %mul3A_345 = arith.constant 4 : i32
          %mul3A_346 = arith.muli %mul3A_345, %add3A_120 : i32
          %add3A_347 = arith.constant 2 : i32
          %add3A_348 = arith.addi %mul3A_346, %add3A_347 : i32
          %get3A_349 = arith.index_cast %add3A_348 : i32 to index
          %get3A_350 = arith.constant 32 : index
          %get3A_351 = tpu.vector_load %arg16[%get3A_349, %get3A_350] {strides = array<i32>} : memref<160x128xf32, #tpu.memory_space<vmem>>, vector<1x16xf32>,
          %get3A_352 = vector.shape_cast %get3A_351 : vector<1x16xf32> to vector<16xf32>
          %add3A_353 = arith.addf %get3A_302, %get3A_306 : vector<16xf32>
          %add3A_354 = arith.addf %get3A_352, %add3A_353 : vector<16xf32>
          %mul3A_355 = arith.constant 4 : i32
          %mul3A_356 = arith.muli %mul3A_355, %add3A_120 : i32
          %add3A_357 = arith.constant 2 : i32
          %add3A_358 = arith.addi %mul3A_356, %add3A_357 : i32
          %swap3A_359 = arith.index_cast %add3A_358 : i32 to index
          %swap3A_360 = arith.constant 32 : index
          %swap3A_361 = tpu.vector_load %arg16[%swap3A_359, %swap3A_360] {strides = array<i32>} : memref<160x128xf32, #tpu.memory_space<vmem>>, vector<1x16xf32>,
          %swap3A_362 = vector.shape_cast %swap3A_361 : vector<1x16xf32> to vector<16xf32>
          %swap3A_363 = vector.shape_cast %add3A_354 : vector<16xf32> to vector<1x16xf32>
          tpu.vector_store %arg16[%swap3A_359, %swap3A_360], %swap3A_363 {strides = array<i32>} : memref<160x128xf32, #tpu.memory_space<vmem>>, vector<1x16xf32>,
          %mul3A_364 = arith.constant 4 : i32
          %mul3A_365 = arith.muli %mul3A_364, %add3A_120 : i32
          %add3A_366 = arith.constant 3 : i32
          %add3A_367 = arith.addi %mul3A_365, %add3A_366 : i32
          %get3A_368 = arith.index_cast %add3A_367 : i32 to index
          %get3A_369 = arith.constant 32 : index
          %get3A_370 = tpu.vector_load %arg16[%get3A_368, %get3A_369] {strides = array<i32>} : memref<160x128xf32, #tpu.memory_space<vmem>>, vector<1x16xf32>,
          %get3A_371 = vector.shape_cast %get3A_370 : vector<1x16xf32> to vector<16xf32>
          %add3A_372 = arith.addf %get3A_302, %get3A_310 : vector<16xf32>
          %add3A_373 = arith.addf %get3A_371, %add3A_372 : vector<16xf32>
          %mul3A_374 = arith.constant 4 : i32
          %mul3A_375 = arith.muli %mul3A_374, %add3A_120 : i32
          %add3A_376 = arith.constant 3 : i32
          %add3A_377 = arith.addi %mul3A_375, %add3A_376 : i32
          %swap3A_378 = arith.index_cast %add3A_377 : i32 to index
          %swap3A_379 = arith.constant 32 : index
          %swap3A_380 = tpu.vector_load %arg16[%swap3A_378, %swap3A_379] {strides = array<i32>} : memref<160x128xf32, #tpu.memory_space<vmem>>, vector<1x16xf32>,
          %swap3A_381 = vector.shape_cast %swap3A_380 : vector<1x16xf32> to vector<16xf32>
          %swap3A_382 = vector.shape_cast %add3A_373 : vector<16xf32> to vector<1x16xf32>
          tpu.vector_store %arg16[%swap3A_378, %swap3A_379], %swap3A_382 {strides = array<i32>} : memref<160x128xf32, #tpu.memory_space<vmem>>, vector<1x16xf32>,
          %get3A_383 = arith.index_cast %add3A_120 : i32 to index
          %get3A_384 = arith.constant 48 : index
          %get3A_385 = tpu.vector_load %arg12[%get3A_383, %get3A_384] {strides = array<i32>} : memref<40x256xf32, #tpu.memory_space<vmem>>, vector<1x16xf32>,
          %get3A_386 = vector.shape_cast %get3A_385 : vector<1x16xf32> to vector<16xf32>
          %get3A_387 = arith.index_cast %add3A_120 : i32 to index
          %get3A_388 = arith.constant 176 : index
          %get3A_389 = tpu.vector_load %arg12[%get3A_387, %get3A_388] {strides = array<i32>} : memref<40x256xf32, #tpu.memory_space<vmem>>, vector<1x16xf32>,
          %get3A_390 = vector.shape_cast %get3A_389 : vector<1x16xf32> to vector<16xf32>
          %get3A_391 = arith.index_cast %add3A_120 : i32 to index
          %get3A_392 = arith.constant 48 : index
          %get3A_393 = tpu.vector_load %arg14[%get3A_391, %get3A_392] {strides = array<i32>} : memref<40x256xf32, #tpu.memory_space<vmem>>, vector<1x16xf32>,
          %get3A_394 = vector.shape_cast %get3A_393 : vector<1x16xf32> to vector<16xf32>
          %get3A_395 = arith.index_cast %add3A_120 : i32 to index
          %get3A_396 = arith.constant 176 : index
          %get3A_397 = tpu.vector_load %arg14[%get3A_395, %get3A_396] {strides = array<i32>} : memref<40x256xf32, #tpu.memory_space<vmem>>, vector<1x16xf32>,
          %get3A_398 = vector.shape_cast %get3A_397 : vector<1x16xf32> to vector<16xf32>
          %mul3A_399 = arith.constant 4 : i32
          %mul3A_400 = arith.muli %mul3A_399, %add3A_120 : i32
          %get3A_401 = arith.index_cast %mul3A_400 : i32 to index
          %get3A_402 = arith.constant 48 : index
          %get3A_403 = tpu.vector_load %arg16[%get3A_401, %get3A_402] {strides = array<i32>} : memref<160x128xf32, #tpu.memory_space<vmem>>, vector<1x16xf32>,
          %get3A_404 = vector.shape_cast %get3A_403 : vector<1x16xf32> to vector<16xf32>
          %add3A_405 = arith.addf %get3A_386, %get3A_394 : vector<16xf32>
          %add3A_406 = arith.addf %get3A_404, %add3A_405 : vector<16xf32>
          %mul3A_407 = arith.constant 4 : i32
          %mul3A_408 = arith.muli %mul3A_407, %add3A_120 : i32
          %swap3A_409 = arith.index_cast %mul3A_408 : i32 to index
          %swap3A_410 = arith.constant 48 : index
          %swap3A_411 = tpu.vector_load %arg16[%swap3A_409, %swap3A_410] {strides = array<i32>} : memref<160x128xf32, #tpu.memory_space<vmem>>, vector<1x16xf32>,
          %swap3A_412 = vector.shape_cast %swap3A_411 : vector<1x16xf32> to vector<16xf32>
          %swap3A_413 = vector.shape_cast %add3A_406 : vector<16xf32> to vector<1x16xf32>
          tpu.vector_store %arg16[%swap3A_409, %swap3A_410], %swap3A_413 {strides = array<i32>} : memref<160x128xf32, #tpu.memory_space<vmem>>, vector<1x16xf32>,
          %mul3A_414 = arith.constant 4 : i32
          %mul3A_415 = arith.muli %mul3A_414, %add3A_120 : i32
          %add3A_416 = arith.constant 1 : i32
          %add3A_417 = arith.addi %mul3A_415, %add3A_416 : i32
          %get3A_418 = arith.index_cast %add3A_417 : i32 to index
          %get3A_419 = arith.constant 48 : index
          %get3A_420 = tpu.vector_load %arg16[%get3A_418, %get3A_419] {strides = array<i32>} : memref<160x128xf32, #tpu.memory_space<vmem>>, vector<1x16xf32>,
          %get3A_421 = vector.shape_cast %get3A_420 : vector<1x16xf32> to vector<16xf32>
          %add3A_422 = arith.addf %get3A_386, %get3A_398 : vector<16xf32>
          %add3A_423 = arith.addf %get3A_421, %add3A_422 : vector<16xf32>
          %mul3A_424 = arith.constant 4 : i32
          %mul3A_425 = arith.muli %mul3A_424, %add3A_120 : i32
          %add3A_426 = arith.constant 1 : i32
          %add3A_427 = arith.addi %mul3A_425, %add3A_426 : i32
          %swap3A_428 = arith.index_cast %add3A_427 : i32 to index
          %swap3A_429 = arith.constant 48 : index
          %swap3A_430 = tpu.vector_load %arg16[%swap3A_428, %swap3A_429] {strides = array<i32>} : memref<160x128xf32, #tpu.memory_space<vmem>>, vector<1x16xf32>,
          %swap3A_431 = vector.shape_cast %swap3A_430 : vector<1x16xf32> to vector<16xf32>
          %swap3A_432 = vector.shape_cast %add3A_423 : vector<16xf32> to vector<1x16xf32>
          tpu.vector_store %arg16[%swap3A_428, %swap3A_429], %swap3A_432 {strides = array<i32>} : memref<160x128xf32, #tpu.memory_space<vmem>>, vector<1x16xf32>,
          %mul3A_433 = arith.constant 4 : i32
          %mul3A_434 = arith.muli %mul3A_433, %add3A_120 : i32
          %add3A_435 = arith.constant 2 : i32
          %add3A_436 = arith.addi %mul3A_434, %add3A_435 : i32
          %get3A_437 = arith.index_cast %add3A_436 : i32 to index
          %get3A_438 = arith.constant 48 : index
          %get3A_439 = tpu.vector_load %arg16[%get3A_437, %get3A_438] {strides = array<i32>} : memref<160x128xf32, #tpu.memory_space<vmem>>, vector<1x16xf32>,
          %get3A_440 = vector.shape_cast %get3A_439 : vector<1x16xf32> to vector<16xf32>
          %add3A_441 = arith.addf %get3A_390, %get3A_394 : vector<16xf32>
          %add3A_442 = arith.addf %get3A_440, %add3A_441 : vector<16xf32>
          %mul3A_443 = arith.constant 4 : i32
          %mul3A_444 = arith.muli %mul3A_443, %add3A_120 : i32
          %add3A_445 = arith.constant 2 : i32
          %add3A_446 = arith.addi %mul3A_444, %add3A_445 : i32
          %swap3A_447 = arith.index_cast %add3A_446 : i32 to index
          %swap3A_448 = arith.constant 48 : index
          %swap3A_449 = tpu.vector_load %arg16[%swap3A_447, %swap3A_448] {strides = array<i32>} : memref<160x128xf32, #tpu.memory_space<vmem>>, vector<1x16xf32>,
          %swap3A_450 = vector.shape_cast %swap3A_449 : vector<1x16xf32> to vector<16xf32>
          %swap3A_451 = vector.shape_cast %add3A_442 : vector<16xf32> to vector<1x16xf32>
          tpu.vector_store %arg16[%swap3A_447, %swap3A_448], %swap3A_451 {strides = array<i32>} : memref<160x128xf32, #tpu.memory_space<vmem>>, vector<1x16xf32>,
          %mul3A_452 = arith.constant 4 : i32
          %mul3A_453 = arith.muli %mul3A_452, %add3A_120 : i32
          %add3A_454 = arith.constant 3 : i32
          %add3A_455 = arith.addi %mul3A_453, %add3A_454 : i32
          %get3A_456 = arith.index_cast %add3A_455 : i32 to index
          %get3A_457 = arith.constant 48 : index
          %get3A_458 = tpu.vector_load %arg16[%get3A_456, %get3A_457] {strides = array<i32>} : memref<160x128xf32, #tpu.memory_space<vmem>>, vector<1x16xf32>,
          %get3A_459 = vector.shape_cast %get3A_458 : vector<1x16xf32> to vector<16xf32>
          %add3A_460 = arith.addf %get3A_390, %get3A_398 : vector<16xf32>
          %add3A_461 = arith.addf %get3A_459, %add3A_460 : vector<16xf32>
          %mul3A_462 = arith.constant 4 : i32
          %mul3A_463 = arith.muli %mul3A_462, %add3A_120 : i32
          %add3A_464 = arith.constant 3 : i32
          %add3A_465 = arith.addi %mul3A_463, %add3A_464 : i32
          %swap3A_466 = arith.index_cast %add3A_465 : i32 to index
          %swap3A_467 = arith.constant 48 : index
          %swap3A_468 = tpu.vector_load %arg16[%swap3A_466, %swap3A_467] {strides = array<i32>} : memref<160x128xf32, #tpu.memory_space<vmem>>, vector<1x16xf32>,
          %swap3A_469 = vector.shape_cast %swap3A_468 : vector<1x16xf32> to vector<16xf32>
          %swap3A_470 = vector.shape_cast %add3A_461 : vector<16xf32> to vector<1x16xf32>
          tpu.vector_store %arg16[%swap3A_466, %swap3A_467], %swap3A_470 {strides = array<i32>} : memref<160x128xf32, #tpu.memory_space<vmem>>, vector<1x16xf32>,
          %get3A_471 = arith.index_cast %add3A_120 : i32 to index
          %get3A_472 = arith.constant 64 : index
          %get3A_473 = tpu.vector_load %arg12[%get3A_471, %get3A_472] {strides = array<i32>} : memref<40x256xf32, #tpu.memory_space<vmem>>, vector<1x16xf32>,
          %get3A_474 = vector.shape_cast %get3A_473 : vector<1x16xf32> to vector<16xf32>
          %get3A_475 = arith.index_cast %add3A_120 : i32 to index
          %get3A_476 = arith.constant 192 : index
          %get3A_477 = tpu.vector_load %arg12[%get3A_475, %get3A_476] {strides = array<i32>} : memref<40x256xf32, #tpu.memory_space<vmem>>, vector<1x16xf32>,
          %get3A_478 = vector.shape_cast %get3A_477 : vector<1x16xf32> to vector<16xf32>
          %get3A_479 = arith.index_cast %add3A_120 : i32 to index
          %get3A_480 = arith.constant 64 : index
          %get3A_481 = tpu.vector_load %arg14[%get3A_479, %get3A_480] {strides = array<i32>} : memref<40x256xf32, #tpu.memory_space<vmem>>, vector<1x16xf32>,
          %get3A_482 = vector.shape_cast %get3A_481 : vector<1x16xf32> to vector<16xf32>
          %get3A_483 = arith.index_cast %add3A_120 : i32 to index
          %get3A_484 = arith.constant 192 : index
          %get3A_485 = tpu.vector_load %arg14[%get3A_483, %get3A_484] {strides = array<i32>} : memref<40x256xf32, #tpu.memory_space<vmem>>, vector<1x16xf32>,
          %get3A_486 = vector.shape_cast %get3A_485 : vector<1x16xf32> to vector<16xf32>
          %mul3A_487 = arith.constant 4 : i32
          %mul3A_488 = arith.muli %mul3A_487, %add3A_120 : i32
          %get3A_489 = arith.index_cast %mul3A_488 : i32 to index
          %get3A_490 = arith.constant 64 : index
          %get3A_491 = tpu.vector_load %arg16[%get3A_489, %get3A_490] {strides = array<i32>} : memref<160x128xf32, #tpu.memory_space<vmem>>, vector<1x16xf32>,
          %get3A_492 = vector.shape_cast %get3A_491 : vector<1x16xf32> to vector<16xf32>
          %add3A_493 = arith.addf %get3A_474, %get3A_482 : vector<16xf32>
          %add3A_494 = arith.addf %get3A_492, %add3A_493 : vector<16xf32>
          %mul3A_495 = arith.constant 4 : i32
          %mul3A_496 = arith.muli %mul3A_495, %add3A_120 : i32
          %swap3A_497 = arith.index_cast %mul3A_496 : i32 to index
          %swap3A_498 = arith.constant 64 : index
          %swap3A_499 = tpu.vector_load %arg16[%swap3A_497, %swap3A_498] {strides = array<i32>} : memref<160x128xf32, #tpu.memory_space<vmem>>, vector<1x16xf32>,
          %swap3A_500 = vector.shape_cast %swap3A_499 : vector<1x16xf32> to vector<16xf32>
          %swap3A_501 = vector.shape_cast %add3A_494 : vector<16xf32> to vector<1x16xf32>
          tpu.vector_store %arg16[%swap3A_497, %swap3A_498], %swap3A_501 {strides = array<i32>} : memref<160x128xf32, #tpu.memory_space<vmem>>, vector<1x16xf32>,
          %mul3A_502 = arith.constant 4 : i32
          %mul3A_503 = arith.muli %mul3A_502, %add3A_120 : i32
          %add3A_504 = arith.constant 1 : i32
          %add3A_505 = arith.addi %mul3A_503, %add3A_504 : i32
          %get3A_506 = arith.index_cast %add3A_505 : i32 to index
          %get3A_507 = arith.constant 64 : index
          %get3A_508 = tpu.vector_load %arg16[%get3A_506, %get3A_507] {strides = array<i32>} : memref<160x128xf32, #tpu.memory_space<vmem>>, vector<1x16xf32>,
          %get3A_509 = vector.shape_cast %get3A_508 : vector<1x16xf32> to vector<16xf32>
          %add3A_510 = arith.addf %get3A_474, %get3A_486 : vector<16xf32>
          %add3A_511 = arith.addf %get3A_509, %add3A_510 : vector<16xf32>
          %mul3A_512 = arith.constant 4 : i32
          %mul3A_513 = arith.muli %mul3A_512, %add3A_120 : i32
          %add3A_514 = arith.constant 1 : i32
          %add3A_515 = arith.addi %mul3A_513, %add3A_514 : i32
          %swap3A_516 = arith.index_cast %add3A_515 : i32 to index
          %swap3A_517 = arith.constant 64 : index
          %swap3A_518 = tpu.vector_load %arg16[%swap3A_516, %swap3A_517] {strides = array<i32>} : memref<160x128xf32, #tpu.memory_space<vmem>>, vector<1x16xf32>,
          %swap3A_519 = vector.shape_cast %swap3A_518 : vector<1x16xf32> to vector<16xf32>
          %swap3A_520 = vector.shape_cast %add3A_511 : vector<16xf32> to vector<1x16xf32>
          tpu.vector_store %arg16[%swap3A_516, %swap3A_517], %swap3A_520 {strides = array<i32>} : memref<160x128xf32, #tpu.memory_space<vmem>>, vector<1x16xf32>,
          %mul3A_521 = arith.constant 4 : i32
          %mul3A_522 = arith.muli %mul3A_521, %add3A_120 : i32
          %add3A_523 = arith.constant 2 : i32
          %add3A_524 = arith.addi %mul3A_522, %add3A_523 : i32
          %get3A_525 = arith.index_cast %add3A_524 : i32 to index
          %get3A_526 = arith.constant 64 : index
          %get3A_527 = tpu.vector_load %arg16[%get3A_525, %get3A_526] {strides = array<i32>} : memref<160x128xf32, #tpu.memory_space<vmem>>, vector<1x16xf32>,
          %get3A_528 = vector.shape_cast %get3A_527 : vector<1x16xf32> to vector<16xf32>
          %add3A_529 = arith.addf %get3A_478, %get3A_482 : vector<16xf32>
          %add3A_530 = arith.addf %get3A_528, %add3A_529 : vector<16xf32>
          %mul3A_531 = arith.constant 4 : i32
          %mul3A_532 = arith.muli %mul3A_531, %add3A_120 : i32
          %add3A_533 = arith.constant 2 : i32
          %add3A_534 = arith.addi %mul3A_532, %add3A_533 : i32
          %swap3A_535 = arith.index_cast %add3A_534 : i32 to index
          %swap3A_536 = arith.constant 64 : index
          %swap3A_537 = tpu.vector_load %arg16[%swap3A_535, %swap3A_536] {strides = array<i32>} : memref<160x128xf32, #tpu.memory_space<vmem>>, vector<1x16xf32>,
          %swap3A_538 = vector.shape_cast %swap3A_537 : vector<1x16xf32> to vector<16xf32>
          %swap3A_539 = vector.shape_cast %add3A_530 : vector<16xf32> to vector<1x16xf32>
          tpu.vector_store %arg16[%swap3A_535, %swap3A_536], %swap3A_539 {strides = array<i32>} : memref<160x128xf32, #tpu.memory_space<vmem>>, vector<1x16xf32>,
          %mul3A_540 = arith.constant 4 : i32
          %mul3A_541 = arith.muli %mul3A_540, %add3A_120 : i32
          %add3A_542 = arith.constant 3 : i32
          %add3A_543 = arith.addi %mul3A_541, %add3A_542 : i32
          %get3A_544 = arith.index_cast %add3A_543 : i32 to index
          %get3A_545 = arith.constant 64 : index
          %get3A_546 = tpu.vector_load %arg16[%get3A_544, %get3A_545] {strides = array<i32>} : memref<160x128xf32, #tpu.memory_space<vmem>>, vector<1x16xf32>,
          %get3A_547 = vector.shape_cast %get3A_546 : vector<1x16xf32> to vector<16xf32>
          %add3A_548 = arith.addf %get3A_478, %get3A_486 : vector<16xf32>
          %add3A_549 = arith.addf %get3A_547, %add3A_548 : vector<16xf32>
          %mul3A_550 = arith.constant 4 : i32
          %mul3A_551 = arith.muli %mul3A_550, %add3A_120 : i32
          %add3A_552 = arith.constant 3 : i32
          %add3A_553 = arith.addi %mul3A_551, %add3A_552 : i32
          %swap3A_554 = arith.index_cast %add3A_553 : i32 to index
          %swap3A_555 = arith.constant 64 : index
          %swap3A_556 = tpu.vector_load %arg16[%swap3A_554, %swap3A_555] {strides = array<i32>} : memref<160x128xf32, #tpu.memory_space<vmem>>, vector<1x16xf32>,
          %swap3A_557 = vector.shape_cast %swap3A_556 : vector<1x16xf32> to vector<16xf32>
          %swap3A_558 = vector.shape_cast %add3A_549 : vector<16xf32> to vector<1x16xf32>
          tpu.vector_store %arg16[%swap3A_554, %swap3A_555], %swap3A_558 {strides = array<i32>} : memref<160x128xf32, #tpu.memory_space<vmem>>, vector<1x16xf32>,
          %get3A_559 = arith.index_cast %add3A_120 : i32 to index
          %get3A_560 = arith.constant 80 : index
          %get3A_561 = tpu.vector_load %arg12[%get3A_559, %get3A_560] {strides = array<i32>} : memref<40x256xf32, #tpu.memory_space<vmem>>, vector<1x16xf32>,
          %get3A_562 = vector.shape_cast %get3A_561 : vector<1x16xf32> to vector<16xf32>
          %get3A_563 = arith.index_cast %add3A_120 : i32 to index
          %get3A_564 = arith.constant 208 : index
          %get3A_565 = tpu.vector_load %arg12[%get3A_563, %get3A_564] {strides = array<i32>} : memref<40x256xf32, #tpu.memory_space<vmem>>, vector<1x16xf32>,
          %get3A_566 = vector.shape_cast %get3A_565 : vector<1x16xf32> to vector<16xf32>
          %get3A_567 = arith.index_cast %add3A_120 : i32 to index
          %get3A_568 = arith.constant 80 : index
          %get3A_569 = tpu.vector_load %arg14[%get3A_567, %get3A_568] {strides = array<i32>} : memref<40x256xf32, #tpu.memory_space<vmem>>, vector<1x16xf32>,
          %get3A_570 = vector.shape_cast %get3A_569 : vector<1x16xf32> to vector<16xf32>
          %get3A_571 = arith.index_cast %add3A_120 : i32 to index
          %get3A_572 = arith.constant 208 : index
          %get3A_573 = tpu.vector_load %arg14[%get3A_571, %get3A_572] {strides = array<i32>} : memref<40x256xf32, #tpu.memory_space<vmem>>, vector<1x16xf32>,
          %get3A_574 = vector.shape_cast %get3A_573 : vector<1x16xf32> to vector<16xf32>
          %mul3A_575 = arith.constant 4 : i32
          %mul3A_576 = arith.muli %mul3A_575, %add3A_120 : i32
          %get3A_577 = arith.index_cast %mul3A_576 : i32 to index
          %get3A_578 = arith.constant 80 : index
          %get3A_579 = tpu.vector_load %arg16[%get3A_577, %get3A_578] {strides = array<i32>} : memref<160x128xf32, #tpu.memory_space<vmem>>, vector<1x16xf32>,
          %get3A_580 = vector.shape_cast %get3A_579 : vector<1x16xf32> to vector<16xf32>
          %add3A_581 = arith.addf %get3A_562, %get3A_570 : vector<16xf32>
          %add3A_582 = arith.addf %get3A_580, %add3A_581 : vector<16xf32>
          %mul3A_583 = arith.constant 4 : i32
          %mul3A_584 = arith.muli %mul3A_583, %add3A_120 : i32
          %swap3A_585 = arith.index_cast %mul3A_584 : i32 to index
          %swap3A_586 = arith.constant 80 : index
          %swap3A_587 = tpu.vector_load %arg16[%swap3A_585, %swap3A_586] {strides = array<i32>} : memref<160x128xf32, #tpu.memory_space<vmem>>, vector<1x16xf32>,
          %swap3A_588 = vector.shape_cast %swap3A_587 : vector<1x16xf32> to vector<16xf32>
          %swap3A_589 = vector.shape_cast %add3A_582 : vector<16xf32> to vector<1x16xf32>
          tpu.vector_store %arg16[%swap3A_585, %swap3A_586], %swap3A_589 {strides = array<i32>} : memref<160x128xf32, #tpu.memory_space<vmem>>, vector<1x16xf32>,
          %mul3A_590 = arith.constant 4 : i32
          %mul3A_591 = arith.muli %mul3A_590, %add3A_120 : i32
          %add3A_592 = arith.constant 1 : i32
          %add3A_593 = arith.addi %mul3A_591, %add3A_592 : i32
          %get3A_594 = arith.index_cast %add3A_593 : i32 to index
          %get3A_595 = arith.constant 80 : index
          %get3A_596 = tpu.vector_load %arg16[%get3A_594, %get3A_595] {strides = array<i32>} : memref<160x128xf32, #tpu.memory_space<vmem>>, vector<1x16xf32>,
          %get3A_597 = vector.shape_cast %get3A_596 : vector<1x16xf32> to vector<16xf32>
          %add3A_598 = arith.addf %get3A_562, %get3A_574 : vector<16xf32>
          %add3A_599 = arith.addf %get3A_597, %add3A_598 : vector<16xf32>
          %mul3A_600 = arith.constant 4 : i32
          %mul3A_601 = arith.muli %mul3A_600, %add3A_120 : i32
          %add3A_602 = arith.constant 1 : i32
          %add3A_603 = arith.addi %mul3A_601, %add3A_602 : i32
          %swap3A_604 = arith.index_cast %add3A_603 : i32 to index
          %swap3A_605 = arith.constant 80 : index
          %swap3A_606 = tpu.vector_load %arg16[%swap3A_604, %swap3A_605] {strides = array<i32>} : memref<160x128xf32, #tpu.memory_space<vmem>>, vector<1x16xf32>,
          %swap3A_607 = vector.shape_cast %swap3A_606 : vector<1x16xf32> to vector<16xf32>
          %swap3A_608 = vector.shape_cast %add3A_599 : vector<16xf32> to vector<1x16xf32>
          tpu.vector_store %arg16[%swap3A_604, %swap3A_605], %swap3A_608 {strides = array<i32>} : memref<160x128xf32, #tpu.memory_space<vmem>>, vector<1x16xf32>,
          %mul3A_609 = arith.constant 4 : i32
          %mul3A_610 = arith.muli %mul3A_609, %add3A_120 : i32
          %add3A_611 = arith.constant 2 : i32
          %add3A_612 = arith.addi %mul3A_610, %add3A_611 : i32
          %get3A_613 = arith.index_cast %add3A_612 : i32 to index
          %get3A_614 = arith.constant 80 : index
          %get3A_615 = tpu.vector_load %arg16[%get3A_613, %get3A_614] {strides = array<i32>} : memref<160x128xf32, #tpu.memory_space<vmem>>, vector<1x16xf32>,
          %get3A_616 = vector.shape_cast %get3A_615 : vector<1x16xf32> to vector<16xf32>
          %add3A_617 = arith.addf %get3A_566, %get3A_570 : vector<16xf32>
          %add3A_618 = arith.addf %get3A_616, %add3A_617 : vector<16xf32>
          %mul3A_619 = arith.constant 4 : i32
          %mul3A_620 = arith.muli %mul3A_619, %add3A_120 : i32
          %add3A_621 = arith.constant 2 : i32
          %add3A_622 = arith.addi %mul3A_620, %add3A_621 : i32
          %swap3A_623 = arith.index_cast %add3A_622 : i32 to index
          %swap3A_624 = arith.constant 80 : index
          %swap3A_625 = tpu.vector_load %arg16[%swap3A_623, %swap3A_624] {strides = array<i32>} : memref<160x128xf32, #tpu.memory_space<vmem>>, vector<1x16xf32>,
          %swap3A_626 = vector.shape_cast %swap3A_625 : vector<1x16xf32> to vector<16xf32>
          %swap3A_627 = vector.shape_cast %add3A_618 : vector<16xf32> to vector<1x16xf32>
          tpu.vector_store %arg16[%swap3A_623, %swap3A_624], %swap3A_627 {strides = array<i32>} : memref<160x128xf32, #tpu.memory_space<vmem>>, vector<1x16xf32>,
          %mul3A_628 = arith.constant 4 : i32
          %mul3A_629 = arith.muli %mul3A_628, %add3A_120 : i32
          %add3A_630 = arith.constant 3 : i32
          %add3A_631 = arith.addi %mul3A_629, %add3A_630 : i32
          %get3A_632 = arith.index_cast %add3A_631 : i32 to index
          %get3A_633 = arith.constant 80 : index
          %get3A_634 = tpu.vector_load %arg16[%get3A_632, %get3A_633] {strides = array<i32>} : memref<160x128xf32, #tpu.memory_space<vmem>>, vector<1x16xf32>,
          %get3A_635 = vector.shape_cast %get3A_634 : vector<1x16xf32> to vector<16xf32>
          %add3A_636 = arith.addf %get3A_566, %get3A_574 : vector<16xf32>
          %add3A_637 = arith.addf %get3A_635, %add3A_636 : vector<16xf32>
          %mul3A_638 = arith.constant 4 : i32
          %mul3A_639 = arith.muli %mul3A_638, %add3A_120 : i32
          %add3A_640 = arith.constant 3 : i32
          %add3A_641 = arith.addi %mul3A_639, %add3A_640 : i32
          %swap3A_642 = arith.index_cast %add3A_641 : i32 to index
          %swap3A_643 = arith.constant 80 : index
          %swap3A_644 = tpu.vector_load %arg16[%swap3A_642, %swap3A_643] {strides = array<i32>} : memref<160x128xf32, #tpu.memory_space<vmem>>, vector<1x16xf32>,
          %swap3A_645 = vector.shape_cast %swap3A_644 : vector<1x16xf32> to vector<16xf32>
          %swap3A_646 = vector.shape_cast %add3A_637 : vector<16xf32> to vector<1x16xf32>
          tpu.vector_store %arg16[%swap3A_642, %swap3A_643], %swap3A_646 {strides = array<i32>} : memref<160x128xf32, #tpu.memory_space<vmem>>, vector<1x16xf32>,
          %get3A_647 = arith.index_cast %add3A_120 : i32 to index
          %get3A_648 = arith.constant 96 : index
          %get3A_649 = tpu.vector_load %arg12[%get3A_647, %get3A_648] {strides = array<i32>} : memref<40x256xf32, #tpu.memory_space<vmem>>, vector<1x16xf32>,
          %get3A_650 = vector.shape_cast %get3A_649 : vector<1x16xf32> to vector<16xf32>
          %get3A_651 = arith.index_cast %add3A_120 : i32 to index
          %get3A_652 = arith.constant 224 : index
          %get3A_653 = tpu.vector_load %arg12[%get3A_651, %get3A_652] {strides = array<i32>} : memref<40x256xf32, #tpu.memory_space<vmem>>, vector<1x16xf32>,
          %get3A_654 = vector.shape_cast %get3A_653 : vector<1x16xf32> to vector<16xf32>
          %get3A_655 = arith.index_cast %add3A_120 : i32 to index
          %get3A_656 = arith.constant 96 : index
          %get3A_657 = tpu.vector_load %arg14[%get3A_655, %get3A_656] {strides = array<i32>} : memref<40x256xf32, #tpu.memory_space<vmem>>, vector<1x16xf32>,
          %get3A_658 = vector.shape_cast %get3A_657 : vector<1x16xf32> to vector<16xf32>
          %get3A_659 = arith.index_cast %add3A_120 : i32 to index
          %get3A_660 = arith.constant 224 : index
          %get3A_661 = tpu.vector_load %arg14[%get3A_659, %get3A_660] {strides = array<i32>} : memref<40x256xf32, #tpu.memory_space<vmem>>, vector<1x16xf32>,
          %get3A_662 = vector.shape_cast %get3A_661 : vector<1x16xf32> to vector<16xf32>
          %mul3A_663 = arith.constant 4 : i32
          %mul3A_664 = arith.muli %mul3A_663, %add3A_120 : i32
          %get3A_665 = arith.index_cast %mul3A_664 : i32 to index
          %get3A_666 = arith.constant 96 : index
          %get3A_667 = tpu.vector_load %arg16[%get3A_665, %get3A_666] {strides = array<i32>} : memref<160x128xf32, #tpu.memory_space<vmem>>, vector<1x16xf32>,
          %get3A_668 = vector.shape_cast %get3A_667 : vector<1x16xf32> to vector<16xf32>
          %add3A_669 = arith.addf %get3A_650, %get3A_658 : vector<16xf32>
          %add3A_670 = arith.addf %get3A_668, %add3A_669 : vector<16xf32>
          %mul3A_671 = arith.constant 4 : i32
          %mul3A_672 = arith.muli %mul3A_671, %add3A_120 : i32
          %swap3A_673 = arith.index_cast %mul3A_672 : i32 to index
          %swap3A_674 = arith.constant 96 : index
          %swap3A_675 = tpu.vector_load %arg16[%swap3A_673, %swap3A_674] {strides = array<i32>} : memref<160x128xf32, #tpu.memory_space<vmem>>, vector<1x16xf32>,
          %swap3A_676 = vector.shape_cast %swap3A_675 : vector<1x16xf32> to vector<16xf32>
          %swap3A_677 = vector.shape_cast %add3A_670 : vector<16xf32> to vector<1x16xf32>
          tpu.vector_store %arg16[%swap3A_673, %swap3A_674], %swap3A_677 {strides = array<i32>} : memref<160x128xf32, #tpu.memory_space<vmem>>, vector<1x16xf32>,
          %mul3A_678 = arith.constant 4 : i32
          %mul3A_679 = arith.muli %mul3A_678, %add3A_120 : i32
          %add3A_680 = arith.constant 1 : i32
          %add3A_681 = arith.addi %mul3A_679, %add3A_680 : i32
          %get3A_682 = arith.index_cast %add3A_681 : i32 to index
          %get3A_683 = arith.constant 96 : index
          %get3A_684 = tpu.vector_load %arg16[%get3A_682, %get3A_683] {strides = array<i32>} : memref<160x128xf32, #tpu.memory_space<vmem>>, vector<1x16xf32>,
          %get3A_685 = vector.shape_cast %get3A_684 : vector<1x16xf32> to vector<16xf32>
          %add3A_686 = arith.addf %get3A_650, %get3A_662 : vector<16xf32>
          %add3A_687 = arith.addf %get3A_685, %add3A_686 : vector<16xf32>
          %mul3A_688 = arith.constant 4 : i32
          %mul3A_689 = arith.muli %mul3A_688, %add3A_120 : i32
          %add3A_690 = arith.constant 1 : i32
          %add3A_691 = arith.addi %mul3A_689, %add3A_690 : i32
          %swap3A_692 = arith.index_cast %add3A_691 : i32 to index
          %swap3A_693 = arith.constant 96 : index
          %swap3A_694 = tpu.vector_load %arg16[%swap3A_692, %swap3A_693] {strides = array<i32>} : memref<160x128xf32, #tpu.memory_space<vmem>>, vector<1x16xf32>,
          %swap3A_695 = vector.shape_cast %swap3A_694 : vector<1x16xf32> to vector<16xf32>
          %swap3A_696 = vector.shape_cast %add3A_687 : vector<16xf32> to vector<1x16xf32>
          tpu.vector_store %arg16[%swap3A_692, %swap3A_693], %swap3A_696 {strides = array<i32>} : memref<160x128xf32, #tpu.memory_space<vmem>>, vector<1x16xf32>,
          %mul3A_697 = arith.constant 4 : i32
          %mul3A_698 = arith.muli %mul3A_697, %add3A_120 : i32
          %add3A_699 = arith.constant 2 : i32
          %add3A_700 = arith.addi %mul3A_698, %add3A_699 : i32
          %get3A_701 = arith.index_cast %add3A_700 : i32 to index
          %get3A_702 = arith.constant 96 : index
          %get3A_703 = tpu.vector_load %arg16[%get3A_701, %get3A_702] {strides = array<i32>} : memref<160x128xf32, #tpu.memory_space<vmem>>, vector<1x16xf32>,
          %get3A_704 = vector.shape_cast %get3A_703 : vector<1x16xf32> to vector<16xf32>
          %add3A_705 = arith.addf %get3A_654, %get3A_658 : vector<16xf32>
          %add3A_706 = arith.addf %get3A_704, %add3A_705 : vector<16xf32>
          %mul3A_707 = arith.constant 4 : i32
          %mul3A_708 = arith.muli %mul3A_707, %add3A_120 : i32
          %add3A_709 = arith.constant 2 : i32
          %add3A_710 = arith.addi %mul3A_708, %add3A_709 : i32
          %swap3A_711 = arith.index_cast %add3A_710 : i32 to index
          %swap3A_712 = arith.constant 96 : index
          %swap3A_713 = tpu.vector_load %arg16[%swap3A_711, %swap3A_712] {strides = array<i32>} : memref<160x128xf32, #tpu.memory_space<vmem>>, vector<1x16xf32>,
          %swap3A_714 = vector.shape_cast %swap3A_713 : vector<1x16xf32> to vector<16xf32>
          %swap3A_715 = vector.shape_cast %add3A_706 : vector<16xf32> to vector<1x16xf32>
          tpu.vector_store %arg16[%swap3A_711, %swap3A_712], %swap3A_715 {strides = array<i32>} : memref<160x128xf32, #tpu.memory_space<vmem>>, vector<1x16xf32>,
          %mul3A_716 = arith.constant 4 : i32
          %mul3A_717 = arith.muli %mul3A_716, %add3A_120 : i32
          %add3A_718 = arith.constant 3 : i32
          %add3A_719 = arith.addi %mul3A_717, %add3A_718 : i32
          %get3A_720 = arith.index_cast %add3A_719 : i32 to index
          %get3A_721 = arith.constant 96 : index
          %get3A_722 = tpu.vector_load %arg16[%get3A_720, %get3A_721] {strides = array<i32>} : memref<160x128xf32, #tpu.memory_space<vmem>>, vector<1x16xf32>,
          %get3A_723 = vector.shape_cast %get3A_722 : vector<1x16xf32> to vector<16xf32>
          %add3A_724 = arith.addf %get3A_654, %get3A_662 : vector<16xf32>
          %add3A_725 = arith.addf %get3A_723, %add3A_724 : vector<16xf32>
          %mul3A_726 = arith.constant 4 : i32
          %mul3A_727 = arith.muli %mul3A_726, %add3A_120 : i32
          %add3A_728 = arith.constant 3 : i32
          %add3A_729 = arith.addi %mul3A_727, %add3A_728 : i32
          %swap3A_730 = arith.index_cast %add3A_729 : i32 to index
          %swap3A_731 = arith.constant 96 : index
          %swap3A_732 = tpu.vector_load %arg16[%swap3A_730, %swap3A_731] {strides = array<i32>} : memref<160x128xf32, #tpu.memory_space<vmem>>, vector<1x16xf32>,
          %swap3A_733 = vector.shape_cast %swap3A_732 : vector<1x16xf32> to vector<16xf32>
          %swap3A_734 = vector.shape_cast %add3A_725 : vector<16xf32> to vector<1x16xf32>
          tpu.vector_store %arg16[%swap3A_730, %swap3A_731], %swap3A_734 {strides = array<i32>} : memref<160x128xf32, #tpu.memory_space<vmem>>, vector<1x16xf32>,
          %get3A_735 = arith.index_cast %add3A_120 : i32 to index
          %get3A_736 = arith.constant 112 : index
          %get3A_737 = tpu.vector_load %arg12[%get3A_735, %get3A_736] {strides = array<i32>} : memref<40x256xf32, #tpu.memory_space<vmem>>, vector<1x16xf32>,
          %get3A_738 = vector.shape_cast %get3A_737 : vector<1x16xf32> to vector<16xf32>
          %get3A_739 = arith.index_cast %add3A_120 : i32 to index
          %get3A_740 = arith.constant 240 : index
          %get3A_741 = tpu.vector_load %arg12[%get3A_739, %get3A_740] {strides = array<i32>} : memref<40x256xf32, #tpu.memory_space<vmem>>, vector<1x16xf32>,
          %get3A_742 = vector.shape_cast %get3A_741 : vector<1x16xf32> to vector<16xf32>
          %get3A_743 = arith.index_cast %add3A_120 : i32 to index
          %get3A_744 = arith.constant 112 : index
          %get3A_745 = tpu.vector_load %arg14[%get3A_743, %get3A_744] {strides = array<i32>} : memref<40x256xf32, #tpu.memory_space<vmem>>, vector<1x16xf32>,
          %get3A_746 = vector.shape_cast %get3A_745 : vector<1x16xf32> to vector<16xf32>
          %get3A_747 = arith.index_cast %add3A_120 : i32 to index
          %get3A_748 = arith.constant 240 : index
          %get3A_749 = tpu.vector_load %arg14[%get3A_747, %get3A_748] {strides = array<i32>} : memref<40x256xf32, #tpu.memory_space<vmem>>, vector<1x16xf32>,
          %get3A_750 = vector.shape_cast %get3A_749 : vector<1x16xf32> to vector<16xf32>
          %mul3A_751 = arith.constant 4 : i32
          %mul3A_752 = arith.muli %mul3A_751, %add3A_120 : i32
          %get3A_753 = arith.index_cast %mul3A_752 : i32 to index
          %get3A_754 = arith.constant 112 : index
          %get3A_755 = tpu.vector_load %arg16[%get3A_753, %get3A_754] {strides = array<i32>} : memref<160x128xf32, #tpu.memory_space<vmem>>, vector<1x16xf32>,
          %get3A_756 = vector.shape_cast %get3A_755 : vector<1x16xf32> to vector<16xf32>
          %add3A_757 = arith.addf %get3A_738, %get3A_746 : vector<16xf32>
          %add3A_758 = arith.addf %get3A_756, %add3A_757 : vector<16xf32>
          %mul3A_759 = arith.constant 4 : i32
          %mul3A_760 = arith.muli %mul3A_759, %add3A_120 : i32
          %swap3A_761 = arith.index_cast %mul3A_760 : i32 to index
          %swap3A_762 = arith.constant 112 : index
          %swap3A_763 = tpu.vector_load %arg16[%swap3A_761, %swap3A_762] {strides = array<i32>} : memref<160x128xf32, #tpu.memory_space<vmem>>, vector<1x16xf32>,
          %swap3A_764 = vector.shape_cast %swap3A_763 : vector<1x16xf32> to vector<16xf32>
          %swap3A_765 = vector.shape_cast %add3A_758 : vector<16xf32> to vector<1x16xf32>
          tpu.vector_store %arg16[%swap3A_761, %swap3A_762], %swap3A_765 {strides = array<i32>} : memref<160x128xf32, #tpu.memory_space<vmem>>, vector<1x16xf32>,
          %mul3A_766 = arith.constant 4 : i32
          %mul3A_767 = arith.muli %mul3A_766, %add3A_120 : i32
          %add3A_768 = arith.constant 1 : i32
          %add3A_769 = arith.addi %mul3A_767, %add3A_768 : i32
          %get3A_770 = arith.index_cast %add3A_769 : i32 to index
          %get3A_771 = arith.constant 112 : index
          %get3A_772 = tpu.vector_load %arg16[%get3A_770, %get3A_771] {strides = array<i32>} : memref<160x128xf32, #tpu.memory_space<vmem>>, vector<1x16xf32>,
          %get3A_773 = vector.shape_cast %get3A_772 : vector<1x16xf32> to vector<16xf32>
          %add3A_774 = arith.addf %get3A_738, %get3A_750 : vector<16xf32>
          %add3A_775 = arith.addf %get3A_773, %add3A_774 : vector<16xf32>
          %mul3A_776 = arith.constant 4 : i32
          %mul3A_777 = arith.muli %mul3A_776, %add3A_120 : i32
          %add3A_778 = arith.constant 1 : i32
          %add3A_779 = arith.addi %mul3A_777, %add3A_778 : i32
          %swap3A_780 = arith.index_cast %add3A_779 : i32 to index
          %swap3A_781 = arith.constant 112 : index
          %swap3A_782 = tpu.vector_load %arg16[%swap3A_780, %swap3A_781] {strides = array<i32>} : memref<160x128xf32, #tpu.memory_space<vmem>>, vector<1x16xf32>,
          %swap3A_783 = vector.shape_cast %swap3A_782 : vector<1x16xf32> to vector<16xf32>
          %swap3A_784 = vector.shape_cast %add3A_775 : vector<16xf32> to vector<1x16xf32>
          tpu.vector_store %arg16[%swap3A_780, %swap3A_781], %swap3A_784 {strides = array<i32>} : memref<160x128xf32, #tpu.memory_space<vmem>>, vector<1x16xf32>,
          %mul3A_785 = arith.constant 4 : i32
          %mul3A_786 = arith.muli %mul3A_785, %add3A_120 : i32
          %add3A_787 = arith.constant 2 : i32
          %add3A_788 = arith.addi %mul3A_786, %add3A_787 : i32
          %get3A_789 = arith.index_cast %add3A_788 : i32 to index
          %get3A_790 = arith.constant 112 : index
          %get3A_791 = tpu.vector_load %arg16[%get3A_789, %get3A_790] {strides = array<i32>} : memref<160x128xf32, #tpu.memory_space<vmem>>, vector<1x16xf32>,
          %get3A_792 = vector.shape_cast %get3A_791 : vector<1x16xf32> to vector<16xf32>
          %add3A_793 = arith.addf %get3A_742, %get3A_746 : vector<16xf32>
          %add3A_794 = arith.addf %get3A_792, %add3A_793 : vector<16xf32>
          %mul3A_795 = arith.constant 4 : i32
          %mul3A_796 = arith.muli %mul3A_795, %add3A_120 : i32
          %add3A_797 = arith.constant 2 : i32
          %add3A_798 = arith.addi %mul3A_796, %add3A_797 : i32
          %swap3A_799 = arith.index_cast %add3A_798 : i32 to index
          %swap3A_800 = arith.constant 112 : index
          %swap3A_801 = tpu.vector_load %arg16[%swap3A_799, %swap3A_800] {strides = array<i32>} : memref<160x128xf32, #tpu.memory_space<vmem>>, vector<1x16xf32>,
          %swap3A_802 = vector.shape_cast %swap3A_801 : vector<1x16xf32> to vector<16xf32>
          %swap3A_803 = vector.shape_cast %add3A_794 : vector<16xf32> to vector<1x16xf32>
          tpu.vector_store %arg16[%swap3A_799, %swap3A_800], %swap3A_803 {strides = array<i32>} : memref<160x128xf32, #tpu.memory_space<vmem>>, vector<1x16xf32>,
          %mul3A_804 = arith.constant 4 : i32
          %mul3A_805 = arith.muli %mul3A_804, %add3A_120 : i32
          %add3A_806 = arith.constant 3 : i32
          %add3A_807 = arith.addi %mul3A_805, %add3A_806 : i32
          %get3A_808 = arith.index_cast %add3A_807 : i32 to index
          %get3A_809 = arith.constant 112 : index
          %get3A_810 = tpu.vector_load %arg16[%get3A_808, %get3A_809] {strides = array<i32>} : memref<160x128xf32, #tpu.memory_space<vmem>>, vector<1x16xf32>,
          %get3A_811 = vector.shape_cast %get3A_810 : vector<1x16xf32> to vector<16xf32>
          %add3A_812 = arith.addf %get3A_742, %get3A_750 : vector<16xf32>
          %add3A_813 = arith.addf %get3A_811, %add3A_812 : vector<16xf32>
          %mul3A_814 = arith.constant 4 : i32
          %mul3A_815 = arith.muli %mul3A_814, %add3A_120 : i32
          %add3A_816 = arith.constant 3 : i32
          %add3A_817 = arith.addi %mul3A_815, %add3A_816 : i32
          %swap3A_818 = arith.index_cast %add3A_817 : i32 to index
          %swap3A_819 = arith.constant 112 : index
          %swap3A_820 = tpu.vector_load %arg16[%swap3A_818, %swap3A_819] {strides = array<i32>} : memref<160x128xf32, #tpu.memory_space<vmem>>, vector<1x16xf32>,
          %swap3A_821 = vector.shape_cast %swap3A_820 : vector<1x16xf32> to vector<16xf32>
          %swap3A_822 = vector.shape_cast %add3A_813 : vector<16xf32> to vector<1x16xf32>
          tpu.vector_store %arg16[%swap3A_818, %swap3A_819], %swap3A_822 {strides = array<i32>} : memref<160x128xf32, #tpu.memory_space<vmem>>, vector<1x16xf32>,
        }
        %scan3A_105 = arith.constant 40 : i32
        %mul3A_106 = arith.constant 4 : i32
        %mul3A_107 = arith.muli %mul3A_81, %mul3A_106 : i32
        %dma_start3A_108 = arith.constant 0 : i32
        %dma_start3A_109 = tpu.memref_slice %arg6[%mul3A_107, %dma_start3A_108] : memref<640000x128xf32, #tpu.memory_space<hbm>> -> memref<160x128xf32, #tpu.memory_space<hbm>>
        %dma_start3A_110 = arith.constant 0 : i32
        %dma_start3A_111 = tpu.memref_slice %arg6[%mul3A_107, %dma_start3A_110] : memref<640000x128xf32, #tpu.memory_space<hbm>> -> memref<160x128xf32, #tpu.memory_space<hbm>>
        tpu.enqueue_dma source(%arg16 : memref<160x128xf32, #tpu.memory_space<vmem>>) target(%dma_start3A_111 : memref<160x128xf32, #tpu.memory_space<hbm>>) target_semaphore(%arg18 : memref<!tpu.dma_semaphore, #tpu.memory_space<semaphore_mem>>)
        %dma_wait3A_112 = arith.constant 0 : i32
        %dma_wait3A_113 = tpu.memref_slice %arg6[%mul3A_107, %dma_wait3A_112] : memref<640000x128xf32, #tpu.memory_space<hbm>> -> memref<160x128xf32, #tpu.memory_space<hbm>>
        %dma_wait3A_114 = arith.constant 0 : i32
        %dma_wait3A_115 = tpu.memref_slice %arg6[%mul3A_107, %dma_wait3A_114] : memref<640000x128xf32, #tpu.memory_space<hbm>> -> memref<160x128xf32, #tpu.memory_space<hbm>>
        tpu.wait_dma2 semaphore(%arg18 : memref<!tpu.dma_semaphore, #tpu.memory_space<semaphore_mem>>) src(%arg16 : memref<160x128xf32, #tpu.memory_space<vmem>>) dst(%dma_wait3A_115 : memref<160x128xf32, #tpu.memory_space<hbm>>)
      } else {
      }
      %dma_wait3A_87 = arith.constant 0 : i32
      %dma_wait3A_88 = tpu.memref_slice %arg6[%mul3A_73, %dma_wait3A_87] : memref<640000x128xf32, #tpu.memory_space<hbm>> -> memref<160x128xf32, #tpu.memory_space<hbm>>
      %dma_wait3A_89 = arith.constant 0 : i32
      %dma_wait3A_90 = tpu.memref_slice %arg6[%mul3A_73, %dma_wait3A_89] : memref<640000x128xf32, #tpu.memory_space<hbm>> -> memref<160x128xf32, #tpu.memory_space<hbm>>
      tpu.wait_dma2 semaphore(%arg17 : memref<!tpu.dma_semaphore, #tpu.memory_space<semaphore_mem>>) src(%arg15 : memref<160x128xf32, #tpu.memory_space<vmem>>) dst(%dma_wait3A_90 : memref<160x128xf32, #tpu.memory_space<hbm>>)
    }
    %while3A_15 = arith.constant 1 : i32
    scf.for %while3A_16 = %while3A_13 to %while3A_9 step %while3A_15  : i32 {
      %mul3A_17 = arith.muli %while3A_16, %while3A : i32
      %add3A_18 = arith.addi %add3A, %mul3A_17 : i32
      %add3A_19 = arith.constant 0 : i32
      %add3A_20 = arith.addi %add3A_18, %add3A_19 : i32
      %mul3A_21 = arith.constant 40 : i32
      %mul3A_22 = arith.muli %add3A_20, %mul3A_21 : i32
      %mul3A_23 = arith.constant 4 : i32
      %mul3A_24 = arith.muli %mul3A_22, %mul3A_23 : i32
      %dma_start3A = tpu.memref_slice %arg4[%mul3A_22] : memref<160000xi32, #tpu.memory_space<hbm>> -> memref<40xi32, #tpu.memory_space<hbm>>
      %dma_start3A_25 = tpu.memref_slice %arg4[%mul3A_22] : memref<160000xi32, #tpu.memory_space<hbm>> -> memref<40xi32, #tpu.memory_space<hbm>>
      tpu.enqueue_dma source(%dma_start3A_25 : memref<40xi32, #tpu.memory_space<hbm>>) target(%arg7 : memref<40xi32, #tpu.memory_space<vmem>>) target_semaphore(%arg17 : memref<!tpu.dma_semaphore, #tpu.memory_space<semaphore_mem>>)
      %dma_start3A_26 = tpu.memref_slice %arg5[%mul3A_22] : memref<160000xi32, #tpu.memory_space<hbm>> -> memref<40xi32, #tpu.memory_space<hbm>>
      %dma_start3A_27 = tpu.memref_slice %arg5[%mul3A_22] : memref<160000xi32, #tpu.memory_space<hbm>> -> memref<40xi32, #tpu.memory_space<hbm>>
      tpu.enqueue_dma source(%dma_start3A_27 : memref<40xi32, #tpu.memory_space<hbm>>) target(%arg9 : memref<40xi32, #tpu.memory_space<vmem>>) target_semaphore(%arg17 : memref<!tpu.dma_semaphore, #tpu.memory_space<semaphore_mem>>)
      %dma_wait3A = tpu.memref_slice %arg4[%mul3A_22] : memref<160000xi32, #tpu.memory_space<hbm>> -> memref<40xi32, #tpu.memory_space<hbm>>
      %dma_wait3A_28 = tpu.memref_slice %arg4[%mul3A_22] : memref<160000xi32, #tpu.memory_space<hbm>> -> memref<40xi32, #tpu.memory_space<hbm>>
      tpu.wait_dma2 semaphore(%arg17 : memref<!tpu.dma_semaphore, #tpu.memory_space<semaphore_mem>>) src(%dma_wait3A_28 : memref<40xi32, #tpu.memory_space<hbm>>) dst(%arg7 : memref<40xi32, #tpu.memory_space<vmem>>)
      %dma_wait3A_29 = tpu.memref_slice %arg5[%mul3A_22] : memref<160000xi32, #tpu.memory_space<hbm>> -> memref<40xi32, #tpu.memory_space<hbm>>
      %dma_wait3A_30 = tpu.memref_slice %arg5[%mul3A_22] : memref<160000xi32, #tpu.memory_space<hbm>> -> memref<40xi32, #tpu.memory_space<hbm>>
      tpu.wait_dma2 semaphore(%arg17 : memref<!tpu.dma_semaphore, #tpu.memory_space<semaphore_mem>>) src(%dma_wait3A_30 : memref<40xi32, #tpu.memory_space<hbm>>) dst(%arg9 : memref<40xi32, #tpu.memory_space<vmem>>)
      %dma_start3A_31 = arith.constant 0 : i32
      %dma_start3A_32 = arith.constant 0 : i32
      %dma_start3A_33 = tpu.memref_slice %arg2[%dma_start3A_31, %dma_start3A_32] : memref<10000x256xf32, #tpu.memory_space<hbm>> -> memref<10000x256xf32, #tpu.memory_space<hbm>>
      tpu.enqueue_indirect_dma source(%dma_start3A_33 : memref<10000x256xf32, #tpu.memory_space<hbm>>) target(%arg11 : memref<40x256xf32, #tpu.memory_space<vmem>>) offsets(%arg7 : memref<40xi32, #tpu.memory_space<vmem>>) semaphore(%arg17 : memref<!tpu.dma_semaphore, #tpu.memory_space<semaphore_mem>>)
      %dma_start3A_34 = arith.constant 0 : i32
      %dma_start3A_35 = arith.constant 0 : i32
      %dma_start3A_36 = tpu.memref_slice %arg2[%dma_start3A_34, %dma_start3A_35] : memref<10000x256xf32, #tpu.memory_space<hbm>> -> memref<10000x256xf32, #tpu.memory_space<hbm>>
      tpu.enqueue_indirect_dma source(%dma_start3A_36 : memref<10000x256xf32, #tpu.memory_space<hbm>>) target(%arg13 : memref<40x256xf32, #tpu.memory_space<vmem>>) offsets(%arg9 : memref<40xi32, #tpu.memory_space<vmem>>) semaphore(%arg17 : memref<!tpu.dma_semaphore, #tpu.memory_space<semaphore_mem>>)
      %dma_start3A_37 = arith.constant 0 : i32
      %dma_start3A_38 = tpu.memref_slice %arg3[%mul3A_24, %dma_start3A_37] : memref<640000x128xf32, #tpu.memory_space<hbm>> -> memref<160x128xf32, #tpu.memory_space<hbm>>
      %dma_start3A_39 = arith.constant 0 : i32
      %dma_start3A_40 = tpu.memref_slice %arg3[%mul3A_24, %dma_start3A_39] : memref<640000x128xf32, #tpu.memory_space<hbm>> -> memref<160x128xf32, #tpu.memory_space<hbm>>
      tpu.enqueue_dma source(%dma_start3A_40 : memref<160x128xf32, #tpu.memory_space<hbm>>) target(%arg15 : memref<160x128xf32, #tpu.memory_space<vmem>>) target_semaphore(%arg17 : memref<!tpu.dma_semaphore, #tpu.memory_space<semaphore_mem>>)
      %add3A_41 = arith.constant 32 : i32
      %add3A_42 = arith.addi %add3A_18, %add3A_41 : i32
      %mul3A_43 = arith.constant 40 : i32
      %mul3A_44 = arith.muli %add3A_42, %mul3A_43 : i32
      %mul3A_45 = arith.constant 4 : i32
      %mul3A_46 = arith.muli %mul3A_44, %mul3A_45 : i32
      %lt3A = arith.constant 4000 : i32
      %lt3A_47 = arith.cmpi slt, %add3A_42, %lt3A : i32
      %convert_element_type3A = arith.extui %lt3A_47 : i1 to i32
      %cond3A = arith.constant 0 : i32
      %cond3A_48 = arith.cmpi ne, %convert_element_type3A, %cond3A : i32
      scf.if %cond3A_48 {
        %dma_start3A_91 = tpu.memref_slice %arg4[%mul3A_44] : memref<160000xi32, #tpu.memory_space<hbm>> -> memref<40xi32, #tpu.memory_space<hbm>>
        %dma_start3A_92 = tpu.memref_slice %arg4[%mul3A_44] : memref<160000xi32, #tpu.memory_space<hbm>> -> memref<40xi32, #tpu.memory_space<hbm>>
        tpu.enqueue_dma source(%dma_start3A_92 : memref<40xi32, #tpu.memory_space<hbm>>) target(%arg8 : memref<40xi32, #tpu.memory_space<vmem>>) target_semaphore(%arg18 : memref<!tpu.dma_semaphore, #tpu.memory_space<semaphore_mem>>)
        %dma_start3A_93 = tpu.memref_slice %arg5[%mul3A_44] : memref<160000xi32, #tpu.memory_space<hbm>> -> memref<40xi32, #tpu.memory_space<hbm>>
        %dma_start3A_94 = tpu.memref_slice %arg5[%mul3A_44] : memref<160000xi32, #tpu.memory_space<hbm>> -> memref<40xi32, #tpu.memory_space<hbm>>
        tpu.enqueue_dma source(%dma_start3A_94 : memref<40xi32, #tpu.memory_space<hbm>>) target(%arg10 : memref<40xi32, #tpu.memory_space<vmem>>) target_semaphore(%arg18 : memref<!tpu.dma_semaphore, #tpu.memory_space<semaphore_mem>>)
        %dma_wait3A_95 = tpu.memref_slice %arg4[%mul3A_44] : memref<160000xi32, #tpu.memory_space<hbm>> -> memref<40xi32, #tpu.memory_space<hbm>>
        %dma_wait3A_96 = tpu.memref_slice %arg4[%mul3A_44] : memref<160000xi32, #tpu.memory_space<hbm>> -> memref<40xi32, #tpu.memory_space<hbm>>
        tpu.wait_dma2 semaphore(%arg18 : memref<!tpu.dma_semaphore, #tpu.memory_space<semaphore_mem>>) src(%dma_wait3A_96 : memref<40xi32, #tpu.memory_space<hbm>>) dst(%arg8 : memref<40xi32, #tpu.memory_space<vmem>>)
        %dma_wait3A_97 = tpu.memref_slice %arg5[%mul3A_44] : memref<160000xi32, #tpu.memory_space<hbm>> -> memref<40xi32, #tpu.memory_space<hbm>>
        %dma_wait3A_98 = tpu.memref_slice %arg5[%mul3A_44] : memref<160000xi32, #tpu.memory_space<hbm>> -> memref<40xi32, #tpu.memory_space<hbm>>
        tpu.wait_dma2 semaphore(%arg18 : memref<!tpu.dma_semaphore, #tpu.memory_space<semaphore_mem>>) src(%dma_wait3A_98 : memref<40xi32, #tpu.memory_space<hbm>>) dst(%arg10 : memref<40xi32, #tpu.memory_space<vmem>>)
      } else {
      }
      %lt3A_49 = arith.constant 4000 : i32
      %lt3A_50 = arith.cmpi slt, %add3A_42, %lt3A_49 : i32
      %convert_element_type3A_51 = arith.extui %lt3A_50 : i1 to i32
      %cond3A_52 = arith.constant 0 : i32
      %cond3A_53 = arith.cmpi ne, %convert_element_type3A_51, %cond3A_52 : i32
      scf.if %cond3A_53 {
        %dma_start3A_91 = arith.constant 0 : i32
        %dma_start3A_92 = arith.constant 0 : i32
        %dma_start3A_93 = tpu.memref_slice %arg2[%dma_start3A_91, %dma_start3A_92] : memref<10000x256xf32, #tpu.memory_space<hbm>> -> memref<10000x256xf32, #tpu.memory_space<hbm>>
        tpu.enqueue_indirect_dma source(%dma_start3A_93 : memref<10000x256xf32, #tpu.memory_space<hbm>>) target(%arg12 : memref<40x256xf32, #tpu.memory_space<vmem>>) offsets(%arg8 : memref<40xi32, #tpu.memory_space<vmem>>) semaphore(%arg18 : memref<!tpu.dma_semaphore, #tpu.memory_space<semaphore_mem>>)
        %dma_start3A_94 = arith.constant 0 : i32
        %dma_start3A_95 = arith.constant 0 : i32
        %dma_start3A_96 = tpu.memref_slice %arg2[%dma_start3A_94, %dma_start3A_95] : memref<10000x256xf32, #tpu.memory_space<hbm>> -> memref<10000x256xf32, #tpu.memory_space<hbm>>
        tpu.enqueue_indirect_dma source(%dma_start3A_96 : memref<10000x256xf32, #tpu.memory_space<hbm>>) target(%arg14 : memref<40x256xf32, #tpu.memory_space<vmem>>) offsets(%arg10 : memref<40xi32, #tpu.memory_space<vmem>>) semaphore(%arg18 : memref<!tpu.dma_semaphore, #tpu.memory_space<semaphore_mem>>)
        %dma_start3A_97 = arith.constant 0 : i32
        %dma_start3A_98 = tpu.memref_slice %arg3[%mul3A_46, %dma_start3A_97] : memref<640000x128xf32, #tpu.memory_space<hbm>> -> memref<160x128xf32, #tpu.memory_space<hbm>>
        %dma_start3A_99 = arith.constant 0 : i32
        %dma_start3A_100 = tpu.memref_slice %arg3[%mul3A_46, %dma_start3A_99] : memref<640000x128xf32, #tpu.memory_space<hbm>> -> memref<160x128xf32, #tpu.memory_space<hbm>>
        tpu.enqueue_dma source(%dma_start3A_100 : memref<160x128xf32, #tpu.memory_space<hbm>>) target(%arg16 : memref<160x128xf32, #tpu.memory_space<vmem>>) target_semaphore(%arg18 : memref<!tpu.dma_semaphore, #tpu.memory_space<semaphore_mem>>)
      } else {
      }
      %add3A_54 = arith.constant 0 : i32
      %add3A_55 = arith.addi %add3A_18, %add3A_54 : i32
      %mul3A_56 = arith.constant 40 : i32
      %mul3A_57 = arith.muli %add3A_55, %mul3A_56 : i32
      %dma_wait3A_58 = arith.constant 0 : i32
      %dma_wait3A_59 = arith.constant 0 : i32
      %dma_wait3A_60 = tpu.memref_slice %arg2[%dma_wait3A_58, %dma_wait3A_59] : memref<10000x256xf32, #tpu.memory_space<hbm>> -> memref<10000x256xf32, #tpu.memory_space<hbm>>
      tpu.wait_indirect_dma semaphore(%arg17 : memref<!tpu.dma_semaphore, #tpu.memory_space<semaphore_mem>>) src(%dma_wait3A_60 : memref<10000x256xf32, #tpu.memory_space<hbm>>) dst(%arg11 : memref<40x256xf32, #tpu.memory_space<vmem>>)
      %dma_wait3A_61 = arith.constant 0 : i32
      %dma_wait3A_62 = arith.constant 0 : i32
      %dma_wait3A_63 = tpu.memref_slice %arg2[%dma_wait3A_61, %dma_wait3A_62] : memref<10000x256xf32, #tpu.memory_space<hbm>> -> memref<10000x256xf32, #tpu.memory_space<hbm>>
      tpu.wait_indirect_dma semaphore(%arg17 : memref<!tpu.dma_semaphore, #tpu.memory_space<semaphore_mem>>) src(%dma_wait3A_63 : memref<10000x256xf32, #tpu.memory_space<hbm>>) dst(%arg13 : memref<40x256xf32, #tpu.memory_space<vmem>>)
      %dma_wait3A_64 = arith.constant 0 : i32
      %dma_wait3A_65 = tpu.memref_slice %arg3[%mul3A_24, %dma_wait3A_64] : memref<640000x128xf32, #tpu.memory_space<hbm>> -> memref<160x128xf32, #tpu.memory_space<hbm>>
      %dma_wait3A_66 = arith.constant 0 : i32
      %dma_wait3A_67 = tpu.memref_slice %arg3[%mul3A_24, %dma_wait3A_66] : memref<640000x128xf32, #tpu.memory_space<hbm>> -> memref<160x128xf32, #tpu.memory_space<hbm>>
      tpu.wait_dma2 semaphore(%arg17 : memref<!tpu.dma_semaphore, #tpu.memory_space<semaphore_mem>>) src(%dma_wait3A_67 : memref<160x128xf32, #tpu.memory_space<hbm>>) dst(%arg15 : memref<160x128xf32, #tpu.memory_space<vmem>>)
      %scan3A = arith.constant 0 : i32
      %scan3A_68 = arith.constant 40 : i32
      %scan3A_69 = arith.addi %scan3A, %scan3A_68 : i32
      %scan3A_70 = arith.constant 1 : i32
      scf.for %scan3A_91 = %scan3A to %scan3A_69 step %scan3A_70  : i32 {
        %mul3A_92 = arith.constant 1 : i32
        %mul3A_93 = arith.muli %scan3A_91, %mul3A_92 : i32
        %add3A_94 = arith.constant 0 : i32
        %add3A_95 = arith.addi %add3A_94, %mul3A_93 : i32
        %get3A = arith.index_cast %add3A_95 : i32 to index
        %get3A_96 = arith.constant 0 : index
        %get3A_97 = tpu.vector_load %arg11[%get3A, %get3A_96] {strides = array<i32>} : memref<40x256xf32, #tpu.memory_space<vmem>>, vector<1x16xf32>,
        %get3A_98 = vector.shape_cast %get3A_97 : vector<1x16xf32> to vector<16xf32>
        %get3A_99 = arith.index_cast %add3A_95 : i32 to index
        %get3A_100 = arith.constant 128 : index
        %get3A_101 = tpu.vector_load %arg11[%get3A_99, %get3A_100] {strides = array<i32>} : memref<40x256xf32, #tpu.memory_space<vmem>>, vector<1x16xf32>,
        %get3A_102 = vector.shape_cast %get3A_101 : vector<1x16xf32> to vector<16xf32>
        %get3A_103 = arith.index_cast %add3A_95 : i32 to index
        %get3A_104 = arith.constant 0 : index
        %get3A_105 = tpu.vector_load %arg13[%get3A_103, %get3A_104] {strides = array<i32>} : memref<40x256xf32, #tpu.memory_space<vmem>>, vector<1x16xf32>,
        %get3A_106 = vector.shape_cast %get3A_105 : vector<1x16xf32> to vector<16xf32>
        %get3A_107 = arith.index_cast %add3A_95 : i32 to index
        %get3A_108 = arith.constant 128 : index
        %get3A_109 = tpu.vector_load %arg13[%get3A_107, %get3A_108] {strides = array<i32>} : memref<40x256xf32, #tpu.memory_space<vmem>>, vector<1x16xf32>,
        %get3A_110 = vector.shape_cast %get3A_109 : vector<1x16xf32> to vector<16xf32>
        %mul3A_111 = arith.constant 4 : i32
        %mul3A_112 = arith.muli %mul3A_111, %add3A_95 : i32
        %get3A_113 = arith.index_cast %mul3A_112 : i32 to index
        %get3A_114 = arith.constant 0 : index
        %get3A_115 = tpu.vector_load %arg15[%get3A_113, %get3A_114] {strides = array<i32>} : memref<160x128xf32, #tpu.memory_space<vmem>>, vector<1x16xf32>,
        %get3A_116 = vector.shape_cast %get3A_115 : vector<1x16xf32> to vector<16xf32>
        %add3A_117 = arith.addf %get3A_98, %get3A_106 : vector<16xf32>
        %add3A_118 = arith.addf %get3A_116, %add3A_117 : vector<16xf32>
        %mul3A_119 = arith.constant 4 : i32
        %mul3A_120 = arith.muli %mul3A_119, %add3A_95 : i32
        %swap3A = arith.index_cast %mul3A_120 : i32 to index
        %swap3A_121 = arith.constant 0 : index
        %swap3A_122 = tpu.vector_load %arg15[%swap3A, %swap3A_121] {strides = array<i32>} : memref<160x128xf32, #tpu.memory_space<vmem>>, vector<1x16xf32>,
        %swap3A_123 = vector.shape_cast %swap3A_122 : vector<1x16xf32> to vector<16xf32>
        %swap3A_124 = vector.shape_cast %add3A_118 : vector<16xf32> to vector<1x16xf32>
        tpu.vector_store %arg15[%swap3A, %swap3A_121], %swap3A_124 {strides = array<i32>} : memref<160x128xf32, #tpu.memory_space<vmem>>, vector<1x16xf32>,
        %mul3A_125 = arith.constant 4 : i32
        %mul3A_126 = arith.muli %mul3A_125, %add3A_95 : i32
        %add3A_127 = arith.constant 1 : i32
        %add3A_128 = arith.addi %mul3A_126, %add3A_127 : i32
        %get3A_129 = arith.index_cast %add3A_128 : i32 to index
        %get3A_130 = arith.constant 0 : index
        %get3A_131 = tpu.vector_load %arg15[%get3A_129, %get3A_130] {strides = array<i32>} : memref<160x128xf32, #tpu.memory_space<vmem>>, vector<1x16xf32>,
        %get3A_132 = vector.shape_cast %get3A_131 : vector<1x16xf32> to vector<16xf32>
        %add3A_133 = arith.addf %get3A_98, %get3A_110 : vector<16xf32>
        %add3A_134 = arith.addf %get3A_132, %add3A_133 : vector<16xf32>
        %mul3A_135 = arith.constant 4 : i32
        %mul3A_136 = arith.muli %mul3A_135, %add3A_95 : i32
        %add3A_137 = arith.constant 1 : i32
        %add3A_138 = arith.addi %mul3A_136, %add3A_137 : i32
        %swap3A_139 = arith.index_cast %add3A_138 : i32 to index
        %swap3A_140 = arith.constant 0 : index
        %swap3A_141 = tpu.vector_load %arg15[%swap3A_139, %swap3A_140] {strides = array<i32>} : memref<160x128xf32, #tpu.memory_space<vmem>>, vector<1x16xf32>,
        %swap3A_142 = vector.shape_cast %swap3A_141 : vector<1x16xf32> to vector<16xf32>
        %swap3A_143 = vector.shape_cast %add3A_134 : vector<16xf32> to vector<1x16xf32>
        tpu.vector_store %arg15[%swap3A_139, %swap3A_140], %swap3A_143 {strides = array<i32>} : memref<160x128xf32, #tpu.memory_space<vmem>>, vector<1x16xf32>,
        %mul3A_144 = arith.constant 4 : i32
        %mul3A_145 = arith.muli %mul3A_144, %add3A_95 : i32
        %add3A_146 = arith.constant 2 : i32
        %add3A_147 = arith.addi %mul3A_145, %add3A_146 : i32
        %get3A_148 = arith.index_cast %add3A_147 : i32 to index
        %get3A_149 = arith.constant 0 : index
        %get3A_150 = tpu.vector_load %arg15[%get3A_148, %get3A_149] {strides = array<i32>} : memref<160x128xf32, #tpu.memory_space<vmem>>, vector<1x16xf32>,
        %get3A_151 = vector.shape_cast %get3A_150 : vector<1x16xf32> to vector<16xf32>
        %add3A_152 = arith.addf %get3A_102, %get3A_106 : vector<16xf32>
        %add3A_153 = arith.addf %get3A_151, %add3A_152 : vector<16xf32>
        %mul3A_154 = arith.constant 4 : i32
        %mul3A_155 = arith.muli %mul3A_154, %add3A_95 : i32
        %add3A_156 = arith.constant 2 : i32
        %add3A_157 = arith.addi %mul3A_155, %add3A_156 : i32
        %swap3A_158 = arith.index_cast %add3A_157 : i32 to index
        %swap3A_159 = arith.constant 0 : index
        %swap3A_160 = tpu.vector_load %arg15[%swap3A_158, %swap3A_159] {strides = array<i32>} : memref<160x128xf32, #tpu.memory_space<vmem>>, vector<1x16xf32>,
        %swap3A_161 = vector.shape_cast %swap3A_160 : vector<1x16xf32> to vector<16xf32>
        %swap3A_162 = vector.shape_cast %add3A_153 : vector<16xf32> to vector<1x16xf32>
        tpu.vector_store %arg15[%swap3A_158, %swap3A_159], %swap3A_162 {strides = array<i32>} : memref<160x128xf32, #tpu.memory_space<vmem>>, vector<1x16xf32>,
        %mul3A_163 = arith.constant 4 : i32
        %mul3A_164 = arith.muli %mul3A_163, %add3A_95 : i32
        %add3A_165 = arith.constant 3 : i32
        %add3A_166 = arith.addi %mul3A_164, %add3A_165 : i32
        %get3A_167 = arith.index_cast %add3A_166 : i32 to index
        %get3A_168 = arith.constant 0 : index
        %get3A_169 = tpu.vector_load %arg15[%get3A_167, %get3A_168] {strides = array<i32>} : memref<160x128xf32, #tpu.memory_space<vmem>>, vector<1x16xf32>,
        %get3A_170 = vector.shape_cast %get3A_169 : vector<1x16xf32> to vector<16xf32>
        %add3A_171 = arith.addf %get3A_102, %get3A_110 : vector<16xf32>
        %add3A_172 = arith.addf %get3A_170, %add3A_171 : vector<16xf32>
        %mul3A_173 = arith.constant 4 : i32
        %mul3A_174 = arith.muli %mul3A_173, %add3A_95 : i32
        %add3A_175 = arith.constant 3 : i32
        %add3A_176 = arith.addi %mul3A_174, %add3A_175 : i32
        %swap3A_177 = arith.index_cast %add3A_176 : i32 to index
        %swap3A_178 = arith.constant 0 : index
        %swap3A_179 = tpu.vector_load %arg15[%swap3A_177, %swap3A_178] {strides = array<i32>} : memref<160x128xf32, #tpu.memory_space<vmem>>, vector<1x16xf32>,
        %swap3A_180 = vector.shape_cast %swap3A_179 : vector<1x16xf32> to vector<16xf32>
        %swap3A_181 = vector.shape_cast %add3A_172 : vector<16xf32> to vector<1x16xf32>
        tpu.vector_store %arg15[%swap3A_177, %swap3A_178], %swap3A_181 {strides = array<i32>} : memref<160x128xf32, #tpu.memory_space<vmem>>, vector<1x16xf32>,
        %get3A_182 = arith.index_cast %add3A_95 : i32 to index
        %get3A_183 = arith.constant 16 : index
        %get3A_184 = tpu.vector_load %arg11[%get3A_182, %get3A_183] {strides = array<i32>} : memref<40x256xf32, #tpu.memory_space<vmem>>, vector<1x16xf32>,
        %get3A_185 = vector.shape_cast %get3A_184 : vector<1x16xf32> to vector<16xf32>
        %get3A_186 = arith.index_cast %add3A_95 : i32 to index
        %get3A_187 = arith.constant 144 : index
        %get3A_188 = tpu.vector_load %arg11[%get3A_186, %get3A_187] {strides = array<i32>} : memref<40x256xf32, #tpu.memory_space<vmem>>, vector<1x16xf32>,
        %get3A_189 = vector.shape_cast %get3A_188 : vector<1x16xf32> to vector<16xf32>
        %get3A_190 = arith.index_cast %add3A_95 : i32 to index
        %get3A_191 = arith.constant 16 : index
        %get3A_192 = tpu.vector_load %arg13[%get3A_190, %get3A_191] {strides = array<i32>} : memref<40x256xf32, #tpu.memory_space<vmem>>, vector<1x16xf32>,
        %get3A_193 = vector.shape_cast %get3A_192 : vector<1x16xf32> to vector<16xf32>
        %get3A_194 = arith.index_cast %add3A_95 : i32 to index
        %get3A_195 = arith.constant 144 : index
        %get3A_196 = tpu.vector_load %arg13[%get3A_194, %get3A_195] {strides = array<i32>} : memref<40x256xf32, #tpu.memory_space<vmem>>, vector<1x16xf32>,
        %get3A_197 = vector.shape_cast %get3A_196 : vector<1x16xf32> to vector<16xf32>
        %mul3A_198 = arith.constant 4 : i32
        %mul3A_199 = arith.muli %mul3A_198, %add3A_95 : i32
        %get3A_200 = arith.index_cast %mul3A_199 : i32 to index
        %get3A_201 = arith.constant 16 : index
        %get3A_202 = tpu.vector_load %arg15[%get3A_200, %get3A_201] {strides = array<i32>} : memref<160x128xf32, #tpu.memory_space<vmem>>, vector<1x16xf32>,
        %get3A_203 = vector.shape_cast %get3A_202 : vector<1x16xf32> to vector<16xf32>
        %add3A_204 = arith.addf %get3A_185, %get3A_193 : vector<16xf32>
        %add3A_205 = arith.addf %get3A_203, %add3A_204 : vector<16xf32>
        %mul3A_206 = arith.constant 4 : i32
        %mul3A_207 = arith.muli %mul3A_206, %add3A_95 : i32
        %swap3A_208 = arith.index_cast %mul3A_207 : i32 to index
        %swap3A_209 = arith.constant 16 : index
        %swap3A_210 = tpu.vector_load %arg15[%swap3A_208, %swap3A_209] {strides = array<i32>} : memref<160x128xf32, #tpu.memory_space<vmem>>, vector<1x16xf32>,
        %swap3A_211 = vector.shape_cast %swap3A_210 : vector<1x16xf32> to vector<16xf32>
        %swap3A_212 = vector.shape_cast %add3A_205 : vector<16xf32> to vector<1x16xf32>
        tpu.vector_store %arg15[%swap3A_208, %swap3A_209], %swap3A_212 {strides = array<i32>} : memref<160x128xf32, #tpu.memory_space<vmem>>, vector<1x16xf32>,
        %mul3A_213 = arith.constant 4 : i32
        %mul3A_214 = arith.muli %mul3A_213, %add3A_95 : i32
        %add3A_215 = arith.constant 1 : i32
        %add3A_216 = arith.addi %mul3A_214, %add3A_215 : i32
        %get3A_217 = arith.index_cast %add3A_216 : i32 to index
        %get3A_218 = arith.constant 16 : index
        %get3A_219 = tpu.vector_load %arg15[%get3A_217, %get3A_218] {strides = array<i32>} : memref<160x128xf32, #tpu.memory_space<vmem>>, vector<1x16xf32>,
        %get3A_220 = vector.shape_cast %get3A_219 : vector<1x16xf32> to vector<16xf32>
        %add3A_221 = arith.addf %get3A_185, %get3A_197 : vector<16xf32>
        %add3A_222 = arith.addf %get3A_220, %add3A_221 : vector<16xf32>
        %mul3A_223 = arith.constant 4 : i32
        %mul3A_224 = arith.muli %mul3A_223, %add3A_95 : i32
        %add3A_225 = arith.constant 1 : i32
        %add3A_226 = arith.addi %mul3A_224, %add3A_225 : i32
        %swap3A_227 = arith.index_cast %add3A_226 : i32 to index
        %swap3A_228 = arith.constant 16 : index
        %swap3A_229 = tpu.vector_load %arg15[%swap3A_227, %swap3A_228] {strides = array<i32>} : memref<160x128xf32, #tpu.memory_space<vmem>>, vector<1x16xf32>,
        %swap3A_230 = vector.shape_cast %swap3A_229 : vector<1x16xf32> to vector<16xf32>
        %swap3A_231 = vector.shape_cast %add3A_222 : vector<16xf32> to vector<1x16xf32>
        tpu.vector_store %arg15[%swap3A_227, %swap3A_228], %swap3A_231 {strides = array<i32>} : memref<160x128xf32, #tpu.memory_space<vmem>>, vector<1x16xf32>,
        %mul3A_232 = arith.constant 4 : i32
        %mul3A_233 = arith.muli %mul3A_232, %add3A_95 : i32
        %add3A_234 = arith.constant 2 : i32
        %add3A_235 = arith.addi %mul3A_233, %add3A_234 : i32
        %get3A_236 = arith.index_cast %add3A_235 : i32 to index
        %get3A_237 = arith.constant 16 : index
        %get3A_238 = tpu.vector_load %arg15[%get3A_236, %get3A_237] {strides = array<i32>} : memref<160x128xf32, #tpu.memory_space<vmem>>, vector<1x16xf32>,
        %get3A_239 = vector.shape_cast %get3A_238 : vector<1x16xf32> to vector<16xf32>
        %add3A_240 = arith.addf %get3A_189, %get3A_193 : vector<16xf32>
        %add3A_241 = arith.addf %get3A_239, %add3A_240 : vector<16xf32>
        %mul3A_242 = arith.constant 4 : i32
        %mul3A_243 = arith.muli %mul3A_242, %add3A_95 : i32
        %add3A_244 = arith.constant 2 : i32
        %add3A_245 = arith.addi %mul3A_243, %add3A_244 : i32
        %swap3A_246 = arith.index_cast %add3A_245 : i32 to index
        %swap3A_247 = arith.constant 16 : index
        %swap3A_248 = tpu.vector_load %arg15[%swap3A_246, %swap3A_247] {strides = array<i32>} : memref<160x128xf32, #tpu.memory_space<vmem>>, vector<1x16xf32>,
        %swap3A_249 = vector.shape_cast %swap3A_248 : vector<1x16xf32> to vector<16xf32>
        %swap3A_250 = vector.shape_cast %add3A_241 : vector<16xf32> to vector<1x16xf32>
        tpu.vector_store %arg15[%swap3A_246, %swap3A_247], %swap3A_250 {strides = array<i32>} : memref<160x128xf32, #tpu.memory_space<vmem>>, vector<1x16xf32>,
        %mul3A_251 = arith.constant 4 : i32
        %mul3A_252 = arith.muli %mul3A_251, %add3A_95 : i32
        %add3A_253 = arith.constant 3 : i32
        %add3A_254 = arith.addi %mul3A_252, %add3A_253 : i32
        %get3A_255 = arith.index_cast %add3A_254 : i32 to index
        %get3A_256 = arith.constant 16 : index
        %get3A_257 = tpu.vector_load %arg15[%get3A_255, %get3A_256] {strides = array<i32>} : memref<160x128xf32, #tpu.memory_space<vmem>>, vector<1x16xf32>,
        %get3A_258 = vector.shape_cast %get3A_257 : vector<1x16xf32> to vector<16xf32>
        %add3A_259 = arith.addf %get3A_189, %get3A_197 : vector<16xf32>
        %add3A_260 = arith.addf %get3A_258, %add3A_259 : vector<16xf32>
        %mul3A_261 = arith.constant 4 : i32
        %mul3A_262 = arith.muli %mul3A_261, %add3A_95 : i32
        %add3A_263 = arith.constant 3 : i32
        %add3A_264 = arith.addi %mul3A_262, %add3A_263 : i32
        %swap3A_265 = arith.index_cast %add3A_264 : i32 to index
        %swap3A_266 = arith.constant 16 : index
        %swap3A_267 = tpu.vector_load %arg15[%swap3A_265, %swap3A_266] {strides = array<i32>} : memref<160x128xf32, #tpu.memory_space<vmem>>, vector<1x16xf32>,
        %swap3A_268 = vector.shape_cast %swap3A_267 : vector<1x16xf32> to vector<16xf32>
        %swap3A_269 = vector.shape_cast %add3A_260 : vector<16xf32> to vector<1x16xf32>
        tpu.vector_store %arg15[%swap3A_265, %swap3A_266], %swap3A_269 {strides = array<i32>} : memref<160x128xf32, #tpu.memory_space<vmem>>, vector<1x16xf32>,
        %get3A_270 = arith.index_cast %add3A_95 : i32 to index
        %get3A_271 = arith.constant 32 : index
        %get3A_272 = tpu.vector_load %arg11[%get3A_270, %get3A_271] {strides = array<i32>} : memref<40x256xf32, #tpu.memory_space<vmem>>, vector<1x16xf32>,
        %get3A_273 = vector.shape_cast %get3A_272 : vector<1x16xf32> to vector<16xf32>
        %get3A_274 = arith.index_cast %add3A_95 : i32 to index
        %get3A_275 = arith.constant 160 : index
        %get3A_276 = tpu.vector_load %arg11[%get3A_274, %get3A_275] {strides = array<i32>} : memref<40x256xf32, #tpu.memory_space<vmem>>, vector<1x16xf32>,
        %get3A_277 = vector.shape_cast %get3A_276 : vector<1x16xf32> to vector<16xf32>
        %get3A_278 = arith.index_cast %add3A_95 : i32 to index
        %get3A_279 = arith.constant 32 : index
        %get3A_280 = tpu.vector_load %arg13[%get3A_278, %get3A_279] {strides = array<i32>} : memref<40x256xf32, #tpu.memory_space<vmem>>, vector<1x16xf32>,
        %get3A_281 = vector.shape_cast %get3A_280 : vector<1x16xf32> to vector<16xf32>
        %get3A_282 = arith.index_cast %add3A_95 : i32 to index
        %get3A_283 = arith.constant 160 : index
        %get3A_284 = tpu.vector_load %arg13[%get3A_282, %get3A_283] {strides = array<i32>} : memref<40x256xf32, #tpu.memory_space<vmem>>, vector<1x16xf32>,
        %get3A_285 = vector.shape_cast %get3A_284 : vector<1x16xf32> to vector<16xf32>
        %mul3A_286 = arith.constant 4 : i32
        %mul3A_287 = arith.muli %mul3A_286, %add3A_95 : i32
        %get3A_288 = arith.index_cast %mul3A_287 : i32 to index
        %get3A_289 = arith.constant 32 : index
        %get3A_290 = tpu.vector_load %arg15[%get3A_288, %get3A_289] {strides = array<i32>} : memref<160x128xf32, #tpu.memory_space<vmem>>, vector<1x16xf32>,
        %get3A_291 = vector.shape_cast %get3A_290 : vector<1x16xf32> to vector<16xf32>
        %add3A_292 = arith.addf %get3A_273, %get3A_281 : vector<16xf32>
        %add3A_293 = arith.addf %get3A_291, %add3A_292 : vector<16xf32>
        %mul3A_294 = arith.constant 4 : i32
        %mul3A_295 = arith.muli %mul3A_294, %add3A_95 : i32
        %swap3A_296 = arith.index_cast %mul3A_295 : i32 to index
        %swap3A_297 = arith.constant 32 : index
        %swap3A_298 = tpu.vector_load %arg15[%swap3A_296, %swap3A_297] {strides = array<i32>} : memref<160x128xf32, #tpu.memory_space<vmem>>, vector<1x16xf32>,
        %swap3A_299 = vector.shape_cast %swap3A_298 : vector<1x16xf32> to vector<16xf32>
        %swap3A_300 = vector.shape_cast %add3A_293 : vector<16xf32> to vector<1x16xf32>
        tpu.vector_store %arg15[%swap3A_296, %swap3A_297], %swap3A_300 {strides = array<i32>} : memref<160x128xf32, #tpu.memory_space<vmem>>, vector<1x16xf32>,
        %mul3A_301 = arith.constant 4 : i32
        %mul3A_302 = arith.muli %mul3A_301, %add3A_95 : i32
        %add3A_303 = arith.constant 1 : i32
        %add3A_304 = arith.addi %mul3A_302, %add3A_303 : i32
        %get3A_305 = arith.index_cast %add3A_304 : i32 to index
        %get3A_306 = arith.constant 32 : index
        %get3A_307 = tpu.vector_load %arg15[%get3A_305, %get3A_306] {strides = array<i32>} : memref<160x128xf32, #tpu.memory_space<vmem>>, vector<1x16xf32>,
        %get3A_308 = vector.shape_cast %get3A_307 : vector<1x16xf32> to vector<16xf32>
        %add3A_309 = arith.addf %get3A_273, %get3A_285 : vector<16xf32>
        %add3A_310 = arith.addf %get3A_308, %add3A_309 : vector<16xf32>
        %mul3A_311 = arith.constant 4 : i32
        %mul3A_312 = arith.muli %mul3A_311, %add3A_95 : i32
        %add3A_313 = arith.constant 1 : i32
        %add3A_314 = arith.addi %mul3A_312, %add3A_313 : i32
        %swap3A_315 = arith.index_cast %add3A_314 : i32 to index
        %swap3A_316 = arith.constant 32 : index
        %swap3A_317 = tpu.vector_load %arg15[%swap3A_315, %swap3A_316] {strides = array<i32>} : memref<160x128xf32, #tpu.memory_space<vmem>>, vector<1x16xf32>,
        %swap3A_318 = vector.shape_cast %swap3A_317 : vector<1x16xf32> to vector<16xf32>
        %swap3A_319 = vector.shape_cast %add3A_310 : vector<16xf32> to vector<1x16xf32>
        tpu.vector_store %arg15[%swap3A_315, %swap3A_316], %swap3A_319 {strides = array<i32>} : memref<160x128xf32, #tpu.memory_space<vmem>>, vector<1x16xf32>,
        %mul3A_320 = arith.constant 4 : i32
        %mul3A_321 = arith.muli %mul3A_320, %add3A_95 : i32
        %add3A_322 = arith.constant 2 : i32
        %add3A_323 = arith.addi %mul3A_321, %add3A_322 : i32
        %get3A_324 = arith.index_cast %add3A_323 : i32 to index
        %get3A_325 = arith.constant 32 : index
        %get3A_326 = tpu.vector_load %arg15[%get3A_324, %get3A_325] {strides = array<i32>} : memref<160x128xf32, #tpu.memory_space<vmem>>, vector<1x16xf32>,
        %get3A_327 = vector.shape_cast %get3A_326 : vector<1x16xf32> to vector<16xf32>
        %add3A_328 = arith.addf %get3A_277, %get3A_281 : vector<16xf32>
        %add3A_329 = arith.addf %get3A_327, %add3A_328 : vector<16xf32>
        %mul3A_330 = arith.constant 4 : i32
        %mul3A_331 = arith.muli %mul3A_330, %add3A_95 : i32
        %add3A_332 = arith.constant 2 : i32
        %add3A_333 = arith.addi %mul3A_331, %add3A_332 : i32
        %swap3A_334 = arith.index_cast %add3A_333 : i32 to index
        %swap3A_335 = arith.constant 32 : index
        %swap3A_336 = tpu.vector_load %arg15[%swap3A_334, %swap3A_335] {strides = array<i32>} : memref<160x128xf32, #tpu.memory_space<vmem>>, vector<1x16xf32>,
        %swap3A_337 = vector.shape_cast %swap3A_336 : vector<1x16xf32> to vector<16xf32>
        %swap3A_338 = vector.shape_cast %add3A_329 : vector<16xf32> to vector<1x16xf32>
        tpu.vector_store %arg15[%swap3A_334, %swap3A_335], %swap3A_338 {strides = array<i32>} : memref<160x128xf32, #tpu.memory_space<vmem>>, vector<1x16xf32>,
        %mul3A_339 = arith.constant 4 : i32
        %mul3A_340 = arith.muli %mul3A_339, %add3A_95 : i32
        %add3A_341 = arith.constant 3 : i32
        %add3A_342 = arith.addi %mul3A_340, %add3A_341 : i32
        %get3A_343 = arith.index_cast %add3A_342 : i32 to index
        %get3A_344 = arith.constant 32 : index
        %get3A_345 = tpu.vector_load %arg15[%get3A_343, %get3A_344] {strides = array<i32>} : memref<160x128xf32, #tpu.memory_space<vmem>>, vector<1x16xf32>,
        %get3A_346 = vector.shape_cast %get3A_345 : vector<1x16xf32> to vector<16xf32>
        %add3A_347 = arith.addf %get3A_277, %get3A_285 : vector<16xf32>
        %add3A_348 = arith.addf %get3A_346, %add3A_347 : vector<16xf32>
        %mul3A_349 = arith.constant 4 : i32
        %mul3A_350 = arith.muli %mul3A_349, %add3A_95 : i32
        %add3A_351 = arith.constant 3 : i32
        %add3A_352 = arith.addi %mul3A_350, %add3A_351 : i32
        %swap3A_353 = arith.index_cast %add3A_352 : i32 to index
        %swap3A_354 = arith.constant 32 : index
        %swap3A_355 = tpu.vector_load %arg15[%swap3A_353, %swap3A_354] {strides = array<i32>} : memref<160x128xf32, #tpu.memory_space<vmem>>, vector<1x16xf32>,
        %swap3A_356 = vector.shape_cast %swap3A_355 : vector<1x16xf32> to vector<16xf32>
        %swap3A_357 = vector.shape_cast %add3A_348 : vector<16xf32> to vector<1x16xf32>
        tpu.vector_store %arg15[%swap3A_353, %swap3A_354], %swap3A_357 {strides = array<i32>} : memref<160x128xf32, #tpu.memory_space<vmem>>, vector<1x16xf32>,
        %get3A_358 = arith.index_cast %add3A_95 : i32 to index
        %get3A_359 = arith.constant 48 : index
        %get3A_360 = tpu.vector_load %arg11[%get3A_358, %get3A_359] {strides = array<i32>} : memref<40x256xf32, #tpu.memory_space<vmem>>, vector<1x16xf32>,
        %get3A_361 = vector.shape_cast %get3A_360 : vector<1x16xf32> to vector<16xf32>
        %get3A_362 = arith.index_cast %add3A_95 : i32 to index
        %get3A_363 = arith.constant 176 : index
        %get3A_364 = tpu.vector_load %arg11[%get3A_362, %get3A_363] {strides = array<i32>} : memref<40x256xf32, #tpu.memory_space<vmem>>, vector<1x16xf32>,
        %get3A_365 = vector.shape_cast %get3A_364 : vector<1x16xf32> to vector<16xf32>
        %get3A_366 = arith.index_cast %add3A_95 : i32 to index
        %get3A_367 = arith.constant 48 : index
        %get3A_368 = tpu.vector_load %arg13[%get3A_366, %get3A_367] {strides = array<i32>} : memref<40x256xf32, #tpu.memory_space<vmem>>, vector<1x16xf32>,
        %get3A_369 = vector.shape_cast %get3A_368 : vector<1x16xf32> to vector<16xf32>
        %get3A_370 = arith.index_cast %add3A_95 : i32 to index
        %get3A_371 = arith.constant 176 : index
        %get3A_372 = tpu.vector_load %arg13[%get3A_370, %get3A_371] {strides = array<i32>} : memref<40x256xf32, #tpu.memory_space<vmem>>, vector<1x16xf32>,
        %get3A_373 = vector.shape_cast %get3A_372 : vector<1x16xf32> to vector<16xf32>
        %mul3A_374 = arith.constant 4 : i32
        %mul3A_375 = arith.muli %mul3A_374, %add3A_95 : i32
        %get3A_376 = arith.index_cast %mul3A_375 : i32 to index
        %get3A_377 = arith.constant 48 : index
        %get3A_378 = tpu.vector_load %arg15[%get3A_376, %get3A_377] {strides = array<i32>} : memref<160x128xf32, #tpu.memory_space<vmem>>, vector<1x16xf32>,
        %get3A_379 = vector.shape_cast %get3A_378 : vector<1x16xf32> to vector<16xf32>
        %add3A_380 = arith.addf %get3A_361, %get3A_369 : vector<16xf32>
        %add3A_381 = arith.addf %get3A_379, %add3A_380 : vector<16xf32>
        %mul3A_382 = arith.constant 4 : i32
        %mul3A_383 = arith.muli %mul3A_382, %add3A_95 : i32
        %swap3A_384 = arith.index_cast %mul3A_383 : i32 to index
        %swap3A_385 = arith.constant 48 : index
        %swap3A_386 = tpu.vector_load %arg15[%swap3A_384, %swap3A_385] {strides = array<i32>} : memref<160x128xf32, #tpu.memory_space<vmem>>, vector<1x16xf32>,
        %swap3A_387 = vector.shape_cast %swap3A_386 : vector<1x16xf32> to vector<16xf32>
        %swap3A_388 = vector.shape_cast %add3A_381 : vector<16xf32> to vector<1x16xf32>
        tpu.vector_store %arg15[%swap3A_384, %swap3A_385], %swap3A_388 {strides = array<i32>} : memref<160x128xf32, #tpu.memory_space<vmem>>, vector<1x16xf32>,
        %mul3A_389 = arith.constant 4 : i32
        %mul3A_390 = arith.muli %mul3A_389, %add3A_95 : i32
        %add3A_391 = arith.constant 1 : i32
        %add3A_392 = arith.addi %mul3A_390, %add3A_391 : i32
        %get3A_393 = arith.index_cast %add3A_392 : i32 to index
        %get3A_394 = arith.constant 48 : index
        %get3A_395 = tpu.vector_load %arg15[%get3A_393, %get3A_394] {strides = array<i32>} : memref<160x128xf32, #tpu.memory_space<vmem>>, vector<1x16xf32>,
        %get3A_396 = vector.shape_cast %get3A_395 : vector<1x16xf32> to vector<16xf32>
        %add3A_397 = arith.addf %get3A_361, %get3A_373 : vector<16xf32>
        %add3A_398 = arith.addf %get3A_396, %add3A_397 : vector<16xf32>
        %mul3A_399 = arith.constant 4 : i32
        %mul3A_400 = arith.muli %mul3A_399, %add3A_95 : i32
        %add3A_401 = arith.constant 1 : i32
        %add3A_402 = arith.addi %mul3A_400, %add3A_401 : i32
        %swap3A_403 = arith.index_cast %add3A_402 : i32 to index
        %swap3A_404 = arith.constant 48 : index
        %swap3A_405 = tpu.vector_load %arg15[%swap3A_403, %swap3A_404] {strides = array<i32>} : memref<160x128xf32, #tpu.memory_space<vmem>>, vector<1x16xf32>,
        %swap3A_406 = vector.shape_cast %swap3A_405 : vector<1x16xf32> to vector<16xf32>
        %swap3A_407 = vector.shape_cast %add3A_398 : vector<16xf32> to vector<1x16xf32>
        tpu.vector_store %arg15[%swap3A_403, %swap3A_404], %swap3A_407 {strides = array<i32>} : memref<160x128xf32, #tpu.memory_space<vmem>>, vector<1x16xf32>,
        %mul3A_408 = arith.constant 4 : i32
        %mul3A_409 = arith.muli %mul3A_408, %add3A_95 : i32
        %add3A_410 = arith.constant 2 : i32
        %add3A_411 = arith.addi %mul3A_409, %add3A_410 : i32
        %get3A_412 = arith.index_cast %add3A_411 : i32 to index
        %get3A_413 = arith.constant 48 : index
        %get3A_414 = tpu.vector_load %arg15[%get3A_412, %get3A_413] {strides = array<i32>} : memref<160x128xf32, #tpu.memory_space<vmem>>, vector<1x16xf32>,
        %get3A_415 = vector.shape_cast %get3A_414 : vector<1x16xf32> to vector<16xf32>
        %add3A_416 = arith.addf %get3A_365, %get3A_369 : vector<16xf32>
        %add3A_417 = arith.addf %get3A_415, %add3A_416 : vector<16xf32>
        %mul3A_418 = arith.constant 4 : i32
        %mul3A_419 = arith.muli %mul3A_418, %add3A_95 : i32
        %add3A_420 = arith.constant 2 : i32
        %add3A_421 = arith.addi %mul3A_419, %add3A_420 : i32
        %swap3A_422 = arith.index_cast %add3A_421 : i32 to index
        %swap3A_423 = arith.constant 48 : index
        %swap3A_424 = tpu.vector_load %arg15[%swap3A_422, %swap3A_423] {strides = array<i32>} : memref<160x128xf32, #tpu.memory_space<vmem>>, vector<1x16xf32>,
        %swap3A_425 = vector.shape_cast %swap3A_424 : vector<1x16xf32> to vector<16xf32>
        %swap3A_426 = vector.shape_cast %add3A_417 : vector<16xf32> to vector<1x16xf32>
        tpu.vector_store %arg15[%swap3A_422, %swap3A_423], %swap3A_426 {strides = array<i32>} : memref<160x128xf32, #tpu.memory_space<vmem>>, vector<1x16xf32>,
        %mul3A_427 = arith.constant 4 : i32
        %mul3A_428 = arith.muli %mul3A_427, %add3A_95 : i32
        %add3A_429 = arith.constant 3 : i32
        %add3A_430 = arith.addi %mul3A_428, %add3A_429 : i32
        %get3A_431 = arith.index_cast %add3A_430 : i32 to index
        %get3A_432 = arith.constant 48 : index
        %get3A_433 = tpu.vector_load %arg15[%get3A_431, %get3A_432] {strides = array<i32>} : memref<160x128xf32, #tpu.memory_space<vmem>>, vector<1x16xf32>,
        %get3A_434 = vector.shape_cast %get3A_433 : vector<1x16xf32> to vector<16xf32>
        %add3A_435 = arith.addf %get3A_365, %get3A_373 : vector<16xf32>
        %add3A_436 = arith.addf %get3A_434, %add3A_435 : vector<16xf32>
        %mul3A_437 = arith.constant 4 : i32
        %mul3A_438 = arith.muli %mul3A_437, %add3A_95 : i32
        %add3A_439 = arith.constant 3 : i32
        %add3A_440 = arith.addi %mul3A_438, %add3A_439 : i32
        %swap3A_441 = arith.index_cast %add3A_440 : i32 to index
        %swap3A_442 = arith.constant 48 : index
        %swap3A_443 = tpu.vector_load %arg15[%swap3A_441, %swap3A_442] {strides = array<i32>} : memref<160x128xf32, #tpu.memory_space<vmem>>, vector<1x16xf32>,
        %swap3A_444 = vector.shape_cast %swap3A_443 : vector<1x16xf32> to vector<16xf32>
        %swap3A_445 = vector.shape_cast %add3A_436 : vector<16xf32> to vector<1x16xf32>
        tpu.vector_store %arg15[%swap3A_441, %swap3A_442], %swap3A_445 {strides = array<i32>} : memref<160x128xf32, #tpu.memory_space<vmem>>, vector<1x16xf32>,
        %get3A_446 = arith.index_cast %add3A_95 : i32 to index
        %get3A_447 = arith.constant 64 : index
        %get3A_448 = tpu.vector_load %arg11[%get3A_446, %get3A_447] {strides = array<i32>} : memref<40x256xf32, #tpu.memory_space<vmem>>, vector<1x16xf32>,
        %get3A_449 = vector.shape_cast %get3A_448 : vector<1x16xf32> to vector<16xf32>
        %get3A_450 = arith.index_cast %add3A_95 : i32 to index
        %get3A_451 = arith.constant 192 : index
        %get3A_452 = tpu.vector_load %arg11[%get3A_450, %get3A_451] {strides = array<i32>} : memref<40x256xf32, #tpu.memory_space<vmem>>, vector<1x16xf32>,
        %get3A_453 = vector.shape_cast %get3A_452 : vector<1x16xf32> to vector<16xf32>
        %get3A_454 = arith.index_cast %add3A_95 : i32 to index
        %get3A_455 = arith.constant 64 : index
        %get3A_456 = tpu.vector_load %arg13[%get3A_454, %get3A_455] {strides = array<i32>} : memref<40x256xf32, #tpu.memory_space<vmem>>, vector<1x16xf32>,
        %get3A_457 = vector.shape_cast %get3A_456 : vector<1x16xf32> to vector<16xf32>
        %get3A_458 = arith.index_cast %add3A_95 : i32 to index
        %get3A_459 = arith.constant 192 : index
        %get3A_460 = tpu.vector_load %arg13[%get3A_458, %get3A_459] {strides = array<i32>} : memref<40x256xf32, #tpu.memory_space<vmem>>, vector<1x16xf32>,
        %get3A_461 = vector.shape_cast %get3A_460 : vector<1x16xf32> to vector<16xf32>
        %mul3A_462 = arith.constant 4 : i32
        %mul3A_463 = arith.muli %mul3A_462, %add3A_95 : i32
        %get3A_464 = arith.index_cast %mul3A_463 : i32 to index
        %get3A_465 = arith.constant 64 : index
        %get3A_466 = tpu.vector_load %arg15[%get3A_464, %get3A_465] {strides = array<i32>} : memref<160x128xf32, #tpu.memory_space<vmem>>, vector<1x16xf32>,
        %get3A_467 = vector.shape_cast %get3A_466 : vector<1x16xf32> to vector<16xf32>
        %add3A_468 = arith.addf %get3A_449, %get3A_457 : vector<16xf32>
        %add3A_469 = arith.addf %get3A_467, %add3A_468 : vector<16xf32>
        %mul3A_470 = arith.constant 4 : i32
        %mul3A_471 = arith.muli %mul3A_470, %add3A_95 : i32
        %swap3A_472 = arith.index_cast %mul3A_471 : i32 to index
        %swap3A_473 = arith.constant 64 : index
        %swap3A_474 = tpu.vector_load %arg15[%swap3A_472, %swap3A_473] {strides = array<i32>} : memref<160x128xf32, #tpu.memory_space<vmem>>, vector<1x16xf32>,
        %swap3A_475 = vector.shape_cast %swap3A_474 : vector<1x16xf32> to vector<16xf32>
        %swap3A_476 = vector.shape_cast %add3A_469 : vector<16xf32> to vector<1x16xf32>
        tpu.vector_store %arg15[%swap3A_472, %swap3A_473], %swap3A_476 {strides = array<i32>} : memref<160x128xf32, #tpu.memory_space<vmem>>, vector<1x16xf32>,
        %mul3A_477 = arith.constant 4 : i32
        %mul3A_478 = arith.muli %mul3A_477, %add3A_95 : i32
        %add3A_479 = arith.constant 1 : i32
        %add3A_480 = arith.addi %mul3A_478, %add3A_479 : i32
        %get3A_481 = arith.index_cast %add3A_480 : i32 to index
        %get3A_482 = arith.constant 64 : index
        %get3A_483 = tpu.vector_load %arg15[%get3A_481, %get3A_482] {strides = array<i32>} : memref<160x128xf32, #tpu.memory_space<vmem>>, vector<1x16xf32>,
        %get3A_484 = vector.shape_cast %get3A_483 : vector<1x16xf32> to vector<16xf32>
        %add3A_485 = arith.addf %get3A_449, %get3A_461 : vector<16xf32>
        %add3A_486 = arith.addf %get3A_484, %add3A_485 : vector<16xf32>
        %mul3A_487 = arith.constant 4 : i32
        %mul3A_488 = arith.muli %mul3A_487, %add3A_95 : i32
        %add3A_489 = arith.constant 1 : i32
        %add3A_490 = arith.addi %mul3A_488, %add3A_489 : i32
        %swap3A_491 = arith.index_cast %add3A_490 : i32 to index
        %swap3A_492 = arith.constant 64 : index
        %swap3A_493 = tpu.vector_load %arg15[%swap3A_491, %swap3A_492] {strides = array<i32>} : memref<160x128xf32, #tpu.memory_space<vmem>>, vector<1x16xf32>,
        %swap3A_494 = vector.shape_cast %swap3A_493 : vector<1x16xf32> to vector<16xf32>
        %swap3A_495 = vector.shape_cast %add3A_486 : vector<16xf32> to vector<1x16xf32>
        tpu.vector_store %arg15[%swap3A_491, %swap3A_492], %swap3A_495 {strides = array<i32>} : memref<160x128xf32, #tpu.memory_space<vmem>>, vector<1x16xf32>,
        %mul3A_496 = arith.constant 4 : i32
        %mul3A_497 = arith.muli %mul3A_496, %add3A_95 : i32
        %add3A_498 = arith.constant 2 : i32
        %add3A_499 = arith.addi %mul3A_497, %add3A_498 : i32
        %get3A_500 = arith.index_cast %add3A_499 : i32 to index
        %get3A_501 = arith.constant 64 : index
        %get3A_502 = tpu.vector_load %arg15[%get3A_500, %get3A_501] {strides = array<i32>} : memref<160x128xf32, #tpu.memory_space<vmem>>, vector<1x16xf32>,
        %get3A_503 = vector.shape_cast %get3A_502 : vector<1x16xf32> to vector<16xf32>
        %add3A_504 = arith.addf %get3A_453, %get3A_457 : vector<16xf32>
        %add3A_505 = arith.addf %get3A_503, %add3A_504 : vector<16xf32>
        %mul3A_506 = arith.constant 4 : i32
        %mul3A_507 = arith.muli %mul3A_506, %add3A_95 : i32
        %add3A_508 = arith.constant 2 : i32
        %add3A_509 = arith.addi %mul3A_507, %add3A_508 : i32
        %swap3A_510 = arith.index_cast %add3A_509 : i32 to index
        %swap3A_511 = arith.constant 64 : index
        %swap3A_512 = tpu.vector_load %arg15[%swap3A_510, %swap3A_511] {strides = array<i32>} : memref<160x128xf32, #tpu.memory_space<vmem>>, vector<1x16xf32>,
        %swap3A_513 = vector.shape_cast %swap3A_512 : vector<1x16xf32> to vector<16xf32>
        %swap3A_514 = vector.shape_cast %add3A_505 : vector<16xf32> to vector<1x16xf32>
        tpu.vector_store %arg15[%swap3A_510, %swap3A_511], %swap3A_514 {strides = array<i32>} : memref<160x128xf32, #tpu.memory_space<vmem>>, vector<1x16xf32>,
        %mul3A_515 = arith.constant 4 : i32
        %mul3A_516 = arith.muli %mul3A_515, %add3A_95 : i32
        %add3A_517 = arith.constant 3 : i32
        %add3A_518 = arith.addi %mul3A_516, %add3A_517 : i32
        %get3A_519 = arith.index_cast %add3A_518 : i32 to index
        %get3A_520 = arith.constant 64 : index
        %get3A_521 = tpu.vector_load %arg15[%get3A_519, %get3A_520] {strides = array<i32>} : memref<160x128xf32, #tpu.memory_space<vmem>>, vector<1x16xf32>,
        %get3A_522 = vector.shape_cast %get3A_521 : vector<1x16xf32> to vector<16xf32>
        %add3A_523 = arith.addf %get3A_453, %get3A_461 : vector<16xf32>
        %add3A_524 = arith.addf %get3A_522, %add3A_523 : vector<16xf32>
        %mul3A_525 = arith.constant 4 : i32
        %mul3A_526 = arith.muli %mul3A_525, %add3A_95 : i32
        %add3A_527 = arith.constant 3 : i32
        %add3A_528 = arith.addi %mul3A_526, %add3A_527 : i32
        %swap3A_529 = arith.index_cast %add3A_528 : i32 to index
        %swap3A_530 = arith.constant 64 : index
        %swap3A_531 = tpu.vector_load %arg15[%swap3A_529, %swap3A_530] {strides = array<i32>} : memref<160x128xf32, #tpu.memory_space<vmem>>, vector<1x16xf32>,
        %swap3A_532 = vector.shape_cast %swap3A_531 : vector<1x16xf32> to vector<16xf32>
        %swap3A_533 = vector.shape_cast %add3A_524 : vector<16xf32> to vector<1x16xf32>
        tpu.vector_store %arg15[%swap3A_529, %swap3A_530], %swap3A_533 {strides = array<i32>} : memref<160x128xf32, #tpu.memory_space<vmem>>, vector<1x16xf32>,
        %get3A_534 = arith.index_cast %add3A_95 : i32 to index
        %get3A_535 = arith.constant 80 : index
        %get3A_536 = tpu.vector_load %arg11[%get3A_534, %get3A_535] {strides = array<i32>} : memref<40x256xf32, #tpu.memory_space<vmem>>, vector<1x16xf32>,
        %get3A_537 = vector.shape_cast %get3A_536 : vector<1x16xf32> to vector<16xf32>
        %get3A_538 = arith.index_cast %add3A_95 : i32 to index
        %get3A_539 = arith.constant 208 : index
        %get3A_540 = tpu.vector_load %arg11[%get3A_538, %get3A_539] {strides = array<i32>} : memref<40x256xf32, #tpu.memory_space<vmem>>, vector<1x16xf32>,
        %get3A_541 = vector.shape_cast %get3A_540 : vector<1x16xf32> to vector<16xf32>
        %get3A_542 = arith.index_cast %add3A_95 : i32 to index
        %get3A_543 = arith.constant 80 : index
        %get3A_544 = tpu.vector_load %arg13[%get3A_542, %get3A_543] {strides = array<i32>} : memref<40x256xf32, #tpu.memory_space<vmem>>, vector<1x16xf32>,
        %get3A_545 = vector.shape_cast %get3A_544 : vector<1x16xf32> to vector<16xf32>
        %get3A_546 = arith.index_cast %add3A_95 : i32 to index
        %get3A_547 = arith.constant 208 : index
        %get3A_548 = tpu.vector_load %arg13[%get3A_546, %get3A_547] {strides = array<i32>} : memref<40x256xf32, #tpu.memory_space<vmem>>, vector<1x16xf32>,
        %get3A_549 = vector.shape_cast %get3A_548 : vector<1x16xf32> to vector<16xf32>
        %mul3A_550 = arith.constant 4 : i32
        %mul3A_551 = arith.muli %mul3A_550, %add3A_95 : i32
        %get3A_552 = arith.index_cast %mul3A_551 : i32 to index
        %get3A_553 = arith.constant 80 : index
        %get3A_554 = tpu.vector_load %arg15[%get3A_552, %get3A_553] {strides = array<i32>} : memref<160x128xf32, #tpu.memory_space<vmem>>, vector<1x16xf32>,
        %get3A_555 = vector.shape_cast %get3A_554 : vector<1x16xf32> to vector<16xf32>
        %add3A_556 = arith.addf %get3A_537, %get3A_545 : vector<16xf32>
        %add3A_557 = arith.addf %get3A_555, %add3A_556 : vector<16xf32>
        %mul3A_558 = arith.constant 4 : i32
        %mul3A_559 = arith.muli %mul3A_558, %add3A_95 : i32
        %swap3A_560 = arith.index_cast %mul3A_559 : i32 to index
        %swap3A_561 = arith.constant 80 : index
        %swap3A_562 = tpu.vector_load %arg15[%swap3A_560, %swap3A_561] {strides = array<i32>} : memref<160x128xf32, #tpu.memory_space<vmem>>, vector<1x16xf32>,
        %swap3A_563 = vector.shape_cast %swap3A_562 : vector<1x16xf32> to vector<16xf32>
        %swap3A_564 = vector.shape_cast %add3A_557 : vector<16xf32> to vector<1x16xf32>
        tpu.vector_store %arg15[%swap3A_560, %swap3A_561], %swap3A_564 {strides = array<i32>} : memref<160x128xf32, #tpu.memory_space<vmem>>, vector<1x16xf32>,
        %mul3A_565 = arith.constant 4 : i32
        %mul3A_566 = arith.muli %mul3A_565, %add3A_95 : i32
        %add3A_567 = arith.constant 1 : i32
        %add3A_568 = arith.addi %mul3A_566, %add3A_567 : i32
        %get3A_569 = arith.index_cast %add3A_568 : i32 to index
        %get3A_570 = arith.constant 80 : index
        %get3A_571 = tpu.vector_load %arg15[%get3A_569, %get3A_570] {strides = array<i32>} : memref<160x128xf32, #tpu.memory_space<vmem>>, vector<1x16xf32>,
        %get3A_572 = vector.shape_cast %get3A_571 : vector<1x16xf32> to vector<16xf32>
        %add3A_573 = arith.addf %get3A_537, %get3A_549 : vector<16xf32>
        %add3A_574 = arith.addf %get3A_572, %add3A_573 : vector<16xf32>
        %mul3A_575 = arith.constant 4 : i32
        %mul3A_576 = arith.muli %mul3A_575, %add3A_95 : i32
        %add3A_577 = arith.constant 1 : i32
        %add3A_578 = arith.addi %mul3A_576, %add3A_577 : i32
        %swap3A_579 = arith.index_cast %add3A_578 : i32 to index
        %swap3A_580 = arith.constant 80 : index
        %swap3A_581 = tpu.vector_load %arg15[%swap3A_579, %swap3A_580] {strides = array<i32>} : memref<160x128xf32, #tpu.memory_space<vmem>>, vector<1x16xf32>,
        %swap3A_582 = vector.shape_cast %swap3A_581 : vector<1x16xf32> to vector<16xf32>
        %swap3A_583 = vector.shape_cast %add3A_574 : vector<16xf32> to vector<1x16xf32>
        tpu.vector_store %arg15[%swap3A_579, %swap3A_580], %swap3A_583 {strides = array<i32>} : memref<160x128xf32, #tpu.memory_space<vmem>>, vector<1x16xf32>,
        %mul3A_584 = arith.constant 4 : i32
        %mul3A_585 = arith.muli %mul3A_584, %add3A_95 : i32
        %add3A_586 = arith.constant 2 : i32
        %add3A_587 = arith.addi %mul3A_585, %add3A_586 : i32
        %get3A_588 = arith.index_cast %add3A_587 : i32 to index
        %get3A_589 = arith.constant 80 : index
        %get3A_590 = tpu.vector_load %arg15[%get3A_588, %get3A_589] {strides = array<i32>} : memref<160x128xf32, #tpu.memory_space<vmem>>, vector<1x16xf32>,
        %get3A_591 = vector.shape_cast %get3A_590 : vector<1x16xf32> to vector<16xf32>
        %add3A_592 = arith.addf %get3A_541, %get3A_545 : vector<16xf32>
        %add3A_593 = arith.addf %get3A_591, %add3A_592 : vector<16xf32>
        %mul3A_594 = arith.constant 4 : i32
        %mul3A_595 = arith.muli %mul3A_594, %add3A_95 : i32
        %add3A_596 = arith.constant 2 : i32
        %add3A_597 = arith.addi %mul3A_595, %add3A_596 : i32
        %swap3A_598 = arith.index_cast %add3A_597 : i32 to index
        %swap3A_599 = arith.constant 80 : index
        %swap3A_600 = tpu.vector_load %arg15[%swap3A_598, %swap3A_599] {strides = array<i32>} : memref<160x128xf32, #tpu.memory_space<vmem>>, vector<1x16xf32>,
        %swap3A_601 = vector.shape_cast %swap3A_600 : vector<1x16xf32> to vector<16xf32>
        %swap3A_602 = vector.shape_cast %add3A_593 : vector<16xf32> to vector<1x16xf32>
        tpu.vector_store %arg15[%swap3A_598, %swap3A_599], %swap3A_602 {strides = array<i32>} : memref<160x128xf32, #tpu.memory_space<vmem>>, vector<1x16xf32>,
        %mul3A_603 = arith.constant 4 : i32
        %mul3A_604 = arith.muli %mul3A_603, %add3A_95 : i32
        %add3A_605 = arith.constant 3 : i32
        %add3A_606 = arith.addi %mul3A_604, %add3A_605 : i32
        %get3A_607 = arith.index_cast %add3A_606 : i32 to index
        %get3A_608 = arith.constant 80 : index
        %get3A_609 = tpu.vector_load %arg15[%get3A_607, %get3A_608] {strides = array<i32>} : memref<160x128xf32, #tpu.memory_space<vmem>>, vector<1x16xf32>,
        %get3A_610 = vector.shape_cast %get3A_609 : vector<1x16xf32> to vector<16xf32>
        %add3A_611 = arith.addf %get3A_541, %get3A_549 : vector<16xf32>
        %add3A_612 = arith.addf %get3A_610, %add3A_611 : vector<16xf32>
        %mul3A_613 = arith.constant 4 : i32
        %mul3A_614 = arith.muli %mul3A_613, %add3A_95 : i32
        %add3A_615 = arith.constant 3 : i32
        %add3A_616 = arith.addi %mul3A_614, %add3A_615 : i32
        %swap3A_617 = arith.index_cast %add3A_616 : i32 to index
        %swap3A_618 = arith.constant 80 : index
        %swap3A_619 = tpu.vector_load %arg15[%swap3A_617, %swap3A_618] {strides = array<i32>} : memref<160x128xf32, #tpu.memory_space<vmem>>, vector<1x16xf32>,
        %swap3A_620 = vector.shape_cast %swap3A_619 : vector<1x16xf32> to vector<16xf32>
        %swap3A_621 = vector.shape_cast %add3A_612 : vector<16xf32> to vector<1x16xf32>
        tpu.vector_store %arg15[%swap3A_617, %swap3A_618], %swap3A_621 {strides = array<i32>} : memref<160x128xf32, #tpu.memory_space<vmem>>, vector<1x16xf32>,
        %get3A_622 = arith.index_cast %add3A_95 : i32 to index
        %get3A_623 = arith.constant 96 : index
        %get3A_624 = tpu.vector_load %arg11[%get3A_622, %get3A_623] {strides = array<i32>} : memref<40x256xf32, #tpu.memory_space<vmem>>, vector<1x16xf32>,
        %get3A_625 = vector.shape_cast %get3A_624 : vector<1x16xf32> to vector<16xf32>
        %get3A_626 = arith.index_cast %add3A_95 : i32 to index
        %get3A_627 = arith.constant 224 : index
        %get3A_628 = tpu.vector_load %arg11[%get3A_626, %get3A_627] {strides = array<i32>} : memref<40x256xf32, #tpu.memory_space<vmem>>, vector<1x16xf32>,
        %get3A_629 = vector.shape_cast %get3A_628 : vector<1x16xf32> to vector<16xf32>
        %get3A_630 = arith.index_cast %add3A_95 : i32 to index
        %get3A_631 = arith.constant 96 : index
        %get3A_632 = tpu.vector_load %arg13[%get3A_630, %get3A_631] {strides = array<i32>} : memref<40x256xf32, #tpu.memory_space<vmem>>, vector<1x16xf32>,
        %get3A_633 = vector.shape_cast %get3A_632 : vector<1x16xf32> to vector<16xf32>
        %get3A_634 = arith.index_cast %add3A_95 : i32 to index
        %get3A_635 = arith.constant 224 : index
        %get3A_636 = tpu.vector_load %arg13[%get3A_634, %get3A_635] {strides = array<i32>} : memref<40x256xf32, #tpu.memory_space<vmem>>, vector<1x16xf32>,
        %get3A_637 = vector.shape_cast %get3A_636 : vector<1x16xf32> to vector<16xf32>
        %mul3A_638 = arith.constant 4 : i32
        %mul3A_639 = arith.muli %mul3A_638, %add3A_95 : i32
        %get3A_640 = arith.index_cast %mul3A_639 : i32 to index
        %get3A_641 = arith.constant 96 : index
        %get3A_642 = tpu.vector_load %arg15[%get3A_640, %get3A_641] {strides = array<i32>} : memref<160x128xf32, #tpu.memory_space<vmem>>, vector<1x16xf32>,
        %get3A_643 = vector.shape_cast %get3A_642 : vector<1x16xf32> to vector<16xf32>
        %add3A_644 = arith.addf %get3A_625, %get3A_633 : vector<16xf32>
        %add3A_645 = arith.addf %get3A_643, %add3A_644 : vector<16xf32>
        %mul3A_646 = arith.constant 4 : i32
        %mul3A_647 = arith.muli %mul3A_646, %add3A_95 : i32
        %swap3A_648 = arith.index_cast %mul3A_647 : i32 to index
        %swap3A_649 = arith.constant 96 : index
        %swap3A_650 = tpu.vector_load %arg15[%swap3A_648, %swap3A_649] {strides = array<i32>} : memref<160x128xf32, #tpu.memory_space<vmem>>, vector<1x16xf32>,
        %swap3A_651 = vector.shape_cast %swap3A_650 : vector<1x16xf32> to vector<16xf32>
        %swap3A_652 = vector.shape_cast %add3A_645 : vector<16xf32> to vector<1x16xf32>
        tpu.vector_store %arg15[%swap3A_648, %swap3A_649], %swap3A_652 {strides = array<i32>} : memref<160x128xf32, #tpu.memory_space<vmem>>, vector<1x16xf32>,
        %mul3A_653 = arith.constant 4 : i32
        %mul3A_654 = arith.muli %mul3A_653, %add3A_95 : i32
        %add3A_655 = arith.constant 1 : i32
        %add3A_656 = arith.addi %mul3A_654, %add3A_655 : i32
        %get3A_657 = arith.index_cast %add3A_656 : i32 to index
        %get3A_658 = arith.constant 96 : index
        %get3A_659 = tpu.vector_load %arg15[%get3A_657, %get3A_658] {strides = array<i32>} : memref<160x128xf32, #tpu.memory_space<vmem>>, vector<1x16xf32>,
        %get3A_660 = vector.shape_cast %get3A_659 : vector<1x16xf32> to vector<16xf32>
        %add3A_661 = arith.addf %get3A_625, %get3A_637 : vector<16xf32>
        %add3A_662 = arith.addf %get3A_660, %add3A_661 : vector<16xf32>
        %mul3A_663 = arith.constant 4 : i32
        %mul3A_664 = arith.muli %mul3A_663, %add3A_95 : i32
        %add3A_665 = arith.constant 1 : i32
        %add3A_666 = arith.addi %mul3A_664, %add3A_665 : i32
        %swap3A_667 = arith.index_cast %add3A_666 : i32 to index
        %swap3A_668 = arith.constant 96 : index
        %swap3A_669 = tpu.vector_load %arg15[%swap3A_667, %swap3A_668] {strides = array<i32>} : memref<160x128xf32, #tpu.memory_space<vmem>>, vector<1x16xf32>,
        %swap3A_670 = vector.shape_cast %swap3A_669 : vector<1x16xf32> to vector<16xf32>
        %swap3A_671 = vector.shape_cast %add3A_662 : vector<16xf32> to vector<1x16xf32>
        tpu.vector_store %arg15[%swap3A_667, %swap3A_668], %swap3A_671 {strides = array<i32>} : memref<160x128xf32, #tpu.memory_space<vmem>>, vector<1x16xf32>,
        %mul3A_672 = arith.constant 4 : i32
        %mul3A_673 = arith.muli %mul3A_672, %add3A_95 : i32
        %add3A_674 = arith.constant 2 : i32
        %add3A_675 = arith.addi %mul3A_673, %add3A_674 : i32
        %get3A_676 = arith.index_cast %add3A_675 : i32 to index
        %get3A_677 = arith.constant 96 : index
        %get3A_678 = tpu.vector_load %arg15[%get3A_676, %get3A_677] {strides = array<i32>} : memref<160x128xf32, #tpu.memory_space<vmem>>, vector<1x16xf32>,
        %get3A_679 = vector.shape_cast %get3A_678 : vector<1x16xf32> to vector<16xf32>
        %add3A_680 = arith.addf %get3A_629, %get3A_633 : vector<16xf32>
        %add3A_681 = arith.addf %get3A_679, %add3A_680 : vector<16xf32>
        %mul3A_682 = arith.constant 4 : i32
        %mul3A_683 = arith.muli %mul3A_682, %add3A_95 : i32
        %add3A_684 = arith.constant 2 : i32
        %add3A_685 = arith.addi %mul3A_683, %add3A_684 : i32
        %swap3A_686 = arith.index_cast %add3A_685 : i32 to index
        %swap3A_687 = arith.constant 96 : index
        %swap3A_688 = tpu.vector_load %arg15[%swap3A_686, %swap3A_687] {strides = array<i32>} : memref<160x128xf32, #tpu.memory_space<vmem>>, vector<1x16xf32>,
        %swap3A_689 = vector.shape_cast %swap3A_688 : vector<1x16xf32> to vector<16xf32>
        %swap3A_690 = vector.shape_cast %add3A_681 : vector<16xf32> to vector<1x16xf32>
        tpu.vector_store %arg15[%swap3A_686, %swap3A_687], %swap3A_690 {strides = array<i32>} : memref<160x128xf32, #tpu.memory_space<vmem>>, vector<1x16xf32>,
        %mul3A_691 = arith.constant 4 : i32
        %mul3A_692 = arith.muli %mul3A_691, %add3A_95 : i32
        %add3A_693 = arith.constant 3 : i32
        %add3A_694 = arith.addi %mul3A_692, %add3A_693 : i32
        %get3A_695 = arith.index_cast %add3A_694 : i32 to index
        %get3A_696 = arith.constant 96 : index
        %get3A_697 = tpu.vector_load %arg15[%get3A_695, %get3A_696] {strides = array<i32>} : memref<160x128xf32, #tpu.memory_space<vmem>>, vector<1x16xf32>,
        %get3A_698 = vector.shape_cast %get3A_697 : vector<1x16xf32> to vector<16xf32>
        %add3A_699 = arith.addf %get3A_629, %get3A_637 : vector<16xf32>
        %add3A_700 = arith.addf %get3A_698, %add3A_699 : vector<16xf32>
        %mul3A_701 = arith.constant 4 : i32
        %mul3A_702 = arith.muli %mul3A_701, %add3A_95 : i32
        %add3A_703 = arith.constant 3 : i32
        %add3A_704 = arith.addi %mul3A_702, %add3A_703 : i32
        %swap3A_705 = arith.index_cast %add3A_704 : i32 to index
        %swap3A_706 = arith.constant 96 : index
        %swap3A_707 = tpu.vector_load %arg15[%swap3A_705, %swap3A_706] {strides = array<i32>} : memref<160x128xf32, #tpu.memory_space<vmem>>, vector<1x16xf32>,
        %swap3A_708 = vector.shape_cast %swap3A_707 : vector<1x16xf32> to vector<16xf32>
        %swap3A_709 = vector.shape_cast %add3A_700 : vector<16xf32> to vector<1x16xf32>
        tpu.vector_store %arg15[%swap3A_705, %swap3A_706], %swap3A_709 {strides = array<i32>} : memref<160x128xf32, #tpu.memory_space<vmem>>, vector<1x16xf32>,
        %get3A_710 = arith.index_cast %add3A_95 : i32 to index
        %get3A_711 = arith.constant 112 : index
        %get3A_712 = tpu.vector_load %arg11[%get3A_710, %get3A_711] {strides = array<i32>} : memref<40x256xf32, #tpu.memory_space<vmem>>, vector<1x16xf32>,
        %get3A_713 = vector.shape_cast %get3A_712 : vector<1x16xf32> to vector<16xf32>
        %get3A_714 = arith.index_cast %add3A_95 : i32 to index
        %get3A_715 = arith.constant 240 : index
        %get3A_716 = tpu.vector_load %arg11[%get3A_714, %get3A_715] {strides = array<i32>} : memref<40x256xf32, #tpu.memory_space<vmem>>, vector<1x16xf32>,
        %get3A_717 = vector.shape_cast %get3A_716 : vector<1x16xf32> to vector<16xf32>
        %get3A_718 = arith.index_cast %add3A_95 : i32 to index
        %get3A_719 = arith.constant 112 : index
        %get3A_720 = tpu.vector_load %arg13[%get3A_718, %get3A_719] {strides = array<i32>} : memref<40x256xf32, #tpu.memory_space<vmem>>, vector<1x16xf32>,
        %get3A_721 = vector.shape_cast %get3A_720 : vector<1x16xf32> to vector<16xf32>
        %get3A_722 = arith.index_cast %add3A_95 : i32 to index
        %get3A_723 = arith.constant 240 : index
        %get3A_724 = tpu.vector_load %arg13[%get3A_722, %get3A_723] {strides = array<i32>} : memref<40x256xf32, #tpu.memory_space<vmem>>, vector<1x16xf32>,
        %get3A_725 = vector.shape_cast %get3A_724 : vector<1x16xf32> to vector<16xf32>
        %mul3A_726 = arith.constant 4 : i32
        %mul3A_727 = arith.muli %mul3A_726, %add3A_95 : i32
        %get3A_728 = arith.index_cast %mul3A_727 : i32 to index
        %get3A_729 = arith.constant 112 : index
        %get3A_730 = tpu.vector_load %arg15[%get3A_728, %get3A_729] {strides = array<i32>} : memref<160x128xf32, #tpu.memory_space<vmem>>, vector<1x16xf32>,
        %get3A_731 = vector.shape_cast %get3A_730 : vector<1x16xf32> to vector<16xf32>
        %add3A_732 = arith.addf %get3A_713, %get3A_721 : vector<16xf32>
        %add3A_733 = arith.addf %get3A_731, %add3A_732 : vector<16xf32>
        %mul3A_734 = arith.constant 4 : i32
        %mul3A_735 = arith.muli %mul3A_734, %add3A_95 : i32
        %swap3A_736 = arith.index_cast %mul3A_735 : i32 to index
        %swap3A_737 = arith.constant 112 : index
        %swap3A_738 = tpu.vector_load %arg15[%swap3A_736, %swap3A_737] {strides = array<i32>} : memref<160x128xf32, #tpu.memory_space<vmem>>, vector<1x16xf32>,
        %swap3A_739 = vector.shape_cast %swap3A_738 : vector<1x16xf32> to vector<16xf32>
        %swap3A_740 = vector.shape_cast %add3A_733 : vector<16xf32> to vector<1x16xf32>
        tpu.vector_store %arg15[%swap3A_736, %swap3A_737], %swap3A_740 {strides = array<i32>} : memref<160x128xf32, #tpu.memory_space<vmem>>, vector<1x16xf32>,
        %mul3A_741 = arith.constant 4 : i32
        %mul3A_742 = arith.muli %mul3A_741, %add3A_95 : i32
        %add3A_743 = arith.constant 1 : i32
        %add3A_744 = arith.addi %mul3A_742, %add3A_743 : i32
        %get3A_745 = arith.index_cast %add3A_744 : i32 to index
        %get3A_746 = arith.constant 112 : index
        %get3A_747 = tpu.vector_load %arg15[%get3A_745, %get3A_746] {strides = array<i32>} : memref<160x128xf32, #tpu.memory_space<vmem>>, vector<1x16xf32>,
        %get3A_748 = vector.shape_cast %get3A_747 : vector<1x16xf32> to vector<16xf32>
        %add3A_749 = arith.addf %get3A_713, %get3A_725 : vector<16xf32>
        %add3A_750 = arith.addf %get3A_748, %add3A_749 : vector<16xf32>
        %mul3A_751 = arith.constant 4 : i32
        %mul3A_752 = arith.muli %mul3A_751, %add3A_95 : i32
        %add3A_753 = arith.constant 1 : i32
        %add3A_754 = arith.addi %mul3A_752, %add3A_753 : i32
        %swap3A_755 = arith.index_cast %add3A_754 : i32 to index
        %swap3A_756 = arith.constant 112 : index
        %swap3A_757 = tpu.vector_load %arg15[%swap3A_755, %swap3A_756] {strides = array<i32>} : memref<160x128xf32, #tpu.memory_space<vmem>>, vector<1x16xf32>,
        %swap3A_758 = vector.shape_cast %swap3A_757 : vector<1x16xf32> to vector<16xf32>
        %swap3A_759 = vector.shape_cast %add3A_750 : vector<16xf32> to vector<1x16xf32>
        tpu.vector_store %arg15[%swap3A_755, %swap3A_756], %swap3A_759 {strides = array<i32>} : memref<160x128xf32, #tpu.memory_space<vmem>>, vector<1x16xf32>,
        %mul3A_760 = arith.constant 4 : i32
        %mul3A_761 = arith.muli %mul3A_760, %add3A_95 : i32
        %add3A_762 = arith.constant 2 : i32
        %add3A_763 = arith.addi %mul3A_761, %add3A_762 : i32
        %get3A_764 = arith.index_cast %add3A_763 : i32 to index
        %get3A_765 = arith.constant 112 : index
        %get3A_766 = tpu.vector_load %arg15[%get3A_764, %get3A_765] {strides = array<i32>} : memref<160x128xf32, #tpu.memory_space<vmem>>, vector<1x16xf32>,
        %get3A_767 = vector.shape_cast %get3A_766 : vector<1x16xf32> to vector<16xf32>
        %add3A_768 = arith.addf %get3A_717, %get3A_721 : vector<16xf32>
        %add3A_769 = arith.addf %get3A_767, %add3A_768 : vector<16xf32>
        %mul3A_770 = arith.constant 4 : i32
        %mul3A_771 = arith.muli %mul3A_770, %add3A_95 : i32
        %add3A_772 = arith.constant 2 : i32
        %add3A_773 = arith.addi %mul3A_771, %add3A_772 : i32
        %swap3A_774 = arith.index_cast %add3A_773 : i32 to index
        %swap3A_775 = arith.constant 112 : index
        %swap3A_776 = tpu.vector_load %arg15[%swap3A_774, %swap3A_775] {strides = array<i32>} : memref<160x128xf32, #tpu.memory_space<vmem>>, vector<1x16xf32>,
        %swap3A_777 = vector.shape_cast %swap3A_776 : vector<1x16xf32> to vector<16xf32>
        %swap3A_778 = vector.shape_cast %add3A_769 : vector<16xf32> to vector<1x16xf32>
        tpu.vector_store %arg15[%swap3A_774, %swap3A_775], %swap3A_778 {strides = array<i32>} : memref<160x128xf32, #tpu.memory_space<vmem>>, vector<1x16xf32>,
        %mul3A_779 = arith.constant 4 : i32
        %mul3A_780 = arith.muli %mul3A_779, %add3A_95 : i32
        %add3A_781 = arith.constant 3 : i32
        %add3A_782 = arith.addi %mul3A_780, %add3A_781 : i32
        %get3A_783 = arith.index_cast %add3A_782 : i32 to index
        %get3A_784 = arith.constant 112 : index
        %get3A_785 = tpu.vector_load %arg15[%get3A_783, %get3A_784] {strides = array<i32>} : memref<160x128xf32, #tpu.memory_space<vmem>>, vector<1x16xf32>,
        %get3A_786 = vector.shape_cast %get3A_785 : vector<1x16xf32> to vector<16xf32>
        %add3A_787 = arith.addf %get3A_717, %get3A_725 : vector<16xf32>
        %add3A_788 = arith.addf %get3A_786, %add3A_787 : vector<16xf32>
        %mul3A_789 = arith.constant 4 : i32
        %mul3A_790 = arith.muli %mul3A_789, %add3A_95 : i32
        %add3A_791 = arith.constant 3 : i32
        %add3A_792 = arith.addi %mul3A_790, %add3A_791 : i32
        %swap3A_793 = arith.index_cast %add3A_792 : i32 to index
        %swap3A_794 = arith.constant 112 : index
        %swap3A_795 = tpu.vector_load %arg15[%swap3A_793, %swap3A_794] {strides = array<i32>} : memref<160x128xf32, #tpu.memory_space<vmem>>, vector<1x16xf32>,
        %swap3A_796 = vector.shape_cast %swap3A_795 : vector<1x16xf32> to vector<16xf32>
        %swap3A_797 = vector.shape_cast %add3A_788 : vector<16xf32> to vector<1x16xf32>
        tpu.vector_store %arg15[%swap3A_793, %swap3A_794], %swap3A_797 {strides = array<i32>} : memref<160x128xf32, #tpu.memory_space<vmem>>, vector<1x16xf32>,
      }
      %scan3A_71 = arith.constant 40 : i32
      %mul3A_72 = arith.constant 4 : i32
      %mul3A_73 = arith.muli %mul3A_57, %mul3A_72 : i32
      %dma_start3A_74 = arith.constant 0 : i32
      %dma_start3A_75 = tpu.memref_slice %arg6[%mul3A_73, %dma_start3A_74] : memref<640000x128xf32, #tpu.memory_space<hbm>> -> memref<160x128xf32, #tpu.memory_space<hbm>>
      %dma_start3A_76 = arith.constant 0 : i32
      %dma_start3A_77 = tpu.memref_slice %arg6[%mul3A_73, %dma_start3A_76] : memref<640000x128xf32, #tpu.memory_space<hbm>> -> memref<160x128xf32, #tpu.memory_space<hbm>>
      tpu.enqueue_dma source(%arg15 : memref<160x128xf32, #tpu.memory_space<vmem>>) target(%dma_start3A_77 : memref<160x128xf32, #tpu.memory_space<hbm>>) target_semaphore(%arg17 : memref<!tpu.dma_semaphore, #tpu.memory_space<semaphore_mem>>)
      %add3A_78 = arith.constant 32 : i32
      %add3A_79 = arith.addi %add3A_18, %add3A_78 : i32
      %mul3A_80 = arith.constant 40 : i32
      %mul3A_81 = arith.muli %add3A_79, %mul3A_80 : i32
      %lt3A_82 = arith.constant 4000 : i32
      %lt3A_83 = arith.cmpi slt, %add3A_79, %lt3A_82 : i32
      %convert_element_type3A_84 = arith.extui %lt3A_83 : i1 to i32
      %cond3A_85 = arith.constant 0 : i32
      %cond3A_86 = arith.cmpi ne, %convert_element_type3A_84, %cond3A_85 : i32
      scf.if %cond3A_86 {
        %dma_wait3A_91 = arith.constant 0 : i32
        %dma_wait3A_92 = arith.constant 0 : i32
        %dma_wait3A_93 = tpu.memref_slice %arg2[%dma_wait3A_91, %dma_wait3A_92] : memref<10000x256xf32, #tpu.memory_space<hbm>> -> memref<10000x256xf32, #tpu.memory_space<hbm>>
        tpu.wait_indirect_dma semaphore(%arg18 : memref<!tpu.dma_semaphore, #tpu.memory_space<semaphore_mem>>) src(%dma_wait3A_93 : memref<10000x256xf32, #tpu.memory_space<hbm>>) dst(%arg12 : memref<40x256xf32, #tpu.memory_space<vmem>>)
        %dma_wait3A_94 = arith.constant 0 : i32
        %dma_wait3A_95 = arith.constant 0 : i32
        %dma_wait3A_96 = tpu.memref_slice %arg2[%dma_wait3A_94, %dma_wait3A_95] : memref<10000x256xf32, #tpu.memory_space<hbm>> -> memref<10000x256xf32, #tpu.memory_space<hbm>>
        tpu.wait_indirect_dma semaphore(%arg18 : memref<!tpu.dma_semaphore, #tpu.memory_space<semaphore_mem>>) src(%dma_wait3A_96 : memref<10000x256xf32, #tpu.memory_space<hbm>>) dst(%arg14 : memref<40x256xf32, #tpu.memory_space<vmem>>)
        %dma_wait3A_97 = arith.constant 0 : i32
        %dma_wait3A_98 = tpu.memref_slice %arg3[%mul3A_46, %dma_wait3A_97] : memref<640000x128xf32, #tpu.memory_space<hbm>> -> memref<160x128xf32, #tpu.memory_space<hbm>>
        %dma_wait3A_99 = arith.constant 0 : i32
        %dma_wait3A_100 = tpu.memref_slice %arg3[%mul3A_46, %dma_wait3A_99] : memref<640000x128xf32, #tpu.memory_space<hbm>> -> memref<160x128xf32, #tpu.memory_space<hbm>>
        tpu.wait_dma2 semaphore(%arg18 : memref<!tpu.dma_semaphore, #tpu.memory_space<semaphore_mem>>) src(%dma_wait3A_100 : memref<160x128xf32, #tpu.memory_space<hbm>>) dst(%arg16 : memref<160x128xf32, #tpu.memory_space<vmem>>)
        %scan3A_101 = arith.constant 0 : i32
        %scan3A_102 = arith.constant 40 : i32
        %scan3A_103 = arith.addi %scan3A_101, %scan3A_102 : i32
        %scan3A_104 = arith.constant 1 : i32
        scf.for %scan3A_116 = %scan3A_101 to %scan3A_103 step %scan3A_104  : i32 {
          %mul3A_117 = arith.constant 1 : i32
          %mul3A_118 = arith.muli %scan3A_116, %mul3A_117 : i32
          %add3A_119 = arith.constant 0 : i32
          %add3A_120 = arith.addi %add3A_119, %mul3A_118 : i32
          %get3A = arith.index_cast %add3A_120 : i32 to index
          %get3A_121 = arith.constant 0 : index
          %get3A_122 = tpu.vector_load %arg12[%get3A, %get3A_121] {strides = array<i32>} : memref<40x256xf32, #tpu.memory_space<vmem>>, vector<1x16xf32>,
          %get3A_123 = vector.shape_cast %get3A_122 : vector<1x16xf32> to vector<16xf32>
          %get3A_124 = arith.index_cast %add3A_120 : i32 to index
          %get3A_125 = arith.constant 128 : index
          %get3A_126 = tpu.vector_load %arg12[%get3A_124, %get3A_125] {strides = array<i32>} : memref<40x256xf32, #tpu.memory_space<vmem>>, vector<1x16xf32>,
          %get3A_127 = vector.shape_cast %get3A_126 : vector<1x16xf32> to vector<16xf32>
          %get3A_128 = arith.index_cast %add3A_120 : i32 to index
          %get3A_129 = arith.constant 0 : index
          %get3A_130 = tpu.vector_load %arg14[%get3A_128, %get3A_129] {strides = array<i32>} : memref<40x256xf32, #tpu.memory_space<vmem>>, vector<1x16xf32>,
          %get3A_131 = vector.shape_cast %get3A_130 : vector<1x16xf32> to vector<16xf32>
          %get3A_132 = arith.index_cast %add3A_120 : i32 to index
          %get3A_133 = arith.constant 128 : index
          %get3A_134 = tpu.vector_load %arg14[%get3A_132, %get3A_133] {strides = array<i32>} : memref<40x256xf32, #tpu.memory_space<vmem>>, vector<1x16xf32>,
          %get3A_135 = vector.shape_cast %get3A_134 : vector<1x16xf32> to vector<16xf32>
          %mul3A_136 = arith.constant 4 : i32
          %mul3A_137 = arith.muli %mul3A_136, %add3A_120 : i32
          %get3A_138 = arith.index_cast %mul3A_137 : i32 to index
          %get3A_139 = arith.constant 0 : index
          %get3A_140 = tpu.vector_load %arg16[%get3A_138, %get3A_139] {strides = array<i32>} : memref<160x128xf32, #tpu.memory_space<vmem>>, vector<1x16xf32>,
          %get3A_141 = vector.shape_cast %get3A_140 : vector<1x16xf32> to vector<16xf32>
          %add3A_142 = arith.addf %get3A_123, %get3A_131 : vector<16xf32>
          %add3A_143 = arith.addf %get3A_141, %add3A_142 : vector<16xf32>
          %mul3A_144 = arith.constant 4 : i32
          %mul3A_145 = arith.muli %mul3A_144, %add3A_120 : i32
          %swap3A = arith.index_cast %mul3A_145 : i32 to index
          %swap3A_146 = arith.constant 0 : index
          %swap3A_147 = tpu.vector_load %arg16[%swap3A, %swap3A_146] {strides = array<i32>} : memref<160x128xf32, #tpu.memory_space<vmem>>, vector<1x16xf32>,
          %swap3A_148 = vector.shape_cast %swap3A_147 : vector<1x16xf32> to vector<16xf32>
          %swap3A_149 = vector.shape_cast %add3A_143 : vector<16xf32> to vector<1x16xf32>
          tpu.vector_store %arg16[%swap3A, %swap3A_146], %swap3A_149 {strides = array<i32>} : memref<160x128xf32, #tpu.memory_space<vmem>>, vector<1x16xf32>,
          %mul3A_150 = arith.constant 4 : i32
          %mul3A_151 = arith.muli %mul3A_150, %add3A_120 : i32
          %add3A_152 = arith.constant 1 : i32
          %add3A_153 = arith.addi %mul3A_151, %add3A_152 : i32
          %get3A_154 = arith.index_cast %add3A_153 : i32 to index
          %get3A_155 = arith.constant 0 : index
          %get3A_156 = tpu.vector_load %arg16[%get3A_154, %get3A_155] {strides = array<i32>} : memref<160x128xf32, #tpu.memory_space<vmem>>, vector<1x16xf32>,
          %get3A_157 = vector.shape_cast %get3A_156 : vector<1x16xf32> to vector<16xf32>
          %add3A_158 = arith.addf %get3A_123, %get3A_135 : vector<16xf32>
          %add3A_159 = arith.addf %get3A_157, %add3A_158 : vector<16xf32>
          %mul3A_160 = arith.constant 4 : i32
          %mul3A_161 = arith.muli %mul3A_160, %add3A_120 : i32
          %add3A_162 = arith.constant 1 : i32
          %add3A_163 = arith.addi %mul3A_161, %add3A_162 : i32
          %swap3A_164 = arith.index_cast %add3A_163 : i32 to index
          %swap3A_165 = arith.constant 0 : index
          %swap3A_166 = tpu.vector_load %arg16[%swap3A_164, %swap3A_165] {strides = array<i32>} : memref<160x128xf32, #tpu.memory_space<vmem>>, vector<1x16xf32>,
          %swap3A_167 = vector.shape_cast %swap3A_166 : vector<1x16xf32> to vector<16xf32>
          %swap3A_168 = vector.shape_cast %add3A_159 : vector<16xf32> to vector<1x16xf32>
          tpu.vector_store %arg16[%swap3A_164, %swap3A_165], %swap3A_168 {strides = array<i32>} : memref<160x128xf32, #tpu.memory_space<vmem>>, vector<1x16xf32>,
          %mul3A_169 = arith.constant 4 : i32
          %mul3A_170 = arith.muli %mul3A_169, %add3A_120 : i32
          %add3A_171 = arith.constant 2 : i32
          %add3A_172 = arith.addi %mul3A_170, %add3A_171 : i32
          %get3A_173 = arith.index_cast %add3A_172 : i32 to index
          %get3A_174 = arith.constant 0 : index
          %get3A_175 = tpu.vector_load %arg16[%get3A_173, %get3A_174] {strides = array<i32>} : memref<160x128xf32, #tpu.memory_space<vmem>>, vector<1x16xf32>,
          %get3A_176 = vector.shape_cast %get3A_175 : vector<1x16xf32> to vector<16xf32>
          %add3A_177 = arith.addf %get3A_127, %get3A_131 : vector<16xf32>
          %add3A_178 = arith.addf %get3A_176, %add3A_177 : vector<16xf32>
          %mul3A_179 = arith.constant 4 : i32
          %mul3A_180 = arith.muli %mul3A_179, %add3A_120 : i32
          %add3A_181 = arith.constant 2 : i32
          %add3A_182 = arith.addi %mul3A_180, %add3A_181 : i32
          %swap3A_183 = arith.index_cast %add3A_182 : i32 to index
          %swap3A_184 = arith.constant 0 : index
          %swap3A_185 = tpu.vector_load %arg16[%swap3A_183, %swap3A_184] {strides = array<i32>} : memref<160x128xf32, #tpu.memory_space<vmem>>, vector<1x16xf32>,
          %swap3A_186 = vector.shape_cast %swap3A_185 : vector<1x16xf32> to vector<16xf32>
          %swap3A_187 = vector.shape_cast %add3A_178 : vector<16xf32> to vector<1x16xf32>
          tpu.vector_store %arg16[%swap3A_183, %swap3A_184], %swap3A_187 {strides = array<i32>} : memref<160x128xf32, #tpu.memory_space<vmem>>, vector<1x16xf32>,
          %mul3A_188 = arith.constant 4 : i32
          %mul3A_189 = arith.muli %mul3A_188, %add3A_120 : i32
          %add3A_190 = arith.constant 3 : i32
          %add3A_191 = arith.addi %mul3A_189, %add3A_190 : i32
          %get3A_192 = arith.index_cast %add3A_191 : i32 to index
          %get3A_193 = arith.constant 0 : index
          %get3A_194 = tpu.vector_load %arg16[%get3A_192, %get3A_193] {strides = array<i32>} : memref<160x128xf32, #tpu.memory_space<vmem>>, vector<1x16xf32>,
          %get3A_195 = vector.shape_cast %get3A_194 : vector<1x16xf32> to vector<16xf32>
          %add3A_196 = arith.addf %get3A_127, %get3A_135 : vector<16xf32>
          %add3A_197 = arith.addf %get3A_195, %add3A_196 : vector<16xf32>
          %mul3A_198 = arith.constant 4 : i32
          %mul3A_199 = arith.muli %mul3A_198, %add3A_120 : i32
          %add3A_200 = arith.constant 3 : i32
          %add3A_201 = arith.addi %mul3A_199, %add3A_200 : i32
          %swap3A_202 = arith.index_cast %add3A_201 : i32 to index
          %swap3A_203 = arith.constant 0 : index
          %swap3A_204 = tpu.vector_load %arg16[%swap3A_202, %swap3A_203] {strides = array<i32>} : memref<160x128xf32, #tpu.memory_space<vmem>>, vector<1x16xf32>,
          %swap3A_205 = vector.shape_cast %swap3A_204 : vector<1x16xf32> to vector<16xf32>
          %swap3A_206 = vector.shape_cast %add3A_197 : vector<16xf32> to vector<1x16xf32>
          tpu.vector_store %arg16[%swap3A_202, %swap3A_203], %swap3A_206 {strides = array<i32>} : memref<160x128xf32, #tpu.memory_space<vmem>>, vector<1x16xf32>,
          %get3A_207 = arith.index_cast %add3A_120 : i32 to index
          %get3A_208 = arith.constant 16 : index
          %get3A_209 = tpu.vector_load %arg12[%get3A_207, %get3A_208] {strides = array<i32>} : memref<40x256xf32, #tpu.memory_space<vmem>>, vector<1x16xf32>,
          %get3A_210 = vector.shape_cast %get3A_209 : vector<1x16xf32> to vector<16xf32>
          %get3A_211 = arith.index_cast %add3A_120 : i32 to index
          %get3A_212 = arith.constant 144 : index
          %get3A_213 = tpu.vector_load %arg12[%get3A_211, %get3A_212] {strides = array<i32>} : memref<40x256xf32, #tpu.memory_space<vmem>>, vector<1x16xf32>,
          %get3A_214 = vector.shape_cast %get3A_213 : vector<1x16xf32> to vector<16xf32>
          %get3A_215 = arith.index_cast %add3A_120 : i32 to index
          %get3A_216 = arith.constant 16 : index
          %get3A_217 = tpu.vector_load %arg14[%get3A_215, %get3A_216] {strides = array<i32>} : memref<40x256xf32, #tpu.memory_space<vmem>>, vector<1x16xf32>,
          %get3A_218 = vector.shape_cast %get3A_217 : vector<1x16xf32> to vector<16xf32>
          %get3A_219 = arith.index_cast %add3A_120 : i32 to index
          %get3A_220 = arith.constant 144 : index
          %get3A_221 = tpu.vector_load %arg14[%get3A_219, %get3A_220] {strides = array<i32>} : memref<40x256xf32, #tpu.memory_space<vmem>>, vector<1x16xf32>,
          %get3A_222 = vector.shape_cast %get3A_221 : vector<1x16xf32> to vector<16xf32>
          %mul3A_223 = arith.constant 4 : i32
          %mul3A_224 = arith.muli %mul3A_223, %add3A_120 : i32
          %get3A_225 = arith.index_cast %mul3A_224 : i32 to index
          %get3A_226 = arith.constant 16 : index
          %get3A_227 = tpu.vector_load %arg16[%get3A_225, %get3A_226] {strides = array<i32>} : memref<160x128xf32, #tpu.memory_space<vmem>>, vector<1x16xf32>,
          %get3A_228 = vector.shape_cast %get3A_227 : vector<1x16xf32> to vector<16xf32>
          %add3A_229 = arith.addf %get3A_210, %get3A_218 : vector<16xf32>
          %add3A_230 = arith.addf %get3A_228, %add3A_229 : vector<16xf32>
          %mul3A_231 = arith.constant 4 : i32
          %mul3A_232 = arith.muli %mul3A_231, %add3A_120 : i32
          %swap3A_233 = arith.index_cast %mul3A_232 : i32 to index
          %swap3A_234 = arith.constant 16 : index
          %swap3A_235 = tpu.vector_load %arg16[%swap3A_233, %swap3A_234] {strides = array<i32>} : memref<160x128xf32, #tpu.memory_space<vmem>>, vector<1x16xf32>,
          %swap3A_236 = vector.shape_cast %swap3A_235 : vector<1x16xf32> to vector<16xf32>
          %swap3A_237 = vector.shape_cast %add3A_230 : vector<16xf32> to vector<1x16xf32>
          tpu.vector_store %arg16[%swap3A_233, %swap3A_234], %swap3A_237 {strides = array<i32>} : memref<160x128xf32, #tpu.memory_space<vmem>>, vector<1x16xf32>,
          %mul3A_238 = arith.constant 4 : i32
          %mul3A_239 = arith.muli %mul3A_238, %add3A_120 : i32
          %add3A_240 = arith.constant 1 : i32
          %add3A_241 = arith.addi %mul3A_239, %add3A_240 : i32
          %get3A_242 = arith.index_cast %add3A_241 : i32 to index
          %get3A_243 = arith.constant 16 : index
          %get3A_244 = tpu.vector_load %arg16[%get3A_242, %get3A_243] {strides = array<i32>} : memref<160x128xf32, #tpu.memory_space<vmem>>, vector<1x16xf32>,
          %get3A_245 = vector.shape_cast %get3A_244 : vector<1x16xf32> to vector<16xf32>
          %add3A_246 = arith.addf %get3A_210, %get3A_222 : vector<16xf32>
          %add3A_247 = arith.addf %get3A_245, %add3A_246 : vector<16xf32>
          %mul3A_248 = arith.constant 4 : i32
          %mul3A_249 = arith.muli %mul3A_248, %add3A_120 : i32
          %add3A_250 = arith.constant 1 : i32
          %add3A_251 = arith.addi %mul3A_249, %add3A_250 : i32
          %swap3A_252 = arith.index_cast %add3A_251 : i32 to index
          %swap3A_253 = arith.constant 16 : index
          %swap3A_254 = tpu.vector_load %arg16[%swap3A_252, %swap3A_253] {strides = array<i32>} : memref<160x128xf32, #tpu.memory_space<vmem>>, vector<1x16xf32>,
          %swap3A_255 = vector.shape_cast %swap3A_254 : vector<1x16xf32> to vector<16xf32>
          %swap3A_256 = vector.shape_cast %add3A_247 : vector<16xf32> to vector<1x16xf32>
          tpu.vector_store %arg16[%swap3A_252, %swap3A_253], %swap3A_256 {strides = array<i32>} : memref<160x128xf32, #tpu.memory_space<vmem>>, vector<1x16xf32>,
          %mul3A_257 = arith.constant 4 : i32
          %mul3A_258 = arith.muli %mul3A_257, %add3A_120 : i32
          %add3A_259 = arith.constant 2 : i32
          %add3A_260 = arith.addi %mul3A_258, %add3A_259 : i32
          %get3A_261 = arith.index_cast %add3A_260 : i32 to index
          %get3A_262 = arith.constant 16 : index
          %get3A_263 = tpu.vector_load %arg16[%get3A_261, %get3A_262] {strides = array<i32>} : memref<160x128xf32, #tpu.memory_space<vmem>>, vector<1x16xf32>,
          %get3A_264 = vector.shape_cast %get3A_263 : vector<1x16xf32> to vector<16xf32>
          %add3A_265 = arith.addf %get3A_214, %get3A_218 : vector<16xf32>
          %add3A_266 = arith.addf %get3A_264, %add3A_265 : vector<16xf32>
          %mul3A_267 = arith.constant 4 : i32
          %mul3A_268 = arith.muli %mul3A_267, %add3A_120 : i32
          %add3A_269 = arith.constant 2 : i32
          %add3A_270 = arith.addi %mul3A_268, %add3A_269 : i32
          %swap3A_271 = arith.index_cast %add3A_270 : i32 to index
          %swap3A_272 = arith.constant 16 : index
          %swap3A_273 = tpu.vector_load %arg16[%swap3A_271, %swap3A_272] {strides = array<i32>} : memref<160x128xf32, #tpu.memory_space<vmem>>, vector<1x16xf32>,
          %swap3A_274 = vector.shape_cast %swap3A_273 : vector<1x16xf32> to vector<16xf32>
          %swap3A_275 = vector.shape_cast %add3A_266 : vector<16xf32> to vector<1x16xf32>
          tpu.vector_store %arg16[%swap3A_271, %swap3A_272], %swap3A_275 {strides = array<i32>} : memref<160x128xf32, #tpu.memory_space<vmem>>, vector<1x16xf32>,
          %mul3A_276 = arith.constant 4 : i32
          %mul3A_277 = arith.muli %mul3A_276, %add3A_120 : i32
          %add3A_278 = arith.constant 3 : i32
          %add3A_279 = arith.addi %mul3A_277, %add3A_278 : i32
          %get3A_280 = arith.index_cast %add3A_279 : i32 to index
          %get3A_281 = arith.constant 16 : index
          %get3A_282 = tpu.vector_load %arg16[%get3A_280, %get3A_281] {strides = array<i32>} : memref<160x128xf32, #tpu.memory_space<vmem>>, vector<1x16xf32>,
          %get3A_283 = vector.shape_cast %get3A_282 : vector<1x16xf32> to vector<16xf32>
          %add3A_284 = arith.addf %get3A_214, %get3A_222 : vector<16xf32>
          %add3A_285 = arith.addf %get3A_283, %add3A_284 : vector<16xf32>
          %mul3A_286 = arith.constant 4 : i32
          %mul3A_287 = arith.muli %mul3A_286, %add3A_120 : i32
          %add3A_288 = arith.constant 3 : i32
          %add3A_289 = arith.addi %mul3A_287, %add3A_288 : i32
          %swap3A_290 = arith.index_cast %add3A_289 : i32 to index
          %swap3A_291 = arith.constant 16 : index
          %swap3A_292 = tpu.vector_load %arg16[%swap3A_290, %swap3A_291] {strides = array<i32>} : memref<160x128xf32, #tpu.memory_space<vmem>>, vector<1x16xf32>,
          %swap3A_293 = vector.shape_cast %swap3A_292 : vector<1x16xf32> to vector<16xf32>
          %swap3A_294 = vector.shape_cast %add3A_285 : vector<16xf32> to vector<1x16xf32>
          tpu.vector_store %arg16[%swap3A_290, %swap3A_291], %swap3A_294 {strides = array<i32>} : memref<160x128xf32, #tpu.memory_space<vmem>>, vector<1x16xf32>,
          %get3A_295 = arith.index_cast %add3A_120 : i32 to index
          %get3A_296 = arith.constant 32 : index
          %get3A_297 = tpu.vector_load %arg12[%get3A_295, %get3A_296] {strides = array<i32>} : memref<40x256xf32, #tpu.memory_space<vmem>>, vector<1x16xf32>,
          %get3A_298 = vector.shape_cast %get3A_297 : vector<1x16xf32> to vector<16xf32>
          %get3A_299 = arith.index_cast %add3A_120 : i32 to index
          %get3A_300 = arith.constant 160 : index
          %get3A_301 = tpu.vector_load %arg12[%get3A_299, %get3A_300] {strides = array<i32>} : memref<40x256xf32, #tpu.memory_space<vmem>>, vector<1x16xf32>,
          %get3A_302 = vector.shape_cast %get3A_301 : vector<1x16xf32> to vector<16xf32>
          %get3A_303 = arith.index_cast %add3A_120 : i32 to index
          %get3A_304 = arith.constant 32 : index
          %get3A_305 = tpu.vector_load %arg14[%get3A_303, %get3A_304] {strides = array<i32>} : memref<40x256xf32, #tpu.memory_space<vmem>>, vector<1x16xf32>,
          %get3A_306 = vector.shape_cast %get3A_305 : vector<1x16xf32> to vector<16xf32>
          %get3A_307 = arith.index_cast %add3A_120 : i32 to index
          %get3A_308 = arith.constant 160 : index
          %get3A_309 = tpu.vector_load %arg14[%get3A_307, %get3A_308] {strides = array<i32>} : memref<40x256xf32, #tpu.memory_space<vmem>>, vector<1x16xf32>,
          %get3A_310 = vector.shape_cast %get3A_309 : vector<1x16xf32> to vector<16xf32>
          %mul3A_311 = arith.constant 4 : i32
          %mul3A_312 = arith.muli %mul3A_311, %add3A_120 : i32
          %get3A_313 = arith.index_cast %mul3A_312 : i32 to index
          %get3A_314 = arith.constant 32 : index
          %get3A_315 = tpu.vector_load %arg16[%get3A_313, %get3A_314] {strides = array<i32>} : memref<160x128xf32, #tpu.memory_space<vmem>>, vector<1x16xf32>,
          %get3A_316 = vector.shape_cast %get3A_315 : vector<1x16xf32> to vector<16xf32>
          %add3A_317 = arith.addf %get3A_298, %get3A_306 : vector<16xf32>
          %add3A_318 = arith.addf %get3A_316, %add3A_317 : vector<16xf32>
          %mul3A_319 = arith.constant 4 : i32
          %mul3A_320 = arith.muli %mul3A_319, %add3A_120 : i32
          %swap3A_321 = arith.index_cast %mul3A_320 : i32 to index
          %swap3A_322 = arith.constant 32 : index
          %swap3A_323 = tpu.vector_load %arg16[%swap3A_321, %swap3A_322] {strides = array<i32>} : memref<160x128xf32, #tpu.memory_space<vmem>>, vector<1x16xf32>,
          %swap3A_324 = vector.shape_cast %swap3A_323 : vector<1x16xf32> to vector<16xf32>
          %swap3A_325 = vector.shape_cast %add3A_318 : vector<16xf32> to vector<1x16xf32>
          tpu.vector_store %arg16[%swap3A_321, %swap3A_322], %swap3A_325 {strides = array<i32>} : memref<160x128xf32, #tpu.memory_space<vmem>>, vector<1x16xf32>,
          %mul3A_326 = arith.constant 4 : i32
          %mul3A_327 = arith.muli %mul3A_326, %add3A_120 : i32
          %add3A_328 = arith.constant 1 : i32
          %add3A_329 = arith.addi %mul3A_327, %add3A_328 : i32
          %get3A_330 = arith.index_cast %add3A_329 : i32 to index
          %get3A_331 = arith.constant 32 : index
          %get3A_332 = tpu.vector_load %arg16[%get3A_330, %get3A_331] {strides = array<i32>} : memref<160x128xf32, #tpu.memory_space<vmem>>, vector<1x16xf32>,
          %get3A_333 = vector.shape_cast %get3A_332 : vector<1x16xf32> to vector<16xf32>
          %add3A_334 = arith.addf %get3A_298, %get3A_310 : vector<16xf32>
          %add3A_335 = arith.addf %get3A_333, %add3A_334 : vector<16xf32>
          %mul3A_336 = arith.constant 4 : i32
          %mul3A_337 = arith.muli %mul3A_336, %add3A_120 : i32
          %add3A_338 = arith.constant 1 : i32
          %add3A_339 = arith.addi %mul3A_337, %add3A_338 : i32
          %swap3A_340 = arith.index_cast %add3A_339 : i32 to index
          %swap3A_341 = arith.constant 32 : index
          %swap3A_342 = tpu.vector_load %arg16[%swap3A_340, %swap3A_341] {strides = array<i32>} : memref<160x128xf32, #tpu.memory_space<vmem>>, vector<1x16xf32>,
          %swap3A_343 = vector.shape_cast %swap3A_342 : vector<1x16xf32> to vector<16xf32>
          %swap3A_344 = vector.shape_cast %add3A_335 : vector<16xf32> to vector<1x16xf32>
          tpu.vector_store %arg16[%swap3A_340, %swap3A_341], %swap3A_344 {strides = array<i32>} : memref<160x128xf32, #tpu.memory_space<vmem>>, vector<1x16xf32>,
          %mul3A_345 = arith.constant 4 : i32
          %mul3A_346 = arith.muli %mul3A_345, %add3A_120 : i32
          %add3A_347 = arith.constant 2 : i32
          %add3A_348 = arith.addi %mul3A_346, %add3A_347 : i32
          %get3A_349 = arith.index_cast %add3A_348 : i32 to index
          %get3A_350 = arith.constant 32 : index
          %get3A_351 = tpu.vector_load %arg16[%get3A_349, %get3A_350] {strides = array<i32>} : memref<160x128xf32, #tpu.memory_space<vmem>>, vector<1x16xf32>,
          %get3A_352 = vector.shape_cast %get3A_351 : vector<1x16xf32> to vector<16xf32>
          %add3A_353 = arith.addf %get3A_302, %get3A_306 : vector<16xf32>
          %add3A_354 = arith.addf %get3A_352, %add3A_353 : vector<16xf32>
          %mul3A_355 = arith.constant 4 : i32
          %mul3A_356 = arith.muli %mul3A_355, %add3A_120 : i32
          %add3A_357 = arith.constant 2 : i32
          %add3A_358 = arith.addi %mul3A_356, %add3A_357 : i32
          %swap3A_359 = arith.index_cast %add3A_358 : i32 to index
          %swap3A_360 = arith.constant 32 : index
          %swap3A_361 = tpu.vector_load %arg16[%swap3A_359, %swap3A_360] {strides = array<i32>} : memref<160x128xf32, #tpu.memory_space<vmem>>, vector<1x16xf32>,
          %swap3A_362 = vector.shape_cast %swap3A_361 : vector<1x16xf32> to vector<16xf32>
          %swap3A_363 = vector.shape_cast %add3A_354 : vector<16xf32> to vector<1x16xf32>
          tpu.vector_store %arg16[%swap3A_359, %swap3A_360], %swap3A_363 {strides = array<i32>} : memref<160x128xf32, #tpu.memory_space<vmem>>, vector<1x16xf32>,
          %mul3A_364 = arith.constant 4 : i32
          %mul3A_365 = arith.muli %mul3A_364, %add3A_120 : i32
          %add3A_366 = arith.constant 3 : i32
          %add3A_367 = arith.addi %mul3A_365, %add3A_366 : i32
          %get3A_368 = arith.index_cast %add3A_367 : i32 to index
          %get3A_369 = arith.constant 32 : index
          %get3A_370 = tpu.vector_load %arg16[%get3A_368, %get3A_369] {strides = array<i32>} : memref<160x128xf32, #tpu.memory_space<vmem>>, vector<1x16xf32>,
          %get3A_371 = vector.shape_cast %get3A_370 : vector<1x16xf32> to vector<16xf32>
          %add3A_372 = arith.addf %get3A_302, %get3A_310 : vector<16xf32>
          %add3A_373 = arith.addf %get3A_371, %add3A_372 : vector<16xf32>
          %mul3A_374 = arith.constant 4 : i32
          %mul3A_375 = arith.muli %mul3A_374, %add3A_120 : i32
          %add3A_376 = arith.constant 3 : i32
          %add3A_377 = arith.addi %mul3A_375, %add3A_376 : i32
          %swap3A_378 = arith.index_cast %add3A_377 : i32 to index
          %swap3A_379 = arith.constant 32 : index
          %swap3A_380 = tpu.vector_load %arg16[%swap3A_378, %swap3A_379] {strides = array<i32>} : memref<160x128xf32, #tpu.memory_space<vmem>>, vector<1x16xf32>,
          %swap3A_381 = vector.shape_cast %swap3A_380 : vector<1x16xf32> to vector<16xf32>
          %swap3A_382 = vector.shape_cast %add3A_373 : vector<16xf32> to vector<1x16xf32>
          tpu.vector_store %arg16[%swap3A_378, %swap3A_379], %swap3A_382 {strides = array<i32>} : memref<160x128xf32, #tpu.memory_space<vmem>>, vector<1x16xf32>,
          %get3A_383 = arith.index_cast %add3A_120 : i32 to index
          %get3A_384 = arith.constant 48 : index
          %get3A_385 = tpu.vector_load %arg12[%get3A_383, %get3A_384] {strides = array<i32>} : memref<40x256xf32, #tpu.memory_space<vmem>>, vector<1x16xf32>,
          %get3A_386 = vector.shape_cast %get3A_385 : vector<1x16xf32> to vector<16xf32>
          %get3A_387 = arith.index_cast %add3A_120 : i32 to index
          %get3A_388 = arith.constant 176 : index
          %get3A_389 = tpu.vector_load %arg12[%get3A_387, %get3A_388] {strides = array<i32>} : memref<40x256xf32, #tpu.memory_space<vmem>>, vector<1x16xf32>,
          %get3A_390 = vector.shape_cast %get3A_389 : vector<1x16xf32> to vector<16xf32>
          %get3A_391 = arith.index_cast %add3A_120 : i32 to index
          %get3A_392 = arith.constant 48 : index
          %get3A_393 = tpu.vector_load %arg14[%get3A_391, %get3A_392] {strides = array<i32>} : memref<40x256xf32, #tpu.memory_space<vmem>>, vector<1x16xf32>,
          %get3A_394 = vector.shape_cast %get3A_393 : vector<1x16xf32> to vector<16xf32>
          %get3A_395 = arith.index_cast %add3A_120 : i32 to index
          %get3A_396 = arith.constant 176 : index
          %get3A_397 = tpu.vector_load %arg14[%get3A_395, %get3A_396] {strides = array<i32>} : memref<40x256xf32, #tpu.memory_space<vmem>>, vector<1x16xf32>,
          %get3A_398 = vector.shape_cast %get3A_397 : vector<1x16xf32> to vector<16xf32>
          %mul3A_399 = arith.constant 4 : i32
          %mul3A_400 = arith.muli %mul3A_399, %add3A_120 : i32
          %get3A_401 = arith.index_cast %mul3A_400 : i32 to index
          %get3A_402 = arith.constant 48 : index
          %get3A_403 = tpu.vector_load %arg16[%get3A_401, %get3A_402] {strides = array<i32>} : memref<160x128xf32, #tpu.memory_space<vmem>>, vector<1x16xf32>,
          %get3A_404 = vector.shape_cast %get3A_403 : vector<1x16xf32> to vector<16xf32>
          %add3A_405 = arith.addf %get3A_386, %get3A_394 : vector<16xf32>
          %add3A_406 = arith.addf %get3A_404, %add3A_405 : vector<16xf32>
          %mul3A_407 = arith.constant 4 : i32
          %mul3A_408 = arith.muli %mul3A_407, %add3A_120 : i32
          %swap3A_409 = arith.index_cast %mul3A_408 : i32 to index
          %swap3A_410 = arith.constant 48 : index
          %swap3A_411 = tpu.vector_load %arg16[%swap3A_409, %swap3A_410] {strides = array<i32>} : memref<160x128xf32, #tpu.memory_space<vmem>>, vector<1x16xf32>,
          %swap3A_412 = vector.shape_cast %swap3A_411 : vector<1x16xf32> to vector<16xf32>
          %swap3A_413 = vector.shape_cast %add3A_406 : vector<16xf32> to vector<1x16xf32>
          tpu.vector_store %arg16[%swap3A_409, %swap3A_410], %swap3A_413 {strides = array<i32>} : memref<160x128xf32, #tpu.memory_space<vmem>>, vector<1x16xf32>,
          %mul3A_414 = arith.constant 4 : i32
          %mul3A_415 = arith.muli %mul3A_414, %add3A_120 : i32
          %add3A_416 = arith.constant 1 : i32
          %add3A_417 = arith.addi %mul3A_415, %add3A_416 : i32
          %get3A_418 = arith.index_cast %add3A_417 : i32 to index
          %get3A_419 = arith.constant 48 : index
          %get3A_420 = tpu.vector_load %arg16[%get3A_418, %get3A_419] {strides = array<i32>} : memref<160x128xf32, #tpu.memory_space<vmem>>, vector<1x16xf32>,
          %get3A_421 = vector.shape_cast %get3A_420 : vector<1x16xf32> to vector<16xf32>
          %add3A_422 = arith.addf %get3A_386, %get3A_398 : vector<16xf32>
          %add3A_423 = arith.addf %get3A_421, %add3A_422 : vector<16xf32>
          %mul3A_424 = arith.constant 4 : i32
          %mul3A_425 = arith.muli %mul3A_424, %add3A_120 : i32
          %add3A_426 = arith.constant 1 : i32
          %add3A_427 = arith.addi %mul3A_425, %add3A_426 : i32
          %swap3A_428 = arith.index_cast %add3A_427 : i32 to index
          %swap3A_429 = arith.constant 48 : index
          %swap3A_430 = tpu.vector_load %arg16[%swap3A_428, %swap3A_429] {strides = array<i32>} : memref<160x128xf32, #tpu.memory_space<vmem>>, vector<1x16xf32>,
          %swap3A_431 = vector.shape_cast %swap3A_430 : vector<1x16xf32> to vector<16xf32>
          %swap3A_432 = vector.shape_cast %add3A_423 : vector<16xf32> to vector<1x16xf32>
          tpu.vector_store %arg16[%swap3A_428, %swap3A_429], %swap3A_432 {strides = array<i32>} : memref<160x128xf32, #tpu.memory_space<vmem>>, vector<1x16xf32>,
          %mul3A_433 = arith.constant 4 : i32
          %mul3A_434 = arith.muli %mul3A_433, %add3A_120 : i32
          %add3A_435 = arith.constant 2 : i32
          %add3A_436 = arith.addi %mul3A_434, %add3A_435 : i32
          %get3A_437 = arith.index_cast %add3A_436 : i32 to index
          %get3A_438 = arith.constant 48 : index
          %get3A_439 = tpu.vector_load %arg16[%get3A_437, %get3A_438] {strides = array<i32>} : memref<160x128xf32, #tpu.memory_space<vmem>>, vector<1x16xf32>,
          %get3A_440 = vector.shape_cast %get3A_439 : vector<1x16xf32> to vector<16xf32>
          %add3A_441 = arith.addf %get3A_390, %get3A_394 : vector<16xf32>
          %add3A_442 = arith.addf %get3A_440, %add3A_441 : vector<16xf32>
          %mul3A_443 = arith.constant 4 : i32
          %mul3A_444 = arith.muli %mul3A_443, %add3A_120 : i32
          %add3A_445 = arith.constant 2 : i32
          %add3A_446 = arith.addi %mul3A_444, %add3A_445 : i32
          %swap3A_447 = arith.index_cast %add3A_446 : i32 to index
          %swap3A_448 = arith.constant 48 : index
          %swap3A_449 = tpu.vector_load %arg16[%swap3A_447, %swap3A_448] {strides = array<i32>} : memref<160x128xf32, #tpu.memory_space<vmem>>, vector<1x16xf32>,
          %swap3A_450 = vector.shape_cast %swap3A_449 : vector<1x16xf32> to vector<16xf32>
          %swap3A_451 = vector.shape_cast %add3A_442 : vector<16xf32> to vector<1x16xf32>
          tpu.vector_store %arg16[%swap3A_447, %swap3A_448], %swap3A_451 {strides = array<i32>} : memref<160x128xf32, #tpu.memory_space<vmem>>, vector<1x16xf32>,
          %mul3A_452 = arith.constant 4 : i32
          %mul3A_453 = arith.muli %mul3A_452, %add3A_120 : i32
          %add3A_454 = arith.constant 3 : i32
          %add3A_455 = arith.addi %mul3A_453, %add3A_454 : i32
          %get3A_456 = arith.index_cast %add3A_455 : i32 to index
          %get3A_457 = arith.constant 48 : index
          %get3A_458 = tpu.vector_load %arg16[%get3A_456, %get3A_457] {strides = array<i32>} : memref<160x128xf32, #tpu.memory_space<vmem>>, vector<1x16xf32>,
          %get3A_459 = vector.shape_cast %get3A_458 : vector<1x16xf32> to vector<16xf32>
          %add3A_460 = arith.addf %get3A_390, %get3A_398 : vector<16xf32>
          %add3A_461 = arith.addf %get3A_459, %add3A_460 : vector<16xf32>
          %mul3A_462 = arith.constant 4 : i32
          %mul3A_463 = arith.muli %mul3A_462, %add3A_120 : i32
          %add3A_464 = arith.constant 3 : i32
          %add3A_465 = arith.addi %mul3A_463, %add3A_464 : i32
          %swap3A_466 = arith.index_cast %add3A_465 : i32 to index
          %swap3A_467 = arith.constant 48 : index
          %swap3A_468 = tpu.vector_load %arg16[%swap3A_466, %swap3A_467] {strides = array<i32>} : memref<160x128xf32, #tpu.memory_space<vmem>>, vector<1x16xf32>,
          %swap3A_469 = vector.shape_cast %swap3A_468 : vector<1x16xf32> to vector<16xf32>
          %swap3A_470 = vector.shape_cast %add3A_461 : vector<16xf32> to vector<1x16xf32>
          tpu.vector_store %arg16[%swap3A_466, %swap3A_467], %swap3A_470 {strides = array<i32>} : memref<160x128xf32, #tpu.memory_space<vmem>>, vector<1x16xf32>,
          %get3A_471 = arith.index_cast %add3A_120 : i32 to index
          %get3A_472 = arith.constant 64 : index
          %get3A_473 = tpu.vector_load %arg12[%get3A_471, %get3A_472] {strides = array<i32>} : memref<40x256xf32, #tpu.memory_space<vmem>>, vector<1x16xf32>,
          %get3A_474 = vector.shape_cast %get3A_473 : vector<1x16xf32> to vector<16xf32>
          %get3A_475 = arith.index_cast %add3A_120 : i32 to index
          %get3A_476 = arith.constant 192 : index
          %get3A_477 = tpu.vector_load %arg12[%get3A_475, %get3A_476] {strides = array<i32>} : memref<40x256xf32, #tpu.memory_space<vmem>>, vector<1x16xf32>,
          %get3A_478 = vector.shape_cast %get3A_477 : vector<1x16xf32> to vector<16xf32>
          %get3A_479 = arith.index_cast %add3A_120 : i32 to index
          %get3A_480 = arith.constant 64 : index
          %get3A_481 = tpu.vector_load %arg14[%get3A_479, %get3A_480] {strides = array<i32>} : memref<40x256xf32, #tpu.memory_space<vmem>>, vector<1x16xf32>,
          %get3A_482 = vector.shape_cast %get3A_481 : vector<1x16xf32> to vector<16xf32>
          %get3A_483 = arith.index_cast %add3A_120 : i32 to index
          %get3A_484 = arith.constant 192 : index
          %get3A_485 = tpu.vector_load %arg14[%get3A_483, %get3A_484] {strides = array<i32>} : memref<40x256xf32, #tpu.memory_space<vmem>>, vector<1x16xf32>,
          %get3A_486 = vector.shape_cast %get3A_485 : vector<1x16xf32> to vector<16xf32>
          %mul3A_487 = arith.constant 4 : i32
          %mul3A_488 = arith.muli %mul3A_487, %add3A_120 : i32
          %get3A_489 = arith.index_cast %mul3A_488 : i32 to index
          %get3A_490 = arith.constant 64 : index
          %get3A_491 = tpu.vector_load %arg16[%get3A_489, %get3A_490] {strides = array<i32>} : memref<160x128xf32, #tpu.memory_space<vmem>>, vector<1x16xf32>,
          %get3A_492 = vector.shape_cast %get3A_491 : vector<1x16xf32> to vector<16xf32>
          %add3A_493 = arith.addf %get3A_474, %get3A_482 : vector<16xf32>
          %add3A_494 = arith.addf %get3A_492, %add3A_493 : vector<16xf32>
          %mul3A_495 = arith.constant 4 : i32
          %mul3A_496 = arith.muli %mul3A_495, %add3A_120 : i32
          %swap3A_497 = arith.index_cast %mul3A_496 : i32 to index
          %swap3A_498 = arith.constant 64 : index
          %swap3A_499 = tpu.vector_load %arg16[%swap3A_497, %swap3A_498] {strides = array<i32>} : memref<160x128xf32, #tpu.memory_space<vmem>>, vector<1x16xf32>,
          %swap3A_500 = vector.shape_cast %swap3A_499 : vector<1x16xf32> to vector<16xf32>
          %swap3A_501 = vector.shape_cast %add3A_494 : vector<16xf32> to vector<1x16xf32>
          tpu.vector_store %arg16[%swap3A_497, %swap3A_498], %swap3A_501 {strides = array<i32>} : memref<160x128xf32, #tpu.memory_space<vmem>>, vector<1x16xf32>,
          %mul3A_502 = arith.constant 4 : i32
          %mul3A_503 = arith.muli %mul3A_502, %add3A_120 : i32
          %add3A_504 = arith.constant 1 : i32
          %add3A_505 = arith.addi %mul3A_503, %add3A_504 : i32
          %get3A_506 = arith.index_cast %add3A_505 : i32 to index
          %get3A_507 = arith.constant 64 : index
          %get3A_508 = tpu.vector_load %arg16[%get3A_506, %get3A_507] {strides = array<i32>} : memref<160x128xf32, #tpu.memory_space<vmem>>, vector<1x16xf32>,
          %get3A_509 = vector.shape_cast %get3A_508 : vector<1x16xf32> to vector<16xf32>
          %add3A_510 = arith.addf %get3A_474, %get3A_486 : vector<16xf32>
          %add3A_511 = arith.addf %get3A_509, %add3A_510 : vector<16xf32>
          %mul3A_512 = arith.constant 4 : i32
          %mul3A_513 = arith.muli %mul3A_512, %add3A_120 : i32
          %add3A_514 = arith.constant 1 : i32
          %add3A_515 = arith.addi %mul3A_513, %add3A_514 : i32
          %swap3A_516 = arith.index_cast %add3A_515 : i32 to index
          %swap3A_517 = arith.constant 64 : index
          %swap3A_518 = tpu.vector_load %arg16[%swap3A_516, %swap3A_517] {strides = array<i32>} : memref<160x128xf32, #tpu.memory_space<vmem>>, vector<1x16xf32>,
          %swap3A_519 = vector.shape_cast %swap3A_518 : vector<1x16xf32> to vector<16xf32>
          %swap3A_520 = vector.shape_cast %add3A_511 : vector<16xf32> to vector<1x16xf32>
          tpu.vector_store %arg16[%swap3A_516, %swap3A_517], %swap3A_520 {strides = array<i32>} : memref<160x128xf32, #tpu.memory_space<vmem>>, vector<1x16xf32>,
          %mul3A_521 = arith.constant 4 : i32
          %mul3A_522 = arith.muli %mul3A_521, %add3A_120 : i32
          %add3A_523 = arith.constant 2 : i32
          %add3A_524 = arith.addi %mul3A_522, %add3A_523 : i32
          %get3A_525 = arith.index_cast %add3A_524 : i32 to index
          %get3A_526 = arith.constant 64 : index
          %get3A_527 = tpu.vector_load %arg16[%get3A_525, %get3A_526] {strides = array<i32>} : memref<160x128xf32, #tpu.memory_space<vmem>>, vector<1x16xf32>,
          %get3A_528 = vector.shape_cast %get3A_527 : vector<1x16xf32> to vector<16xf32>
          %add3A_529 = arith.addf %get3A_478, %get3A_482 : vector<16xf32>
          %add3A_530 = arith.addf %get3A_528, %add3A_529 : vector<16xf32>
          %mul3A_531 = arith.constant 4 : i32
          %mul3A_532 = arith.muli %mul3A_531, %add3A_120 : i32
          %add3A_533 = arith.constant 2 : i32
          %add3A_534 = arith.addi %mul3A_532, %add3A_533 : i32
          %swap3A_535 = arith.index_cast %add3A_534 : i32 to index
          %swap3A_536 = arith.constant 64 : index
          %swap3A_537 = tpu.vector_load %arg16[%swap3A_535, %swap3A_536] {strides = array<i32>} : memref<160x128xf32, #tpu.memory_space<vmem>>, vector<1x16xf32>,
          %swap3A_538 = vector.shape_cast %swap3A_537 : vector<1x16xf32> to vector<16xf32>
          %swap3A_539 = vector.shape_cast %add3A_530 : vector<16xf32> to vector<1x16xf32>
          tpu.vector_store %arg16[%swap3A_535, %swap3A_536], %swap3A_539 {strides = array<i32>} : memref<160x128xf32, #tpu.memory_space<vmem>>, vector<1x16xf32>,
          %mul3A_540 = arith.constant 4 : i32
          %mul3A_541 = arith.muli %mul3A_540, %add3A_120 : i32
          %add3A_542 = arith.constant 3 : i32
          %add3A_543 = arith.addi %mul3A_541, %add3A_542 : i32
          %get3A_544 = arith.index_cast %add3A_543 : i32 to index
          %get3A_545 = arith.constant 64 : index
          %get3A_546 = tpu.vector_load %arg16[%get3A_544, %get3A_545] {strides = array<i32>} : memref<160x128xf32, #tpu.memory_space<vmem>>, vector<1x16xf32>,
          %get3A_547 = vector.shape_cast %get3A_546 : vector<1x16xf32> to vector<16xf32>
          %add3A_548 = arith.addf %get3A_478, %get3A_486 : vector<16xf32>
          %add3A_549 = arith.addf %get3A_547, %add3A_548 : vector<16xf32>
          %mul3A_550 = arith.constant 4 : i32
          %mul3A_551 = arith.muli %mul3A_550, %add3A_120 : i32
          %add3A_552 = arith.constant 3 : i32
          %add3A_553 = arith.addi %mul3A_551, %add3A_552 : i32
          %swap3A_554 = arith.index_cast %add3A_553 : i32 to index
          %swap3A_555 = arith.constant 64 : index
          %swap3A_556 = tpu.vector_load %arg16[%swap3A_554, %swap3A_555] {strides = array<i32>} : memref<160x128xf32, #tpu.memory_space<vmem>>, vector<1x16xf32>,
          %swap3A_557 = vector.shape_cast %swap3A_556 : vector<1x16xf32> to vector<16xf32>
          %swap3A_558 = vector.shape_cast %add3A_549 : vector<16xf32> to vector<1x16xf32>
          tpu.vector_store %arg16[%swap3A_554, %swap3A_555], %swap3A_558 {strides = array<i32>} : memref<160x128xf32, #tpu.memory_space<vmem>>, vector<1x16xf32>,
          %get3A_559 = arith.index_cast %add3A_120 : i32 to index
          %get3A_560 = arith.constant 80 : index
          %get3A_561 = tpu.vector_load %arg12[%get3A_559, %get3A_560] {strides = array<i32>} : memref<40x256xf32, #tpu.memory_space<vmem>>, vector<1x16xf32>,
          %get3A_562 = vector.shape_cast %get3A_561 : vector<1x16xf32> to vector<16xf32>
          %get3A_563 = arith.index_cast %add3A_120 : i32 to index
          %get3A_564 = arith.constant 208 : index
          %get3A_565 = tpu.vector_load %arg12[%get3A_563, %get3A_564] {strides = array<i32>} : memref<40x256xf32, #tpu.memory_space<vmem>>, vector<1x16xf32>,
          %get3A_566 = vector.shape_cast %get3A_565 : vector<1x16xf32> to vector<16xf32>
          %get3A_567 = arith.index_cast %add3A_120 : i32 to index
          %get3A_568 = arith.constant 80 : index
          %get3A_569 = tpu.vector_load %arg14[%get3A_567, %get3A_568] {strides = array<i32>} : memref<40x256xf32, #tpu.memory_space<vmem>>, vector<1x16xf32>,
          %get3A_570 = vector.shape_cast %get3A_569 : vector<1x16xf32> to vector<16xf32>
          %get3A_571 = arith.index_cast %add3A_120 : i32 to index
          %get3A_572 = arith.constant 208 : index
          %get3A_573 = tpu.vector_load %arg14[%get3A_571, %get3A_572] {strides = array<i32>} : memref<40x256xf32, #tpu.memory_space<vmem>>, vector<1x16xf32>,
          %get3A_574 = vector.shape_cast %get3A_573 : vector<1x16xf32> to vector<16xf32>
          %mul3A_575 = arith.constant 4 : i32
          %mul3A_576 = arith.muli %mul3A_575, %add3A_120 : i32
          %get3A_577 = arith.index_cast %mul3A_576 : i32 to index
          %get3A_578 = arith.constant 80 : index
          %get3A_579 = tpu.vector_load %arg16[%get3A_577, %get3A_578] {strides = array<i32>} : memref<160x128xf32, #tpu.memory_space<vmem>>, vector<1x16xf32>,
          %get3A_580 = vector.shape_cast %get3A_579 : vector<1x16xf32> to vector<16xf32>
          %add3A_581 = arith.addf %get3A_562, %get3A_570 : vector<16xf32>
          %add3A_582 = arith.addf %get3A_580, %add3A_581 : vector<16xf32>
          %mul3A_583 = arith.constant 4 : i32
          %mul3A_584 = arith.muli %mul3A_583, %add3A_120 : i32
          %swap3A_585 = arith.index_cast %mul3A_584 : i32 to index
          %swap3A_586 = arith.constant 80 : index
          %swap3A_587 = tpu.vector_load %arg16[%swap3A_585, %swap3A_586] {strides = array<i32>} : memref<160x128xf32, #tpu.memory_space<vmem>>, vector<1x16xf32>,
          %swap3A_588 = vector.shape_cast %swap3A_587 : vector<1x16xf32> to vector<16xf32>
          %swap3A_589 = vector.shape_cast %add3A_582 : vector<16xf32> to vector<1x16xf32>
          tpu.vector_store %arg16[%swap3A_585, %swap3A_586], %swap3A_589 {strides = array<i32>} : memref<160x128xf32, #tpu.memory_space<vmem>>, vector<1x16xf32>,
          %mul3A_590 = arith.constant 4 : i32
          %mul3A_591 = arith.muli %mul3A_590, %add3A_120 : i32
          %add3A_592 = arith.constant 1 : i32
          %add3A_593 = arith.addi %mul3A_591, %add3A_592 : i32
          %get3A_594 = arith.index_cast %add3A_593 : i32 to index
          %get3A_595 = arith.constant 80 : index
          %get3A_596 = tpu.vector_load %arg16[%get3A_594, %get3A_595] {strides = array<i32>} : memref<160x128xf32, #tpu.memory_space<vmem>>, vector<1x16xf32>,
          %get3A_597 = vector.shape_cast %get3A_596 : vector<1x16xf32> to vector<16xf32>
          %add3A_598 = arith.addf %get3A_562, %get3A_574 : vector<16xf32>
          %add3A_599 = arith.addf %get3A_597, %add3A_598 : vector<16xf32>
          %mul3A_600 = arith.constant 4 : i32
          %mul3A_601 = arith.muli %mul3A_600, %add3A_120 : i32
          %add3A_602 = arith.constant 1 : i32
          %add3A_603 = arith.addi %mul3A_601, %add3A_602 : i32
          %swap3A_604 = arith.index_cast %add3A_603 : i32 to index
          %swap3A_605 = arith.constant 80 : index
          %swap3A_606 = tpu.vector_load %arg16[%swap3A_604, %swap3A_605] {strides = array<i32>} : memref<160x128xf32, #tpu.memory_space<vmem>>, vector<1x16xf32>,
          %swap3A_607 = vector.shape_cast %swap3A_606 : vector<1x16xf32> to vector<16xf32>
          %swap3A_608 = vector.shape_cast %add3A_599 : vector<16xf32> to vector<1x16xf32>
          tpu.vector_store %arg16[%swap3A_604, %swap3A_605], %swap3A_608 {strides = array<i32>} : memref<160x128xf32, #tpu.memory_space<vmem>>, vector<1x16xf32>,
          %mul3A_609 = arith.constant 4 : i32
          %mul3A_610 = arith.muli %mul3A_609, %add3A_120 : i32
          %add3A_611 = arith.constant 2 : i32
          %add3A_612 = arith.addi %mul3A_610, %add3A_611 : i32
          %get3A_613 = arith.index_cast %add3A_612 : i32 to index
          %get3A_614 = arith.constant 80 : index
          %get3A_615 = tpu.vector_load %arg16[%get3A_613, %get3A_614] {strides = array<i32>} : memref<160x128xf32, #tpu.memory_space<vmem>>, vector<1x16xf32>,
          %get3A_616 = vector.shape_cast %get3A_615 : vector<1x16xf32> to vector<16xf32>
          %add3A_617 = arith.addf %get3A_566, %get3A_570 : vector<16xf32>
          %add3A_618 = arith.addf %get3A_616, %add3A_617 : vector<16xf32>
          %mul3A_619 = arith.constant 4 : i32
          %mul3A_620 = arith.muli %mul3A_619, %add3A_120 : i32
          %add3A_621 = arith.constant 2 : i32
          %add3A_622 = arith.addi %mul3A_620, %add3A_621 : i32
          %swap3A_623 = arith.index_cast %add3A_622 : i32 to index
          %swap3A_624 = arith.constant 80 : index
          %swap3A_625 = tpu.vector_load %arg16[%swap3A_623, %swap3A_624] {strides = array<i32>} : memref<160x128xf32, #tpu.memory_space<vmem>>, vector<1x16xf32>,
          %swap3A_626 = vector.shape_cast %swap3A_625 : vector<1x16xf32> to vector<16xf32>
          %swap3A_627 = vector.shape_cast %add3A_618 : vector<16xf32> to vector<1x16xf32>
          tpu.vector_store %arg16[%swap3A_623, %swap3A_624], %swap3A_627 {strides = array<i32>} : memref<160x128xf32, #tpu.memory_space<vmem>>, vector<1x16xf32>,
          %mul3A_628 = arith.constant 4 : i32
          %mul3A_629 = arith.muli %mul3A_628, %add3A_120 : i32
          %add3A_630 = arith.constant 3 : i32
          %add3A_631 = arith.addi %mul3A_629, %add3A_630 : i32
          %get3A_632 = arith.index_cast %add3A_631 : i32 to index
          %get3A_633 = arith.constant 80 : index
          %get3A_634 = tpu.vector_load %arg16[%get3A_632, %get3A_633] {strides = array<i32>} : memref<160x128xf32, #tpu.memory_space<vmem>>, vector<1x16xf32>,
          %get3A_635 = vector.shape_cast %get3A_634 : vector<1x16xf32> to vector<16xf32>
          %add3A_636 = arith.addf %get3A_566, %get3A_574 : vector<16xf32>
          %add3A_637 = arith.addf %get3A_635, %add3A_636 : vector<16xf32>
          %mul3A_638 = arith.constant 4 : i32
          %mul3A_639 = arith.muli %mul3A_638, %add3A_120 : i32
          %add3A_640 = arith.constant 3 : i32
          %add3A_641 = arith.addi %mul3A_639, %add3A_640 : i32
          %swap3A_642 = arith.index_cast %add3A_641 : i32 to index
          %swap3A_643 = arith.constant 80 : index
          %swap3A_644 = tpu.vector_load %arg16[%swap3A_642, %swap3A_643] {strides = array<i32>} : memref<160x128xf32, #tpu.memory_space<vmem>>, vector<1x16xf32>,
          %swap3A_645 = vector.shape_cast %swap3A_644 : vector<1x16xf32> to vector<16xf32>
          %swap3A_646 = vector.shape_cast %add3A_637 : vector<16xf32> to vector<1x16xf32>
          tpu.vector_store %arg16[%swap3A_642, %swap3A_643], %swap3A_646 {strides = array<i32>} : memref<160x128xf32, #tpu.memory_space<vmem>>, vector<1x16xf32>,
          %get3A_647 = arith.index_cast %add3A_120 : i32 to index
          %get3A_648 = arith.constant 96 : index
          %get3A_649 = tpu.vector_load %arg12[%get3A_647, %get3A_648] {strides = array<i32>} : memref<40x256xf32, #tpu.memory_space<vmem>>, vector<1x16xf32>,
          %get3A_650 = vector.shape_cast %get3A_649 : vector<1x16xf32> to vector<16xf32>
          %get3A_651 = arith.index_cast %add3A_120 : i32 to index
          %get3A_652 = arith.constant 224 : index
          %get3A_653 = tpu.vector_load %arg12[%get3A_651, %get3A_652] {strides = array<i32>} : memref<40x256xf32, #tpu.memory_space<vmem>>, vector<1x16xf32>,
          %get3A_654 = vector.shape_cast %get3A_653 : vector<1x16xf32> to vector<16xf32>
          %get3A_655 = arith.index_cast %add3A_120 : i32 to index
          %get3A_656 = arith.constant 96 : index
          %get3A_657 = tpu.vector_load %arg14[%get3A_655, %get3A_656] {strides = array<i32>} : memref<40x256xf32, #tpu.memory_space<vmem>>, vector<1x16xf32>,
          %get3A_658 = vector.shape_cast %get3A_657 : vector<1x16xf32> to vector<16xf32>
          %get3A_659 = arith.index_cast %add3A_120 : i32 to index
          %get3A_660 = arith.constant 224 : index
          %get3A_661 = tpu.vector_load %arg14[%get3A_659, %get3A_660] {strides = array<i32>} : memref<40x256xf32, #tpu.memory_space<vmem>>, vector<1x16xf32>,
          %get3A_662 = vector.shape_cast %get3A_661 : vector<1x16xf32> to vector<16xf32>
          %mul3A_663 = arith.constant 4 : i32
          %mul3A_664 = arith.muli %mul3A_663, %add3A_120 : i32
          %get3A_665 = arith.index_cast %mul3A_664 : i32 to index
          %get3A_666 = arith.constant 96 : index
          %get3A_667 = tpu.vector_load %arg16[%get3A_665, %get3A_666] {strides = array<i32>} : memref<160x128xf32, #tpu.memory_space<vmem>>, vector<1x16xf32>,
          %get3A_668 = vector.shape_cast %get3A_667 : vector<1x16xf32> to vector<16xf32>
          %add3A_669 = arith.addf %get3A_650, %get3A_658 : vector<16xf32>
          %add3A_670 = arith.addf %get3A_668, %add3A_669 : vector<16xf32>
          %mul3A_671 = arith.constant 4 : i32
          %mul3A_672 = arith.muli %mul3A_671, %add3A_120 : i32
          %swap3A_673 = arith.index_cast %mul3A_672 : i32 to index
          %swap3A_674 = arith.constant 96 : index
          %swap3A_675 = tpu.vector_load %arg16[%swap3A_673, %swap3A_674] {strides = array<i32>} : memref<160x128xf32, #tpu.memory_space<vmem>>, vector<1x16xf32>,
          %swap3A_676 = vector.shape_cast %swap3A_675 : vector<1x16xf32> to vector<16xf32>
          %swap3A_677 = vector.shape_cast %add3A_670 : vector<16xf32> to vector<1x16xf32>
          tpu.vector_store %arg16[%swap3A_673, %swap3A_674], %swap3A_677 {strides = array<i32>} : memref<160x128xf32, #tpu.memory_space<vmem>>, vector<1x16xf32>,
          %mul3A_678 = arith.constant 4 : i32
          %mul3A_679 = arith.muli %mul3A_678, %add3A_120 : i32
          %add3A_680 = arith.constant 1 : i32
          %add3A_681 = arith.addi %mul3A_679, %add3A_680 : i32
          %get3A_682 = arith.index_cast %add3A_681 : i32 to index
          %get3A_683 = arith.constant 96 : index
          %get3A_684 = tpu.vector_load %arg16[%get3A_682, %get3A_683] {strides = array<i32>} : memref<160x128xf32, #tpu.memory_space<vmem>>, vector<1x16xf32>,
          %get3A_685 = vector.shape_cast %get3A_684 : vector<1x16xf32> to vector<16xf32>
          %add3A_686 = arith.addf %get3A_650, %get3A_662 : vector<16xf32>
          %add3A_687 = arith.addf %get3A_685, %add3A_686 : vector<16xf32>
          %mul3A_688 = arith.constant 4 : i32
          %mul3A_689 = arith.muli %mul3A_688, %add3A_120 : i32
          %add3A_690 = arith.constant 1 : i32
          %add3A_691 = arith.addi %mul3A_689, %add3A_690 : i32
          %swap3A_692 = arith.index_cast %add3A_691 : i32 to index
          %swap3A_693 = arith.constant 96 : index
          %swap3A_694 = tpu.vector_load %arg16[%swap3A_692, %swap3A_693] {strides = array<i32>} : memref<160x128xf32, #tpu.memory_space<vmem>>, vector<1x16xf32>,
          %swap3A_695 = vector.shape_cast %swap3A_694 : vector<1x16xf32> to vector<16xf32>
          %swap3A_696 = vector.shape_cast %add3A_687 : vector<16xf32> to vector<1x16xf32>
          tpu.vector_store %arg16[%swap3A_692, %swap3A_693], %swap3A_696 {strides = array<i32>} : memref<160x128xf32, #tpu.memory_space<vmem>>, vector<1x16xf32>,
          %mul3A_697 = arith.constant 4 : i32
          %mul3A_698 = arith.muli %mul3A_697, %add3A_120 : i32
          %add3A_699 = arith.constant 2 : i32
          %add3A_700 = arith.addi %mul3A_698, %add3A_699 : i32
          %get3A_701 = arith.index_cast %add3A_700 : i32 to index
          %get3A_702 = arith.constant 96 : index
          %get3A_703 = tpu.vector_load %arg16[%get3A_701, %get3A_702] {strides = array<i32>} : memref<160x128xf32, #tpu.memory_space<vmem>>, vector<1x16xf32>,
          %get3A_704 = vector.shape_cast %get3A_703 : vector<1x16xf32> to vector<16xf32>
          %add3A_705 = arith.addf %get3A_654, %get3A_658 : vector<16xf32>
          %add3A_706 = arith.addf %get3A_704, %add3A_705 : vector<16xf32>
          %mul3A_707 = arith.constant 4 : i32
          %mul3A_708 = arith.muli %mul3A_707, %add3A_120 : i32
          %add3A_709 = arith.constant 2 : i32
          %add3A_710 = arith.addi %mul3A_708, %add3A_709 : i32
          %swap3A_711 = arith.index_cast %add3A_710 : i32 to index
          %swap3A_712 = arith.constant 96 : index
          %swap3A_713 = tpu.vector_load %arg16[%swap3A_711, %swap3A_712] {strides = array<i32>} : memref<160x128xf32, #tpu.memory_space<vmem>>, vector<1x16xf32>,
          %swap3A_714 = vector.shape_cast %swap3A_713 : vector<1x16xf32> to vector<16xf32>
          %swap3A_715 = vector.shape_cast %add3A_706 : vector<16xf32> to vector<1x16xf32>
          tpu.vector_store %arg16[%swap3A_711, %swap3A_712], %swap3A_715 {strides = array<i32>} : memref<160x128xf32, #tpu.memory_space<vmem>>, vector<1x16xf32>,
          %mul3A_716 = arith.constant 4 : i32
          %mul3A_717 = arith.muli %mul3A_716, %add3A_120 : i32
          %add3A_718 = arith.constant 3 : i32
          %add3A_719 = arith.addi %mul3A_717, %add3A_718 : i32
          %get3A_720 = arith.index_cast %add3A_719 : i32 to index
          %get3A_721 = arith.constant 96 : index
          %get3A_722 = tpu.vector_load %arg16[%get3A_720, %get3A_721] {strides = array<i32>} : memref<160x128xf32, #tpu.memory_space<vmem>>, vector<1x16xf32>,
          %get3A_723 = vector.shape_cast %get3A_722 : vector<1x16xf32> to vector<16xf32>
          %add3A_724 = arith.addf %get3A_654, %get3A_662 : vector<16xf32>
          %add3A_725 = arith.addf %get3A_723, %add3A_724 : vector<16xf32>
          %mul3A_726 = arith.constant 4 : i32
          %mul3A_727 = arith.muli %mul3A_726, %add3A_120 : i32
          %add3A_728 = arith.constant 3 : i32
          %add3A_729 = arith.addi %mul3A_727, %add3A_728 : i32
          %swap3A_730 = arith.index_cast %add3A_729 : i32 to index
          %swap3A_731 = arith.constant 96 : index
          %swap3A_732 = tpu.vector_load %arg16[%swap3A_730, %swap3A_731] {strides = array<i32>} : memref<160x128xf32, #tpu.memory_space<vmem>>, vector<1x16xf32>,
          %swap3A_733 = vector.shape_cast %swap3A_732 : vector<1x16xf32> to vector<16xf32>
          %swap3A_734 = vector.shape_cast %add3A_725 : vector<16xf32> to vector<1x16xf32>
          tpu.vector_store %arg16[%swap3A_730, %swap3A_731], %swap3A_734 {strides = array<i32>} : memref<160x128xf32, #tpu.memory_space<vmem>>, vector<1x16xf32>,
          %get3A_735 = arith.index_cast %add3A_120 : i32 to index
          %get3A_736 = arith.constant 112 : index
          %get3A_737 = tpu.vector_load %arg12[%get3A_735, %get3A_736] {strides = array<i32>} : memref<40x256xf32, #tpu.memory_space<vmem>>, vector<1x16xf32>,
          %get3A_738 = vector.shape_cast %get3A_737 : vector<1x16xf32> to vector<16xf32>
          %get3A_739 = arith.index_cast %add3A_120 : i32 to index
          %get3A_740 = arith.constant 240 : index
          %get3A_741 = tpu.vector_load %arg12[%get3A_739, %get3A_740] {strides = array<i32>} : memref<40x256xf32, #tpu.memory_space<vmem>>, vector<1x16xf32>,
          %get3A_742 = vector.shape_cast %get3A_741 : vector<1x16xf32> to vector<16xf32>
          %get3A_743 = arith.index_cast %add3A_120 : i32 to index
          %get3A_744 = arith.constant 112 : index
          %get3A_745 = tpu.vector_load %arg14[%get3A_743, %get3A_744] {strides = array<i32>} : memref<40x256xf32, #tpu.memory_space<vmem>>, vector<1x16xf32>,
          %get3A_746 = vector.shape_cast %get3A_745 : vector<1x16xf32> to vector<16xf32>
          %get3A_747 = arith.index_cast %add3A_120 : i32 to index
          %get3A_748 = arith.constant 240 : index
          %get3A_749 = tpu.vector_load %arg14[%get3A_747, %get3A_748] {strides = array<i32>} : memref<40x256xf32, #tpu.memory_space<vmem>>, vector<1x16xf32>,
          %get3A_750 = vector.shape_cast %get3A_749 : vector<1x16xf32> to vector<16xf32>
          %mul3A_751 = arith.constant 4 : i32
          %mul3A_752 = arith.muli %mul3A_751, %add3A_120 : i32
          %get3A_753 = arith.index_cast %mul3A_752 : i32 to index
          %get3A_754 = arith.constant 112 : index
          %get3A_755 = tpu.vector_load %arg16[%get3A_753, %get3A_754] {strides = array<i32>} : memref<160x128xf32, #tpu.memory_space<vmem>>, vector<1x16xf32>,
          %get3A_756 = vector.shape_cast %get3A_755 : vector<1x16xf32> to vector<16xf32>
          %add3A_757 = arith.addf %get3A_738, %get3A_746 : vector<16xf32>
          %add3A_758 = arith.addf %get3A_756, %add3A_757 : vector<16xf32>
          %mul3A_759 = arith.constant 4 : i32
          %mul3A_760 = arith.muli %mul3A_759, %add3A_120 : i32
          %swap3A_761 = arith.index_cast %mul3A_760 : i32 to index
          %swap3A_762 = arith.constant 112 : index
          %swap3A_763 = tpu.vector_load %arg16[%swap3A_761, %swap3A_762] {strides = array<i32>} : memref<160x128xf32, #tpu.memory_space<vmem>>, vector<1x16xf32>,
          %swap3A_764 = vector.shape_cast %swap3A_763 : vector<1x16xf32> to vector<16xf32>
          %swap3A_765 = vector.shape_cast %add3A_758 : vector<16xf32> to vector<1x16xf32>
          tpu.vector_store %arg16[%swap3A_761, %swap3A_762], %swap3A_765 {strides = array<i32>} : memref<160x128xf32, #tpu.memory_space<vmem>>, vector<1x16xf32>,
          %mul3A_766 = arith.constant 4 : i32
          %mul3A_767 = arith.muli %mul3A_766, %add3A_120 : i32
          %add3A_768 = arith.constant 1 : i32
          %add3A_769 = arith.addi %mul3A_767, %add3A_768 : i32
          %get3A_770 = arith.index_cast %add3A_769 : i32 to index
          %get3A_771 = arith.constant 112 : index
          %get3A_772 = tpu.vector_load %arg16[%get3A_770, %get3A_771] {strides = array<i32>} : memref<160x128xf32, #tpu.memory_space<vmem>>, vector<1x16xf32>,
          %get3A_773 = vector.shape_cast %get3A_772 : vector<1x16xf32> to vector<16xf32>
          %add3A_774 = arith.addf %get3A_738, %get3A_750 : vector<16xf32>
          %add3A_775 = arith.addf %get3A_773, %add3A_774 : vector<16xf32>
          %mul3A_776 = arith.constant 4 : i32
          %mul3A_777 = arith.muli %mul3A_776, %add3A_120 : i32
          %add3A_778 = arith.constant 1 : i32
          %add3A_779 = arith.addi %mul3A_777, %add3A_778 : i32
          %swap3A_780 = arith.index_cast %add3A_779 : i32 to index
          %swap3A_781 = arith.constant 112 : index
          %swap3A_782 = tpu.vector_load %arg16[%swap3A_780, %swap3A_781] {strides = array<i32>} : memref<160x128xf32, #tpu.memory_space<vmem>>, vector<1x16xf32>,
          %swap3A_783 = vector.shape_cast %swap3A_782 : vector<1x16xf32> to vector<16xf32>
          %swap3A_784 = vector.shape_cast %add3A_775 : vector<16xf32> to vector<1x16xf32>
          tpu.vector_store %arg16[%swap3A_780, %swap3A_781], %swap3A_784 {strides = array<i32>} : memref<160x128xf32, #tpu.memory_space<vmem>>, vector<1x16xf32>,
          %mul3A_785 = arith.constant 4 : i32
          %mul3A_786 = arith.muli %mul3A_785, %add3A_120 : i32
          %add3A_787 = arith.constant 2 : i32
          %add3A_788 = arith.addi %mul3A_786, %add3A_787 : i32
          %get3A_789 = arith.index_cast %add3A_788 : i32 to index
          %get3A_790 = arith.constant 112 : index
          %get3A_791 = tpu.vector_load %arg16[%get3A_789, %get3A_790] {strides = array<i32>} : memref<160x128xf32, #tpu.memory_space<vmem>>, vector<1x16xf32>,
          %get3A_792 = vector.shape_cast %get3A_791 : vector<1x16xf32> to vector<16xf32>
          %add3A_793 = arith.addf %get3A_742, %get3A_746 : vector<16xf32>
          %add3A_794 = arith.addf %get3A_792, %add3A_793 : vector<16xf32>
          %mul3A_795 = arith.constant 4 : i32
          %mul3A_796 = arith.muli %mul3A_795, %add3A_120 : i32
          %add3A_797 = arith.constant 2 : i32
          %add3A_798 = arith.addi %mul3A_796, %add3A_797 : i32
          %swap3A_799 = arith.index_cast %add3A_798 : i32 to index
          %swap3A_800 = arith.constant 112 : index
          %swap3A_801 = tpu.vector_load %arg16[%swap3A_799, %swap3A_800] {strides = array<i32>} : memref<160x128xf32, #tpu.memory_space<vmem>>, vector<1x16xf32>,
          %swap3A_802 = vector.shape_cast %swap3A_801 : vector<1x16xf32> to vector<16xf32>
          %swap3A_803 = vector.shape_cast %add3A_794 : vector<16xf32> to vector<1x16xf32>
          tpu.vector_store %arg16[%swap3A_799, %swap3A_800], %swap3A_803 {strides = array<i32>} : memref<160x128xf32, #tpu.memory_space<vmem>>, vector<1x16xf32>,
          %mul3A_804 = arith.constant 4 : i32
          %mul3A_805 = arith.muli %mul3A_804, %add3A_120 : i32
          %add3A_806 = arith.constant 3 : i32
          %add3A_807 = arith.addi %mul3A_805, %add3A_806 : i32
          %get3A_808 = arith.index_cast %add3A_807 : i32 to index
          %get3A_809 = arith.constant 112 : index
          %get3A_810 = tpu.vector_load %arg16[%get3A_808, %get3A_809] {strides = array<i32>} : memref<160x128xf32, #tpu.memory_space<vmem>>, vector<1x16xf32>,
          %get3A_811 = vector.shape_cast %get3A_810 : vector<1x16xf32> to vector<16xf32>
          %add3A_812 = arith.addf %get3A_742, %get3A_750 : vector<16xf32>
          %add3A_813 = arith.addf %get3A_811, %add3A_812 : vector<16xf32>
          %mul3A_814 = arith.constant 4 : i32
          %mul3A_815 = arith.muli %mul3A_814, %add3A_120 : i32
          %add3A_816 = arith.constant 3 : i32
          %add3A_817 = arith.addi %mul3A_815, %add3A_816 : i32
          %swap3A_818 = arith.index_cast %add3A_817 : i32 to index
          %swap3A_819 = arith.constant 112 : index
          %swap3A_820 = tpu.vector_load %arg16[%swap3A_818, %swap3A_819] {strides = array<i32>} : memref<160x128xf32, #tpu.memory_space<vmem>>, vector<1x16xf32>,
          %swap3A_821 = vector.shape_cast %swap3A_820 : vector<1x16xf32> to vector<16xf32>
          %swap3A_822 = vector.shape_cast %add3A_813 : vector<16xf32> to vector<1x16xf32>
          tpu.vector_store %arg16[%swap3A_818, %swap3A_819], %swap3A_822 {strides = array<i32>} : memref<160x128xf32, #tpu.memory_space<vmem>>, vector<1x16xf32>,
        }
        %scan3A_105 = arith.constant 40 : i32
        %mul3A_106 = arith.constant 4 : i32
        %mul3A_107 = arith.muli %mul3A_81, %mul3A_106 : i32
        %dma_start3A_108 = arith.constant 0 : i32
        %dma_start3A_109 = tpu.memref_slice %arg6[%mul3A_107, %dma_start3A_108] : memref<640000x128xf32, #tpu.memory_space<hbm>> -> memref<160x128xf32, #tpu.memory_space<hbm>>
        %dma_start3A_110 = arith.constant 0 : i32
        %dma_start3A_111 = tpu.memref_slice %arg6[%mul3A_107, %dma_start3A_110] : memref<640000x128xf32, #tpu.memory_space<hbm>> -> memref<160x128xf32, #tpu.memory_space<hbm>>
        tpu.enqueue_dma source(%arg16 : memref<160x128xf32, #tpu.memory_space<vmem>>) target(%dma_start3A_111 : memref<160x128xf32, #tpu.memory_space<hbm>>) target_semaphore(%arg18 : memref<!tpu.dma_semaphore, #tpu.memory_space<semaphore_mem>>)
        %dma_wait3A_112 = arith.constant 0 : i32
        %dma_wait3A_113 = tpu.memref_slice %arg6[%mul3A_107, %dma_wait3A_112] : memref<640000x128xf32, #tpu.memory_space<hbm>> -> memref<160x128xf32, #tpu.memory_space<hbm>>
        %dma_wait3A_114 = arith.constant 0 : i32
        %dma_wait3A_115 = tpu.memref_slice %arg6[%mul3A_107, %dma_wait3A_114] : memref<640000x128xf32, #tpu.memory_space<hbm>> -> memref<160x128xf32, #tpu.memory_space<hbm>>
        tpu.wait_dma2 semaphore(%arg18 : memref<!tpu.dma_semaphore, #tpu.memory_space<semaphore_mem>>) src(%arg16 : memref<160x128xf32, #tpu.memory_space<vmem>>) dst(%dma_wait3A_115 : memref<160x128xf32, #tpu.memory_space<hbm>>)
      } else {
      }
      %dma_wait3A_87 = arith.constant 0 : i32
      %dma_wait3A_88 = tpu.memref_slice %arg6[%mul3A_73, %dma_wait3A_87] : memref<640000x128xf32, #tpu.memory_space<hbm>> -> memref<160x128xf32, #tpu.memory_space<hbm>>
      %dma_wait3A_89 = arith.constant 0 : i32
      %dma_wait3A_90 = tpu.memref_slice %arg6[%mul3A_73, %dma_wait3A_89] : memref<640000x128xf32, #tpu.memory_space<hbm>> -> memref<160x128xf32, #tpu.memory_space<hbm>>
      tpu.wait_dma2 semaphore(%arg17 : memref<!tpu.dma_semaphore, #tpu.memory_space<semaphore_mem>>) src(%arg15 : memref<160x128xf32, #tpu.memory_space<vmem>>) dst(%dma_wait3A_90 : memref<160x128xf32, #tpu.memory_space<hbm>>)
    }
    return
  }
}

module attributes {stable_mosaic.version = 14 : i64} {
  func.func @_vtab_body(%arg0: memref<20000x128xf32, #tpu.memory_space<vmem>>, %arg1: memref<128x128xf32, #tpu.memory_space<vmem>>, %arg2: memref<128x128xf32, #tpu.memory_space<vmem>>, %arg3: memref<1x128xf32, #tpu.memory_space<vmem>>, %arg4: memref<1x128xf32, #tpu.memory_space<vmem>>, %arg5: memref<20000x128xf32, #tpu.memory_space<vmem>>) attributes {dimension_semantics = [], scalar_prefetch = 0 : i64, scratch_operands = 0 : i64, tpu.core_type = #tpu.core_type<tc>} {
    %get3A = arith.constant 0 : index
    %get3A_0 = arith.constant 0 : index
    %get3A_1 = vector.load %arg2[%get3A, %get3A_0] : memref<128x128xf32, #tpu.memory_space<vmem>>, vector<128x128xf32>
    %get3A_2 = arith.constant 0 : index
    %get3A_3 = arith.constant 0 : index
    %get3A_4 = vector.load %arg1[%get3A_2, %get3A_3] : memref<128x128xf32, #tpu.memory_space<vmem>>, vector<128x128xf32>
    %dot_general3A = arith.constant dense<0.000000e+00> : vector<128x128xf32>
    %dot_general3A_5 = tpu.matmul %get3A_1, %get3A_4, %dot_general3A {dimension_numbers = #tpu.dot_dimension_numbers<[1], [0], [0], [1], [0, 0, 1, 1], [], []>, transpose_lhs_hint = false} : vector<128x128xf32>, vector<128x128xf32>, vector<128x128xf32> -> vector<128x128xf32>
    %get3A_6 = arith.constant 0 : index
    %get3A_7 = arith.constant 0 : index
    %get3A_8 = vector.load %arg3[%get3A_6, %get3A_7] : memref<1x128xf32, #tpu.memory_space<vmem>>, vector<1x128xf32>
    %get3A_9 = arith.constant 0 : index
    %get3A_10 = arith.constant 0 : index
    %get3A_11 = vector.load %arg2[%get3A_9, %get3A_10] : memref<128x128xf32, #tpu.memory_space<vmem>>, vector<128x128xf32>
    %dot_general3A_12 = arith.constant dense<0.000000e+00> : vector<1x128xf32>
    %dot_general3A_13 = tpu.matmul %get3A_8, %get3A_11, %dot_general3A_12 {dimension_numbers = #tpu.dot_dimension_numbers<[1], [1], [0], [0], [0, 0, 1, 0], [], []>, transpose_lhs_hint = false} : vector<1x128xf32>, vector<128x128xf32>, vector<1x128xf32> -> vector<1x128xf32>
    %get3A_14 = arith.constant 0 : index
    %get3A_15 = arith.constant 0 : index
    %get3A_16 = vector.load %arg4[%get3A_14, %get3A_15] : memref<1x128xf32, #tpu.memory_space<vmem>>, vector<1x128xf32>
    %add3A = arith.addf %dot_general3A_13, %get3A_16 : vector<1x128xf32>
    %get3A_17 = arith.constant 0 : index
    %get3A_18 = arith.constant 0 : index
    %get3A_19 = vector.load %arg0[%get3A_17, %get3A_18] : memref<20000x128xf32, #tpu.memory_space<vmem>>, vector<20000x128xf32>
    %dot_general3A_20 = arith.constant dense<0.000000e+00> : vector<20000x128xf32>
    %dot_general3A_21 = tpu.matmul %get3A_19, %dot_general3A_5, %dot_general3A_20 {dimension_numbers = #tpu.dot_dimension_numbers<[1], [1], [0], [0], [0, 0, 1, 0], [], []>, transpose_lhs_hint = false} : vector<20000x128xf32>, vector<128x128xf32>, vector<20000x128xf32> -> vector<20000x128xf32>
    %mul3A = arith.constant 5.000000e-01 : f32
    %mul3A_22 = vector.broadcast %mul3A : f32 to vector<1x128xf32>
    %mul3A_23 = arith.mulf %mul3A_22, %add3A : vector<1x128xf32>
    %add3A_24 = vector.broadcast %mul3A_23 : vector<1x128xf32> to vector<20000x128xf32>
    %add3A_25 = arith.addf %dot_general3A_21, %add3A_24 : vector<20000x128xf32>
    %swap3A = arith.constant 0 : index
    %swap3A_26 = arith.constant 0 : index
    %swap3A_27 = vector.load %arg5[%swap3A, %swap3A_26] : memref<20000x128xf32, #tpu.memory_space<vmem>>, vector<20000x128xf32>
    tpu.vector_store %arg5[%swap3A, %swap3A_26], %add3A_25 {strides = array<i32>} : memref<20000x128xf32, #tpu.memory_space<vmem>>, vector<20000x128xf32>,
    return
  }
}

module attributes {stable_mosaic.version = 14 : i64} {
  func.func @_mm_body(%arg0: i32, %arg1: memref<8000x128xf32, #tpu.memory_space<vmem>>, %arg2: memref<128x128xf32, #tpu.memory_space<vmem>>, %arg3: memref<8000x128xf32, #tpu.memory_space<vmem>>) attributes {dimension_semantics = [#tpu.dimension_semantics<arbitrary>], iteration_bounds = array<i64: 80>, scalar_prefetch = 0 : i64, scratch_operands = 0 : i64, tpu.core_type = #tpu.core_type<tc>, window_params = [{transform_indices = @transform_0, window_bounds = array<i64: 8000, 128>}, {pipeline_mode = #tpu.pipeline_mode<synchronous>, transform_indices = @transform_1, window_bounds = array<i64: 128, 128>}, {transform_indices = @transform_2, window_bounds = array<i64: 8000, 128>}]} {
    %get3A = arith.constant 0 : index
    %get3A_0 = arith.constant 0 : index
    %get3A_1 = vector.load %arg1[%get3A, %get3A_0] : memref<8000x128xf32, #tpu.memory_space<vmem>>, vector<8000x128xf32>
    %get3A_2 = arith.constant 0 : index
    %get3A_3 = arith.constant 0 : index
    %get3A_4 = vector.load %arg2[%get3A_2, %get3A_3] : memref<128x128xf32, #tpu.memory_space<vmem>>, vector<128x128xf32>
    %dot_general3A = arith.constant dense<0.000000e+00> : vector<8000x128xf32>
    %dot_general3A_5 = tpu.matmul %get3A_1, %get3A_4, %dot_general3A {dimension_numbers = #tpu.dot_dimension_numbers<[1], [1], [0], [0], [0, 0, 1, 0], [], []>, transpose_lhs_hint = false} : vector<8000x128xf32>, vector<128x128xf32>, vector<8000x128xf32> -> vector<8000x128xf32>
    %swap3A = arith.constant 0 : index
    %swap3A_6 = arith.constant 0 : index
    %swap3A_7 = vector.load %arg3[%swap3A, %swap3A_6] : memref<8000x128xf32, #tpu.memory_space<vmem>>, vector<8000x128xf32>
    tpu.vector_store %arg3[%swap3A, %swap3A_6], %dot_general3A_5 {strides = array<i32>} : memref<8000x128xf32, #tpu.memory_space<vmem>>, vector<8000x128xf32>,
    return
  }
  func.func @transform_0(%arg0: i32) -> (i32, i32) {
    %c0_i32 = arith.constant 0 : i32
    %c0_i32_0 = arith.constant 0 : i32
    return %arg0, %c0_i32 : i32, i32
  }
  func.func @transform_1(%arg0: i32) -> (i32, i32) {
    %c0_i32 = arith.constant 0 : i32
    %c0_i32_0 = arith.constant 0 : i32
    %c0_i32_1 = arith.constant 0 : i32
    return %c0_i32, %c0_i32_0 : i32, i32
  }
  func.func @transform_2(%arg0: i32) -> (i32, i32) {
    %c0_i32 = arith.constant 0 : i32
    %c0_i32_0 = arith.constant 0 : i32
    return %arg0, %c0_i32 : i32, i32
  }
}

module attributes {stable_mosaic.version = 14 : i64} {
  func.func @_xout_body(%arg0: i32, %arg1: memref<2000x2x128xf32, #tpu.memory_space<vmem>>, %arg2: memref<2x2000x128xf32, #tpu.memory_space<vmem>>, %arg3: memref<128x128xf32, #tpu.memory_space<vmem>>, %arg4: memref<1x128xf32, #tpu.memory_space<vmem>>, %arg5: memref<2000x2x128xf32, #tpu.memory_space<vmem>>) attributes {dimension_semantics = [#tpu.dimension_semantics<arbitrary>], iteration_bounds = array<i64: 5>, scalar_prefetch = 0 : i64, scratch_operands = 0 : i64, tpu.core_type = #tpu.core_type<tc>, window_params = [{transform_indices = @transform_0, window_bounds = array<i64: 2000, 2, 128>}, {transform_indices = @transform_1, window_bounds = array<i64: 2, 2000, 128>}, {pipeline_mode = #tpu.pipeline_mode<synchronous>, transform_indices = @transform_2, window_bounds = array<i64: 128, 128>}, {pipeline_mode = #tpu.pipeline_mode<synchronous>, transform_indices = @transform_3, window_bounds = array<i64: 1, 128>}, {transform_indices = @transform_4, window_bounds = array<i64: 2000, 2, 128>}]} {
    %get3A = arith.constant 0 : index
    %get3A_0 = arith.constant 0 : index
    %get3A_1 = arith.constant 0 : index
    %get3A_2 = vector.load %arg1[%get3A, %get3A_0, %get3A_1] : memref<2000x2x128xf32, #tpu.memory_space<vmem>>, vector<2000x2x128xf32>
    %get3A_3 = arith.constant 0 : index
    %get3A_4 = arith.constant 0 : index
    %get3A_5 = vector.load %arg3[%get3A_3, %get3A_4] : memref<128x128xf32, #tpu.memory_space<vmem>>, vector<128x128xf32>
    %get3A_6 = arith.constant 0 : index
    %get3A_7 = arith.constant 0 : index
    %get3A_8 = vector.load %arg4[%get3A_6, %get3A_7] : memref<1x128xf32, #tpu.memory_space<vmem>>, vector<1x128xf32>
    %slice3A = vector.extract_strided_slice %get3A_2 {offsets = [0, 0, 0], sizes = [2000, 1, 128], strides = [1, 1, 1]} : vector<2000x2x128xf32> to vector<2000x1x128xf32>
    %squeeze3A = vector.shape_cast %slice3A : vector<2000x1x128xf32> to vector<2000x128xf32>
    %get3A_9 = arith.constant 0 : index
    %get3A_10 = arith.constant 0 : index
    %get3A_11 = arith.constant 0 : index
    %get3A_12 = vector.load %arg2[%get3A_9, %get3A_10, %get3A_11] : memref<2x2000x128xf32, #tpu.memory_space<vmem>>, vector<1x2000x128xf32>
    %get3A_13 = vector.shape_cast %get3A_12 : vector<1x2000x128xf32> to vector<2000x128xf32>
    %mul3A = arith.constant 5.000000e-01 : f32
    %mul3A_14 = vector.broadcast %mul3A : f32 to vector<2000x128xf32>
    %mul3A_15 = arith.mulf %mul3A_14, %get3A_13 : vector<2000x128xf32>
    %add3A = arith.addf %squeeze3A, %mul3A_15 : vector<2000x128xf32>
    %slice3A_16 = vector.extract_strided_slice %get3A_2 {offsets = [0, 1, 0], sizes = [2000, 1, 128], strides = [1, 1, 1]} : vector<2000x2x128xf32> to vector<2000x1x128xf32>
    %squeeze3A_17 = vector.shape_cast %slice3A_16 : vector<2000x1x128xf32> to vector<2000x128xf32>
    %get3A_18 = arith.constant 1 : index
    %get3A_19 = arith.constant 0 : index
    %get3A_20 = arith.constant 0 : index
    %get3A_21 = vector.load %arg2[%get3A_18, %get3A_19, %get3A_20] : memref<2x2000x128xf32, #tpu.memory_space<vmem>>, vector<1x2000x128xf32>
    %get3A_22 = vector.shape_cast %get3A_21 : vector<1x2000x128xf32> to vector<2000x128xf32>
    %mul3A_23 = arith.constant 5.000000e-01 : f32
    %mul3A_24 = vector.broadcast %mul3A_23 : f32 to vector<2000x128xf32>
    %mul3A_25 = arith.mulf %mul3A_24, %get3A_22 : vector<2000x128xf32>
    %add3A_26 = arith.addf %squeeze3A_17, %mul3A_25 : vector<2000x128xf32>
    %dot_general3A = arith.constant dense<0.000000e+00> : vector<2000x128xf32>
    %dot_general3A_27 = tpu.matmul %add3A, %get3A_5, %dot_general3A {dimension_numbers = #tpu.dot_dimension_numbers<[1], [1], [0], [0], [0, 0, 1, 0], [], []>, transpose_lhs_hint = false} : vector<2000x128xf32>, vector<128x128xf32>, vector<2000x128xf32> -> vector<2000x128xf32>
    %add3A_28 = vector.broadcast %get3A_8 : vector<1x128xf32> to vector<2000x128xf32>
    %add3A_29 = arith.addf %dot_general3A_27, %add3A_28 : vector<2000x128xf32>
    %dot_general3A_30 = arith.constant dense<0.000000e+00> : vector<2000x128xf32>
    %dot_general3A_31 = tpu.matmul %add3A_26, %get3A_5, %dot_general3A_30 {dimension_numbers = #tpu.dot_dimension_numbers<[1], [1], [0], [0], [0, 0, 1, 0], [], []>, transpose_lhs_hint = false} : vector<2000x128xf32>, vector<128x128xf32>, vector<2000x128xf32> -> vector<2000x128xf32>
    %add3A_32 = vector.broadcast %get3A_8 : vector<1x128xf32> to vector<2000x128xf32>
    %add3A_33 = arith.addf %dot_general3A_31, %add3A_32 : vector<2000x128xf32>
    %swap3A = arith.constant 0 : index
    %swap3A_34 = arith.constant 0 : index
    %swap3A_35 = arith.constant 0 : index
    %swap3A_36 = vector.load %arg5[%swap3A, %swap3A_34, %swap3A_35] : memref<2000x2x128xf32, #tpu.memory_space<vmem>>, vector<2000x1x128xf32>
    %swap3A_37 = vector.shape_cast %swap3A_36 : vector<2000x1x128xf32> to vector<2000x128xf32>
    %swap3A_38 = vector.shape_cast %add3A_29 : vector<2000x128xf32> to vector<2000x1x128xf32>
    tpu.vector_store %arg5[%swap3A, %swap3A_34, %swap3A_35], %swap3A_38 {strides = array<i32>} : memref<2000x2x128xf32, #tpu.memory_space<vmem>>, vector<2000x1x128xf32>,
    %swap3A_39 = arith.constant 0 : index
    %swap3A_40 = arith.constant 1 : index
    %swap3A_41 = arith.constant 0 : index
    %swap3A_42 = vector.load %arg5[%swap3A_39, %swap3A_40, %swap3A_41] : memref<2000x2x128xf32, #tpu.memory_space<vmem>>, vector<2000x1x128xf32>
    %swap3A_43 = vector.shape_cast %swap3A_42 : vector<2000x1x128xf32> to vector<2000x128xf32>
    %swap3A_44 = vector.shape_cast %add3A_33 : vector<2000x128xf32> to vector<2000x1x128xf32>
    tpu.vector_store %arg5[%swap3A_39, %swap3A_40, %swap3A_41], %swap3A_44 {strides = array<i32>} : memref<2000x2x128xf32, #tpu.memory_space<vmem>>, vector<2000x1x128xf32>,
    return
  }
  func.func @transform_0(%arg0: i32) -> (i32, i32, i32) {
    %c0_i32 = arith.constant 0 : i32
    %c0_i32_0 = arith.constant 0 : i32
    %c0_i32_1 = arith.constant 0 : i32
    return %arg0, %c0_i32, %c0_i32_0 : i32, i32, i32
  }
  func.func @transform_1(%arg0: i32) -> (i32, i32, i32) {
    %c0_i32 = arith.constant 0 : i32
    %c0_i32_0 = arith.constant 0 : i32
    %c0_i32_1 = arith.constant 0 : i32
    return %c0_i32, %arg0, %c0_i32_0 : i32, i32, i32
  }
  func.func @transform_2(%arg0: i32) -> (i32, i32) {
    %c0_i32 = arith.constant 0 : i32
    %c0_i32_0 = arith.constant 0 : i32
    %c0_i32_1 = arith.constant 0 : i32
    return %c0_i32, %c0_i32_0 : i32, i32
  }
  func.func @transform_3(%arg0: i32) -> (i32, i32) {
    %c0_i32 = arith.constant 0 : i32
    %c0_i32_0 = arith.constant 0 : i32
    %c0_i32_1 = arith.constant 0 : i32
    return %c0_i32, %c0_i32_0 : i32, i32
  }
  func.func @transform_4(%arg0: i32) -> (i32, i32, i32) {
    %c0_i32 = arith.constant 0 : i32
    %c0_i32_0 = arith.constant 0 : i32
    %c0_i32_1 = arith.constant 0 : i32
    return %arg0, %c0_i32, %c0_i32_0 : i32, i32, i32
  }
}

</mosaic_0001>

<sc_bundles>
// kernel: _run.10.cloned.1.call-start
scs
__scs_entry_jumppad:
0x0: {  	(pc) =	sbr.rel $0x88, $3  }
0x1: {  	(tag) =	ssettag $0x0;
	lr =	simm.s32 $0x1  }
0x2: {  	[smem:$0x3F98] =	sst lr;
	_ =	strace $0xD0000000  }
0x3: {  	_ = 	snop  }
0x4: {  	_ = 	snop  }
0x5: {  	_ = 	snop  }
0x6: {  	_ = 	snop  }
0x7: {  	_ = 	snop  }
__scs_overlays_trampoline_lowered:
0x8: {  	[smem:$0x3FA7] =	sst s0  }
0x9: {  	[smem:$0x3FA8] =	sst s1  }
0xa: {  	[smem:$0x3FA9] =	sst s2  }
0xb: {  	[smem:$0x3FAA] =	sst s3  }
0xc: {  	[smem:$0x3FAB] =	sst s4  }
0xd: {  	[smem:$0x3FAC] =	sst s5  }
0xe: {  	[smem:$0x3FAD] =	sst s6  }
0xf: {  	[smem:$0x3FAE] =	sst s7  }
0x10: {  	[smem:$0x3FAF] =	sst s8  }
0x11: {  	[smem:$0x3FB0] =	sst s9;
	s0 =	simm.s32 @!p0 $0x0  }
0x12: {  	s1 =	sld [smem:$0x3F96];
	s0 =	simm.s32 @p0 $0x1  }
0x13: {  	[smem:$0x3FB1] =	sst s0;
	s0 =	simm.s32 @!p1 $0x0  }
0x14: {  	s2 =	sld [smem:$0x3F95];
	s0 =	simm.s32 @p1 $0x1  }
0x15: {  	[smem:$0x3FB2] =	sst s0;
	s0 =	simm.s32 @!p2 $0x0  }
0x16: {  	s3 =	sld [smem:$0x3FDB];
	s0 =	simm.s32 @p2 $0x1  }
0x17: {  	s4 =	simm.s32 $0x1BF5;
	[smem:$0x3FB4] =	sst s0  }
0x18: {  	s0 =	sld [smem:$0x3F97];
	_ =	swait.ge [sflag:s4], $0x0  }
0x19: {  	s7 =	sld [smem:$0x3F98]  }
0x1a: {  	s8 =	sadd.s32 $0xFFFFE003, lr  }
0x1b: {  	s9 =	sadd.s32 $0xFFFFFEF7, lr;
	s5 =	simm.s32 $0xFFFFFFFF;
	p2 =	slt.u32 s8, $0xFFFFF086  }
0x1c: {  	p1 =	slt.u32 s9, $0xF7A;
	s5 =	simm.s32 @!p2 $0x0  }
0x1d: {  	s5 =	simm.s32 @p1 $0x1;
	p0 =	seq.s32 s7, s2  }
0x1e: {  	s7 =	smul.u32 @!p0 $0xF7A, s2;
	p2 =	seq.s32 @!p0 s5, $0x0  }
0x1f: {  	s9 =	smul.u32 $0xF7A, s1;
	s8 =	simm.s32 @!p0 $0x1BF5;
	p2 =	por !p2, p0  }
0x20: {  	[sflag:s8] =	ssyncset.s32 @!p0 $0xFFFFF086;
	s6 =	sadd.s32 @!p0 s3, s7;
	s7 =	simm.s32 @!p0 $0x108  }
0x21: {  	s3 =	sadd.s32 s3, s9;
	s6 =	sadd.s32 @!p0 $0x88, s6;
	s7 =	simm.s32 @p2 $0x1082  }
0x22: {  	[simem:s7], [sflag:s8] =	dma.local @!p0 [hbm:s6], $0xF7A  }
0x23: {  	s9 =	sor.u32 $0xD0000000, s2;
	s6 =	simm.s32 $0x108;
	_ =	swait.ge @!p0 [sflag:s8], $0x0  }
0x24: {  	s3 =	sadd.s32 $0x88, s3;
	s6 =	simm.s32 @!p1 $0x1082;
	[sflag:s4] =	ssyncset.s32 $0xFFFFF086  }
0x25: {  	[simem:s6], [sflag:s4] =	dma.local [hbm:s3], $0xF7A  }
0x26: {  	[smem:$0x3F98] =	sst s1;
	(tag) =	ssettag s2;
	_ =	strace s9  }
0x27: {  	s1 =	sld [smem:$0x3FA8]  }
0x28: {  	s2 =	sld [smem:$0x3FA9]  }
0x29: {  	s4 =	sld [smem:$0x3FAB]  }
0x2a: {  	p0 =	seq.s32 s5, $0x0;
	s5 =	sld [smem:$0x3FAC]  }
0x2b: {  	s6 =	sld [smem:$0x3FAD]  }
0x2c: {  	s7 =	sld [smem:$0x3FAE]  }
0x2d: {  	s3 =	simm.s32 $0x108;
	s8 =	sld [smem:$0x3FAF]  }
0x2e: {  	s3 =	simm.s32 @!p0 $0x1082;
	s9 =	sld [smem:$0x3FB0]  }
0x2f: {  	lr =	sadd.s32 s0, s3;
	s0 =	sld [smem:$0x3FA7]  }
0x30: {  	s3 =	sld [smem:$0x3FAA]  }
0x31: {  	[smem:$0x3FB3] =	sst s10  }
0x32: {  	s10 =	sld [smem:$0x3FB1];
	_ =	sdelay $0x3  }
0x33: {  	p0 =	seq.s32 s10, $0x1;
	s10 =	sld [smem:$0x3FB3];
	_ =	sdelay $0x3  }
0x34: {  	[smem:$0x3FB3] =	sst s10  }
0x35: {  	s10 =	sld [smem:$0x3FB2];
	_ =	sdelay $0x3  }
0x36: {  	p1 =	seq.s32 s10, $0x1;
	s10 =	sld [smem:$0x3FB3];
	_ =	sdelay $0x3  }
0x37: {  	[smem:$0x3FB3] =	sst s10  }
0x38: {  	s10 =	sld [smem:$0x3FB4]  }
0x39: {  	_ = 	snop;
	(pc) =	sbr.ind lr, $3  }
0x3a: {  	_ = 	snop  }
0x3b: {  	_ = 	snop  }
0x3c: {  	p2 =	seq.s32 s10, $0x1;
	s10 =	sld [smem:$0x3FB3]  }
0x3d: {  	_ =	shalt  }
0x3e: {  	_ =	shalt  }
0x3f: {  	_ =	shalt  }
0x40: {  	_ =	shalt  }
0x41: {  	_ =	shalt  }
0x42: {  	_ =	shalt  }
0x43: {  	_ =	shalt  }
0x44: {  	_ =	shalt  }
0x45: {  	_ =	shalt  }
0x46: {  	_ =	shalt  }
0x47: {  	_ =	shalt  }
0x48: {  	_ =	shalt  }
0x49: {  	_ =	shalt  }
0x4a: {  	_ =	shalt  }
0x4b: {  	_ =	shalt  }
0x4c: {  	_ =	shalt  }
0x4d: {  	_ =	shalt  }
0x4e: {  	_ =	shalt  }
0x4f: {  	_ =	shalt  }
0x50: {  	_ =	shalt  }
0x51: {  	_ =	shalt  }
0x52: {  	_ =	shalt  }
0x53: {  	_ =	shalt  }
0x54: {  	_ =	shalt  }
0x55: {  	_ =	shalt  }
0x56: {  	_ =	shalt  }
0x57: {  	_ =	shalt  }
0x58: {  	_ =	shalt  }
0x59: {  	_ =	shalt  }
0x5a: {  	_ =	shalt  }
0x5b: {  	_ =	shalt  }
0x5c: {  	_ =	shalt  }
0x5d: {  	_ =	shalt  }
0x5e: {  	_ =	shalt  }
0x5f: {  	_ =	shalt  }
0x60: {  	_ =	shalt  }
0x61: {  	_ =	shalt  }
0x62: {  	_ =	shalt  }
0x63: {  	_ =	shalt  }
0x64: {  	_ =	shalt  }
0x65: {  	_ =	shalt  }
0x66: {  	_ =	shalt  }
0x67: {  	_ =	shalt  }
0x68: {  	_ =	shalt  }
0x69: {  	_ =	shalt  }
0x6a: {  	_ =	shalt  }
0x6b: {  	_ =	shalt  }
0x6c: {  	_ =	shalt  }
0x6d: {  	_ =	shalt  }
0x6e: {  	_ =	shalt  }
0x6f: {  	_ =	shalt  }
0x70: {  	_ =	shalt  }
0x71: {  	_ =	shalt  }
0x72: {  	_ =	shalt  }
0x73: {  	_ =	shalt  }
0x74: {  	_ =	shalt  }
0x75: {  	_ =	shalt  }
0x76: {  	_ =	shalt  }
0x77: {  	_ =	shalt  }
0x78: {  	_ =	shalt  }
0x79: {  	_ =	shalt  }
0x7a: {  	_ =	shalt  }
0x7b: {  	_ =	shalt  }
0x7c: {  	_ =	shalt  }
0x7d: {  	_ =	shalt  }
0x7e: {  	_ =	shalt  }
0x7f: {  	_ =	shalt  }
0x80: {  	_ =	shalt  }
0x81: {  	_ =	shalt  }
0x82: {  	_ =	shalt  }
0x83: {  	_ =	shalt  }
0x84: {  	_ =	shalt  }
0x85: {  	_ =	shalt  }
0x86: {  	_ =	shalt  }
0x87: {  	_ =	shalt  }
.Lfunc_end0:
.L_simem_size_0:
called_computation.1_lowered:
.L_overlay_start_0:
0x88: {  	s2 =	sld [smem:$0x3FD9]  }
0x89: {  	s3 =	sld [smem:$0x3FFE];
	_ =	sdelay $0x1  }
0x8a: {  	s1 =	srdreg.scid  }
0x8b: {  	s0 =	sand.u32 $0x1, s1  }
0x8c: {  	s15 =	sshll.u32 s0, $0xA;
	s2 =	sadd.s32 s3, s2  }
0x8d: {  	s2 =	sadd.s32 s2, s15  }
0x8e: {  	[smem:$0x3FBF] =	sst s2  }
0x8f: {  	_ = 	snop  }
0x90: {  	s2 =	sld [smem:$0x3FD0];
	_ =	sdelay $0x2  }
0x91: {  	s16 =	simm.s32 $0xB;
	s4 =	simm.s32 $0x10  }
0x92: {  	[smem:s4], [sflag:s16] =	dma.local [hbm:s2], $0x1  }
0x93: {  	_ =	swait.eq [sflag:s16], $0x1  }
0x94: {  	[sflag:s16] =	ssyncset.done $0x0  }
0x95: {  	[sflag:s16] =	ssyncadd.s32 $0xFFFFFFFF  }
0x96: {  	s17 =	sld [smem:$0x11];
	(tm) =	ssettm $0x1  }
0x97: {  	s18 =	sld [smem:$0x3FFB];
	_ =	sdelay $0x3  }
0x98: {  	_ =	strace s18  }
0x99: {  	s2 =	sld [smem:$0x3FFC];
	_ =	sdelay $0x3  }
0x9a: {  	_ =	strace s2  }
0x9b: {  	s2 =	sld [smem:$0x3FFD];
	_ =	sdelay $0x3  }
0x9c: {  	_ =	strace s2  }
0x9d: {  	_ =	strace $0x8FFFFFFF  }
0x9e: {  	s19 =	sld [smem:$0x3FDB];
	_ =	sdelay $0x1  }
0x9f: {  	s20 =	simm.s32 $_scs_section_size  }
0xa0: {  	s5 =	simm.s32 $_size__tile_overlayer_lowered;
	s6 =	simm.s32 $_tile_overlayer_lowered  }
0xa1: {  	s7 =	simm.s32 $0x1BFF;
	s21 =	sshll.u32 s6, $0x1;
	s4 =	sadd.s32 s20, s19  }
0xa2: {  	s22 =	simm.s32 $0x0;
	s5 =	sshll.u32 s5, $0x1;
	s6 =	sadd.s32 s21, s4  }
0xa3: {  	[timem:s22], [sflag:s7] =	dma.local [hbm:s6], s5  }
0xa4: {  	_ =	swait.ge [sflag:s7], s5  }
0xa5: {  	s5 =	ssub.s32 $0x0, s5;
	[sflag:s7] =	ssyncset.done $0x0  }
0xa6: {  	[sflag:s7] =	ssyncadd.s32 s5;
	_ =	sdelay $0x1  }
0xa7: {  	s23 =	simm.s32 $0x1B8B  }
0xa8: {  	_ =	swait.ge [sflag:s23], $0x1  }
0xa9: {  	[sflag:s23] =	ssyncset.done $0x0  }
0xaa: {  	[sflag:s23] =	ssyncadd.s32 $0xFFFFFFFF  }
0xab: {  	s5 =	sld [smem:$0x0]  }
0xac: {  	s6 =	sand.u32 $0xFFFFFFFE, s1  }
0xad: {  	p0 =	sne.s32 s1, s6  }
0xae: {  	s6 =	sshll.u32 @p0 s6, $0xE  }
0xaf: {  	s6 =	sadd.s32 @p0 $0x11B8D, s6;
	s7 =	sshll.u32 @p0 s5, $0x11  }
0xb0: {  	s6 =	sor.u32 @p0 s7, s6  }
0xb1: {  	[sflag:s6] =	ssyncadd.remote.s32 @p0 $0x1;
	_ =	sdelay $0x1  }
0xb2: {  	s6 =	simm.s32 @p0 $0x1B8D  }
0xb3: {  	_ =	swait.eq @p0 [sflag:s6], $0x1  }
0xb4: {  	[sflag:s6] =	ssyncadd.s32 @p0 $0xFFFFFFFF  }
0xb5: {  	s7 =	sshll.u32 @!p0 s1, $0xE  }
0xb6: {  	s7 =	sor.u32 @!p0 $0x4000, s7;
	s6 =	simm.s32 @!p0 $0x1B8D  }
0xb7: {  	s5 =	sshll.u32 @!p0 s5, $0x11;
	s7 =	sadd.s32 @!p0 $0x11B8D, s7;
	_ =	swait.eq @!p0 [sflag:s6], $0x1  }
0xb8: {  	s5 =	sor.u32 @!p0 s5, s7;
	[sflag:s6] =	ssyncadd.s32 @!p0 $0xFFFFFFFF  }
0xb9: {  	s25 =	simm.s32 $0x1B8E;
	s24 =	sld [smem:$0x3FFE];
	[sflag:s5] =	ssyncadd.remote.s32 @!p0 $0x1  }
0xba: {  	s26 =	simm.s32 $execute0_lowered;
	[smem:$0x3FD2] =	sst s25  }
0xbb: {  	s6 =	sshll.u32 s26, $0x1;
	_ =	strace $0x80000049;
	[dreg:$0x1] =	wrdreg $0xFFFFFFFF  }
0xbc: {  	s28 =	simm.s32 $_size_execute0_lowered;
	s4 =	sadd.s32 s4, s6;
	[dreg:$0x0] =	wrdreg $0x0  }
0xbd: {  	s6 =	sshll.u32 s28, $0x1;
	[dreg:$0x2] =	wrdreg s4  }
0xbe: {  	[dreg:$0x3] =	wrdreg s6  }
0xbf: {  	[dreg:$0x4] =	wrdreg $0xC0  }
0xc0: {  	_ =	task [dreg:s22], $0x5FFFF  }
0xc1: {  	[dreg:$0x1] =	wrdreg $0xFFFFFFFF  }
0xc2: {  	[dreg:$0x0] =	wrdreg $0x60  }
0xc3: {  	[dreg:$0x2] =	wrdreg s24  }
0xc4: {  	[dreg:$0x3] =	wrdreg s17  }
0xc5: {  	[dreg:$0x4] =	wrdreg $0xA  }
0xc6: {  	_ =	task.clear_ibuf [dreg:s22], $0x5FFFF;
	_ =	strace $0x90000049  }
0xc7: {  	s29 =	simm.s32 $0xA;
	_ =	strace $0x8000004B  }
0xc8: {  	_ =	swait.ge [sflag:s29], $0x1  }
0xc9: {  	[sflag:s29] =	ssyncadd.s32 $0xFFFFFFFF  }
0xca: {  	_ =	strace $0x9000004B  }
0xcb: {  	_ =	sfence  }
0xcc: {  	s30 =	sld [smem:$0x0];
	_ =	sdelay $0x2  }
0xcd: {  	s31 =	sshll.u32 s1, $0xD;
	s1 =	sshrl.u32 s1, $0x2  }
0xce: {  	s4 =	sand.u32 $0x4000, s31;
	s1 =	sadd.s32 s1, s30  }
0xcf: {  	s0 =	sor.u32 s4, s0;
	s1 =	sshll.u32 s1, $0x11  }
0xd0: {  	s0 =	sor.u32 s1, s0  }
0xd1: {  	s0 =	sadd.s32 $0x8F2B, s0  }
0xd2: {  	[sflag:s0] =	ssyncadd.remote.s32 $0x1  }
0xd3: {  	_ =	sfence.sel $0xFFFF  }
0xd4: {  	[dreg:$0x0] =	wrdreg $0xFFFFFFFF;
	(pc) =	sbr.abs _section_cstart, $3  }
0xd5: {  	[dreg:$0x1] =	wrdreg $0xFFFFFFFF  }
0xd6: {  	_ =	task.clear_ibuf [dreg:s22], $0x2FFFF;
	_ =	strace $0x9FFFFFFF  }
0xd7: {  	(tm) =	ssettm $0x7FFFFFFF  }
tec
execute0_lowered:
.L_overlay_start_1:
0x0: {  	(tag) =	ssettag $0x1  }
0x1: {  	s0 =	rddreg [dreg:$0x0]  }
0x2: {  	s1 =	rddreg [dreg:$0x1];
	s2 =	simm.s32 $0x0;
	s3 =	srdreg.scid  }
0x3: {  	s10 =	stileid.u32;
	s12 =	simm.s32 $0x1;
	s13 =	simm.s32 $0x200  }
0x4: {  	s14 =	simm.s32 $0xA00;
	s15 =	simm.s32 $0x1200;
	s16 =	simm.s32 $0x1A00  }
0x5: {  	s17 =	simm.s32 $0x2200;
	s18 =	simm.s32 $0x5200;
	s19 =	simm.s32 $0x5A00  }
0x6: {  	s20 =	simm.s32 $0x6200;
	s21 =	simm.s32 $0x6A00;
	s22 =	simm.s32 $0x7200  }
0x7: {  	s23 =	simm.s32 $0xA200;
	s26 =	simm.s32 $0x2;
	s3 =	sand.u32 $0x1, s3  }
.Ltmp0:
0x8: {  	s29 =	simm.s32 $0xF200;
	s5 =	ssub.s32 $0x2, s3;
	(pc) =	sbr.rel .LBB2_1-.Ltmp0, $4  }
0x9: {  	[smem:$0x7FF] =	sst s2;
	s4 =	sadd.s32 $0x9CF200, s0;
	s9 =	sshrl.u32 s5, $0x1  }
0xa: {  	v2 =	vlaneseq.u32;
	s6 =	sadd.s32 $0xB200, s0;
	s7 =	sadd.s32 $0x6200, s0;
	s31 =	ssub.s32 s5, s9  }
0xb: {  	vm0 =	vmmov $0xffff;
	s8 =	sadd.s32 $0x1200, s0;
	v1 =	vshrl.u32 v2, $0x3;
	_ =	strace $0x8000004A;
	s0 =	smax.u32 s31, $0x1  }
0xc: {  	v0 =	vand.u32 $0x7, v2;
	v2 =	vor.u32 $0x8, v2;
	v1 =	vmul.u32 $0x8, v1;
	s9 =	sshll.u32 s10, $0x1;
	s5 =	simm.s32 $0x0;
	[dreg:$0x3] =	wrdreg s0  }
.LBB2_11:
0xd: {  	s5 =	rddreg [dreg:$0x4]  }
0xe: {  	s0 =	rddreg [dreg:$0x3];
	s5 =	sadd.s32 $0x1, s5  }
0xf: {  	p0 =	sne.s32 s5, s0  }
.Ltmp1:
0x10: {  	_ = 	snop;
	(pc) =	sbr.rel @!p0 .LBB2_12-.Ltmp1, $1  }
0x11: {  	_ =	sdelay $0x3  }
.LBB2_1:
.Ltmp2:
0x12: {  	(pc) =	sbr.rel .LBB2_2-.Ltmp2, $2  }
0x13: {  	_ =	sdelay $0x2  }
0x14: {  	[dreg:$0x4] =	wrdreg s5;
	s30 =	simm.s32 $0x0  }
.LBB2_10:
0x15: {  	s30 =	sadd.s32 $0x1, s30  }
0x16: {  	p0 =	sne.s32 s30, $0x3F  }
.Ltmp3:
0x17: {  	_ = 	snop;
	(pc) =	sbr.rel @!p0 .LBB2_11-.Ltmp3, $4  }
0x18: {  	_ = 	snop  }
0x19: {  	_ =	swait.ge [sflag:s12], $0x5000  }
0x1a: {  	[sflag:s12] =	ssyncset.done $0x0  }
0x1b: {  	[sflag:s12] =	ssyncadd.s32 $0xFFFFB000  }
.LBB2_2:
0x1c: {  	s0 =	sshll.u32 s30, $0x6  }
0x1d: {  	s0 =	sor.u32 s0, s9  }
0x1e: {  	s5 =	sor.u32 s3, s0  }
0x1f: {  	s0 =	smul.u32 $0x5, s5;
	_ =	sdelay $0x1  }
0x20: {  	s10 =	sadd.s32 s7, s0  }
0x21: {  	[tilespmem:s2], [sflag:$0x1] =	stream.linear.gather [hbm4b:s10+s2], $0x28, $0x38;
	[tilespmem:$0x14200] =	vst v63  }
0x22: {  	s25 =	simm.s32 $0x100;
	s0 =	sadd.s32 s8, s0  }
0x23: {  	[tilespmem:s25], [sflag:$0x1] =	stream.linear.gather [hbm4b:s0+s2], $0x28, $0x38;
	[tilespmem:$0x14200] =	vst v63  }
0x24: {  	_ =	swait.ge [sflag:s12], $0x28  }
0x25: {  	[sflag:s12] =	ssyncset.done $0x0  }
0x26: {  	[sflag:s12] =	ssyncadd.s32 $0xFFFFFFD8  }
0x27: {  	_ =	swait.ge [sflag:s12], $0x28  }
0x28: {  	[sflag:s12] =	ssyncset.done $0x0  }
0x29: {  	[sflag:s12] =	ssyncadd.s32 $0xFFFFFFD8  }
0x2a: {  	v3 =	vld [tilespmem:$0x0];
	_ =	sdelay $0x4  }
0x2b: {  	v4 =	vshll.u32 v3, $0x1  }
0x2c: {  	v3 =	vand.u32 $0x7, v3;
	v4 =	vand.u32 $0xFFFFFFF0, v4  }
0x2d: {  	v3 =	vor.u32 v3, v4  }
0x2e: {  	v4 =	vperm.xlane v3, v0;
	_ =	sdelay $0x1  }
0x2f: {  	v3 =	vperm.xlane v3, v2;
	v4 =	vadd.s32 v1, v4;
	_ =	sdelay $0x1  }
0x30: {  	v3 =	vadd.s32 v1, v3;
	_ =	sdelay $0x2  }
0x31: {  	[tilespmem:s13], [sflag:$0x1] =	stream.indirect_vreg.gather [hbm4b:s4+s2], $0x80, v4, vm0, $0xb8;
	[tilespmem:$0x14200] =	vst v63  }
0x32: {  	_ = 	snop  }
0x33: {  	[tilespmem:s14], [sflag:$0x1] =	stream.indirect_vreg.gather [hbm4b:s4+s2], $0x80, v3, vm0, $0xb8;
	[tilespmem:$0x14200] =	vst v63  }
0x34: {  	v3 =	vld [tilespmem:$0x10];
	_ =	sdelay $0x4  }
0x35: {  	v59 =	vshll.u32 v3, $0x1  }
0x36: {  	v3 =	vand.u32 $0x7, v3;
	v4 =	vand.u32 $0xFFFFFFF0, v59  }
0x37: {  	v3 =	vor.u32 v3, v4  }
0x38: {  	v4 =	vperm.xlane v3, v0;
	_ =	sdelay $0x1  }
0x39: {  	v3 =	vperm.xlane v3, v2;
	v4 =	vadd.s32 v1, v4;
	_ =	sdelay $0x1  }
0x3a: {  	v3 =	vadd.s32 v1, v3;
	_ =	sdelay $0x2  }
0x3b: {  	[tilespmem:s15], [sflag:$0x1] =	stream.indirect_vreg.gather [hbm4b:s4+s2], $0x80, v4, vm0, $0xb8;
	[tilespmem:$0x14200] =	vst v63  }
0x3c: {  	_ = 	snop  }
0x3d: {  	[tilespmem:s16], [sflag:$0x1] =	stream.indirect_vreg.gather [hbm4b:s4+s2], $0x80, v3, vm0, $0xb8;
	[tilespmem:$0x14200] =	vst v63  }
0x3e: {  	v3 =	vld.msk [tilespmem:$0x20], $0xff;
	_ =	sdelay $0x4  }
0x3f: {  	v60 =	vshll.u32 v3, $0x1  }
0x40: {  	v3 =	vand.u32 $0x7, v3;
	v4 =	vand.u32 $0xFFFFFFF0, v60  }
0x41: {  	v3 =	vor.u32 v3, v4  }
0x42: {  	v3 =	vperm.xlane v3, v0;
	_ =	sdelay $0x1  }
0x43: {  	v3 =	vadd.s32 v1, v3;
	_ =	sdelay $0x4  }
0x44: {  	[tilespmem:s17], [sflag:$0x1] =	stream.indirect_vreg.gather [hbm4b:s4+s2], $0x80, v3, vm0, $0xb8;
	[tilespmem:$0x14200] =	vst v63  }
0x45: {  	v3 =	vld [tilespmem:$0x100];
	_ =	sdelay $0x4  }
0x46: {  	v61 =	vshll.u32 v3, $0x1  }
0x47: {  	v3 =	vand.u32 $0x7, v3;
	v4 =	vand.u32 $0xFFFFFFF0, v61  }
0x48: {  	v3 =	vor.u32 v3, v4  }
0x49: {  	v4 =	vperm.xlane v3, v0;
	_ =	sdelay $0x1  }
0x4a: {  	v3 =	vperm.xlane v3, v2;
	v4 =	vadd.s32 v1, v4;
	_ =	sdelay $0x1  }
0x4b: {  	v3 =	vadd.s32 v1, v3;
	_ =	sdelay $0x2  }
0x4c: {  	[tilespmem:s18], [sflag:$0x1] =	stream.indirect_vreg.gather [hbm4b:s4+s2], $0x80, v4, vm0, $0xb8;
	[tilespmem:$0x14200] =	vst v63  }
0x4d: {  	_ = 	snop  }
0x4e: {  	[tilespmem:s19], [sflag:$0x1] =	stream.indirect_vreg.gather [hbm4b:s4+s2], $0x80, v3, vm0, $0xb8;
	[tilespmem:$0x14200] =	vst v63  }
0x4f: {  	v3 =	vld [tilespmem:$0x110];
	_ =	sdelay $0x4  }
0x50: {  	v62 =	vshll.u32 v3, $0x1  }
0x51: {  	v3 =	vand.u32 $0x7, v3;
	v4 =	vand.u32 $0xFFFFFFF0, v62  }
0x52: {  	v3 =	vor.u32 v3, v4  }
0x53: {  	v4 =	vperm.xlane v3, v0;
	_ =	sdelay $0x1  }
0x54: {  	v3 =	vperm.xlane v3, v2;
	v4 =	vadd.s32 v1, v4;
	_ =	sdelay $0x1  }
0x55: {  	v3 =	vadd.s32 v1, v3;
	_ =	sdelay $0x2  }
0x56: {  	[tilespmem:s20], [sflag:$0x1] =	stream.indirect_vreg.gather [hbm4b:s4+s2], $0x80, v4, vm0, $0xb8;
	[tilespmem:$0x14200] =	vst v63  }
0x57: {  	_ = 	snop  }
0x58: {  	[tilespmem:s21], [sflag:$0x1] =	stream.indirect_vreg.gather [hbm4b:s4+s2], $0x80, v3, vm0, $0xb8;
	[tilespmem:$0x14200] =	vst v63  }
0x59: {  	v3 =	vld.msk [tilespmem:$0x120], $0xff;
	_ =	sdelay $0x4  }
0x5a: {  	v63 =	vshll.u32 v3, $0x1  }
0x5b: {  	v3 =	vand.u32 $0x7, v3;
	v4 =	vand.u32 $0xFFFFFFF0, v63  }
0x5c: {  	v3 =	vor.u32 v3, v4  }
0x5d: {  	v3 =	vperm.xlane v3, v0;
	_ =	sdelay $0x1  }
0x5e: {  	v3 =	vadd.s32 v1, v3  }
0x5f: {  	s31 =	sor.u32 $0x20, s5  }
0x60: {  	p0 =	sgt.u32 s31, $0xF9F  }
.Ltmp4:
0x61: {  	_ = 	snop;
	(pc) =	sbr.rel @p0 .LBB2_4-.Ltmp4, $4  }
0x62: {  	s0 =	smul.u32 $0xA00, s5  }
0x63: {  	[tilespmem:s22], [sflag:$0x1] =	stream.indirect_vreg.gather [hbm4b:s4+s2], $0x80, v3, vm0, $0xb8;
	[tilespmem:$0x14200] =	vst v63  }
0x64: {  	s28 =	sadd.s32 s6, s0  }
0x65: {  	[tilespmem:s23], [sflag:$0x1] =	stream.linear.gather [hbm4b:s28+s2], $0x5000, $0x38;
	[tilespmem:$0x14200] =	vst v63  }
0x66: {  	s5 =	smul.u32 $0x5, s31;
	_ =	sdelay $0x1  }
0x67: {  	s11 =	simm.s32 $0x80;
	s10 =	sadd.s32 s7, s5  }
0x68: {  	[tilespmem:s11], [sflag:$0x2] =	stream.linear.gather [hbm4b:s10+s2], $0x28, $0x38;
	[tilespmem:$0x14200] =	vst v63  }
0x69: {  	s25 =	simm.s32 $0x180;
	s5 =	sadd.s32 s8, s5  }
0x6a: {  	[tilespmem:s25], [sflag:$0x2] =	stream.linear.gather [hbm4b:s5+s2], $0x28, $0x38;
	[tilespmem:$0x14200] =	vst v63  }
0x6b: {  	_ =	swait.ge [sflag:s26], $0x28  }
0x6c: {  	[sflag:s26] =	ssyncset.done $0x0  }
0x6d: {  	[sflag:s26] =	ssyncadd.s32 $0xFFFFFFD8  }
0x6e: {  	_ =	swait.ge [sflag:s26], $0x28  }
0x6f: {  	[sflag:s26] =	ssyncset.done $0x0  }
0x70: {  	[sflag:s26] =	ssyncadd.s32 $0xFFFFFFD8  }
0x71: {  	v3 =	vld [tilespmem:$0x80];
	_ =	sdelay $0x4  }
0x72: {  	v4 =	vshll.u32 v3, $0x1  }
0x73: {  	v3 =	vand.u32 $0x7, v3;
	v4 =	vand.u32 $0xFFFFFFF0, v4  }
0x74: {  	v3 =	vor.u32 v3, v4  }
0x75: {  	v4 =	vperm.xlane v3, v0;
	_ =	sdelay $0x1  }
0x76: {  	v3 =	vperm.xlane v3, v2;
	v4 =	vadd.s32 v1, v4;
	_ =	sdelay $0x1  }
0x77: {  	v3 =	vadd.s32 v1, v3;
	_ =	sdelay $0x1  }
0x78: {  	s28 =	simm.s32 $0x2A00  }
0x79: {  	[tilespmem:s28], [sflag:$0x2] =	stream.indirect_vreg.gather [hbm4b:s4+s2], $0x80, v4, vm0, $0xb8;
	[tilespmem:$0x14200] =	vst v63  }
0x7a: {  	s10 =	simm.s32 $0x3200  }
0x7b: {  	[tilespmem:s10], [sflag:$0x2] =	stream.indirect_vreg.gather [hbm4b:s4+s2], $0x80, v3, vm0, $0xb8;
	[tilespmem:$0x14200] =	vst v63  }
0x7c: {  	v3 =	vld [tilespmem:$0x90];
	_ =	sdelay $0x4  }
0x7d: {  	v59 =	vshll.u32 v3, $0x1  }
0x7e: {  	v3 =	vand.u32 $0x7, v3;
	v4 =	vand.u32 $0xFFFFFFF0, v59  }
0x7f: {  	v3 =	vor.u32 v3, v4  }
0x80: {  	v4 =	vperm.xlane v3, v0;
	_ =	sdelay $0x1  }
0x81: {  	v3 =	vperm.xlane v3, v2;
	v4 =	vadd.s32 v1, v4;
	_ =	sdelay $0x1  }
0x82: {  	v3 =	vadd.s32 v1, v3;
	_ =	sdelay $0x1  }
0x83: {  	s11 =	simm.s32 $0x3A00  }
0x84: {  	[tilespmem:s11], [sflag:$0x2] =	stream.indirect_vreg.gather [hbm4b:s4+s2], $0x80, v4, vm0, $0xb8;
	[tilespmem:$0x14200] =	vst v63  }
0x85: {  	s24 =	simm.s32 $0x4200  }
0x86: {  	[tilespmem:s24], [sflag:$0x2] =	stream.indirect_vreg.gather [hbm4b:s4+s2], $0x80, v3, vm0, $0xb8;
	[tilespmem:$0x14200] =	vst v63  }
0x87: {  	v3 =	vld.msk [tilespmem:$0xA0], $0xff;
	_ =	sdelay $0x4  }
0x88: {  	v60 =	vshll.u32 v3, $0x1  }
0x89: {  	v3 =	vand.u32 $0x7, v3;
	v4 =	vand.u32 $0xFFFFFFF0, v60  }
0x8a: {  	v3 =	vor.u32 v3, v4  }
0x8b: {  	v3 =	vperm.xlane v3, v0;
	_ =	sdelay $0x1  }
0x8c: {  	v3 =	vadd.s32 v1, v3;
	_ =	sdelay $0x3  }
0x8d: {  	s25 =	simm.s32 $0x4A00  }
0x8e: {  	[tilespmem:s25], [sflag:$0x2] =	stream.indirect_vreg.gather [hbm4b:s4+s2], $0x80, v3, vm0, $0xb8;
	[tilespmem:$0x14200] =	vst v63  }
0x8f: {  	v3 =	vld [tilespmem:$0x180];
	_ =	sdelay $0x4  }
0x90: {  	v61 =	vshll.u32 v3, $0x1  }
0x91: {  	v3 =	vand.u32 $0x7, v3;
	v4 =	vand.u32 $0xFFFFFFF0, v61  }
0x92: {  	v3 =	vor.u32 v3, v4  }
0x93: {  	v4 =	vperm.xlane v3, v0;
	_ =	sdelay $0x1  }
0x94: {  	v3 =	vperm.xlane v3, v2;
	v4 =	vadd.s32 v1, v4;
	_ =	sdelay $0x1  }
0x95: {  	v3 =	vadd.s32 v1, v3;
	_ =	sdelay $0x1  }
0x96: {  	s28 =	simm.s32 $0x7A00  }
0x97: {  	[tilespmem:s28], [sflag:$0x2] =	stream.indirect_vreg.gather [hbm4b:s4+s2], $0x80, v4, vm0, $0xb8;
	[tilespmem:$0x14200] =	vst v63  }
0x98: {  	s10 =	simm.s32 $0x8200  }
0x99: {  	[tilespmem:s10], [sflag:$0x2] =	stream.indirect_vreg.gather [hbm4b:s4+s2], $0x80, v3, vm0, $0xb8;
	[tilespmem:$0x14200] =	vst v63  }
0x9a: {  	v3 =	vld [tilespmem:$0x190];
	_ =	sdelay $0x4  }
0x9b: {  	v62 =	vshll.u32 v3, $0x1  }
0x9c: {  	v3 =	vand.u32 $0x7, v3;
	v4 =	vand.u32 $0xFFFFFFF0, v62  }
0x9d: {  	v3 =	vor.u32 v3, v4  }
0x9e: {  	v4 =	vperm.xlane v3, v0;
	_ =	sdelay $0x1  }
0x9f: {  	v3 =	vperm.xlane v3, v2;
	v4 =	vadd.s32 v1, v4;
	_ =	sdelay $0x1  }
0xa0: {  	v3 =	vadd.s32 v1, v3;
	_ =	sdelay $0x1  }
0xa1: {  	s11 =	simm.s32 $0x8A00  }
0xa2: {  	[tilespmem:s11], [sflag:$0x2] =	stream.indirect_vreg.gather [hbm4b:s4+s2], $0x80, v4, vm0, $0xb8;
	[tilespmem:$0x14200] =	vst v63  }
0xa3: {  	s24 =	simm.s32 $0x9200  }
0xa4: {  	[tilespmem:s24], [sflag:$0x2] =	stream.indirect_vreg.gather [hbm4b:s4+s2], $0x80, v3, vm0, $0xb8;
	[tilespmem:$0x14200] =	vst v63  }
0xa5: {  	v3 =	vld.msk [tilespmem:$0x1A0], $0xff;
	_ =	sdelay $0x4  }
0xa6: {  	v63 =	vshll.u32 v3, $0x1  }
0xa7: {  	v3 =	vand.u32 $0x7, v3;
	v4 =	vand.u32 $0xFFFFFFF0, v63  }
0xa8: {  	v3 =	vor.u32 v3, v4  }
0xa9: {  	v3 =	vperm.xlane v3, v0;
	_ =	sdelay $0x1  }
0xaa: {  	v3 =	vadd.s32 v1, v3;
	_ =	sdelay $0x3  }
0xab: {  	s25 =	smul.u32 $0xA00, s31;
	s28 =	simm.s32 $0x9A00  }
0xac: {  	[tilespmem:s28], [sflag:$0x2] =	stream.indirect_vreg.gather [hbm4b:s4+s2], $0x80, v3, vm0, $0xb8;
	[tilespmem:$0x14200] =	vst v63  }
0xad: {  	s5 =	sadd.s32 s6, s25  }
0xae: {  	[tilespmem:s29], [sflag:$0x2] =	stream.linear.gather [hbm4b:s5+s2], $0x5000, $0x38;
	[tilespmem:$0x14200] =	vst v63  }
.LBB2_4:
0xaf: {  	_ =	swait.ge [sflag:s12], $0x2800  }
0xb0: {  	[sflag:s12] =	ssyncset.done $0x0  }
0xb1: {  	[sflag:s12] =	ssyncadd.s32 $0xFFFFD800  }
0xb2: {  	_ =	swait.ge [sflag:s12], $0x2800  }
0xb3: {  	[sflag:s12] =	ssyncset.done $0x0  }
0xb4: {  	[sflag:s12] =	ssyncadd.s32 $0xFFFFD800  }
0xb5: {  	_ =	swait.ge [sflag:s12], $0x5000  }
0xb6: {  	s10 =	simm.s32 $0x0;
	s24 =	simm.s32 $0xA300;
	[sflag:s12] =	ssyncset.done $0x0  }
0xb7: {  	s5 =	sand.u32 $0x3800, s10;
	s11 =	sand.u32 $0x380, s10;
	[sflag:s12] =	ssyncadd.s32 $0xFFFFB000  }
0xb8: {  	s5 =	sor.u32 s11, s5;
	v3 =	vld [tilespmem:s24+$0x0]  }
0xb9: {  	v4 =	vld [tilespmem:s5+$0x5200]  }
0xba: {  	v5 =	vld [tilespmem:s5+$0x600]  }
0xbb: {  	v6 =	vld [tilespmem:s5+$0x5600]  }
0xbc: {  	v7 =	vld [tilespmem:s5+$0x200]  }
0xbd: {  	v8 =	vld [tilespmem:s24+$0x80]  }
0xbe: {  	v9 =	vld [tilespmem:s24+$0xFFFFFF00]  }
0xbf: {  	v10 =	vld [tilespmem:s24+$0xFFFFFF80];
	v11 =	vadd.f32 v4, v5  }
0xc0: {  	v5 =	vadd.f32 v6, v5  }
0xc1: {  	v4 =	vadd.f32 v4, v7;
	v11 =	vadd.f32 v3, v11  }
0xc2: {  	v6 =	vadd.f32 v6, v7;
	v5 =	vadd.f32 v8, v5  }
0xc3: {  	v4 =	vadd.f32 v9, v4;
	[tilespmem:s24+$0x0] =	vst v11  }
0xc4: {  	v6 =	vadd.f32 v10, v6;
	[tilespmem:s24+$0x80] =	vst v5  }
0xc5: {  	[tilespmem:s24+$0xFFFFFF00] =	vst v4  }
0xc6: {  	[tilespmem:s24+$0xFFFFFF80] =	vst v6  }
0xc7: {  	v4 =	vld [tilespmem:s5+$0x210]  }
0xc8: {  	v5 =	vld [tilespmem:s5+$0x610]  }
0xc9: {  	v6 =	vld [tilespmem:s5+$0x5610]  }
0xca: {  	v7 =	vld [tilespmem:s5+$0x5210]  }
0xcb: {  	v8 =	vld [tilespmem:s24+$0x90]  }
0xcc: {  	v9 =	vld [tilespmem:s24+$0xFFFFFF10]  }
0xcd: {  	v10 =	vld [tilespmem:s24+$0x10]  }
0xce: {  	v11 =	vld [tilespmem:s24+$0xFFFFFF90];
	v12 =	vadd.f32 v6, v5  }
0xcf: {  	v13 =	vadd.f32 v7, v4  }
0xd0: {  	v5 =	vadd.f32 v7, v5;
	v7 =	vadd.f32 v8, v12  }
0xd1: {  	v4 =	vadd.f32 v6, v4;
	v6 =	vadd.f32 v9, v13  }
0xd2: {  	v5 =	vadd.f32 v10, v5;
	[tilespmem:s24+$0x90] =	vst v7  }
0xd3: {  	v4 =	vadd.f32 v11, v4;
	[tilespmem:s24+$0xFFFFFF10] =	vst v6  }
0xd4: {  	[tilespmem:s24+$0x10] =	vst v5  }
0xd5: {  	v8 =	vld [tilespmem:s24+$0xFFFFFF20];
	[tilespmem:s24+$0xFFFFFF90] =	vst v4  }
0xd6: {  	v4 =	vld [tilespmem:s5+$0x220]  }
0xd7: {  	v6 =	vld [tilespmem:s5+$0x5220]  }
0xd8: {  	v5 =	vld [tilespmem:s5+$0x620]  }
0xd9: {  	v7 =	vld [tilespmem:s5+$0x5620]  }
0xda: {  	v9 =	vld [tilespmem:s24+$0x20]  }
0xdb: {  	v10 =	vld [tilespmem:s24+$0xA0]  }
0xdc: {  	v11 =	vld [tilespmem:s24+$0xFFFFFFA0];
	v59 =	vadd.f32 v6, v4  }
0xdd: {  	v6 =	vadd.f32 v6, v5  }
0xde: {  	v5 =	vadd.f32 v7, v5;
	v8 =	vadd.f32 v8, v59  }
0xdf: {  	v7 =	vadd.f32 v7, v4;
	v6 =	vadd.f32 v9, v6  }
0xe0: {  	v5 =	vadd.f32 v10, v5;
	[tilespmem:s24+$0xFFFFFF20] =	vst v8  }
0xe1: {  	v7 =	vadd.f32 v11, v7;
	[tilespmem:s24+$0x20] =	vst v6  }
0xe2: {  	[tilespmem:s24+$0xA0] =	vst v5  }
0xe3: {  	v10 =	vld [tilespmem:s24+$0x30];
	[tilespmem:s24+$0xFFFFFFA0] =	vst v7  }
0xe4: {  	v6 =	vld [tilespmem:s5+$0x5230]  }
0xe5: {  	v7 =	vld [tilespmem:s5+$0x630]  }
0xe6: {  	v9 =	vld [tilespmem:s5+$0x230]  }
0xe7: {  	v8 =	vld [tilespmem:s5+$0x5630]  }
0xe8: {  	v11 =	vld [tilespmem:s24+$0xFFFFFF30]  }
0xe9: {  	v5 =	vld [tilespmem:s24+$0xFFFFFFB0]  }
0xea: {  	v60 =	vld [tilespmem:s24+$0xB0];
	v61 =	vadd.f32 v6, v7  }
0xeb: {  	v6 =	vadd.f32 v6, v9  }
0xec: {  	v9 =	vadd.f32 v8, v9;
	v10 =	vadd.f32 v10, v61  }
0xed: {  	v7 =	vadd.f32 v8, v7;
	v6 =	vadd.f32 v11, v6  }
0xee: {  	v5 =	vadd.f32 v5, v9;
	[tilespmem:s24+$0x30] =	vst v10  }
0xef: {  	v7 =	vadd.f32 v60, v7;
	[tilespmem:s24+$0xFFFFFF30] =	vst v6  }
0xf0: {  	[tilespmem:s24+$0xFFFFFFB0] =	vst v5  }
0xf1: {  	[tilespmem:s24+$0xB0] =	vst v7;
	v10 =	vld [tilespmem:s24+$0xFFFFFF40]  }
0xf2: {  	v6 =	vld [tilespmem:s5+$0x240]  }
0xf3: {  	v7 =	vld [tilespmem:s5+$0x5240]  }
0xf4: {  	v8 =	vld [tilespmem:s5+$0x5640]  }
0xf5: {  	v9 =	vld [tilespmem:s5+$0x640]  }
0xf6: {  	v11 =	vld [tilespmem:s24+$0xFFFFFFC0]  }
0xf7: {  	v62 =	vld [tilespmem:s24+$0x40]  }
0xf8: {  	v5 =	vld [tilespmem:s24+$0xC0];
	v63 =	vadd.f32 v7, v6  }
0xf9: {  	v6 =	vadd.f32 v8, v6  }
0xfa: {  	v7 =	vadd.f32 v7, v9;
	v10 =	vadd.f32 v10, v63  }
0xfb: {  	v8 =	vadd.f32 v8, v9;
	v6 =	vadd.f32 v11, v6  }
0xfc: {  	v7 =	vadd.f32 v62, v7;
	[tilespmem:s24+$0xFFFFFF40] =	vst v10  }
0xfd: {  	v3 =	vld [tilespmem:s24+$0xFFFFFFD0];
	v5 =	vadd.f32 v5, v8;
	[tilespmem:s24+$0xFFFFFFC0] =	vst v6  }
0xfe: {  	v4 =	vld [tilespmem:s24+$0xD0];
	[tilespmem:s24+$0x40] =	vst v7  }
0xff: {  	v9 =	vld [tilespmem:s24+$0x50];
	[tilespmem:s24+$0xC0] =	vst v5  }
0x100: {  	v6 =	vld [tilespmem:s5+$0x250]  }
0x101: {  	v7 =	vld [tilespmem:s5+$0x650]  }
0x102: {  	v10 =	vld [tilespmem:s5+$0x5250]  }
0x103: {  	v8 =	vld [tilespmem:s5+$0x5650]  }
0x104: {  	s28 =	simm.s32 $0x100;
	s25 =	simm.s32 $0xA300;
	v5 =	vld [tilespmem:s24+$0xFFFFFF50]  }
.LBB2_5:
0x105: {  	p1 =	sne.s32 s28, $0x2700;
	s10 =	sadd.s32 $0x80, s10;
	s24 =	sadd.s32 $0x200, s24  }
0x106: {  	s11 =	smov.u32 s28;
	s28 =	sadd.s32 $0x100, s28  }
0x107: {  	v11 =	vadd.f32 v10, v6;
	v10 =	vadd.f32 v10, v7  }
0x108: {  	v6 =	vadd.f32 v8, v6;
	v7 =	vadd.f32 v8, v7  }
0x109: {  	v5 =	vadd.f32 v5, v11;
	v8 =	vadd.f32 v9, v10  }
0x10a: {  	v3 =	vadd.f32 v3, v6;
	v4 =	vadd.f32 v4, v7  }
0x10b: {  	[tilespmem:s25+$0xFFFFFF50] =	vst v5;
	v5 =	vld [tilespmem:s25+$0xFFFFFF60]  }
0x10c: {  	[tilespmem:s25+$0x50] =	vst v8;
	v6 =	vld [tilespmem:s25+$0xE0]  }
0x10d: {  	[tilespmem:s25+$0xD0] =	vst v4;
	v7 =	vld [tilespmem:s25+$0x60]  }
0x10e: {  	v4 =	vld [tilespmem:s24+$0xD0];
	[tilespmem:s25+$0xFFFFFFD0] =	vst v3  }
0x10f: {  	v8 =	vld [tilespmem:s5+$0x5260]  }
0x110: {  	v9 =	vld [tilespmem:s5+$0x260]  }
0x111: {  	v10 =	vld [tilespmem:s5+$0x660]  }
0x112: {  	v11 =	vld [tilespmem:s5+$0x5660]  }
0x113: {  	v3 =	vld [tilespmem:s24+$0xFFFFFFD0]  }
0x114: {  	v12 =	vld [tilespmem:s25+$0xFFFFFFE0]  }
0x115: {  	v13 =	vadd.f32 v8, v9  }
0x116: {  	v8 =	vadd.f32 v8, v10  }
0x117: {  	v9 =	vadd.f32 v11, v9;
	v10 =	vadd.f32 v11, v10  }
0x118: {  	v5 =	vadd.f32 v5, v13;
	v7 =	vadd.f32 v7, v8  }
0x119: {  	v8 =	vadd.f32 v12, v9;
	v6 =	vadd.f32 v6, v10  }
0x11a: {  	[tilespmem:s25+$0xFFFFFF60] =	vst v5  }
0x11b: {  	[tilespmem:s25+$0x60] =	vst v7  }
0x11c: {  	[tilespmem:s25+$0xE0] =	vst v6  }
0x11d: {  	[tilespmem:s25+$0xFFFFFFE0] =	vst v8;
	v5 =	vld [tilespmem:s25+$0xFFFFFFF0]  }
0x11e: {  	v6 =	vld [tilespmem:s5+$0x670]  }
0x11f: {  	v7 =	vld [tilespmem:s5+$0x270]  }
0x120: {  	v8 =	vld [tilespmem:s5+$0x5270]  }
0x121: {  	v9 =	vld [tilespmem:s5+$0x5670]  }
0x122: {  	v10 =	vld [tilespmem:s25+$0xFFFFFF70]  }
0x123: {  	v11 =	vld [tilespmem:s25+$0x70]  }
0x124: {  	v12 =	vld [tilespmem:s25+$0xF0]  }
0x125: {  	v13 =	vadd.f32 v8, v7  }
0x126: {  	v8 =	vadd.f32 v8, v6;
	v7 =	vadd.f32 v9, v7  }
0x127: {  	v6 =	vadd.f32 v9, v6;
	v10 =	vadd.f32 v10, v13  }
0x128: {  	v5 =	vadd.f32 v5, v7;
	v7 =	vadd.f32 v11, v8  }
0x129: {  	[tilespmem:s25+$0xFFFFFF70] =	vst v10;
	v6 =	vadd.f32 v12, v6  }
0x12a: {  	[tilespmem:s25+$0xFFFFFFF0] =	vst v5  }
0x12b: {  	s5 =	sand.u32 $0x3800, s11;
	s11 =	sand.u32 $0x380, s10;
	[tilespmem:s25+$0xF0] =	vst v6  }
0x12c: {  	s5 =	sor.u32 s11, s5;
	v5 =	vld [tilespmem:s24+$0x0];
	[tilespmem:s25+$0x70] =	vst v7;
	s25 =	smov.u32 s24  }
0x12d: {  	v6 =	vld [tilespmem:s5+$0x5200]  }
0x12e: {  	v7 =	vld [tilespmem:s5+$0x600]  }
0x12f: {  	v8 =	vld [tilespmem:s5+$0x5600]  }
0x130: {  	v9 =	vld [tilespmem:s5+$0x200]  }
0x131: {  	v10 =	vld [tilespmem:s24+$0x80]  }
0x132: {  	v11 =	vld [tilespmem:s24+$0xFFFFFF00]  }
0x133: {  	v12 =	vld [tilespmem:s24+$0xFFFFFF80];
	v13 =	vadd.f32 v6, v7  }
0x134: {  	v7 =	vadd.f32 v8, v7  }
0x135: {  	v6 =	vadd.f32 v6, v9;
	v5 =	vadd.f32 v5, v13  }
0x136: {  	v8 =	vadd.f32 v8, v9;
	v7 =	vadd.f32 v10, v7  }
0x137: {  	v6 =	vadd.f32 v11, v6;
	[tilespmem:s24+$0x0] =	vst v5  }
0x138: {  	v5 =	vadd.f32 v12, v8;
	[tilespmem:s24+$0x80] =	vst v7  }
0x139: {  	[tilespmem:s24+$0xFFFFFF00] =	vst v6;
	v6 =	vld [tilespmem:s24+$0x10]  }
0x13a: {  	[tilespmem:s24+$0xFFFFFF80] =	vst v5;
	v5 =	vld [tilespmem:s24+$0x90]  }
0x13b: {  	v7 =	vld [tilespmem:s5+$0x210]  }
0x13c: {  	v8 =	vld [tilespmem:s5+$0x610]  }
0x13d: {  	v9 =	vld [tilespmem:s5+$0x5610]  }
0x13e: {  	v10 =	vld [tilespmem:s5+$0x5210]  }
0x13f: {  	v11 =	vld [tilespmem:s24+$0xFFFFFF90]  }
0x140: {  	v12 =	vld [tilespmem:s24+$0xFFFFFF10];
	_ =	sdelay $0x1  }
0x141: {  	v13 =	vadd.f32 v9, v7;
	v9 =	vadd.f32 v9, v8  }
0x142: {  	v7 =	vadd.f32 v10, v7;
	v8 =	vadd.f32 v10, v8  }
0x143: {  	v10 =	vadd.f32 v11, v13;
	v5 =	vadd.f32 v5, v9  }
0x144: {  	v7 =	vadd.f32 v12, v7;
	v6 =	vadd.f32 v6, v8  }
0x145: {  	[tilespmem:s24+$0x90] =	vst v5  }
0x146: {  	[tilespmem:s24+$0xFFFFFF10] =	vst v7  }
0x147: {  	[tilespmem:s24+$0x10] =	vst v6;
	v5 =	vld [tilespmem:s24+$0xA0]  }
0x148: {  	[tilespmem:s24+$0xFFFFFF90] =	vst v10;
	v6 =	vld [tilespmem:s24+$0x20]  }
0x149: {  	v7 =	vld [tilespmem:s5+$0x220]  }
0x14a: {  	v8 =	vld [tilespmem:s5+$0x620]  }
0x14b: {  	v9 =	vld [tilespmem:s5+$0x5220]  }
0x14c: {  	v10 =	vld [tilespmem:s5+$0x5620]  }
0x14d: {  	v11 =	vld [tilespmem:s24+$0xFFFFFF20]  }
0x14e: {  	v12 =	vld [tilespmem:s24+$0xFFFFFFA0];
	_ =	sdelay $0x1  }
0x14f: {  	v13 =	vadd.f32 v9, v7;
	v9 =	vadd.f32 v9, v8  }
0x150: {  	v7 =	vadd.f32 v10, v7;
	v8 =	vadd.f32 v10, v8  }
0x151: {  	v10 =	vadd.f32 v11, v13;
	v6 =	vadd.f32 v6, v9  }
0x152: {  	v7 =	vadd.f32 v12, v7;
	v5 =	vadd.f32 v5, v8  }
0x153: {  	[tilespmem:s24+$0xFFFFFF20] =	vst v10  }
0x154: {  	[tilespmem:s24+$0x20] =	vst v6  }
0x155: {  	[tilespmem:s24+$0xA0] =	vst v5;
	v5 =	vld [tilespmem:s24+$0xFFFFFFB0]  }
0x156: {  	[tilespmem:s24+$0xFFFFFFA0] =	vst v7;
	v6 =	vld [tilespmem:s24+$0xB0]  }
0x157: {  	v7 =	vld [tilespmem:s5+$0x5230]  }
0x158: {  	v8 =	vld [tilespmem:s5+$0x630]  }
0x159: {  	v9 =	vld [tilespmem:s5+$0x5630]  }
0x15a: {  	v10 =	vld [tilespmem:s5+$0x230]  }
0x15b: {  	v11 =	vld [tilespmem:s24+$0x30]  }
0x15c: {  	v12 =	vld [tilespmem:s24+$0xFFFFFF30]  }
0x15d: {  	v13 =	vadd.f32 v7, v8  }
0x15e: {  	v8 =	vadd.f32 v9, v8  }
0x15f: {  	v7 =	vadd.f32 v7, v10;
	v9 =	vadd.f32 v9, v10  }
0x160: {  	v10 =	vadd.f32 v11, v13;
	v6 =	vadd.f32 v6, v8  }
0x161: {  	v7 =	vadd.f32 v12, v7;
	v5 =	vadd.f32 v5, v9  }
0x162: {  	[tilespmem:s24+$0x30] =	vst v10  }
0x163: {  	[tilespmem:s24+$0xFFFFFF30] =	vst v7  }
0x164: {  	[tilespmem:s24+$0xFFFFFFB0] =	vst v5;
	v5 =	vld [tilespmem:s24+$0xC0]  }
0x165: {  	[tilespmem:s24+$0xB0] =	vst v6;
	v6 =	vld [tilespmem:s24+$0xFFFFFFC0]  }
0x166: {  	v7 =	vld [tilespmem:s5+$0x240]  }
0x167: {  	v8 =	vld [tilespmem:s5+$0x5240]  }
0x168: {  	v9 =	vld [tilespmem:s5+$0x5640]  }
0x169: {  	v10 =	vld [tilespmem:s5+$0x640]  }
0x16a: {  	v11 =	vld [tilespmem:s24+$0xFFFFFF40]  }
0x16b: {  	v12 =	vld [tilespmem:s24+$0x40];
	_ =	sdelay $0x1  }
0x16c: {  	v13 =	vadd.f32 v8, v7;
	v7 =	vadd.f32 v9, v7  }
0x16d: {  	v8 =	vadd.f32 v8, v10;
	v9 =	vadd.f32 v9, v10  }
0x16e: {  	v10 =	vadd.f32 v11, v13;
	v6 =	vadd.f32 v6, v7  }
0x16f: {  	v7 =	vadd.f32 v12, v8;
	v5 =	vadd.f32 v5, v9  }
0x170: {  	[tilespmem:s24+$0xFFFFFF40] =	vst v10  }
0x171: {  	[tilespmem:s24+$0xFFFFFFC0] =	vst v6  }
0x172: {  	[tilespmem:s24+$0x40] =	vst v7  }
0x173: {  	[tilespmem:s24+$0xC0] =	vst v5;
	v5 =	vld [tilespmem:s24+$0xFFFFFF50]  }
.Ltmp5:
0x174: {  	v6 =	vld [tilespmem:s5+$0x250];
	(pc) =	sbr.rel @p1 .LBB2_5-.Ltmp5, $4  }
0x175: {  	v7 =	vld [tilespmem:s5+$0x650]  }
0x176: {  	v10 =	vld [tilespmem:s5+$0x5250]  }
0x177: {  	v8 =	vld [tilespmem:s5+$0x5650]  }
0x178: {  	v9 =	vld [tilespmem:s24+$0x50]  }
0x179: {  	_ =	sdelay $0x1  }
0x17a: {  	v11 =	vadd.f32 v10, v6  }
0x17b: {  	v45 =	vadd.f32 v10, v7  }
0x17c: {  	v46 =	vadd.f32 v8, v7;
	v5 =	vadd.f32 v5, v11  }
0x17d: {  	v47 =	vadd.f32 v8, v6;
	v48 =	vadd.f32 v9, v45  }
0x17e: {  	v4 =	vadd.f32 v4, v46;
	[tilespmem:s25+$0xFFFFFF50] =	vst v5  }
0x17f: {  	v3 =	vadd.f32 v3, v47;
	[tilespmem:s25+$0x50] =	vst v48  }
0x180: {  	[tilespmem:s25+$0xD0] =	vst v4  }
0x181: {  	v50 =	vld [tilespmem:s25+$0xFFFFFF60];
	[tilespmem:s25+$0xFFFFFFD0] =	vst v3  }
0x182: {  	v3 =	vld [tilespmem:s5+$0x5260]  }
0x183: {  	v51 =	vld [tilespmem:s5+$0x260]  }
0x184: {  	v52 =	vld [tilespmem:s5+$0x660]  }
0x185: {  	v8 =	vld [tilespmem:s5+$0x5660]  }
0x186: {  	v53 =	vld [tilespmem:s25+$0x60]  }
0x187: {  	v49 =	vld [tilespmem:s25+$0xE0]  }
0x188: {  	v54 =	vld [tilespmem:s25+$0xFFFFFFE0];
	v55 =	vadd.f32 v3, v51  }
0x189: {  	v3 =	vadd.f32 v3, v52  }
0x18a: {  	v7 =	vadd.f32 v8, v52;
	v4 =	vadd.f32 v50, v55  }
0x18b: {  	v6 =	vadd.f32 v8, v51;
	v3 =	vadd.f32 v53, v3  }
0x18c: {  	v5 =	vadd.f32 v49, v7;
	[tilespmem:s25+$0xFFFFFF60] =	vst v4  }
0x18d: {  	v56 =	vadd.f32 v54, v6;
	[tilespmem:s25+$0x60] =	vst v3  }
0x18e: {  	[tilespmem:s25+$0xE0] =	vst v5  }
0x18f: {  	v58 =	vld [tilespmem:s25+$0xFFFFFF70];
	[tilespmem:s25+$0xFFFFFFE0] =	vst v56  }
0x190: {  	v4 =	vld [tilespmem:s5+$0x270]  }
0x191: {  	v5 =	vld [tilespmem:s5+$0x5270]  }
0x192: {  	v57 =	vld [tilespmem:s5+$0x5670]  }
0x193: {  	v3 =	vld [tilespmem:s5+$0x670]  }
0x194: {  	v59 =	vld [tilespmem:s25+$0xFFFFFFF0]  }
0x195: {  	v60 =	vld [tilespmem:s25+$0xF0]  }
0x196: {  	v61 =	vld [tilespmem:s25+$0x70];
	v62 =	vadd.f32 v5, v4  }
0x197: {  	v4 =	vadd.f32 v57, v4  }
0x198: {  	v6 =	vadd.f32 v57, v3;
	v7 =	vadd.f32 v58, v62  }
0x199: {  	v3 =	vadd.f32 v5, v3;
	v4 =	vadd.f32 v59, v4  }
.Ltmp6:
0x19a: {  	v63 =	vadd.f32 v60, v6;
	[tilespmem:s25+$0xFFFFFF70] =	vst v7;
	(pc) =	sbr.rel @p0 .LBB2_10-.Ltmp6, $4  }
0x19b: {  	v3 =	vadd.f32 v61, v3;
	[tilespmem:s25+$0xFFFFFFF0] =	vst v4  }
0x19c: {  	[tilespmem:s25+$0xF0] =	vst v63  }
0x19d: {  	s0 =	sadd.s32 s1, s0;
	[tilespmem:s25+$0x70] =	vst v3  }
0x19e: {  	[hbm4b:s0+s2] =	stream.linear.scatter [tilespmem:s23], [sflag:$0x1], $0x5000, $0x38;
	[tilespmem:$0x14200] =	vst v63  }
0x19f: {  	_ =	swait.ge [sflag:s26], $0x2800  }
0x1a0: {  	[sflag:s26] =	ssyncset.done $0x0  }
0x1a1: {  	[sflag:s26] =	ssyncadd.s32 $0xFFFFD800  }
0x1a2: {  	_ =	swait.ge [sflag:s26], $0x2800  }
0x1a3: {  	[sflag:s26] =	ssyncset.done $0x0  }
0x1a4: {  	[sflag:s26] =	ssyncadd.s32 $0xFFFFD800  }
0x1a5: {  	_ =	swait.ge [sflag:s26], $0x5000  }
0x1a6: {  	s5 =	simm.s32 $0x0;
	s10 =	simm.s32 $0xF300;
	[sflag:s26] =	ssyncset.done $0x0  }
0x1a7: {  	s0 =	sand.u32 $0x3800, s5;
	s11 =	sand.u32 $0x380, s5;
	[sflag:s26] =	ssyncadd.s32 $0xFFFFB000  }
0x1a8: {  	s0 =	sor.u32 s11, s0;
	v3 =	vld [tilespmem:s10+$0x0]  }
0x1a9: {  	v4 =	vld [tilespmem:s0+$0x7A00]  }
0x1aa: {  	v5 =	vld [tilespmem:s0+$0x2E00]  }
0x1ab: {  	v6 =	vld [tilespmem:s0+$0x7E00]  }
0x1ac: {  	v7 =	vld [tilespmem:s0+$0x2A00]  }
0x1ad: {  	v8 =	vld [tilespmem:s10+$0x80]  }
0x1ae: {  	v9 =	vld [tilespmem:s10+$0xFFFFFF00]  }
0x1af: {  	v10 =	vld [tilespmem:s10+$0xFFFFFF80];
	v11 =	vadd.f32 v4, v5  }
0x1b0: {  	v5 =	vadd.f32 v6, v5  }
0x1b1: {  	v4 =	vadd.f32 v4, v7;
	v11 =	vadd.f32 v3, v11  }
0x1b2: {  	v6 =	vadd.f32 v6, v7;
	v5 =	vadd.f32 v8, v5  }
0x1b3: {  	v4 =	vadd.f32 v9, v4;
	[tilespmem:s10+$0x0] =	vst v11  }
0x1b4: {  	v6 =	vadd.f32 v10, v6;
	[tilespmem:s10+$0x80] =	vst v5  }
0x1b5: {  	[tilespmem:s10+$0xFFFFFF00] =	vst v4  }
0x1b6: {  	[tilespmem:s10+$0xFFFFFF80] =	vst v6  }
0x1b7: {  	v4 =	vld [tilespmem:s0+$0x2A10]  }
0x1b8: {  	v5 =	vld [tilespmem:s0+$0x2E10]  }
0x1b9: {  	v6 =	vld [tilespmem:s0+$0x7E10]  }
0x1ba: {  	v7 =	vld [tilespmem:s0+$0x7A10]  }
0x1bb: {  	v8 =	vld [tilespmem:s10+$0x90]  }
0x1bc: {  	v9 =	vld [tilespmem:s10+$0xFFFFFF10]  }
0x1bd: {  	v10 =	vld [tilespmem:s10+$0x10]  }
0x1be: {  	v11 =	vld [tilespmem:s10+$0xFFFFFF90];
	v12 =	vadd.f32 v6, v5  }
0x1bf: {  	v13 =	vadd.f32 v7, v4  }
0x1c0: {  	v5 =	vadd.f32 v7, v5;
	v7 =	vadd.f32 v8, v12  }
0x1c1: {  	v4 =	vadd.f32 v6, v4;
	v6 =	vadd.f32 v9, v13  }
0x1c2: {  	v5 =	vadd.f32 v10, v5;
	[tilespmem:s10+$0x90] =	vst v7  }
0x1c3: {  	v4 =	vadd.f32 v11, v4;
	[tilespmem:s10+$0xFFFFFF10] =	vst v6  }
0x1c4: {  	[tilespmem:s10+$0x10] =	vst v5  }
0x1c5: {  	v8 =	vld [tilespmem:s10+$0xFFFFFF20];
	[tilespmem:s10+$0xFFFFFF90] =	vst v4  }
0x1c6: {  	v4 =	vld [tilespmem:s0+$0x2A20]  }
0x1c7: {  	v6 =	vld [tilespmem:s0+$0x7A20]  }
0x1c8: {  	v5 =	vld [tilespmem:s0+$0x2E20]  }
0x1c9: {  	v7 =	vld [tilespmem:s0+$0x7E20]  }
0x1ca: {  	v9 =	vld [tilespmem:s10+$0x20]  }
0x1cb: {  	v10 =	vld [tilespmem:s10+$0xA0]  }
0x1cc: {  	v11 =	vld [tilespmem:s10+$0xFFFFFFA0];
	v59 =	vadd.f32 v6, v4  }
0x1cd: {  	v6 =	vadd.f32 v6, v5  }
0x1ce: {  	v5 =	vadd.f32 v7, v5;
	v8 =	vadd.f32 v8, v59  }
0x1cf: {  	v7 =	vadd.f32 v7, v4;
	v6 =	vadd.f32 v9, v6  }
0x1d0: {  	v5 =	vadd.f32 v10, v5;
	[tilespmem:s10+$0xFFFFFF20] =	vst v8  }
0x1d1: {  	v7 =	vadd.f32 v11, v7;
	[tilespmem:s10+$0x20] =	vst v6  }
0x1d2: {  	[tilespmem:s10+$0xA0] =	vst v5  }
0x1d3: {  	v10 =	vld [tilespmem:s10+$0x30];
	[tilespmem:s10+$0xFFFFFFA0] =	vst v7  }
0x1d4: {  	v6 =	vld [tilespmem:s0+$0x7A30]  }
0x1d5: {  	v7 =	vld [tilespmem:s0+$0x2E30]  }
0x1d6: {  	v9 =	vld [tilespmem:s0+$0x2A30]  }
0x1d7: {  	v8 =	vld [tilespmem:s0+$0x7E30]  }
0x1d8: {  	v11 =	vld [tilespmem:s10+$0xFFFFFF30]  }
0x1d9: {  	v5 =	vld [tilespmem:s10+$0xFFFFFFB0]  }
0x1da: {  	v60 =	vld [tilespmem:s10+$0xB0];
	v61 =	vadd.f32 v6, v7  }
0x1db: {  	v6 =	vadd.f32 v6, v9  }
0x1dc: {  	v9 =	vadd.f32 v8, v9;
	v10 =	vadd.f32 v10, v61  }
0x1dd: {  	v7 =	vadd.f32 v8, v7;
	v6 =	vadd.f32 v11, v6  }
0x1de: {  	v5 =	vadd.f32 v5, v9;
	[tilespmem:s10+$0x30] =	vst v10  }
0x1df: {  	v7 =	vadd.f32 v60, v7;
	[tilespmem:s10+$0xFFFFFF30] =	vst v6  }
0x1e0: {  	[tilespmem:s10+$0xFFFFFFB0] =	vst v5  }
0x1e1: {  	[tilespmem:s10+$0xB0] =	vst v7;
	v10 =	vld [tilespmem:s10+$0xFFFFFF40]  }
0x1e2: {  	v6 =	vld [tilespmem:s0+$0x2A40]  }
0x1e3: {  	v7 =	vld [tilespmem:s0+$0x7A40]  }
0x1e4: {  	v8 =	vld [tilespmem:s0+$0x7E40]  }
0x1e5: {  	v9 =	vld [tilespmem:s0+$0x2E40]  }
0x1e6: {  	v11 =	vld [tilespmem:s10+$0xFFFFFFC0]  }
0x1e7: {  	v62 =	vld [tilespmem:s10+$0x40]  }
0x1e8: {  	v5 =	vld [tilespmem:s10+$0xC0];
	v63 =	vadd.f32 v7, v6  }
0x1e9: {  	v6 =	vadd.f32 v8, v6  }
0x1ea: {  	v7 =	vadd.f32 v7, v9;
	v10 =	vadd.f32 v10, v63  }
0x1eb: {  	v8 =	vadd.f32 v8, v9;
	v6 =	vadd.f32 v11, v6  }
0x1ec: {  	v7 =	vadd.f32 v62, v7;
	[tilespmem:s10+$0xFFFFFF40] =	vst v10  }
0x1ed: {  	v3 =	vld [tilespmem:s10+$0xFFFFFFD0];
	v5 =	vadd.f32 v5, v8;
	[tilespmem:s10+$0xFFFFFFC0] =	vst v6  }
0x1ee: {  	v4 =	vld [tilespmem:s10+$0xD0];
	[tilespmem:s10+$0x40] =	vst v7  }
0x1ef: {  	v9 =	vld [tilespmem:s10+$0x50];
	[tilespmem:s10+$0xC0] =	vst v5  }
0x1f0: {  	v6 =	vld [tilespmem:s0+$0x2A50]  }
0x1f1: {  	v7 =	vld [tilespmem:s0+$0x2E50]  }
0x1f2: {  	v10 =	vld [tilespmem:s0+$0x7A50]  }
0x1f3: {  	v8 =	vld [tilespmem:s0+$0x7E50]  }
0x1f4: {  	s25 =	simm.s32 $0x100;
	s24 =	simm.s32 $0xF300;
	v5 =	vld [tilespmem:s10+$0xFFFFFF50]  }
.LBB2_8:
0x1f5: {  	p0 =	sne.s32 s25, $0x2700;
	s5 =	sadd.s32 $0x80, s5;
	s10 =	sadd.s32 $0x200, s10  }
0x1f6: {  	s11 =	smov.u32 s25;
	s25 =	sadd.s32 $0x100, s25  }
0x1f7: {  	v11 =	vadd.f32 v10, v6;
	v10 =	vadd.f32 v10, v7  }
0x1f8: {  	v6 =	vadd.f32 v8, v6;
	v7 =	vadd.f32 v8, v7  }
0x1f9: {  	v5 =	vadd.f32 v5, v11;
	v8 =	vadd.f32 v9, v10  }
0x1fa: {  	v3 =	vadd.f32 v3, v6;
	v4 =	vadd.f32 v4, v7  }
0x1fb: {  	[tilespmem:s24+$0xFFFFFF50] =	vst v5;
	v5 =	vld [tilespmem:s24+$0xFFFFFF60]  }
0x1fc: {  	[tilespmem:s24+$0x50] =	vst v8;
	v6 =	vld [tilespmem:s24+$0xE0]  }
0x1fd: {  	[tilespmem:s24+$0xD0] =	vst v4;
	v7 =	vld [tilespmem:s24+$0x60]  }
0x1fe: {  	v4 =	vld [tilespmem:s10+$0xD0];
	[tilespmem:s24+$0xFFFFFFD0] =	vst v3  }
0x1ff: {  	v8 =	vld [tilespmem:s0+$0x7A60]  }
0x200: {  	v9 =	vld [tilespmem:s0+$0x2A60]  }
0x201: {  	v10 =	vld [tilespmem:s0+$0x2E60]  }
0x202: {  	v11 =	vld [tilespmem:s0+$0x7E60]  }
0x203: {  	v3 =	vld [tilespmem:s10+$0xFFFFFFD0]  }
0x204: {  	v12 =	vld [tilespmem:s24+$0xFFFFFFE0]  }
0x205: {  	v13 =	vadd.f32 v8, v9  }
0x206: {  	v8 =	vadd.f32 v8, v10  }
0x207: {  	v9 =	vadd.f32 v11, v9;
	v10 =	vadd.f32 v11, v10  }
0x208: {  	v5 =	vadd.f32 v5, v13;
	v7 =	vadd.f32 v7, v8  }
0x209: {  	v8 =	vadd.f32 v12, v9;
	v6 =	vadd.f32 v6, v10  }
0x20a: {  	[tilespmem:s24+$0xFFFFFF60] =	vst v5  }
0x20b: {  	[tilespmem:s24+$0x60] =	vst v7  }
0x20c: {  	[tilespmem:s24+$0xE0] =	vst v6  }
0x20d: {  	[tilespmem:s24+$0xFFFFFFE0] =	vst v8;
	v5 =	vld [tilespmem:s24+$0xFFFFFFF0]  }
0x20e: {  	v6 =	vld [tilespmem:s0+$0x2E70]  }
0x20f: {  	v7 =	vld [tilespmem:s0+$0x2A70]  }
0x210: {  	v8 =	vld [tilespmem:s0+$0x7A70]  }
0x211: {  	v9 =	vld [tilespmem:s0+$0x7E70]  }
0x212: {  	v10 =	vld [tilespmem:s24+$0xFFFFFF70]  }
0x213: {  	v11 =	vld [tilespmem:s24+$0x70]  }
0x214: {  	v12 =	vld [tilespmem:s24+$0xF0]  }
0x215: {  	v13 =	vadd.f32 v8, v7  }
0x216: {  	v8 =	vadd.f32 v8, v6;
	v7 =	vadd.f32 v9, v7  }
0x217: {  	v6 =	vadd.f32 v9, v6;
	v10 =	vadd.f32 v10, v13  }
0x218: {  	v5 =	vadd.f32 v5, v7;
	v7 =	vadd.f32 v11, v8  }
0x219: {  	[tilespmem:s24+$0xFFFFFF70] =	vst v10;
	v6 =	vadd.f32 v12, v6  }
0x21a: {  	[tilespmem:s24+$0xFFFFFFF0] =	vst v5  }
0x21b: {  	s0 =	sand.u32 $0x3800, s11;
	s11 =	sand.u32 $0x380, s5;
	[tilespmem:s24+$0xF0] =	vst v6  }
0x21c: {  	s0 =	sor.u32 s11, s0;
	v5 =	vld [tilespmem:s10+$0x0];
	[tilespmem:s24+$0x70] =	vst v7;
	s24 =	smov.u32 s10  }
0x21d: {  	v6 =	vld [tilespmem:s0+$0x7A00]  }
0x21e: {  	v7 =	vld [tilespmem:s0+$0x2E00]  }
0x21f: {  	v8 =	vld [tilespmem:s0+$0x7E00]  }
0x220: {  	v9 =	vld [tilespmem:s0+$0x2A00]  }
0x221: {  	v10 =	vld [tilespmem:s10+$0x80]  }
0x222: {  	v11 =	vld [tilespmem:s10+$0xFFFFFF00]  }
0x223: {  	v12 =	vld [tilespmem:s10+$0xFFFFFF80];
	v13 =	vadd.f32 v6, v7  }
0x224: {  	v7 =	vadd.f32 v8, v7  }
0x225: {  	v6 =	vadd.f32 v6, v9;
	v5 =	vadd.f32 v5, v13  }
0x226: {  	v8 =	vadd.f32 v8, v9;
	v7 =	vadd.f32 v10, v7  }
0x227: {  	v6 =	vadd.f32 v11, v6;
	[tilespmem:s10+$0x0] =	vst v5  }
0x228: {  	v5 =	vadd.f32 v12, v8;
	[tilespmem:s10+$0x80] =	vst v7  }
0x229: {  	[tilespmem:s10+$0xFFFFFF00] =	vst v6;
	v6 =	vld [tilespmem:s10+$0x10]  }
0x22a: {  	[tilespmem:s10+$0xFFFFFF80] =	vst v5;
	v5 =	vld [tilespmem:s10+$0x90]  }
0x22b: {  	v7 =	vld [tilespmem:s0+$0x2A10]  }
0x22c: {  	v8 =	vld [tilespmem:s0+$0x2E10]  }
0x22d: {  	v9 =	vld [tilespmem:s0+$0x7E10]  }
0x22e: {  	v10 =	vld [tilespmem:s0+$0x7A10]  }
0x22f: {  	v11 =	vld [tilespmem:s10+$0xFFFFFF90]  }
0x230: {  	v12 =	vld [tilespmem:s10+$0xFFFFFF10];
	_ =	sdelay $0x1  }
0x231: {  	v13 =	vadd.f32 v9, v7;
	v9 =	vadd.f32 v9, v8  }
0x232: {  	v7 =	vadd.f32 v10, v7;
	v8 =	vadd.f32 v10, v8  }
0x233: {  	v10 =	vadd.f32 v11, v13;
	v5 =	vadd.f32 v5, v9  }
0x234: {  	v7 =	vadd.f32 v12, v7;
	v6 =	vadd.f32 v6, v8  }
0x235: {  	[tilespmem:s10+$0x90] =	vst v5  }
0x236: {  	[tilespmem:s10+$0xFFFFFF10] =	vst v7  }
0x237: {  	[tilespmem:s10+$0x10] =	vst v6;
	v5 =	vld [tilespmem:s10+$0xA0]  }
0x238: {  	[tilespmem:s10+$0xFFFFFF90] =	vst v10;
	v6 =	vld [tilespmem:s10+$0x20]  }
0x239: {  	v7 =	vld [tilespmem:s0+$0x2A20]  }
0x23a: {  	v8 =	vld [tilespmem:s0+$0x2E20]  }
0x23b: {  	v9 =	vld [tilespmem:s0+$0x7A20]  }
0x23c: {  	v10 =	vld [tilespmem:s0+$0x7E20]  }
0x23d: {  	v11 =	vld [tilespmem:s10+$0xFFFFFF20]  }
0x23e: {  	v12 =	vld [tilespmem:s10+$0xFFFFFFA0];
	_ =	sdelay $0x1  }
0x23f: {  	v13 =	vadd.f32 v9, v7;
	v9 =	vadd.f32 v9, v8  }
0x240: {  	v7 =	vadd.f32 v10, v7;
	v8 =	vadd.f32 v10, v8  }
0x241: {  	v10 =	vadd.f32 v11, v13;
	v6 =	vadd.f32 v6, v9  }
0x242: {  	v7 =	vadd.f32 v12, v7;
	v5 =	vadd.f32 v5, v8  }
0x243: {  	[tilespmem:s10+$0xFFFFFF20] =	vst v10  }
0x244: {  	[tilespmem:s10+$0x20] =	vst v6  }
0x245: {  	[tilespmem:s10+$0xA0] =	vst v5;
	v5 =	vld [tilespmem:s10+$0xFFFFFFB0]  }
0x246: {  	[tilespmem:s10+$0xFFFFFFA0] =	vst v7;
	v6 =	vld [tilespmem:s10+$0xB0]  }
0x247: {  	v7 =	vld [tilespmem:s0+$0x7A30]  }
0x248: {  	v8 =	vld [tilespmem:s0+$0x2E30]  }
0x249: {  	v9 =	vld [tilespmem:s0+$0x7E30]  }
0x24a: {  	v10 =	vld [tilespmem:s0+$0x2A30]  }
0x24b: {  	v11 =	vld [tilespmem:s10+$0x30]  }
0x24c: {  	v12 =	vld [tilespmem:s10+$0xFFFFFF30]  }
0x24d: {  	v13 =	vadd.f32 v7, v8  }
0x24e: {  	v8 =	vadd.f32 v9, v8  }
0x24f: {  	v7 =	vadd.f32 v7, v10;
	v9 =	vadd.f32 v9, v10  }
0x250: {  	v10 =	vadd.f32 v11, v13;
	v6 =	vadd.f32 v6, v8  }
0x251: {  	v7 =	vadd.f32 v12, v7;
	v5 =	vadd.f32 v5, v9  }
0x252: {  	[tilespmem:s10+$0x30] =	vst v10  }
0x253: {  	[tilespmem:s10+$0xFFFFFF30] =	vst v7  }
0x254: {  	[tilespmem:s10+$0xFFFFFFB0] =	vst v5;
	v5 =	vld [tilespmem:s10+$0xC0]  }
0x255: {  	[tilespmem:s10+$0xB0] =	vst v6;
	v6 =	vld [tilespmem:s10+$0xFFFFFFC0]  }
0x256: {  	v7 =	vld [tilespmem:s0+$0x2A40]  }
0x257: {  	v8 =	vld [tilespmem:s0+$0x7A40]  }
0x258: {  	v9 =	vld [tilespmem:s0+$0x7E40]  }
0x259: {  	v10 =	vld [tilespmem:s0+$0x2E40]  }
0x25a: {  	v11 =	vld [tilespmem:s10+$0xFFFFFF40]  }
0x25b: {  	v12 =	vld [tilespmem:s10+$0x40];
	_ =	sdelay $0x1  }
0x25c: {  	v13 =	vadd.f32 v8, v7;
	v7 =	vadd.f32 v9, v7  }
0x25d: {  	v8 =	vadd.f32 v8, v10;
	v9 =	vadd.f32 v9, v10  }
0x25e: {  	v10 =	vadd.f32 v11, v13;
	v6 =	vadd.f32 v6, v7  }
0x25f: {  	v7 =	vadd.f32 v12, v8;
	v5 =	vadd.f32 v5, v9  }
0x260: {  	[tilespmem:s10+$0xFFFFFF40] =	vst v10  }
0x261: {  	[tilespmem:s10+$0xFFFFFFC0] =	vst v6  }
0x262: {  	[tilespmem:s10+$0x40] =	vst v7  }
0x263: {  	[tilespmem:s10+$0xC0] =	vst v5;
	v5 =	vld [tilespmem:s10+$0xFFFFFF50]  }
.Ltmp7:
0x264: {  	v6 =	vld [tilespmem:s0+$0x2A50];
	(pc) =	sbr.rel @p0 .LBB2_8-.Ltmp7, $4  }
0x265: {  	v7 =	vld [tilespmem:s0+$0x2E50]  }
0x266: {  	v10 =	vld [tilespmem:s0+$0x7A50]  }
0x267: {  	v8 =	vld [tilespmem:s0+$0x7E50]  }
0x268: {  	v9 =	vld [tilespmem:s10+$0x50]  }
0x269: {  	_ =	sdelay $0x1  }
0x26a: {  	v11 =	vadd.f32 v10, v6  }
0x26b: {  	v45 =	vadd.f32 v10, v7  }
0x26c: {  	v46 =	vadd.f32 v8, v7;
	v5 =	vadd.f32 v5, v11  }
0x26d: {  	v47 =	vadd.f32 v8, v6;
	v48 =	vadd.f32 v9, v45  }
0x26e: {  	v4 =	vadd.f32 v4, v46;
	[tilespmem:s24+$0xFFFFFF50] =	vst v5  }
0x26f: {  	v3 =	vadd.f32 v3, v47;
	[tilespmem:s24+$0x50] =	vst v48  }
0x270: {  	[tilespmem:s24+$0xD0] =	vst v4  }
0x271: {  	v50 =	vld [tilespmem:s24+$0xFFFFFF60];
	[tilespmem:s24+$0xFFFFFFD0] =	vst v3  }
0x272: {  	v3 =	vld [tilespmem:s0+$0x7A60]  }
0x273: {  	v51 =	vld [tilespmem:s0+$0x2A60]  }
0x274: {  	v52 =	vld [tilespmem:s0+$0x2E60]  }
0x275: {  	v8 =	vld [tilespmem:s0+$0x7E60]  }
0x276: {  	v53 =	vld [tilespmem:s24+$0x60]  }
0x277: {  	v49 =	vld [tilespmem:s24+$0xE0]  }
0x278: {  	v54 =	vld [tilespmem:s24+$0xFFFFFFE0];
	v55 =	vadd.f32 v3, v51  }
0x279: {  	v3 =	vadd.f32 v3, v52  }
0x27a: {  	v7 =	vadd.f32 v8, v52;
	v4 =	vadd.f32 v50, v55  }
0x27b: {  	v6 =	vadd.f32 v8, v51;
	v3 =	vadd.f32 v53, v3  }
0x27c: {  	v5 =	vadd.f32 v49, v7;
	[tilespmem:s24+$0xFFFFFF60] =	vst v4  }
0x27d: {  	v56 =	vadd.f32 v54, v6;
	[tilespmem:s24+$0x60] =	vst v3  }
0x27e: {  	[tilespmem:s24+$0xE0] =	vst v5  }
0x27f: {  	v58 =	vld [tilespmem:s24+$0xFFFFFF70];
	[tilespmem:s24+$0xFFFFFFE0] =	vst v56  }
0x280: {  	v4 =	vld [tilespmem:s0+$0x2A70]  }
0x281: {  	v5 =	vld [tilespmem:s0+$0x7A70]  }
0x282: {  	v57 =	vld [tilespmem:s0+$0x7E70]  }
0x283: {  	v3 =	vld [tilespmem:s0+$0x2E70]  }
0x284: {  	v59 =	vld [tilespmem:s24+$0xFFFFFFF0]  }
0x285: {  	v60 =	vld [tilespmem:s24+$0xF0]  }
0x286: {  	v61 =	vld [tilespmem:s24+$0x70];
	v62 =	vadd.f32 v5, v4  }
0x287: {  	v4 =	vadd.f32 v57, v4  }
0x288: {  	v6 =	vadd.f32 v57, v3;
	v7 =	vadd.f32 v58, v62  }
0x289: {  	v3 =	vadd.f32 v5, v3;
	v4 =	vadd.f32 v59, v4  }
0x28a: {  	v63 =	vadd.f32 v60, v6;
	[tilespmem:s24+$0xFFFFFF70] =	vst v7  }
0x28b: {  	s31 =	smul.u32 $0xA00, s31;
	v3 =	vadd.f32 v61, v3;
	[tilespmem:s24+$0xFFFFFFF0] =	vst v4  }
0x28c: {  	[tilespmem:s24+$0xF0] =	vst v63  }
.Ltmp8:
0x28d: {  	s0 =	sadd.s32 s1, s31;
	[tilespmem:s24+$0x70] =	vst v3;
	(pc) =	sbr.rel .LBB2_10-.Ltmp8, $4  }
0x28e: {  	[hbm4b:s0+s2] =	stream.linear.scatter [tilespmem:s29], [sflag:$0x2], $0x5000, $0x38;
	[tilespmem:$0x14200] =	vst v63  }
0x28f: {  	_ =	swait.ge [sflag:s26], $0x5000  }
0x290: {  	[sflag:s26] =	ssyncset.done $0x0  }
0x291: {  	[sflag:s26] =	ssyncadd.s32 $0xFFFFB000  }
.LBB2_12:
0x292: {  	_ =	sfence.sel $0x180000  }
0x293: {  	[bflag:$0x0] =	sbarrier.arrive $0xFFFF  }
0x294: {  	_ =	strace $0x9000004A  }
0x295: {  	s0 =	stileid.u32;
	[bflag:$0x2] =	sbarrier.arrive $0xFFFF  }
0x296: {  	p0 =	sne.s32 s0, $0x0;
	s0 =	rddreg [dreg:$0x2]  }
0x297: {  	s0 =	sadd.s32 @!p0 $0x100000, s0  }
0x298: {  	[sflag:s0] =	ssyncadd.tile.s32 @!p0 $0x1;
	_ =	shalt  }
.Lfunc_end2:
_tile_overlayer_lowered:
.L_overlay_start_2:
0x299: {  	(tag) =	ssettag $0x2  }
0x29a: {  	s0 =	rddreg [dreg:$0x0];
	s2 =	stileid.u32  }
0x29b: {  	s1 =	rddreg [dreg:$0x1];
	p0 =	sne.s32 s2, $0x0  }
0x29c: {  	s3 =	rddreg [dreg:$0x2];
	[bflag:$0x3] =	sbarrier.arrive $0xFFFF;
	s2 =	simm.s32 @!p0 $0x1C03  }
0x29d: {  	[timem:s3], [sflag:s2] =	dma.local @!p0 [hbm:s0], s1  }
0x29e: {  	s0 =	simm.s32 @!p0 $0x3  }
0x29f: {  	_ =	swait.ge @!p0 [sflag:s0], s1  }
0x2a0: {  	s1 =	ssub.s32 @!p0 $0x0, s1;
	[sflag:s0] =	ssyncset.done @!p0 $0x0  }
0x2a1: {  	[sflag:s0] =	ssyncadd.s32 @!p0 s1  }
0x2a2: {  	[bflag:$0x3] =	sbarrier.arrive $0xFFFF  }
0x2a3: {  	_ =	shalt  }

// kernel: _run.7.cloned.1.call-start
scs
__scs_entry_jumppad:
0x0: {  	(pc) =	sbr.rel $0x88, $3  }
0x1: {  	(tag) =	ssettag $0x0;
	lr =	simm.s32 $0x1  }
0x2: {  	[smem:$0x3F98] =	sst lr;
	_ =	strace $0xD0000000  }
0x3: {  	_ = 	snop  }
0x4: {  	_ = 	snop  }
0x5: {  	_ = 	snop  }
0x6: {  	_ = 	snop  }
0x7: {  	_ = 	snop  }
__scs_overlays_trampoline_lowered:
0x8: {  	[smem:$0x3FA7] =	sst s0  }
0x9: {  	[smem:$0x3FA8] =	sst s1  }
0xa: {  	[smem:$0x3FA9] =	sst s2  }
0xb: {  	[smem:$0x3FAA] =	sst s3  }
0xc: {  	[smem:$0x3FAB] =	sst s4  }
0xd: {  	[smem:$0x3FAC] =	sst s5  }
0xe: {  	[smem:$0x3FAD] =	sst s6  }
0xf: {  	[smem:$0x3FAE] =	sst s7  }
0x10: {  	[smem:$0x3FAF] =	sst s8  }
0x11: {  	[smem:$0x3FB0] =	sst s9;
	s0 =	simm.s32 @!p0 $0x0  }
0x12: {  	s1 =	sld [smem:$0x3F96];
	s0 =	simm.s32 @p0 $0x1  }
0x13: {  	[smem:$0x3FB1] =	sst s0;
	s0 =	simm.s32 @!p1 $0x0  }
0x14: {  	s2 =	sld [smem:$0x3F95];
	s0 =	simm.s32 @p1 $0x1  }
0x15: {  	[smem:$0x3FB2] =	sst s0;
	s0 =	simm.s32 @!p2 $0x0  }
0x16: {  	s3 =	sld [smem:$0x3FDB];
	s0 =	simm.s32 @p2 $0x1  }
0x17: {  	s4 =	simm.s32 $0x1BF5;
	[smem:$0x3FB4] =	sst s0  }
0x18: {  	s0 =	sld [smem:$0x3F97];
	_ =	swait.ge [sflag:s4], $0x0  }
0x19: {  	s7 =	sld [smem:$0x3F98]  }
0x1a: {  	s8 =	sadd.s32 $0xFFFFE003, lr  }
0x1b: {  	s9 =	sadd.s32 $0xFFFFFEF7, lr;
	s5 =	simm.s32 $0xFFFFFFFF;
	p2 =	slt.u32 s8, $0xFFFFF086  }
0x1c: {  	p1 =	slt.u32 s9, $0xF7A;
	s5 =	simm.s32 @!p2 $0x0  }
0x1d: {  	s5 =	simm.s32 @p1 $0x1;
	p0 =	seq.s32 s7, s2  }
0x1e: {  	s7 =	smul.u32 @!p0 $0xF7A, s2;
	p2 =	seq.s32 @!p0 s5, $0x0  }
0x1f: {  	s9 =	smul.u32 $0xF7A, s1;
	s8 =	simm.s32 @!p0 $0x1BF5;
	p2 =	por !p2, p0  }
0x20: {  	[sflag:s8] =	ssyncset.s32 @!p0 $0xFFFFF086;
	s6 =	sadd.s32 @!p0 s3, s7;
	s7 =	simm.s32 @!p0 $0x108  }
0x21: {  	s3 =	sadd.s32 s3, s9;
	s6 =	sadd.s32 @!p0 $0x88, s6;
	s7 =	simm.s32 @p2 $0x1082  }
0x22: {  	[simem:s7], [sflag:s8] =	dma.local @!p0 [hbm:s6], $0xF7A  }
0x23: {  	s9 =	sor.u32 $0xD0000000, s2;
	s6 =	simm.s32 $0x108;
	_ =	swait.ge @!p0 [sflag:s8], $0x0  }
0x24: {  	s3 =	sadd.s32 $0x88, s3;
	s6 =	simm.s32 @!p1 $0x1082;
	[sflag:s4] =	ssyncset.s32 $0xFFFFF086  }
0x25: {  	[simem:s6], [sflag:s4] =	dma.local [hbm:s3], $0xF7A  }
0x26: {  	[smem:$0x3F98] =	sst s1;
	(tag) =	ssettag s2;
	_ =	strace s9  }
0x27: {  	s1 =	sld [smem:$0x3FA8]  }
0x28: {  	s2 =	sld [smem:$0x3FA9]  }
0x29: {  	s4 =	sld [smem:$0x3FAB]  }
0x2a: {  	p0 =	seq.s32 s5, $0x0;
	s5 =	sld [smem:$0x3FAC]  }
0x2b: {  	s6 =	sld [smem:$0x3FAD]  }
0x2c: {  	s7 =	sld [smem:$0x3FAE]  }
0x2d: {  	s3 =	simm.s32 $0x108;
	s8 =	sld [smem:$0x3FAF]  }
0x2e: {  	s3 =	simm.s32 @!p0 $0x1082;
	s9 =	sld [smem:$0x3FB0]  }
0x2f: {  	lr =	sadd.s32 s0, s3;
	s0 =	sld [smem:$0x3FA7]  }
0x30: {  	s3 =	sld [smem:$0x3FAA]  }
0x31: {  	[smem:$0x3FB3] =	sst s10  }
0x32: {  	s10 =	sld [smem:$0x3FB1];
	_ =	sdelay $0x3  }
0x33: {  	p0 =	seq.s32 s10, $0x1;
	s10 =	sld [smem:$0x3FB3];
	_ =	sdelay $0x3  }
0x34: {  	[smem:$0x3FB3] =	sst s10  }
0x35: {  	s10 =	sld [smem:$0x3FB2];
	_ =	sdelay $0x3  }
0x36: {  	p1 =	seq.s32 s10, $0x1;
	s10 =	sld [smem:$0x3FB3];
	_ =	sdelay $0x3  }
0x37: {  	[smem:$0x3FB3] =	sst s10  }
0x38: {  	s10 =	sld [smem:$0x3FB4]  }
0x39: {  	_ = 	snop;
	(pc) =	sbr.ind lr, $3  }
0x3a: {  	_ = 	snop  }
0x3b: {  	_ = 	snop  }
0x3c: {  	p2 =	seq.s32 s10, $0x1;
	s10 =	sld [smem:$0x3FB3]  }
0x3d: {  	_ =	shalt  }
0x3e: {  	_ =	shalt  }
0x3f: {  	_ =	shalt  }
0x40: {  	_ =	shalt  }
0x41: {  	_ =	shalt  }
0x42: {  	_ =	shalt  }
0x43: {  	_ =	shalt  }
0x44: {  	_ =	shalt  }
0x45: {  	_ =	shalt  }
0x46: {  	_ =	shalt  }
0x47: {  	_ =	shalt  }
0x48: {  	_ =	shalt  }
0x49: {  	_ =	shalt  }
0x4a: {  	_ =	shalt  }
0x4b: {  	_ =	shalt  }
0x4c: {  	_ =	shalt  }
0x4d: {  	_ =	shalt  }
0x4e: {  	_ =	shalt  }
0x4f: {  	_ =	shalt  }
0x50: {  	_ =	shalt  }
0x51: {  	_ =	shalt  }
0x52: {  	_ =	shalt  }
0x53: {  	_ =	shalt  }
0x54: {  	_ =	shalt  }
0x55: {  	_ =	shalt  }
0x56: {  	_ =	shalt  }
0x57: {  	_ =	shalt  }
0x58: {  	_ =	shalt  }
0x59: {  	_ =	shalt  }
0x5a: {  	_ =	shalt  }
0x5b: {  	_ =	shalt  }
0x5c: {  	_ =	shalt  }
0x5d: {  	_ =	shalt  }
0x5e: {  	_ =	shalt  }
0x5f: {  	_ =	shalt  }
0x60: {  	_ =	shalt  }
0x61: {  	_ =	shalt  }
0x62: {  	_ =	shalt  }
0x63: {  	_ =	shalt  }
0x64: {  	_ =	shalt  }
0x65: {  	_ =	shalt  }
0x66: {  	_ =	shalt  }
0x67: {  	_ =	shalt  }
0x68: {  	_ =	shalt  }
0x69: {  	_ =	shalt  }
0x6a: {  	_ =	shalt  }
0x6b: {  	_ =	shalt  }
0x6c: {  	_ =	shalt  }
0x6d: {  	_ =	shalt  }
0x6e: {  	_ =	shalt  }
0x6f: {  	_ =	shalt  }
0x70: {  	_ =	shalt  }
0x71: {  	_ =	shalt  }
0x72: {  	_ =	shalt  }
0x73: {  	_ =	shalt  }
0x74: {  	_ =	shalt  }
0x75: {  	_ =	shalt  }
0x76: {  	_ =	shalt  }
0x77: {  	_ =	shalt  }
0x78: {  	_ =	shalt  }
0x79: {  	_ =	shalt  }
0x7a: {  	_ =	shalt  }
0x7b: {  	_ =	shalt  }
0x7c: {  	_ =	shalt  }
0x7d: {  	_ =	shalt  }
0x7e: {  	_ =	shalt  }
0x7f: {  	_ =	shalt  }
0x80: {  	_ =	shalt  }
0x81: {  	_ =	shalt  }
0x82: {  	_ =	shalt  }
0x83: {  	_ =	shalt  }
0x84: {  	_ =	shalt  }
0x85: {  	_ =	shalt  }
0x86: {  	_ =	shalt  }
0x87: {  	_ =	shalt  }
.Lfunc_end0:
.L_simem_size_0:
called_computation_lowered:
.L_overlay_start_0:
0x88: {  	s2 =	sld [smem:$0x3FD9]  }
0x89: {  	s3 =	sld [smem:$0x3FFE];
	_ =	sdelay $0x1  }
0x8a: {  	s1 =	srdreg.scid  }
0x8b: {  	s0 =	sand.u32 $0x1, s1  }
0x8c: {  	s14 =	sshll.u32 s0, $0xA;
	s2 =	sadd.s32 s3, s2  }
0x8d: {  	s2 =	sadd.s32 s2, s14  }
0x8e: {  	[smem:$0x3FBF] =	sst s2  }
0x8f: {  	_ = 	snop  }
0x90: {  	s2 =	sld [smem:$0x3FD0];
	_ =	sdelay $0x2  }
0x91: {  	s4 =	simm.s32 $0xB;
	s5 =	simm.s32 $0x10;
	s15 =	sld [smem:$0x3FC8]  }
0x92: {  	[smem:s5], [sflag:s4] =	dma.local [hbm:s2], $0x1  }
0x93: {  	_ =	swait.eq [sflag:s4], $0x1  }
0x94: {  	[sflag:s4] =	ssyncset.done $0x0  }
0x95: {  	[sflag:s4] =	ssyncadd.s32 $0xFFFFFFFF  }
0x96: {  	s16 =	sld [smem:$0x10];
	(tm) =	ssettm $0x1  }
0x97: {  	s17 =	sld [smem:$0x3FFB];
	_ =	sdelay $0x3  }
0x98: {  	_ =	strace s17  }
0x99: {  	s4 =	sld [smem:$0x3FFC];
	_ =	sdelay $0x3  }
0x9a: {  	_ =	strace s4  }
0x9b: {  	s4 =	sld [smem:$0x3FFD];
	_ =	sdelay $0x3  }
0x9c: {  	_ =	strace s4  }
0x9d: {  	_ =	strace $0x8FFFFFFF  }
0x9e: {  	s18 =	sld [smem:$0x3FDB];
	_ =	sdelay $0x1  }
0x9f: {  	s19 =	simm.s32 $_scs_section_size  }
0xa0: {  	s6 =	simm.s32 $_size__tile_overlayer_lowered;
	s7 =	simm.s32 $_tile_overlayer_lowered  }
0xa1: {  	s22 =	simm.s32 $0x1BFF;
	s21 =	sshll.u32 s7, $0x1;
	s4 =	sadd.s32 s19, s18  }
0xa2: {  	s8 =	simm.s32 $0x0;
	s20 =	sshll.u32 s6, $0x1;
	s6 =	sadd.s32 s21, s4  }
0xa3: {  	[timem:s8], [sflag:s22] =	dma.local [hbm:s6], s20  }
0xa4: {  	_ =	swait.ge [sflag:s22], s20  }
0xa5: {  	s5 =	ssub.s32 $0x0, s20;
	[sflag:s22] =	ssyncset.done $0x0  }
0xa6: {  	[sflag:s22] =	ssyncadd.s32 s5;
	_ =	sdelay $0x1  }
0xa7: {  	s23 =	simm.s32 $0x1B8B  }
0xa8: {  	_ =	swait.ge [sflag:s23], $0x1  }
0xa9: {  	[sflag:s23] =	ssyncset.done $0x0  }
0xaa: {  	s25 =	simm.s32 $0x1B8E;
	s24 =	sld [smem:$0x3FFE];
	[sflag:s23] =	ssyncadd.s32 $0xFFFFFFFF  }
0xab: {  	s26 =	simm.s32 $execute0_lowered;
	[smem:$0x3FD2] =	sst s25  }
0xac: {  	s6 =	sshll.u32 s26, $0x1;
	_ =	strace $0x80000046;
	[dreg:$0x1] =	wrdreg $0xFFFFFFFF  }
0xad: {  	s28 =	simm.s32 $_size_execute0_lowered;
	s4 =	sadd.s32 s4, s6;
	[dreg:$0x0] =	wrdreg $0x0  }
0xae: {  	s6 =	sshll.u32 s28, $0x1;
	[dreg:$0x2] =	wrdreg s4  }
0xaf: {  	[dreg:$0x3] =	wrdreg s6  }
0xb0: {  	[dreg:$0x4] =	wrdreg $0xC0  }
0xb1: {  	_ =	task [dreg:s8], $0x5FFFF  }
0xb2: {  	[dreg:$0x1] =	wrdreg $0xFFFFFFFF  }
0xb3: {  	[dreg:$0x0] =	wrdreg $0x60  }
0xb4: {  	[dreg:$0x2] =	wrdreg s15  }
0xb5: {  	[dreg:$0x3] =	wrdreg s24  }
0xb6: {  	[dreg:$0x4] =	wrdreg s16  }
0xb7: {  	[dreg:$0x5] =	wrdreg $0xC2000  }
0xb8: {  	[dreg:$0x6] =	wrdreg $0x9  }
0xb9: {  	_ =	task.clear_ibuf [dreg:s8], $0x7FFFF;
	_ =	strace $0x90000046  }
0xba: {  	s29 =	simm.s32 $0x9;
	_ =	strace $0x80000048  }
0xbb: {  	_ =	swait.ge [sflag:s29], $0x1  }
0xbc: {  	[sflag:s29] =	ssyncadd.s32 $0xFFFFFFFF  }
0xbd: {  	_ =	strace $0x90000048  }
0xbe: {  	_ =	sfence  }
0xbf: {  	s30 =	sld [smem:$0x0];
	_ =	sdelay $0x2  }
0xc0: {  	s31 =	sshll.u32 s1, $0xD;
	s1 =	sshrl.u32 s1, $0x2  }
0xc1: {  	s3 =	sand.u32 $0x4000, s31;
	s1 =	sadd.s32 s1, s30  }
0xc2: {  	s0 =	sor.u32 s3, s0;
	s1 =	sshll.u32 s1, $0x11  }
0xc3: {  	s0 =	sor.u32 s1, s0  }
0xc4: {  	s0 =	sadd.s32 $0x8F2B, s0  }
0xc5: {  	[sflag:s0] =	ssyncadd.remote.s32 $0x1  }
0xc6: {  	_ =	sfence.sel $0xFFFF  }
0xc7: {  	[dreg:$0x0] =	wrdreg $0xFFFFFFFF;
	(pc) =	sbr.abs _section_cstart, $3  }
0xc8: {  	[dreg:$0x1] =	wrdreg $0xFFFFFFFF  }
0xc9: {  	_ =	task.clear_ibuf [dreg:s8], $0x2FFFF;
	_ =	strace $0x9FFFFFFF  }
0xca: {  	(tm) =	ssettm $0x7FFFFFFF  }
0xcb: {  	_ =	shalt  }
tec
execute0_lowered:
.L_overlay_start_1:
0x0: {  	(tag) =	ssettag $0x1  }
0x1: {  	s1 =	rddreg [dreg:$0x0]  }
0x2: {  	s0 =	rddreg [dreg:$0x1]  }
0x3: {  	s9 =	rddreg [dreg:$0x2]  }
0x4: {  	s2 =	rddreg [dreg:$0x3];
	s3 =	simm.s32 $0x0;
	s4 =	srdreg.scid  }
0x5: {  	s5 =	stileid.u32;
	s16 =	simm.s32 $0x8000;
	s17 =	simm.s32 $0x3  }
0x6: {  	s18 =	simm.s32 $0xC000;
	s19 =	simm.s32 $0xC100;
	s20 =	simm.s32 $0x100  }
0x7: {  	s21 =	simm.s32 $0x200;
	s22 =	simm.s32 $0x1;
	s28 =	simm.s32 $0xC180  }
0x8: {  	s29 =	simm.s32 $0x0;
	[smem:$0x7FF] =	sst s3;
	s11 =	sand.u32 $0x1, s4  }
0x9: {  	s4 =	sadd.s32 $0x6200, s0;
	s6 =	sadd.s32 $0x1200, s0;
	s8 =	ssub.s32 $0xAB, s5  }
0xa: {  	s25 =	sshll.u32 s5, $0xD;
	s10 =	ssub.s32 $0x9E3, s5;
	s13 =	smul.u32 $0x6400, s5  }
0xb: {  	s26 =	sadd.s32 $0x138000, s2;
	s14 =	ssub.s32 $0x41, s5;
	s15 =	smul.u32 $0x19000, s5  }
0xc: {  	p0 =	sne.s32 s5, $0x0;
	_ =	strace $0x80000047;
	s7 =	ssub.s32 $0x2, s11  }
0xd: {  	s24 =	sshrl.u32 s8, $0x4;
	s12 =	smul.u32 $0x138800, s11;
	s8 =	sadd.s32 s25, s2  }
0xe: {  	[dreg:$0x6] =	wrdreg s26;
	s10 =	sshrl.u32 s10, $0x5;
	s11 =	sshll.u32 s11, $0x8  }
0xf: {  	s25 =	simm.s32 $0xC080;
	s26 =	simm.s32 $0xA000;
	s23 =	sshrl.u32 s7, $0x1  }
0x10: {  	[dreg:$0x5] =	wrdreg s24;
	s31 =	sshrl.u32 s15, $0x2;
	s24 =	simm.s32 $0x2  }
0x11: {  	s0 =	ssub.s32 s7, s23;
	s13 =	sadd.s32 s13, s12;
	s12 =	sshrl.u32 s14, $0x4  }
0x12: {  	s15 =	sadd.s32 s31, s2;
	s30 =	sshrl.u32 s13, $0x3;
	s0 =	smax.u32 s0, $0x1  }
0x13: {  	v0 =	vimm.f32 $0.0e+00;
	s23 =	simm.s32 $0x40;
	[dreg:$0x7] =	wrdreg s0;
	s14 =	sadd.s32 s30, s9  }
.LBB2_1:
0x14: {  	s0 =	simm.s32 $0x0;
	s9 =	simm.s32 $0x200  }
.LBB2_2:
0x15: {  	p1 =	sne.s32 s9, $0x7E00;
	[tilespmem:s0+$0x8070] =	vst v0  }
0x16: {  	[tilespmem:s0+$0x8000] =	vst v0  }
0x17: {  	[tilespmem:s0+$0x8010] =	vst v0  }
.Ltmp0:
0x18: {  	[tilespmem:s0+$0x8020] =	vst v0;
	(pc) =	sbr.rel @p1 .LBB2_2-.Ltmp0, $4  }
0x19: {  	[tilespmem:s0+$0x8030] =	vst v0  }
0x1a: {  	[tilespmem:s0+$0x8040] =	vst v0  }
0x1b: {  	[tilespmem:s0+$0x8050] =	vst v0  }
0x1c: {  	[tilespmem:s0+$0x8060] =	vst v0;
	s0 =	sshra.s32 s9, $0x2;
	s9 =	sadd.s32 $0x200, s9  }
0x1d: {  	[tilespmem:s0+$0x8070] =	vst v0  }
0x1e: {  	[tilespmem:s0+$0x8000] =	vst v0  }
0x1f: {  	[tilespmem:s0+$0x8010] =	vst v0  }
0x20: {  	[tilespmem:s0+$0x8020] =	vst v0  }
0x21: {  	[tilespmem:s0+$0x8030] =	vst v0;
	s31 =	rddreg [dreg:$0x5]  }
0x22: {  	[tilespmem:s0+$0x8040] =	vst v0;
	p1 =	sne.s32 s31, $0x1  }
.Ltmp1:
0x23: {  	[tilespmem:s0+$0x8050] =	vst v0;
	(pc) =	sbr.rel @!p1 .LBB2_5-.Ltmp1, $4  }
0x24: {  	[tilespmem:s0+$0x8060] =	vst v0  }
0x25: {  	[spmem:s8] =	stream.linear.scatter [tilespmem:s16], [sflag:$0x3], $0x2000, $0x38;
	[tilespmem:$0x1FA80] =	vst v63  }
0x26: {  	_ =	swait.ge [sflag:s17], $0x2000  }
0x27: {  	s9 =	smov.u32 s8;
	s0 =	sadd.s32 $0xFFFFFFFF, s31;
	[sflag:s17] =	ssyncset.done $0x0  }
.LBB2_4:
0x28: {  	p1 =	sne.s32 s0, $0x1;
	[sflag:s17] =	ssyncadd.s32 $0xFFFFE000;
	s9 =	sadd.s32 $0x20000, s9  }
.Ltmp2:
0x29: {  	s0 =	sadd.s32 $0xFFFFFFFF, s0;
	(pc) =	sbr.rel @p1 .LBB2_4-.Ltmp2, $4  }
0x2a: {  	_ = 	snop  }
0x2b: {  	[spmem:s9] =	stream.linear.scatter [tilespmem:s16], [sflag:$0x3], $0x2000, $0x38;
	[tilespmem:$0x1FA80] =	vst v63  }
0x2c: {  	_ =	swait.ge [sflag:s17], $0x2000  }
0x2d: {  	[sflag:s17] =	ssyncset.done $0x0  }
.LBB2_5:
0x2e: {  	[sflag:s17] =	ssyncadd.s32 $0xFFFFE000;
	s0 =	simm.s32 @!p0 $0x8000;
	s7 =	rddreg [dreg:$0x6]  }
0x2f: {  	[spmem:s7] =	stream.linear.scatter @!p0 [tilespmem:s0], [sflag:$0x3], $0x800, $0x38;
	[tilespmem:$0x1FA80] =	vst v63  }
0x30: {  	s0 =	simm.s32 @!p0 $0x3  }
.Ltmp3:
0x31: {  	_ =	swait.ge @!p0 [sflag:s0], $0x800;
	(pc) =	sbr.rel .LBB2_6-.Ltmp3, $4  }
0x32: {  	[sflag:s0] =	ssyncset.done @!p0 $0x0  }
0x33: {  	[sflag:s0] =	ssyncadd.s32 @!p0 $0xFFFFF800  }
0x34: {  	[bflag:$0x0] =	sbarrier.arrive $0xFFFF  }
0x35: {  	s30 =	simm.s32 $0x0  }
.LBB2_12:
0x36: {  	s30 =	sadd.s32 $0x1, s30  }
0x37: {  	_ =	swait.ge [sflag:s0], $0x2000;
	p1 =	sne.s32 s30, s10  }
.Ltmp4:
0x38: {  	[sflag:s0] =	ssyncset.done $0x0;
	(pc) =	sbr.rel @!p1 .LBB2_13-.Ltmp4, $4  }
0x39: {  	[sflag:s0] =	ssyncadd.s32 $0xFFFFE000  }
0x3a: {  	_ =	swait.ge [sflag:s0], $0x2000  }
0x3b: {  	[sflag:s0] =	ssyncset.done $0x0  }
0x3c: {  	[sflag:s0] =	ssyncadd.s32 $0xFFFFE000  }
.LBB2_6:
0x3d: {  	s0 =	sshll.u32 s30, $0x5  }
0x3e: {  	s0 =	sor.u32 s5, s0  }
0x3f: {  	s9 =	sshll.u32 s0, $0x3  }
0x40: {  	s31 =	sadd.s32 s4, s9  }
0x41: {  	[tilespmem:s18], [sflag:$0x1] =	stream.linear.gather [hbm4b:s31+s3], $0x40, $0x38;
	[tilespmem:$0x1FA80] =	vst v63  }
0x42: {  	s13 =	sshll.u32 s0, $0xF;
	s9 =	sadd.s32 s6, s9  }
0x43: {  	[tilespmem:s19], [sflag:$0x1] =	stream.linear.gather [hbm4b:s9+s3], $0x40, $0x38;
	[tilespmem:$0x1FA80] =	vst v63  }
0x44: {  	s9 =	sor.u32 s11, s13  }
0x45: {  	s0 =	sor.u32 $0x10, s0;
	s9 =	sshrl.u32 s9, $0x3  }
0x46: {  	p1 =	sgt.u32 s0, $0x9C3;
	s9 =	sadd.s32 s1, s9  }
0x47: {  	[tilespmem:s3], [sflag:$0x1] =	stream.strided.gather [hbm4b:s9+s20], $0x4000, s21, s20, $0x38;
	[tilespmem:$0x1FA80] =	vst v63  }
0x48: {  	s7 =	simm.s32 @!p1 $0xC080;
	s9 =	sshll.u32 @!p1 s0, $0x3;
	s0 =	sshll.u32 @!p1 s0, $0xF  }
0x49: {  	s13 =	simm.s32 @!p1 $0x0;
	s31 =	sadd.s32 @!p1 s4, s9;
	s0 =	sor.u32 @!p1 s11, s0  }
0x4a: {  	[tilespmem:s7], [sflag:$0x2] =	stream.linear.gather @!p1 [hbm4b:s31+s13], $0x40, $0x38;
	[tilespmem:$0x1FA80] =	vst v63  }
0x4b: {  	s0 =	sshrl.u32 @!p1 s0, $0x3  }
0x4c: {  	s7 =	sadd.s32 @!p1 s6, s9;
	s9 =	simm.s32 @!p1 $0xC180;
	s0 =	sadd.s32 @!p1 s1, s0  }
0x4d: {  	[tilespmem:s9], [sflag:$0x2] =	stream.linear.gather @!p1 [hbm4b:s7+s13], $0x40, $0x38;
	[tilespmem:$0x1FA80] =	vst v63  }
0x4e: {  	s7 =	simm.s32 @!p1 $0x100;
	s9 =	simm.s32 @!p1 $0x200;
	s13 =	simm.s32 @!p1 $0x4000  }
0x4f: {  	[tilespmem:s13], [sflag:$0x2] =	stream.strided.gather @!p1 [hbm4b:s0+s7], $0x4000, s9, s7, $0x38;
	[tilespmem:$0x1FA80] =	vst v63  }
0x50: {  	_ =	swait.ge [sflag:s22], $0x40  }
0x51: {  	[sflag:s22] =	ssyncset.done $0x0  }
0x52: {  	[sflag:s22] =	ssyncadd.s32 $0xFFFFFFC0  }
0x53: {  	_ =	swait.ge [sflag:s22], $0x40  }
0x54: {  	[sflag:s22] =	ssyncset.done $0x0  }
0x55: {  	[sflag:s22] =	ssyncadd.s32 $0xFFFFFFC0  }
0x56: {  	_ =	swait.ge [sflag:s22], $0x4000  }
0x57: {  	[sflag:s22] =	ssyncset.done $0x0  }
0x58: {  	s31 =	simm.s32 $0x80;
	[sflag:s22] =	ssyncadd.s32 $0xFFFFC000  }
0x59: {  	v1 =	vld [tilespmem:s31+$0xFFFFFF80]  }
0x5a: {  	v2 =	vld [tilespmem:s31+$0x0];
	_ =	sdelay $0x4  }
0x5b: {  	v1 =	vadd.f32 v2, v1  }
0x5c: {  	s0 =	simm.s32 $0x0  }
0x5d: {  	[tilespmem:s0+$0x8000] =	vst v1  }
0x5e: {  	v1 =	vld [tilespmem:s31+$0xFFFFFF90]  }
0x5f: {  	v2 =	vld [tilespmem:s31+$0x10];
	_ =	sdelay $0x4  }
0x60: {  	v1 =	vadd.f32 v2, v1;
	_ =	sdelay $0x1  }
0x61: {  	[tilespmem:s0+$0x8010] =	vst v1  }
0x62: {  	v1 =	vld [tilespmem:s31+$0xFFFFFFA0]  }
0x63: {  	v2 =	vld [tilespmem:s31+$0x20];
	_ =	sdelay $0x4  }
0x64: {  	v1 =	vadd.f32 v2, v1;
	_ =	sdelay $0x1  }
0x65: {  	[tilespmem:s0+$0x8020] =	vst v1  }
0x66: {  	v1 =	vld [tilespmem:s31+$0xFFFFFFB0]  }
0x67: {  	v2 =	vld [tilespmem:s31+$0x30];
	_ =	sdelay $0x4  }
0x68: {  	v1 =	vadd.f32 v2, v1;
	_ =	sdelay $0x1  }
0x69: {  	[tilespmem:s0+$0x8030] =	vst v1  }
0x6a: {  	v1 =	vld [tilespmem:s31+$0xFFFFFFC0]  }
0x6b: {  	v2 =	vld [tilespmem:s31+$0x40];
	_ =	sdelay $0x4  }
0x6c: {  	v1 =	vadd.f32 v2, v1;
	_ =	sdelay $0x1  }
0x6d: {  	[tilespmem:s0+$0x8040] =	vst v1  }
0x6e: {  	v1 =	vld [tilespmem:s31+$0xFFFFFFD0]  }
0x6f: {  	v2 =	vld [tilespmem:s31+$0x50];
	_ =	sdelay $0x4  }
0x70: {  	v1 =	vadd.f32 v2, v1;
	_ =	sdelay $0x1  }
0x71: {  	[tilespmem:s0+$0x8050] =	vst v1  }
0x72: {  	v1 =	vld [tilespmem:s31+$0xFFFFFFE0]  }
0x73: {  	v2 =	vld [tilespmem:s31+$0x60];
	_ =	sdelay $0x4  }
0x74: {  	v1 =	vadd.f32 v2, v1;
	_ =	sdelay $0x1  }
0x75: {  	[tilespmem:s0+$0x8060] =	vst v1  }
0x76: {  	s9 =	simm.s32 $0x200;
	v1 =	vld [tilespmem:s31+$0xFFFFFFF0]  }
.LBB2_7:
0x77: {  	p2 =	sne.s32 s9, $0x7E00  }
0x78: {  	v2 =	vld [tilespmem:s31+$0x70];
	s31 =	sadd.s32 $0x100, s31;
	s7 =	smov.u32 s9;
	s9 =	sadd.s32 $0x200, s9  }
0x79: {  	_ =	sdelay $0x3  }
0x7a: {  	v1 =	vadd.f32 v2, v1;
	_ =	sdelay $0x1  }
0x7b: {  	[tilespmem:s0+$0x8070] =	vst v1  }
0x7c: {  	v1 =	vld [tilespmem:s31+$0xFFFFFF80]  }
0x7d: {  	v2 =	vld [tilespmem:s31+$0x0];
	_ =	sdelay $0x4  }
0x7e: {  	v1 =	vadd.f32 v2, v1  }
0x7f: {  	s0 =	sshra.s32 s7, $0x2  }
0x80: {  	[tilespmem:s0+$0x8000] =	vst v1  }
0x81: {  	v1 =	vld [tilespmem:s31+$0xFFFFFF90]  }
0x82: {  	v2 =	vld [tilespmem:s31+$0x10];
	_ =	sdelay $0x4  }
0x83: {  	v1 =	vadd.f32 v2, v1;
	_ =	sdelay $0x1  }
0x84: {  	[tilespmem:s0+$0x8010] =	vst v1  }
0x85: {  	v1 =	vld [tilespmem:s31+$0xFFFFFFA0]  }
0x86: {  	v2 =	vld [tilespmem:s31+$0x20];
	_ =	sdelay $0x4  }
0x87: {  	v1 =	vadd.f32 v2, v1;
	_ =	sdelay $0x1  }
0x88: {  	[tilespmem:s0+$0x8020] =	vst v1  }
0x89: {  	v1 =	vld [tilespmem:s31+$0xFFFFFFB0]  }
0x8a: {  	v2 =	vld [tilespmem:s31+$0x30];
	_ =	sdelay $0x4  }
0x8b: {  	v1 =	vadd.f32 v2, v1;
	_ =	sdelay $0x1  }
0x8c: {  	[tilespmem:s0+$0x8030] =	vst v1  }
0x8d: {  	v1 =	vld [tilespmem:s31+$0xFFFFFFC0]  }
0x8e: {  	v2 =	vld [tilespmem:s31+$0x40];
	_ =	sdelay $0x4  }
0x8f: {  	v1 =	vadd.f32 v2, v1;
	_ =	sdelay $0x1  }
0x90: {  	[tilespmem:s0+$0x8040] =	vst v1  }
0x91: {  	v1 =	vld [tilespmem:s31+$0xFFFFFFD0]  }
0x92: {  	v2 =	vld [tilespmem:s31+$0x50];
	_ =	sdelay $0x4  }
0x93: {  	v1 =	vadd.f32 v2, v1;
	_ =	sdelay $0x1  }
0x94: {  	[tilespmem:s0+$0x8050] =	vst v1  }
0x95: {  	v1 =	vld [tilespmem:s31+$0xFFFFFFE0]  }
0x96: {  	v2 =	vld [tilespmem:s31+$0x60];
	_ =	sdelay $0x3  }
.Ltmp5:
0x97: {  	(pc) =	sbr.rel @p2 .LBB2_7-.Ltmp5, $3  }
0x98: {  	v1 =	vadd.f32 v2, v1;
	_ =	sdelay $0x1  }
0x99: {  	[tilespmem:s0+$0x8060] =	vst v1  }
0x9a: {  	v1 =	vld [tilespmem:s31+$0xFFFFFFF0]  }
0x9b: {  	v2 =	vld [tilespmem:s31+$0x70];
	_ =	sdelay $0x4  }
0x9c: {  	v1 =	vadd.f32 v2, v1  }
.Ltmp6:
0x9d: {  	_ = 	snop;
	(pc) =	sbr.rel @p1 .LBB2_12-.Ltmp6, $4  }
0x9e: {  	[tilespmem:s0+$0x8070] =	vst v1  }
0x9f: {  	[spmem:s2] =	stream.indirect.scatter.add.f32 [tilespmem:s16], [sflag:$0x1], $0x80, s18, s23, $0xb8;
	[tilespmem:$0x1FA80] =	vst v63  }
0xa0: {  	s0 =	simm.s32 $0x1  }
0xa1: {  	[spmem:s2] =	stream.indirect.scatter.add.f32 [tilespmem:s16], [sflag:$0x1], $0x80, s19, s23, $0xb8;
	[tilespmem:$0x1FA80] =	vst v63  }
0xa2: {  	_ =	swait.ge [sflag:s24], $0x40  }
0xa3: {  	[sflag:s24] =	ssyncset.done $0x0  }
0xa4: {  	[sflag:s24] =	ssyncadd.s32 $0xFFFFFFC0  }
0xa5: {  	_ =	swait.ge [sflag:s24], $0x40  }
0xa6: {  	[sflag:s24] =	ssyncset.done $0x0  }
0xa7: {  	[sflag:s24] =	ssyncadd.s32 $0xFFFFFFC0  }
0xa8: {  	_ =	swait.ge [sflag:s24], $0x4000  }
0xa9: {  	[sflag:s24] =	ssyncset.done $0x0  }
0xaa: {  	s31 =	simm.s32 $0x4080;
	[sflag:s24] =	ssyncadd.s32 $0xFFFFC000  }
0xab: {  	v1 =	vld [tilespmem:s31+$0xFFFFFF80]  }
0xac: {  	v2 =	vld [tilespmem:s31+$0x0];
	_ =	sdelay $0x4  }
0xad: {  	v1 =	vadd.f32 v2, v1  }
0xae: {  	s0 =	simm.s32 $0x0  }
0xaf: {  	[tilespmem:s0+$0xA000] =	vst v1  }
0xb0: {  	v1 =	vld [tilespmem:s31+$0xFFFFFF90]  }
0xb1: {  	v2 =	vld [tilespmem:s31+$0x10];
	_ =	sdelay $0x4  }
0xb2: {  	v1 =	vadd.f32 v2, v1;
	_ =	sdelay $0x1  }
0xb3: {  	[tilespmem:s0+$0xA010] =	vst v1  }
0xb4: {  	v1 =	vld [tilespmem:s31+$0xFFFFFFA0]  }
0xb5: {  	v2 =	vld [tilespmem:s31+$0x20];
	_ =	sdelay $0x4  }
0xb6: {  	v1 =	vadd.f32 v2, v1;
	_ =	sdelay $0x1  }
0xb7: {  	[tilespmem:s0+$0xA020] =	vst v1  }
0xb8: {  	v1 =	vld [tilespmem:s31+$0xFFFFFFB0]  }
0xb9: {  	v2 =	vld [tilespmem:s31+$0x30];
	_ =	sdelay $0x4  }
0xba: {  	v1 =	vadd.f32 v2, v1;
	_ =	sdelay $0x1  }
0xbb: {  	[tilespmem:s0+$0xA030] =	vst v1  }
0xbc: {  	v1 =	vld [tilespmem:s31+$0xFFFFFFC0]  }
0xbd: {  	v2 =	vld [tilespmem:s31+$0x40];
	_ =	sdelay $0x4  }
0xbe: {  	v1 =	vadd.f32 v2, v1;
	_ =	sdelay $0x1  }
0xbf: {  	[tilespmem:s0+$0xA040] =	vst v1  }
0xc0: {  	v1 =	vld [tilespmem:s31+$0xFFFFFFD0]  }
0xc1: {  	v2 =	vld [tilespmem:s31+$0x50];
	_ =	sdelay $0x4  }
0xc2: {  	v1 =	vadd.f32 v2, v1;
	_ =	sdelay $0x1  }
0xc3: {  	[tilespmem:s0+$0xA050] =	vst v1  }
0xc4: {  	v1 =	vld [tilespmem:s31+$0xFFFFFFE0]  }
0xc5: {  	v2 =	vld [tilespmem:s31+$0x60];
	_ =	sdelay $0x4  }
0xc6: {  	v1 =	vadd.f32 v2, v1;
	_ =	sdelay $0x1  }
0xc7: {  	[tilespmem:s0+$0xA060] =	vst v1  }
0xc8: {  	s9 =	simm.s32 $0x200;
	v1 =	vld [tilespmem:s31+$0xFFFFFFF0]  }
.LBB2_10:
0xc9: {  	p1 =	sne.s32 s9, $0x7E00  }
0xca: {  	v2 =	vld [tilespmem:s31+$0x70];
	s31 =	sadd.s32 $0x100, s31;
	s7 =	smov.u32 s9;
	s9 =	sadd.s32 $0x200, s9  }
0xcb: {  	_ =	sdelay $0x3  }
0xcc: {  	v1 =	vadd.f32 v2, v1;
	_ =	sdelay $0x1  }
0xcd: {  	[tilespmem:s0+$0xA070] =	vst v1  }
0xce: {  	v1 =	vld [tilespmem:s31+$0xFFFFFF80]  }
0xcf: {  	v2 =	vld [tilespmem:s31+$0x0];
	_ =	sdelay $0x4  }
0xd0: {  	v1 =	vadd.f32 v2, v1  }
0xd1: {  	s0 =	sshra.s32 s7, $0x2  }
0xd2: {  	[tilespmem:s0+$0xA000] =	vst v1  }
0xd3: {  	v1 =	vld [tilespmem:s31+$0xFFFFFF90]  }
0xd4: {  	v2 =	vld [tilespmem:s31+$0x10];
	_ =	sdelay $0x4  }
0xd5: {  	v1 =	vadd.f32 v2, v1;
	_ =	sdelay $0x1  }
0xd6: {  	[tilespmem:s0+$0xA010] =	vst v1  }
0xd7: {  	v1 =	vld [tilespmem:s31+$0xFFFFFFA0]  }
0xd8: {  	v2 =	vld [tilespmem:s31+$0x20];
	_ =	sdelay $0x4  }
0xd9: {  	v1 =	vadd.f32 v2, v1;
	_ =	sdelay $0x1  }
0xda: {  	[tilespmem:s0+$0xA020] =	vst v1  }
0xdb: {  	v1 =	vld [tilespmem:s31+$0xFFFFFFB0]  }
0xdc: {  	v2 =	vld [tilespmem:s31+$0x30];
	_ =	sdelay $0x4  }
0xdd: {  	v1 =	vadd.f32 v2, v1;
	_ =	sdelay $0x1  }
0xde: {  	[tilespmem:s0+$0xA030] =	vst v1  }
0xdf: {  	v1 =	vld [tilespmem:s31+$0xFFFFFFC0]  }
0xe0: {  	v2 =	vld [tilespmem:s31+$0x40];
	_ =	sdelay $0x4  }
0xe1: {  	v1 =	vadd.f32 v2, v1;
	_ =	sdelay $0x1  }
0xe2: {  	[tilespmem:s0+$0xA040] =	vst v1  }
0xe3: {  	v1 =	vld [tilespmem:s31+$0xFFFFFFD0]  }
0xe4: {  	v2 =	vld [tilespmem:s31+$0x50];
	_ =	sdelay $0x4  }
0xe5: {  	v1 =	vadd.f32 v2, v1;
	_ =	sdelay $0x1  }
0xe6: {  	[tilespmem:s0+$0xA050] =	vst v1  }
0xe7: {  	v1 =	vld [tilespmem:s31+$0xFFFFFFE0]  }
0xe8: {  	v2 =	vld [tilespmem:s31+$0x60];
	_ =	sdelay $0x3  }
.Ltmp7:
0xe9: {  	(pc) =	sbr.rel @p1 .LBB2_10-.Ltmp7, $3  }
0xea: {  	v1 =	vadd.f32 v2, v1;
	_ =	sdelay $0x1  }
0xeb: {  	[tilespmem:s0+$0xA060] =	vst v1  }
0xec: {  	v1 =	vld [tilespmem:s31+$0xFFFFFFF0]  }
0xed: {  	v2 =	vld [tilespmem:s31+$0x70];
	_ =	sdelay $0x4  }
0xee: {  	v1 =	vadd.f32 v2, v1;
	_ =	sdelay $0x1  }
0xef: {  	[tilespmem:s0+$0xA070] =	vst v1  }
0xf0: {  	[spmem:s2] =	stream.indirect.scatter.add.f32 [tilespmem:s26], [sflag:$0x2], $0x80, s25, s23, $0xb8;
	[tilespmem:$0x1FA80] =	vst v63  }
0xf1: {  	_ = 	snop  }
0xf2: {  	[spmem:s2] =	stream.indirect.scatter.add.f32 [tilespmem:s26], [sflag:$0x2], $0x80, s28, s23, $0xb8;
	[tilespmem:$0x1FA80] =	vst v63  }
0xf3: {  	_ =	swait.ge [sflag:s22], $0x2000  }
.Ltmp8:
0xf4: {  	[sflag:s22] =	ssyncset.done $0x0;
	(pc) =	sbr.rel .LBB2_12-.Ltmp8, $4  }
0xf5: {  	[sflag:s22] =	ssyncadd.s32 $0xFFFFE000  }
0xf6: {  	_ =	swait.ge [sflag:s22], $0x2000  }
0xf7: {  	[sflag:s22] =	ssyncset.done $0x0  }
0xf8: {  	s0 =	simm.s32 $0x2;
	[sflag:s22] =	ssyncadd.s32 $0xFFFFE000  }
.LBB2_13:
0xf9: {  	p1 =	sne.s32 s12, $0x1  }
.Ltmp9:
0xfa: {  	_ = 	snop;
	(pc) =	sbr.rel @!p1 .LBB2_15-.Ltmp9, $4  }
0xfb: {  	s0 =	sshll.u32 s5, $0x6;
	[bflag:$0x0] =	sbarrier.arrive $0xFFFF  }
0xfc: {  	s7 =	sshrl.u32 s15, $0x3;
	s9 =	sadd.s32 $0xFFFFFFFF, s12;
	s0 =	sor.u32 $0x1C03, s0  }
0xfd: {  	[hbm:s14], [sflag:s0] =	dma.local [spmem:s7], $0xC80  }
0xfe: {  	s30 =	sadd.s32 $0xC800, s14;
	s31 =	smov.u32 s15;
	_ =	swait.ge [sflag:s17], $0xC80  }
.LBB2_14:
0xff: {  	[sflag:s17] =	ssyncset.done $0x0;
	s31 =	sadd.s32 $0x64000, s31;
	p1 =	sne.s32 s9, $0x1  }
.Ltmp10:
0x100: {  	s7 =	sshrl.u32 s31, $0x3;
	[sflag:s17] =	ssyncadd.s32 $0xFFFFF380;
	(pc) =	sbr.rel @p1 .LBB2_14-.Ltmp10, $3  }
0x101: {  	[hbm:s30], [sflag:s0] =	dma.local [spmem:s7], $0xC80  }
0x102: {  	s9 =	sadd.s32 $0xFFFFFFFF, s9;
	_ =	sdelay $0x1  }
0x103: {  	s30 =	sadd.s32 $0xC800, s30;
	_ =	swait.ge [sflag:s17], $0xC80  }
.LBB2_15:
0x104: {  	s29 =	sadd.s32 $0x1, s29;
	s0 =	rddreg [dreg:$0x7]  }
0x105: {  	p1 =	sne.s32 s29, s0  }
.Ltmp11:
0x106: {  	_ = 	snop;
	(pc) =	sbr.rel @p1 .LBB2_1-.Ltmp11, $3  }
0x107: {  	_ =	sdelay $0x1  }
0x108: {  	[sflag:s17] =	ssyncset.done $0x0  }
0x109: {  	[sflag:s17] =	ssyncadd.s32 $0xFFFFF380  }
0x10a: {  	_ =	sfence.sel $0x180000  }
0x10b: {  	[bflag:$0x0] =	sbarrier.arrive $0xFFFF  }
0x10c: {  	_ =	strace $0x90000047  }
0x10d: {  	[bflag:$0x2] =	sbarrier.arrive $0xFFFF  }
0x10e: {  	s0 =	rddreg [dreg:$0x4]  }
0x10f: {  	s0 =	sadd.s32 @!p0 $0x100000, s0  }
0x110: {  	[sflag:s0] =	ssyncadd.tile.s32 @!p0 $0x1;
	_ =	shalt  }
.Lfunc_end2:
_tile_overlayer_lowered:
.L_overlay_start_2:
0x111: {  	(tag) =	ssettag $0x2  }
0x112: {  	s0 =	rddreg [dreg:$0x0];
	s2 =	stileid.u32  }
0x113: {  	s1 =	rddreg [dreg:$0x1];
	p0 =	sne.s32 s2, $0x0  }
0x114: {  	s3 =	rddreg [dreg:$0x2];
	[bflag:$0x3] =	sbarrier.arrive $0xFFFF;
	s2 =	simm.s32 @!p0 $0x1C03  }
0x115: {  	[timem:s3], [sflag:s2] =	dma.local @!p0 [hbm:s0], s1  }
0x116: {  	s0 =	simm.s32 @!p0 $0x3  }
0x117: {  	_ =	swait.ge @!p0 [sflag:s0], s1  }
0x118: {  	s1 =	ssub.s32 @!p0 $0x0, s1;
	[sflag:s0] =	ssyncset.done @!p0 $0x0  }
0x119: {  	[sflag:s0] =	ssyncadd.s32 @!p0 s1  }
0x11a: {  	[bflag:$0x3] =	sbarrier.arrive $0xFFFF  }
0x11b: {  	_ =	shalt  }

</sc_bundles>
